<compile_context>
chip_gen: v7x
topology: tpu7x:2x2x1
jax: 0.10.2.dev20260603
libtpu: 0.0.44.dev20260713+nightly
codegen_flags: <defaults>
</compile_context>

<pallas_src>
import functools

import jax
import jax.numpy as jnp
from jax import lax
from jax.experimental import pallas as pl
from jax.experimental.pallas import tpu as pltpu
from jax.experimental.pallas import tpu_sc as plsc

_GRID = 1000
_NTILES = _GRID * _GRID
_D = 64
_B, _L = 4096, 200
_NBT = _B // 128
_NC, _NS = 2, 16
_NW = _NC * _NS
_WAVE = 8
_NWAVE = _NBT // _WAVE


@functools.partial(
    pl.kernel,
    mesh=plsc.VectorSubcoreMesh(core_axis_name="c", subcore_axis_name="s"),
    compiler_params=pltpu.CompilerParams(
        needs_layout_passes=False, use_tc_tiling_on_sc=False
    ),
    out_type=jax.ShapeDtypeStruct((_B, _L * _D), jnp.float16),
    scratch_types=[
        pltpu.VMEM((_NBT, 2, 128), jnp.float32),
        pltpu.VMEM((_B,), jnp.int32),
        pltpu.VMEM((2, _WAVE, 128, _D), jnp.float16),
        pltpu.SemaphoreType.DMA,
        pltpu.SemaphoreType.DMA,
    ],
)
def _sc_lookup(coords_hbm, table_hbm, out_hbm, cbuf, ibuf, rbuf, gsem, osem):
    wid = lax.axis_index("s") * _NC + lax.axis_index("c")
    n_l = jnp.where(wid < _L - 6 * _NW, 7, 6)

    def l_body(kk, carry):
        l = wid + kk * _NW
        pltpu.sync_copy(coords_hbm.at[l], cbuf)

        def group_body(g, c):
            tb = g // 8
            gg = g % 8
            xs = cbuf[tb, 0, pl.ds(gg * 16, 16)]
            ys = cbuf[tb, 1, pl.ds(gg * 16, 16)]
            tx = (xs * (1.0 / 256.0)).astype(jnp.int32)
            ty = (ys * (1.0 / 256.0)).astype(jnp.int32)
            idx = tx * _GRID + ty
            idx = jnp.minimum(jnp.maximum(idx, 0), _NTILES - 1)
            ibuf[pl.ds(g * 16, 16)] = idx
            return c

        lax.fori_loop(0, _B // 16, group_body, 0, unroll=2)

        out_copies = []
        for wave in range(_NWAVE):
            p = wave % 2
            if wave >= 2:
                for _ in range(_WAVE):
                    out_copies.pop(0).wait()
            gathers = []
            for k in range(_WAVE):
                bt = wave * _WAVE + k
                gathers.append(
                    pltpu.async_copy(
                        table_hbm.at[ibuf.at[pl.ds(bt * 128, 128)]],
                        rbuf.at[p, k],
                        gsem,
                    )
                )
            for cp in gathers:
                cp.wait()
            for k in range(_WAVE):
                bt = wave * _WAVE + k
                out_copies.append(
                    pltpu.async_copy(
                        rbuf.at[p, k],
                        out_hbm.at[pl.ds(bt * 128, 128), pl.ds(l * _D, _D)],
                        osem,
                    )
                )
        for cp in out_copies:
            cp.wait()
        return carry

    lax.fori_loop(0, n_l, l_body, 0)


def kernel(coords, pos_embed):
    x = coords.reshape(_NBT, 128, _L, 2).transpose(2, 0, 3, 1)
    table = pos_embed[0]
    out2 = _sc_lookup(x, table)
    return out2.reshape(_B, _L, _D)

# --- scband reference (transcript-rebuilt; emitter-appended) ---
"""Pipeline reference for scband-coord-input-adapter-45655502357059 (READ-ONLY COPY).

The authoritative reference and input builder live on the scoring server;
editing this copy changes nothing except your own understanding.
"""

import jax, jax.numpy as jnp
import numpy as np

GRID_SIZE = 1000
NUM_TILES = GRID_SIZE ** 2
EMBED_DIM = 64


def _get_1d_sincos(embed_dim, pos):
    omega = np.arange(embed_dim // 2, dtype=np.float32)
    omega = omega / (embed_dim / 2.0)
    omega = 1.0 / (10000.0 ** omega)
    pos = pos.reshape(-1).astype(np.float32)
    out = np.einsum('m,d->md', pos, omega)
    return np.concatenate([np.sin(out), np.cos(out)], axis=1)


def _get_2d_sincos_pos_embed(embed_dim, grid_size):
    grid_h = np.arange(grid_size, dtype=np.float32)
    grid_w = np.arange(grid_size, dtype=np.float32)
    grid = np.meshgrid(grid_w, grid_h)  # w goes first
    grid = np.stack(grid, axis=0).reshape([2, 1, grid_size, grid_size])
    emb_h = _get_1d_sincos(embed_dim // 2, grid[0])
    emb_w = _get_1d_sincos(embed_dim // 2, grid[1])
    return np.concatenate([emb_h, emb_w], axis=1)  # [grid_size**2, embed_dim]


def setup_inputs(seed: int = 0) -> dict:
    key = jax.random.key(seed)
    coords = jax.random.uniform(key, (4096, 200, 2), dtype=jnp.float32, minval=0.0, maxval=256000.0)
    pe = _get_2d_sincos_pos_embed(EMBED_DIM, GRID_SIZE).astype(np.float16)
    pos_embed = jnp.asarray(pe)[None, :, :]  # [1, NUM_TILES, EMBED_DIM], half precision like torch .half()
    return {"coords": coords, "pos_embed": pos_embed}


def _make_grids(coords):
    pos = jnp.floor(coords / 256.0)
    pos = pos[:, :, 0] * GRID_SIZE + pos[:, :, 1]
    pos = jnp.where(pos < 0, 0.0, pos)
    pos = jnp.where(pos >= NUM_TILES, float(NUM_TILES - 1), pos)
    return pos.astype(jnp.int32)


def reference(coords, pos_embed):
    pos = _make_grids(coords)  # [B, L] int32 tile ids in [0, NUM_TILES)
    # torch loop: cat([pos_embed[:, p, :] for p in pos], dim=0) == batched gather
    pos_emb = jnp.take(pos_embed[0], pos, axis=0)  # [B, L, EMBED_DIM]
    return pos_emb

if __name__ == "__main__":
    import jax
    _d = setup_inputs()
    print(jax.jit(kernel)(*tuple(_d.values())))

</pallas_src>

<mosaic_0001>
#map = affine_map<(d0, d1) -> (0, 0, 0, 0)>
#map1 = affine_map<(d0, d1) -> (0, 0)>
module attributes {stable_mosaic.version = 14 : i64} {
  func.func @_sc_lookup(%arg0: i32, %arg1: i32, %arg2: memref<200x32x2x128xf32, #tpu.memory_space<hbm>>, %arg3: memref<1000000x64xf16, #tpu.memory_space<hbm>>, %arg4: memref<4096x12800xf16, #tpu.memory_space<hbm>>, %arg5: memref<32x2x128xf32, #tpu.memory_space<vmem>>, %arg6: memref<4096xi32, #tpu.memory_space<vmem>>, %arg7: memref<2x8x128x64xf16, #tpu.memory_space<vmem>>, %arg8: memref<!tpu.dma_semaphore, #tpu.memory_space<semaphore_mem>>, %arg9: memref<!tpu.dma_semaphore, #tpu.memory_space<semaphore_mem>>) attributes {dimension_semantics = [#tpu.dimension_semantics<core_parallel>, #tpu.dimension_semantics<subcore_parallel>], iteration_bounds = array<i64: 2, 16>, scalar_prefetch = 0 : i64, scratch_operands = 5 : i64, tpu.core_type = #tpu.core_type<sc_vector_subcore>, window_params = [{transform_indices = #map}, {transform_indices = #map1}, {transform_indices = #map1}]} {
    %mul3A = arith.constant 2 : i32
    %mul3A_0 = arith.muli %arg1, %mul3A : i32
    %add3A = arith.addi %mul3A_0, %arg0 : i32
    %lt3A = arith.constant 8 : i32
    %lt3A_1 = arith.cmpi slt, %add3A, %lt3A : i32
    %jit3A = arith.constant 7 : i32
    %jit3A_2 = arith.constant 6 : i32
    %select_n3A = arith.select %lt3A_1, %jit3A, %jit3A_2 : i32
    %while3A = arith.constant 0 : i32
    %while3A_3 = arith.constant 0 : i32
    %while3A_4 = arith.subi %select_n3A, %while3A_3 : i32
    %while3A_5 = arith.addi %while3A_3, %while3A_4 : i32
    %while3A_6 = arith.constant 1 : i32
    %while3A_7 = arith.divsi %while3A_4, %while3A_6 : i32
    %while3A_8 = arith.muli %while3A_7, %while3A_6 : i32
    %while3A_9 = arith.addi %while3A_3, %while3A_8 : i32
    %while3A_10 = arith.constant 1 : i32
    scf.for %while3A_12 = %while3A_3 to %while3A_9 step %while3A_10  : i32 {
      %mul3A_13 = arith.constant 32 : i32
      %mul3A_14 = arith.muli %while3A_12, %mul3A_13 : i32
      %add3A_15 = arith.addi %add3A, %mul3A_14 : i32
      "tpu.region"() ({
        %run_scoped3A = tpu.sem_alloc : memref<!tpu.dma_semaphore, #tpu.memory_space<semaphore_mem>>
        %dma_start3A_1683 = arith.constant 0 : i32
        %dma_start3A_1684 = arith.constant 0 : i32
        %dma_start3A_1685 = arith.constant 0 : i32
        %dma_start3A_1686 = tpu.memref_slice %arg2[%add3A_15, %dma_start3A_1683, %dma_start3A_1684, %dma_start3A_1685] : memref<200x32x2x128xf32, #tpu.memory_space<hbm>> -> memref<1x32x2x128xf32, #tpu.memory_space<hbm>>
        %dma_start3A_1687 = tpu.memref_squeeze %dma_start3A_1686 : memref<1x32x2x128xf32, #tpu.memory_space<hbm>> -> memref<32x2x128xf32, #tpu.memory_space<hbm>>
        %dma_start3A_1688 = arith.constant 0 : i32
        %dma_start3A_1689 = arith.constant 0 : i32
        %dma_start3A_1690 = arith.constant 0 : i32
        %dma_start3A_1691 = tpu.memref_slice %arg2[%add3A_15, %dma_start3A_1688, %dma_start3A_1689, %dma_start3A_1690] : memref<200x32x2x128xf32, #tpu.memory_space<hbm>> -> memref<1x32x2x128xf32, #tpu.memory_space<hbm>>
        %dma_start3A_1692 = tpu.memref_squeeze %dma_start3A_1691 : memref<1x32x2x128xf32, #tpu.memory_space<hbm>> -> memref<32x2x128xf32, #tpu.memory_space<hbm>>
        tpu.enqueue_dma source(%dma_start3A_1692 : memref<32x2x128xf32, #tpu.memory_space<hbm>>) target(%arg5 : memref<32x2x128xf32, #tpu.memory_space<vmem>>) target_semaphore(%run_scoped3A : memref<!tpu.dma_semaphore, #tpu.memory_space<semaphore_mem>>)
        %dma_wait3A_1693 = arith.constant 0 : i32
        %dma_wait3A_1694 = arith.constant 0 : i32
        %dma_wait3A_1695 = arith.constant 0 : i32
        %dma_wait3A_1696 = tpu.memref_slice %arg2[%add3A_15, %dma_wait3A_1693, %dma_wait3A_1694, %dma_wait3A_1695] : memref<200x32x2x128xf32, #tpu.memory_space<hbm>> -> memref<1x32x2x128xf32, #tpu.memory_space<hbm>>
        %dma_wait3A_1697 = tpu.memref_squeeze %dma_wait3A_1696 : memref<1x32x2x128xf32, #tpu.memory_space<hbm>> -> memref<32x2x128xf32, #tpu.memory_space<hbm>>
        %dma_wait3A_1698 = arith.constant 0 : i32
        %dma_wait3A_1699 = arith.constant 0 : i32
        %dma_wait3A_1700 = arith.constant 0 : i32
        %dma_wait3A_1701 = tpu.memref_slice %arg2[%add3A_15, %dma_wait3A_1698, %dma_wait3A_1699, %dma_wait3A_1700] : memref<200x32x2x128xf32, #tpu.memory_space<hbm>> -> memref<1x32x2x128xf32, #tpu.memory_space<hbm>>
        %dma_wait3A_1702 = tpu.memref_squeeze %dma_wait3A_1701 : memref<1x32x2x128xf32, #tpu.memory_space<hbm>> -> memref<32x2x128xf32, #tpu.memory_space<hbm>>
        tpu.wait_dma2 semaphore(%run_scoped3A : memref<!tpu.dma_semaphore, #tpu.memory_space<semaphore_mem>>) src(%dma_wait3A_1702 : memref<32x2x128xf32, #tpu.memory_space<hbm>>) dst(%arg5 : memref<32x2x128xf32, #tpu.memory_space<vmem>>)
        tpu.yield
      }) : () -> ()
      %scan3A = arith.constant 0 : i32
      %scan3A_16 = arith.constant 0 : i32
      %scan3A_17 = arith.constant 256 : i32
      %scan3A_18 = arith.addi %scan3A_16, %scan3A_17 : i32
      %scan3A_19 = arith.constant 2 : i32
      scf.for %scan3A_1683 = %scan3A_16 to %scan3A_18 step %scan3A_19  : i32 {
        %jit3A_1684 = arith.constant 8 : i32
        %div3A = arith.divsi %scan3A_1683, %jit3A_1684 : i32
        %sign3A = arith.constant 0 : i32
        %sign3A_1685 = arith.cmpi sgt, %scan3A_1683, %sign3A : i32
        %sign3A_1686 = arith.extui %sign3A_1685 : i1 to i32
        %sign3A_1687 = arith.constant 0 : i32
        %sign3A_1688 = arith.cmpi slt, %scan3A_1683, %sign3A_1687 : i32
        %sign3A_1689 = arith.extui %sign3A_1688 : i1 to i32
        %sign3A_1690 = arith.subi %sign3A_1686, %sign3A_1689 : i32
        %sign3A_1691 = arith.constant 0 : i32
        %sign3A_1692 = arith.cmpi sgt, %jit3A_1684, %sign3A_1691 : i32
        %sign3A_1693 = arith.extui %sign3A_1692 : i1 to i32
        %sign3A_1694 = arith.constant 0 : i32
        %sign3A_1695 = arith.cmpi slt, %jit3A_1684, %sign3A_1694 : i32
        %sign3A_1696 = arith.extui %sign3A_1695 : i1 to i32
        %sign3A_1697 = arith.subi %sign3A_1693, %sign3A_1696 : i32
        %ne3A = arith.cmpi ne, %sign3A_1690, %sign3A_1697 : i32
        %rem3A = arith.remsi %scan3A_1683, %jit3A_1684 : i32
        %ne3A_1698 = arith.constant 0 : i32
        %ne3A_1699 = arith.cmpi ne, %rem3A, %ne3A_1698 : i32
        %and3A = arith.andi %ne3A, %ne3A_1699 : i1
        %sub3A = arith.constant 1 : i32
        %sub3A_1700 = arith.subi %div3A, %sub3A : i32
        %select_n3A_1701 = arith.select %and3A, %sub3A_1700, %div3A : i32
        %jit3A_1702 = arith.constant 8 : i32
        %eq3A = arith.constant 0 : i32
        %eq3A_1703 = arith.cmpi eq, %jit3A_1702, %eq3A : i32
        %jit3A_1704 = arith.constant 1 : i32
        %select_n3A_1705 = arith.select %eq3A_1703, %jit3A_1704, %jit3A_1702 : i32
        %rem3A_1706 = arith.remsi %scan3A_1683, %select_n3A_1705 : i32
        %ne3A_1707 = arith.constant 0 : i32
        %ne3A_1708 = arith.cmpi ne, %rem3A_1706, %ne3A_1707 : i32
        %lt3A_1709 = arith.constant 0 : i32
        %lt3A_1710 = arith.cmpi slt, %rem3A_1706, %lt3A_1709 : i32
        %lt3A_1711 = arith.constant 0 : i32
        %lt3A_1712 = arith.cmpi slt, %select_n3A_1705, %lt3A_1711 : i32
        %ne3A_1713 = arith.xori %lt3A_1710, %lt3A_1712 : i1
        %and3A_1714 = arith.andi %ne3A_1713, %ne3A_1708 : i1
        %add3A_1715 = arith.addi %rem3A_1706, %select_n3A_1705 : i32
        %select_n3A_1716 = arith.select %and3A_1714, %add3A_1715, %rem3A_1706 : i32
        %mul3A_1717 = arith.constant 16 : i32
        %mul3A_1718 = arith.muli %select_n3A_1716, %mul3A_1717 : i32
        %get3A = arith.constant 0 : i32
        %get3A_1719 = arith.index_cast %select_n3A_1701 : i32 to index
        %get3A_1720 = arith.index_cast %get3A : i32 to index
        %get3A_1721 = arith.index_cast %mul3A_1718 : i32 to index
        %get3A_1722 = tpu.vector_load %arg5[%get3A_1719, %get3A_1720, %get3A_1721] {strides = array<i32>} : memref<32x2x128xf32, #tpu.memory_space<vmem>>, vector<16xf32>,
        %mul3A_1723 = arith.constant 16 : i32
        %mul3A_1724 = arith.muli %select_n3A_1716, %mul3A_1723 : i32
        %get3A_1725 = arith.constant 1 : i32
        %get3A_1726 = arith.index_cast %select_n3A_1701 : i32 to index
        %get3A_1727 = arith.index_cast %get3A_1725 : i32 to index
        %get3A_1728 = arith.index_cast %mul3A_1724 : i32 to index
        %get3A_1729 = tpu.vector_load %arg5[%get3A_1726, %get3A_1727, %get3A_1728] {strides = array<i32>} : memref<32x2x128xf32, #tpu.memory_space<vmem>>, vector<16xf32>,
        %mul3A_1730 = arith.constant 3.906250e-03 : f32
        %mul3A_1731 = vector.broadcast %mul3A_1730 : f32 to vector<16xf32>
        %mul3A_1732 = arith.mulf %get3A_1722, %mul3A_1731 : vector<16xf32>
        %convert_element_type3A = arith.fptosi %mul3A_1732 : vector<16xf32> to vector<16xi32>
        %mul3A_1733 = arith.constant 3.906250e-03 : f32
        %mul3A_1734 = vector.broadcast %mul3A_1733 : f32 to vector<16xf32>
        %mul3A_1735 = arith.mulf %get3A_1729, %mul3A_1734 : vector<16xf32>
        %convert_element_type3A_1736 = arith.fptosi %mul3A_1735 : vector<16xf32> to vector<16xi32>
        %mul3A_1737 = arith.constant 1000 : i32
        %mul3A_1738 = vector.broadcast %mul3A_1737 : i32 to vector<16xi32>
        %mul3A_1739 = arith.muli %convert_element_type3A, %mul3A_1738 : vector<16xi32>
        %add3A_1740 = arith.addi %mul3A_1739, %convert_element_type3A_1736 : vector<16xi32>
        %max3A = arith.constant 0 : i32
        %max3A_1741 = vector.broadcast %max3A : i32 to vector<16xi32>
        %max3A_1742 = arith.maxsi %add3A_1740, %max3A_1741 : vector<16xi32>
        %min3A = arith.constant 999999 : i32
        %min3A_1743 = vector.broadcast %min3A : i32 to vector<16xi32>
        %min3A_1744 = arith.minsi %max3A_1742, %min3A_1743 : vector<16xi32>
        %mul3A_1745 = arith.constant 16 : i32
        %mul3A_1746 = arith.muli %scan3A_1683, %mul3A_1745 : i32
        %swap3A = arith.index_cast %mul3A_1746 : i32 to index
        %swap3A_1747 = tpu.vector_load %arg6[%swap3A] {strides = array<i32>} : memref<4096xi32, #tpu.memory_space<vmem>>, vector<16xi32>,
        tpu.vector_store %arg6[%swap3A], %min3A_1744 {strides = array<i32>} : memref<4096xi32, #tpu.memory_space<vmem>>, vector<16xi32>,
        %scan3A_1748 = arith.constant 1 : i32
        %scan3A_1749 = arith.addi %scan3A_1683, %scan3A_1748 : i32
        %jit3A_1750 = arith.constant 8 : i32
        %div3A_1751 = arith.divsi %scan3A_1749, %jit3A_1750 : i32
        %sign3A_1752 = arith.constant 0 : i32
        %sign3A_1753 = arith.cmpi sgt, %scan3A_1749, %sign3A_1752 : i32
        %sign3A_1754 = arith.extui %sign3A_1753 : i1 to i32
        %sign3A_1755 = arith.constant 0 : i32
        %sign3A_1756 = arith.cmpi slt, %scan3A_1749, %sign3A_1755 : i32
        %sign3A_1757 = arith.extui %sign3A_1756 : i1 to i32
        %sign3A_1758 = arith.subi %sign3A_1754, %sign3A_1757 : i32
        %sign3A_1759 = arith.constant 0 : i32
        %sign3A_1760 = arith.cmpi sgt, %jit3A_1750, %sign3A_1759 : i32
        %sign3A_1761 = arith.extui %sign3A_1760 : i1 to i32
        %sign3A_1762 = arith.constant 0 : i32
        %sign3A_1763 = arith.cmpi slt, %jit3A_1750, %sign3A_1762 : i32
        %sign3A_1764 = arith.extui %sign3A_1763 : i1 to i32
        %sign3A_1765 = arith.subi %sign3A_1761, %sign3A_1764 : i32
        %ne3A_1766 = arith.cmpi ne, %sign3A_1758, %sign3A_1765 : i32
        %rem3A_1767 = arith.remsi %scan3A_1749, %jit3A_1750 : i32
        %ne3A_1768 = arith.constant 0 : i32
        %ne3A_1769 = arith.cmpi ne, %rem3A_1767, %ne3A_1768 : i32
        %and3A_1770 = arith.andi %ne3A_1766, %ne3A_1769 : i1
        %sub3A_1771 = arith.constant 1 : i32
        %sub3A_1772 = arith.subi %div3A_1751, %sub3A_1771 : i32
        %select_n3A_1773 = arith.select %and3A_1770, %sub3A_1772, %div3A_1751 : i32
        %jit3A_1774 = arith.constant 8 : i32
        %eq3A_1775 = arith.constant 0 : i32
        %eq3A_1776 = arith.cmpi eq, %jit3A_1774, %eq3A_1775 : i32
        %jit3A_1777 = arith.constant 1 : i32
        %select_n3A_1778 = arith.select %eq3A_1776, %jit3A_1777, %jit3A_1774 : i32
        %rem3A_1779 = arith.remsi %scan3A_1749, %select_n3A_1778 : i32
        %ne3A_1780 = arith.constant 0 : i32
        %ne3A_1781 = arith.cmpi ne, %rem3A_1779, %ne3A_1780 : i32
        %lt3A_1782 = arith.constant 0 : i32
        %lt3A_1783 = arith.cmpi slt, %rem3A_1779, %lt3A_1782 : i32
        %lt3A_1784 = arith.constant 0 : i32
        %lt3A_1785 = arith.cmpi slt, %select_n3A_1778, %lt3A_1784 : i32
        %ne3A_1786 = arith.xori %lt3A_1783, %lt3A_1785 : i1
        %and3A_1787 = arith.andi %ne3A_1786, %ne3A_1781 : i1
        %add3A_1788 = arith.addi %rem3A_1779, %select_n3A_1778 : i32
        %select_n3A_1789 = arith.select %and3A_1787, %add3A_1788, %rem3A_1779 : i32
        %mul3A_1790 = arith.constant 16 : i32
        %mul3A_1791 = arith.muli %select_n3A_1789, %mul3A_1790 : i32
        %get3A_1792 = arith.constant 0 : i32
        %get3A_1793 = arith.index_cast %select_n3A_1773 : i32 to index
        %get3A_1794 = arith.index_cast %get3A_1792 : i32 to index
        %get3A_1795 = arith.index_cast %mul3A_1791 : i32 to index
        %get3A_1796 = tpu.vector_load %arg5[%get3A_1793, %get3A_1794, %get3A_1795] {strides = array<i32>} : memref<32x2x128xf32, #tpu.memory_space<vmem>>, vector<16xf32>,
        %mul3A_1797 = arith.constant 16 : i32
        %mul3A_1798 = arith.muli %select_n3A_1789, %mul3A_1797 : i32
        %get3A_1799 = arith.constant 1 : i32
        %get3A_1800 = arith.index_cast %select_n3A_1773 : i32 to index
        %get3A_1801 = arith.index_cast %get3A_1799 : i32 to index
        %get3A_1802 = arith.index_cast %mul3A_1798 : i32 to index
        %get3A_1803 = tpu.vector_load %arg5[%get3A_1800, %get3A_1801, %get3A_1802] {strides = array<i32>} : memref<32x2x128xf32, #tpu.memory_space<vmem>>, vector<16xf32>,
        %mul3A_1804 = arith.constant 3.906250e-03 : f32
        %mul3A_1805 = vector.broadcast %mul3A_1804 : f32 to vector<16xf32>
        %mul3A_1806 = arith.mulf %get3A_1796, %mul3A_1805 : vector<16xf32>
        %convert_element_type3A_1807 = arith.fptosi %mul3A_1806 : vector<16xf32> to vector<16xi32>
        %mul3A_1808 = arith.constant 3.906250e-03 : f32
        %mul3A_1809 = vector.broadcast %mul3A_1808 : f32 to vector<16xf32>
        %mul3A_1810 = arith.mulf %get3A_1803, %mul3A_1809 : vector<16xf32>
        %convert_element_type3A_1811 = arith.fptosi %mul3A_1810 : vector<16xf32> to vector<16xi32>
        %mul3A_1812 = arith.constant 1000 : i32
        %mul3A_1813 = vector.broadcast %mul3A_1812 : i32 to vector<16xi32>
        %mul3A_1814 = arith.muli %convert_element_type3A_1807, %mul3A_1813 : vector<16xi32>
        %add3A_1815 = arith.addi %mul3A_1814, %convert_element_type3A_1811 : vector<16xi32>
        %max3A_1816 = arith.constant 0 : i32
        %max3A_1817 = vector.broadcast %max3A_1816 : i32 to vector<16xi32>
        %max3A_1818 = arith.maxsi %add3A_1815, %max3A_1817 : vector<16xi32>
        %min3A_1819 = arith.constant 999999 : i32
        %min3A_1820 = vector.broadcast %min3A_1819 : i32 to vector<16xi32>
        %min3A_1821 = arith.minsi %max3A_1818, %min3A_1820 : vector<16xi32>
        %mul3A_1822 = arith.constant 16 : i32
        %mul3A_1823 = arith.muli %scan3A_1749, %mul3A_1822 : i32
        %swap3A_1824 = arith.index_cast %mul3A_1823 : i32 to index
        %swap3A_1825 = tpu.vector_load %arg6[%swap3A_1824] {strides = array<i32>} : memref<4096xi32, #tpu.memory_space<vmem>>, vector<16xi32>,
        tpu.vector_store %arg6[%swap3A_1824], %min3A_1821 {strides = array<i32>} : memref<4096xi32, #tpu.memory_space<vmem>>, vector<16xi32>,
      }
      %scan3A_20 = arith.constant 256 : i32
      %dma_start3A = arith.constant 0 : i32
      %dma_start3A_21 = arith.constant 0 : i32
      %dma_start3A_22 = arith.constant 0 : i32
      %dma_start3A_23 = arith.constant 0 : i32
      %dma_start3A_24 = tpu.memref_slice %arg7[%dma_start3A, %dma_start3A_21, %dma_start3A_22, %dma_start3A_23] : memref<2x8x128x64xf16, #tpu.memory_space<vmem>> -> memref<1x1x128x64xf16, #tpu.memory_space<vmem>>
      %dma_start3A_25 = tpu.memref_squeeze %dma_start3A_24 : memref<1x1x128x64xf16, #tpu.memory_space<vmem>> -> memref<128x64xf16, #tpu.memory_space<vmem>>
      %dma_start3A_26 = arith.constant 0 : i32
      %dma_start3A_27 = tpu.memref_slice %arg6[%dma_start3A_26] : memref<4096xi32, #tpu.memory_space<vmem>> -> memref<128xi32, #tpu.memory_space<vmem>>
      %dma_start3A_28 = arith.constant 0 : i32
      %dma_start3A_29 = arith.constant 0 : i32
      %dma_start3A_30 = tpu.memref_slice %arg3[%dma_start3A_28, %dma_start3A_29] : memref<1000000x64xf16, #tpu.memory_space<hbm>> -> memref<1000000x64xf16, #tpu.memory_space<hbm>>
      tpu.enqueue_indirect_dma source(%dma_start3A_30 : memref<1000000x64xf16, #tpu.memory_space<hbm>>) target(%dma_start3A_25 : memref<128x64xf16, #tpu.memory_space<vmem>>) offsets(%dma_start3A_27 : memref<128xi32, #tpu.memory_space<vmem>>) semaphore(%arg8 : memref<!tpu.dma_semaphore, #tpu.memory_space<semaphore_mem>>)
      %dma_start3A_31 = arith.constant 0 : i32
      %dma_start3A_32 = arith.constant 1 : i32
      %dma_start3A_33 = arith.constant 0 : i32
      %dma_start3A_34 = arith.constant 0 : i32
      %dma_start3A_35 = tpu.memref_slice %arg7[%dma_start3A_31, %dma_start3A_32, %dma_start3A_33, %dma_start3A_34] : memref<2x8x128x64xf16, #tpu.memory_space<vmem>> -> memref<1x1x128x64xf16, #tpu.memory_space<vmem>>
      %dma_start3A_36 = tpu.memref_squeeze %dma_start3A_35 : memref<1x1x128x64xf16, #tpu.memory_space<vmem>> -> memref<128x64xf16, #tpu.memory_space<vmem>>
      %dma_start3A_37 = arith.constant 128 : i32
      %dma_start3A_38 = tpu.memref_slice %arg6[%dma_start3A_37] : memref<4096xi32, #tpu.memory_space<vmem>> -> memref<128xi32, #tpu.memory_space<vmem>>
      %dma_start3A_39 = arith.constant 0 : i32
      %dma_start3A_40 = arith.constant 0 : i32
      %dma_start3A_41 = tpu.memref_slice %arg3[%dma_start3A_39, %dma_start3A_40] : memref<1000000x64xf16, #tpu.memory_space<hbm>> -> memref<1000000x64xf16, #tpu.memory_space<hbm>>
      tpu.enqueue_indirect_dma source(%dma_start3A_41 : memref<1000000x64xf16, #tpu.memory_space<hbm>>) target(%dma_start3A_36 : memref<128x64xf16, #tpu.memory_space<vmem>>) offsets(%dma_start3A_38 : memref<128xi32, #tpu.memory_space<vmem>>) semaphore(%arg8 : memref<!tpu.dma_semaphore, #tpu.memory_space<semaphore_mem>>)
      %dma_start3A_42 = arith.constant 0 : i32
      %dma_start3A_43 = arith.constant 2 : i32
      %dma_start3A_44 = arith.constant 0 : i32
      %dma_start3A_45 = arith.constant 0 : i32
      %dma_start3A_46 = tpu.memref_slice %arg7[%dma_start3A_42, %dma_start3A_43, %dma_start3A_44, %dma_start3A_45] : memref<2x8x128x64xf16, #tpu.memory_space<vmem>> -> memref<1x1x128x64xf16, #tpu.memory_space<vmem>>
      %dma_start3A_47 = tpu.memref_squeeze %dma_start3A_46 : memref<1x1x128x64xf16, #tpu.memory_space<vmem>> -> memref<128x64xf16, #tpu.memory_space<vmem>>
      %dma_start3A_48 = arith.constant 256 : i32
      %dma_start3A_49 = tpu.memref_slice %arg6[%dma_start3A_48] : memref<4096xi32, #tpu.memory_space<vmem>> -> memref<128xi32, #tpu.memory_space<vmem>>
      %dma_start3A_50 = arith.constant 0 : i32
      %dma_start3A_51 = arith.constant 0 : i32
      %dma_start3A_52 = tpu.memref_slice %arg3[%dma_start3A_50, %dma_start3A_51] : memref<1000000x64xf16, #tpu.memory_space<hbm>> -> memref<1000000x64xf16, #tpu.memory_space<hbm>>
      tpu.enqueue_indirect_dma source(%dma_start3A_52 : memref<1000000x64xf16, #tpu.memory_space<hbm>>) target(%dma_start3A_47 : memref<128x64xf16, #tpu.memory_space<vmem>>) offsets(%dma_start3A_49 : memref<128xi32, #tpu.memory_space<vmem>>) semaphore(%arg8 : memref<!tpu.dma_semaphore, #tpu.memory_space<semaphore_mem>>)
      %dma_start3A_53 = arith.constant 0 : i32
      %dma_start3A_54 = arith.constant 3 : i32
      %dma_start3A_55 = arith.constant 0 : i32
      %dma_start3A_56 = arith.constant 0 : i32
      %dma_start3A_57 = tpu.memref_slice %arg7[%dma_start3A_53, %dma_start3A_54, %dma_start3A_55, %dma_start3A_56] : memref<2x8x128x64xf16, #tpu.memory_space<vmem>> -> memref<1x1x128x64xf16, #tpu.memory_space<vmem>>
      %dma_start3A_58 = tpu.memref_squeeze %dma_start3A_57 : memref<1x1x128x64xf16, #tpu.memory_space<vmem>> -> memref<128x64xf16, #tpu.memory_space<vmem>>
      %dma_start3A_59 = arith.constant 384 : i32
      %dma_start3A_60 = tpu.memref_slice %arg6[%dma_start3A_59] : memref<4096xi32, #tpu.memory_space<vmem>> -> memref<128xi32, #tpu.memory_space<vmem>>
      %dma_start3A_61 = arith.constant 0 : i32
      %dma_start3A_62 = arith.constant 0 : i32
      %dma_start3A_63 = tpu.memref_slice %arg3[%dma_start3A_61, %dma_start3A_62] : memref<1000000x64xf16, #tpu.memory_space<hbm>> -> memref<1000000x64xf16, #tpu.memory_space<hbm>>
      tpu.enqueue_indirect_dma source(%dma_start3A_63 : memref<1000000x64xf16, #tpu.memory_space<hbm>>) target(%dma_start3A_58 : memref<128x64xf16, #tpu.memory_space<vmem>>) offsets(%dma_start3A_60 : memref<128xi32, #tpu.memory_space<vmem>>) semaphore(%arg8 : memref<!tpu.dma_semaphore, #tpu.memory_space<semaphore_mem>>)
      %dma_start3A_64 = arith.constant 0 : i32
      %dma_start3A_65 = arith.constant 4 : i32
      %dma_start3A_66 = arith.constant 0 : i32
      %dma_start3A_67 = arith.constant 0 : i32
      %dma_start3A_68 = tpu.memref_slice %arg7[%dma_start3A_64, %dma_start3A_65, %dma_start3A_66, %dma_start3A_67] : memref<2x8x128x64xf16, #tpu.memory_space<vmem>> -> memref<1x1x128x64xf16, #tpu.memory_space<vmem>>
      %dma_start3A_69 = tpu.memref_squeeze %dma_start3A_68 : memref<1x1x128x64xf16, #tpu.memory_space<vmem>> -> memref<128x64xf16, #tpu.memory_space<vmem>>
      %dma_start3A_70 = arith.constant 512 : i32
      %dma_start3A_71 = tpu.memref_slice %arg6[%dma_start3A_70] : memref<4096xi32, #tpu.memory_space<vmem>> -> memref<128xi32, #tpu.memory_space<vmem>>
      %dma_start3A_72 = arith.constant 0 : i32
      %dma_start3A_73 = arith.constant 0 : i32
      %dma_start3A_74 = tpu.memref_slice %arg3[%dma_start3A_72, %dma_start3A_73] : memref<1000000x64xf16, #tpu.memory_space<hbm>> -> memref<1000000x64xf16, #tpu.memory_space<hbm>>
      tpu.enqueue_indirect_dma source(%dma_start3A_74 : memref<1000000x64xf16, #tpu.memory_space<hbm>>) target(%dma_start3A_69 : memref<128x64xf16, #tpu.memory_space<vmem>>) offsets(%dma_start3A_71 : memref<128xi32, #tpu.memory_space<vmem>>) semaphore(%arg8 : memref<!tpu.dma_semaphore, #tpu.memory_space<semaphore_mem>>)
      %dma_start3A_75 = arith.constant 0 : i32
      %dma_start3A_76 = arith.constant 5 : i32
      %dma_start3A_77 = arith.constant 0 : i32
      %dma_start3A_78 = arith.constant 0 : i32
      %dma_start3A_79 = tpu.memref_slice %arg7[%dma_start3A_75, %dma_start3A_76, %dma_start3A_77, %dma_start3A_78] : memref<2x8x128x64xf16, #tpu.memory_space<vmem>> -> memref<1x1x128x64xf16, #tpu.memory_space<vmem>>
      %dma_start3A_80 = tpu.memref_squeeze %dma_start3A_79 : memref<1x1x128x64xf16, #tpu.memory_space<vmem>> -> memref<128x64xf16, #tpu.memory_space<vmem>>
      %dma_start3A_81 = arith.constant 640 : i32
      %dma_start3A_82 = tpu.memref_slice %arg6[%dma_start3A_81] : memref<4096xi32, #tpu.memory_space<vmem>> -> memref<128xi32, #tpu.memory_space<vmem>>
      %dma_start3A_83 = arith.constant 0 : i32
      %dma_start3A_84 = arith.constant 0 : i32
      %dma_start3A_85 = tpu.memref_slice %arg3[%dma_start3A_83, %dma_start3A_84] : memref<1000000x64xf16, #tpu.memory_space<hbm>> -> memref<1000000x64xf16, #tpu.memory_space<hbm>>
      tpu.enqueue_indirect_dma source(%dma_start3A_85 : memref<1000000x64xf16, #tpu.memory_space<hbm>>) target(%dma_start3A_80 : memref<128x64xf16, #tpu.memory_space<vmem>>) offsets(%dma_start3A_82 : memref<128xi32, #tpu.memory_space<vmem>>) semaphore(%arg8 : memref<!tpu.dma_semaphore, #tpu.memory_space<semaphore_mem>>)
      %dma_start3A_86 = arith.constant 0 : i32
      %dma_start3A_87 = arith.constant 6 : i32
      %dma_start3A_88 = arith.constant 0 : i32
      %dma_start3A_89 = arith.constant 0 : i32
      %dma_start3A_90 = tpu.memref_slice %arg7[%dma_start3A_86, %dma_start3A_87, %dma_start3A_88, %dma_start3A_89] : memref<2x8x128x64xf16, #tpu.memory_space<vmem>> -> memref<1x1x128x64xf16, #tpu.memory_space<vmem>>
      %dma_start3A_91 = tpu.memref_squeeze %dma_start3A_90 : memref<1x1x128x64xf16, #tpu.memory_space<vmem>> -> memref<128x64xf16, #tpu.memory_space<vmem>>
      %dma_start3A_92 = arith.constant 768 : i32
      %dma_start3A_93 = tpu.memref_slice %arg6[%dma_start3A_92] : memref<4096xi32, #tpu.memory_space<vmem>> -> memref<128xi32, #tpu.memory_space<vmem>>
      %dma_start3A_94 = arith.constant 0 : i32
      %dma_start3A_95 = arith.constant 0 : i32
      %dma_start3A_96 = tpu.memref_slice %arg3[%dma_start3A_94, %dma_start3A_95] : memref<1000000x64xf16, #tpu.memory_space<hbm>> -> memref<1000000x64xf16, #tpu.memory_space<hbm>>
      tpu.enqueue_indirect_dma source(%dma_start3A_96 : memref<1000000x64xf16, #tpu.memory_space<hbm>>) target(%dma_start3A_91 : memref<128x64xf16, #tpu.memory_space<vmem>>) offsets(%dma_start3A_93 : memref<128xi32, #tpu.memory_space<vmem>>) semaphore(%arg8 : memref<!tpu.dma_semaphore, #tpu.memory_space<semaphore_mem>>)
      %dma_start3A_97 = arith.constant 0 : i32
      %dma_start3A_98 = arith.constant 7 : i32
      %dma_start3A_99 = arith.constant 0 : i32
      %dma_start3A_100 = arith.constant 0 : i32
      %dma_start3A_101 = tpu.memref_slice %arg7[%dma_start3A_97, %dma_start3A_98, %dma_start3A_99, %dma_start3A_100] : memref<2x8x128x64xf16, #tpu.memory_space<vmem>> -> memref<1x1x128x64xf16, #tpu.memory_space<vmem>>
      %dma_start3A_102 = tpu.memref_squeeze %dma_start3A_101 : memref<1x1x128x64xf16, #tpu.memory_space<vmem>> -> memref<128x64xf16, #tpu.memory_space<vmem>>
      %dma_start3A_103 = arith.constant 896 : i32
      %dma_start3A_104 = tpu.memref_slice %arg6[%dma_start3A_103] : memref<4096xi32, #tpu.memory_space<vmem>> -> memref<128xi32, #tpu.memory_space<vmem>>
      %dma_start3A_105 = arith.constant 0 : i32
      %dma_start3A_106 = arith.constant 0 : i32
      %dma_start3A_107 = tpu.memref_slice %arg3[%dma_start3A_105, %dma_start3A_106] : memref<1000000x64xf16, #tpu.memory_space<hbm>> -> memref<1000000x64xf16, #tpu.memory_space<hbm>>
      tpu.enqueue_indirect_dma source(%dma_start3A_107 : memref<1000000x64xf16, #tpu.memory_space<hbm>>) target(%dma_start3A_102 : memref<128x64xf16, #tpu.memory_space<vmem>>) offsets(%dma_start3A_104 : memref<128xi32, #tpu.memory_space<vmem>>) semaphore(%arg8 : memref<!tpu.dma_semaphore, #tpu.memory_space<semaphore_mem>>)
      %dma_wait3A = arith.constant 0 : i32
      %dma_wait3A_108 = arith.constant 0 : i32
      %dma_wait3A_109 = arith.constant 0 : i32
      %dma_wait3A_110 = arith.constant 0 : i32
      %dma_wait3A_111 = tpu.memref_slice %arg7[%dma_wait3A, %dma_wait3A_108, %dma_wait3A_109, %dma_wait3A_110] : memref<2x8x128x64xf16, #tpu.memory_space<vmem>> -> memref<1x1x128x64xf16, #tpu.memory_space<vmem>>
      %dma_wait3A_112 = tpu.memref_squeeze %dma_wait3A_111 : memref<1x1x128x64xf16, #tpu.memory_space<vmem>> -> memref<128x64xf16, #tpu.memory_space<vmem>>
      %dma_wait3A_113 = arith.constant 0 : i32
      %dma_wait3A_114 = tpu.memref_slice %arg6[%dma_wait3A_113] : memref<4096xi32, #tpu.memory_space<vmem>> -> memref<128xi32, #tpu.memory_space<vmem>>
      %dma_wait3A_115 = arith.constant 0 : i32
      %dma_wait3A_116 = arith.constant 0 : i32
      %dma_wait3A_117 = tpu.memref_slice %arg3[%dma_wait3A_115, %dma_wait3A_116] : memref<1000000x64xf16, #tpu.memory_space<hbm>> -> memref<1000000x64xf16, #tpu.memory_space<hbm>>
      tpu.wait_indirect_dma semaphore(%arg8 : memref<!tpu.dma_semaphore, #tpu.memory_space<semaphore_mem>>) src(%dma_wait3A_117 : memref<1000000x64xf16, #tpu.memory_space<hbm>>) dst(%dma_wait3A_112 : memref<128x64xf16, #tpu.memory_space<vmem>>)
      %dma_wait3A_118 = arith.constant 0 : i32
      %dma_wait3A_119 = arith.constant 1 : i32
      %dma_wait3A_120 = arith.constant 0 : i32
      %dma_wait3A_121 = arith.constant 0 : i32
      %dma_wait3A_122 = tpu.memref_slice %arg7[%dma_wait3A_118, %dma_wait3A_119, %dma_wait3A_120, %dma_wait3A_121] : memref<2x8x128x64xf16, #tpu.memory_space<vmem>> -> memref<1x1x128x64xf16, #tpu.memory_space<vmem>>
      %dma_wait3A_123 = tpu.memref_squeeze %dma_wait3A_122 : memref<1x1x128x64xf16, #tpu.memory_space<vmem>> -> memref<128x64xf16, #tpu.memory_space<vmem>>
      %dma_wait3A_124 = arith.constant 128 : i32
      %dma_wait3A_125 = tpu.memref_slice %arg6[%dma_wait3A_124] : memref<4096xi32, #tpu.memory_space<vmem>> -> memref<128xi32, #tpu.memory_space<vmem>>
      %dma_wait3A_126 = arith.constant 0 : i32
      %dma_wait3A_127 = arith.constant 0 : i32
      %dma_wait3A_128 = tpu.memref_slice %arg3[%dma_wait3A_126, %dma_wait3A_127] : memref<1000000x64xf16, #tpu.memory_space<hbm>> -> memref<1000000x64xf16, #tpu.memory_space<hbm>>
      tpu.wait_indirect_dma semaphore(%arg8 : memref<!tpu.dma_semaphore, #tpu.memory_space<semaphore_mem>>) src(%dma_wait3A_128 : memref<1000000x64xf16, #tpu.memory_space<hbm>>) dst(%dma_wait3A_123 : memref<128x64xf16, #tpu.memory_space<vmem>>)
      %dma_wait3A_129 = arith.constant 0 : i32
      %dma_wait3A_130 = arith.constant 2 : i32
      %dma_wait3A_131 = arith.constant 0 : i32
      %dma_wait3A_132 = arith.constant 0 : i32
      %dma_wait3A_133 = tpu.memref_slice %arg7[%dma_wait3A_129, %dma_wait3A_130, %dma_wait3A_131, %dma_wait3A_132] : memref<2x8x128x64xf16, #tpu.memory_space<vmem>> -> memref<1x1x128x64xf16, #tpu.memory_space<vmem>>
      %dma_wait3A_134 = tpu.memref_squeeze %dma_wait3A_133 : memref<1x1x128x64xf16, #tpu.memory_space<vmem>> -> memref<128x64xf16, #tpu.memory_space<vmem>>
      %dma_wait3A_135 = arith.constant 256 : i32
      %dma_wait3A_136 = tpu.memref_slice %arg6[%dma_wait3A_135] : memref<4096xi32, #tpu.memory_space<vmem>> -> memref<128xi32, #tpu.memory_space<vmem>>
      %dma_wait3A_137 = arith.constant 0 : i32
      %dma_wait3A_138 = arith.constant 0 : i32
      %dma_wait3A_139 = tpu.memref_slice %arg3[%dma_wait3A_137, %dma_wait3A_138] : memref<1000000x64xf16, #tpu.memory_space<hbm>> -> memref<1000000x64xf16, #tpu.memory_space<hbm>>
      tpu.wait_indirect_dma semaphore(%arg8 : memref<!tpu.dma_semaphore, #tpu.memory_space<semaphore_mem>>) src(%dma_wait3A_139 : memref<1000000x64xf16, #tpu.memory_space<hbm>>) dst(%dma_wait3A_134 : memref<128x64xf16, #tpu.memory_space<vmem>>)
      %dma_wait3A_140 = arith.constant 0 : i32
      %dma_wait3A_141 = arith.constant 3 : i32
      %dma_wait3A_142 = arith.constant 0 : i32
      %dma_wait3A_143 = arith.constant 0 : i32
      %dma_wait3A_144 = tpu.memref_slice %arg7[%dma_wait3A_140, %dma_wait3A_141, %dma_wait3A_142, %dma_wait3A_143] : memref<2x8x128x64xf16, #tpu.memory_space<vmem>> -> memref<1x1x128x64xf16, #tpu.memory_space<vmem>>
      %dma_wait3A_145 = tpu.memref_squeeze %dma_wait3A_144 : memref<1x1x128x64xf16, #tpu.memory_space<vmem>> -> memref<128x64xf16, #tpu.memory_space<vmem>>
      %dma_wait3A_146 = arith.constant 384 : i32
      %dma_wait3A_147 = tpu.memref_slice %arg6[%dma_wait3A_146] : memref<4096xi32, #tpu.memory_space<vmem>> -> memref<128xi32, #tpu.memory_space<vmem>>
      %dma_wait3A_148 = arith.constant 0 : i32
      %dma_wait3A_149 = arith.constant 0 : i32
      %dma_wait3A_150 = tpu.memref_slice %arg3[%dma_wait3A_148, %dma_wait3A_149] : memref<1000000x64xf16, #tpu.memory_space<hbm>> -> memref<1000000x64xf16, #tpu.memory_space<hbm>>
      tpu.wait_indirect_dma semaphore(%arg8 : memref<!tpu.dma_semaphore, #tpu.memory_space<semaphore_mem>>) src(%dma_wait3A_150 : memref<1000000x64xf16, #tpu.memory_space<hbm>>) dst(%dma_wait3A_145 : memref<128x64xf16, #tpu.memory_space<vmem>>)
      %dma_wait3A_151 = arith.constant 0 : i32
      %dma_wait3A_152 = arith.constant 4 : i32
      %dma_wait3A_153 = arith.constant 0 : i32
      %dma_wait3A_154 = arith.constant 0 : i32
      %dma_wait3A_155 = tpu.memref_slice %arg7[%dma_wait3A_151, %dma_wait3A_152, %dma_wait3A_153, %dma_wait3A_154] : memref<2x8x128x64xf16, #tpu.memory_space<vmem>> -> memref<1x1x128x64xf16, #tpu.memory_space<vmem>>
      %dma_wait3A_156 = tpu.memref_squeeze %dma_wait3A_155 : memref<1x1x128x64xf16, #tpu.memory_space<vmem>> -> memref<128x64xf16, #tpu.memory_space<vmem>>
      %dma_wait3A_157 = arith.constant 512 : i32
      %dma_wait3A_158 = tpu.memref_slice %arg6[%dma_wait3A_157] : memref<4096xi32, #tpu.memory_space<vmem>> -> memref<128xi32, #tpu.memory_space<vmem>>
      %dma_wait3A_159 = arith.constant 0 : i32
      %dma_wait3A_160 = arith.constant 0 : i32
      %dma_wait3A_161 = tpu.memref_slice %arg3[%dma_wait3A_159, %dma_wait3A_160] : memref<1000000x64xf16, #tpu.memory_space<hbm>> -> memref<1000000x64xf16, #tpu.memory_space<hbm>>
      tpu.wait_indirect_dma semaphore(%arg8 : memref<!tpu.dma_semaphore, #tpu.memory_space<semaphore_mem>>) src(%dma_wait3A_161 : memref<1000000x64xf16, #tpu.memory_space<hbm>>) dst(%dma_wait3A_156 : memref<128x64xf16, #tpu.memory_space<vmem>>)
      %dma_wait3A_162 = arith.constant 0 : i32
      %dma_wait3A_163 = arith.constant 5 : i32
      %dma_wait3A_164 = arith.constant 0 : i32
      %dma_wait3A_165 = arith.constant 0 : i32
      %dma_wait3A_166 = tpu.memref_slice %arg7[%dma_wait3A_162, %dma_wait3A_163, %dma_wait3A_164, %dma_wait3A_165] : memref<2x8x128x64xf16, #tpu.memory_space<vmem>> -> memref<1x1x128x64xf16, #tpu.memory_space<vmem>>
      %dma_wait3A_167 = tpu.memref_squeeze %dma_wait3A_166 : memref<1x1x128x64xf16, #tpu.memory_space<vmem>> -> memref<128x64xf16, #tpu.memory_space<vmem>>
      %dma_wait3A_168 = arith.constant 640 : i32
      %dma_wait3A_169 = tpu.memref_slice %arg6[%dma_wait3A_168] : memref<4096xi32, #tpu.memory_space<vmem>> -> memref<128xi32, #tpu.memory_space<vmem>>
      %dma_wait3A_170 = arith.constant 0 : i32
      %dma_wait3A_171 = arith.constant 0 : i32
      %dma_wait3A_172 = tpu.memref_slice %arg3[%dma_wait3A_170, %dma_wait3A_171] : memref<1000000x64xf16, #tpu.memory_space<hbm>> -> memref<1000000x64xf16, #tpu.memory_space<hbm>>
      tpu.wait_indirect_dma semaphore(%arg8 : memref<!tpu.dma_semaphore, #tpu.memory_space<semaphore_mem>>) src(%dma_wait3A_172 : memref<1000000x64xf16, #tpu.memory_space<hbm>>) dst(%dma_wait3A_167 : memref<128x64xf16, #tpu.memory_space<vmem>>)
      %dma_wait3A_173 = arith.constant 0 : i32
      %dma_wait3A_174 = arith.constant 6 : i32
      %dma_wait3A_175 = arith.constant 0 : i32
      %dma_wait3A_176 = arith.constant 0 : i32
      %dma_wait3A_177 = tpu.memref_slice %arg7[%dma_wait3A_173, %dma_wait3A_174, %dma_wait3A_175, %dma_wait3A_176] : memref<2x8x128x64xf16, #tpu.memory_space<vmem>> -> memref<1x1x128x64xf16, #tpu.memory_space<vmem>>
      %dma_wait3A_178 = tpu.memref_squeeze %dma_wait3A_177 : memref<1x1x128x64xf16, #tpu.memory_space<vmem>> -> memref<128x64xf16, #tpu.memory_space<vmem>>
      %dma_wait3A_179 = arith.constant 768 : i32
      %dma_wait3A_180 = tpu.memref_slice %arg6[%dma_wait3A_179] : memref<4096xi32, #tpu.memory_space<vmem>> -> memref<128xi32, #tpu.memory_space<vmem>>
      %dma_wait3A_181 = arith.constant 0 : i32
      %dma_wait3A_182 = arith.constant 0 : i32
      %dma_wait3A_183 = tpu.memref_slice %arg3[%dma_wait3A_181, %dma_wait3A_182] : memref<1000000x64xf16, #tpu.memory_space<hbm>> -> memref<1000000x64xf16, #tpu.memory_space<hbm>>
      tpu.wait_indirect_dma semaphore(%arg8 : memref<!tpu.dma_semaphore, #tpu.memory_space<semaphore_mem>>) src(%dma_wait3A_183 : memref<1000000x64xf16, #tpu.memory_space<hbm>>) dst(%dma_wait3A_178 : memref<128x64xf16, #tpu.memory_space<vmem>>)
      %dma_wait3A_184 = arith.constant 0 : i32
      %dma_wait3A_185 = arith.constant 7 : i32
      %dma_wait3A_186 = arith.constant 0 : i32
      %dma_wait3A_187 = arith.constant 0 : i32
      %dma_wait3A_188 = tpu.memref_slice %arg7[%dma_wait3A_184, %dma_wait3A_185, %dma_wait3A_186, %dma_wait3A_187] : memref<2x8x128x64xf16, #tpu.memory_space<vmem>> -> memref<1x1x128x64xf16, #tpu.memory_space<vmem>>
      %dma_wait3A_189 = tpu.memref_squeeze %dma_wait3A_188 : memref<1x1x128x64xf16, #tpu.memory_space<vmem>> -> memref<128x64xf16, #tpu.memory_space<vmem>>
      %dma_wait3A_190 = arith.constant 896 : i32
      %dma_wait3A_191 = tpu.memref_slice %arg6[%dma_wait3A_190] : memref<4096xi32, #tpu.memory_space<vmem>> -> memref<128xi32, #tpu.memory_space<vmem>>
      %dma_wait3A_192 = arith.constant 0 : i32
      %dma_wait3A_193 = arith.constant 0 : i32
      %dma_wait3A_194 = tpu.memref_slice %arg3[%dma_wait3A_192, %dma_wait3A_193] : memref<1000000x64xf16, #tpu.memory_space<hbm>> -> memref<1000000x64xf16, #tpu.memory_space<hbm>>
      tpu.wait_indirect_dma semaphore(%arg8 : memref<!tpu.dma_semaphore, #tpu.memory_space<semaphore_mem>>) src(%dma_wait3A_194 : memref<1000000x64xf16, #tpu.memory_space<hbm>>) dst(%dma_wait3A_189 : memref<128x64xf16, #tpu.memory_space<vmem>>)
      %mul3A_195 = arith.constant 64 : i32
      %mul3A_196 = arith.muli %add3A_15, %mul3A_195 : i32
      %dma_start3A_197 = arith.constant 0 : i32
      %dma_start3A_198 = arith.constant 0 : i32
      %dma_start3A_199 = arith.constant 0 : i32
      %dma_start3A_200 = arith.constant 0 : i32
      %dma_start3A_201 = tpu.memref_slice %arg7[%dma_start3A_197, %dma_start3A_198, %dma_start3A_199, %dma_start3A_200] : memref<2x8x128x64xf16, #tpu.memory_space<vmem>> -> memref<1x1x128x64xf16, #tpu.memory_space<vmem>>
      %dma_start3A_202 = tpu.memref_squeeze %dma_start3A_201 : memref<1x1x128x64xf16, #tpu.memory_space<vmem>> -> memref<128x64xf16, #tpu.memory_space<vmem>>
      %dma_start3A_203 = arith.constant 0 : i32
      %dma_start3A_204 = tpu.memref_slice %arg4[%dma_start3A_203, %mul3A_196] : memref<4096x12800xf16, #tpu.memory_space<hbm>> -> memref<128x64xf16, #tpu.memory_space<hbm>>
      %dma_start3A_205 = arith.constant 0 : i32
      %dma_start3A_206 = tpu.memref_slice %arg4[%dma_start3A_205, %mul3A_196] : memref<4096x12800xf16, #tpu.memory_space<hbm>> -> memref<128x64xf16, #tpu.memory_space<hbm>>
      %dma_start3A_207 = arith.constant 0 : i32
      %dma_start3A_208 = arith.constant 0 : i32
      %dma_start3A_209 = tpu.memref_slice %arg7[%dma_start3A_197, %dma_start3A_198, %dma_start3A_207, %dma_start3A_208] : memref<2x8x128x64xf16, #tpu.memory_space<vmem>> -> memref<1x1x128x64xf16, #tpu.memory_space<vmem>>
      %dma_start3A_210 = tpu.memref_squeeze %dma_start3A_209 : memref<1x1x128x64xf16, #tpu.memory_space<vmem>> -> memref<128x64xf16, #tpu.memory_space<vmem>>
      tpu.enqueue_dma source(%dma_start3A_210 : memref<128x64xf16, #tpu.memory_space<vmem>>) target(%dma_start3A_206 : memref<128x64xf16, #tpu.memory_space<hbm>>) target_semaphore(%arg9 : memref<!tpu.dma_semaphore, #tpu.memory_space<semaphore_mem>>)
      %mul3A_211 = arith.constant 64 : i32
      %mul3A_212 = arith.muli %add3A_15, %mul3A_211 : i32
      %dma_start3A_213 = arith.constant 0 : i32
      %dma_start3A_214 = arith.constant 1 : i32
      %dma_start3A_215 = arith.constant 0 : i32
      %dma_start3A_216 = arith.constant 0 : i32
      %dma_start3A_217 = tpu.memref_slice %arg7[%dma_start3A_213, %dma_start3A_214, %dma_start3A_215, %dma_start3A_216] : memref<2x8x128x64xf16, #tpu.memory_space<vmem>> -> memref<1x1x128x64xf16, #tpu.memory_space<vmem>>
      %dma_start3A_218 = tpu.memref_squeeze %dma_start3A_217 : memref<1x1x128x64xf16, #tpu.memory_space<vmem>> -> memref<128x64xf16, #tpu.memory_space<vmem>>
      %dma_start3A_219 = arith.constant 128 : i32
      %dma_start3A_220 = tpu.memref_slice %arg4[%dma_start3A_219, %mul3A_212] : memref<4096x12800xf16, #tpu.memory_space<hbm>> -> memref<128x64xf16, #tpu.memory_space<hbm>>
      %dma_start3A_221 = arith.constant 128 : i32
      %dma_start3A_222 = tpu.memref_slice %arg4[%dma_start3A_221, %mul3A_212] : memref<4096x12800xf16, #tpu.memory_space<hbm>> -> memref<128x64xf16, #tpu.memory_space<hbm>>
      %dma_start3A_223 = arith.constant 0 : i32
      %dma_start3A_224 = arith.constant 0 : i32
      %dma_start3A_225 = tpu.memref_slice %arg7[%dma_start3A_213, %dma_start3A_214, %dma_start3A_223, %dma_start3A_224] : memref<2x8x128x64xf16, #tpu.memory_space<vmem>> -> memref<1x1x128x64xf16, #tpu.memory_space<vmem>>
      %dma_start3A_226 = tpu.memref_squeeze %dma_start3A_225 : memref<1x1x128x64xf16, #tpu.memory_space<vmem>> -> memref<128x64xf16, #tpu.memory_space<vmem>>
      tpu.enqueue_dma source(%dma_start3A_226 : memref<128x64xf16, #tpu.memory_space<vmem>>) target(%dma_start3A_222 : memref<128x64xf16, #tpu.memory_space<hbm>>) target_semaphore(%arg9 : memref<!tpu.dma_semaphore, #tpu.memory_space<semaphore_mem>>)
      %mul3A_227 = arith.constant 64 : i32
      %mul3A_228 = arith.muli %add3A_15, %mul3A_227 : i32
      %dma_start3A_229 = arith.constant 0 : i32
      %dma_start3A_230 = arith.constant 2 : i32
      %dma_start3A_231 = arith.constant 0 : i32
      %dma_start3A_232 = arith.constant 0 : i32
      %dma_start3A_233 = tpu.memref_slice %arg7[%dma_start3A_229, %dma_start3A_230, %dma_start3A_231, %dma_start3A_232] : memref<2x8x128x64xf16, #tpu.memory_space<vmem>> -> memref<1x1x128x64xf16, #tpu.memory_space<vmem>>
      %dma_start3A_234 = tpu.memref_squeeze %dma_start3A_233 : memref<1x1x128x64xf16, #tpu.memory_space<vmem>> -> memref<128x64xf16, #tpu.memory_space<vmem>>
      %dma_start3A_235 = arith.constant 256 : i32
      %dma_start3A_236 = tpu.memref_slice %arg4[%dma_start3A_235, %mul3A_228] : memref<4096x12800xf16, #tpu.memory_space<hbm>> -> memref<128x64xf16, #tpu.memory_space<hbm>>
      %dma_start3A_237 = arith.constant 256 : i32
      %dma_start3A_238 = tpu.memref_slice %arg4[%dma_start3A_237, %mul3A_228] : memref<4096x12800xf16, #tpu.memory_space<hbm>> -> memref<128x64xf16, #tpu.memory_space<hbm>>
      %dma_start3A_239 = arith.constant 0 : i32
      %dma_start3A_240 = arith.constant 0 : i32
      %dma_start3A_241 = tpu.memref_slice %arg7[%dma_start3A_229, %dma_start3A_230, %dma_start3A_239, %dma_start3A_240] : memref<2x8x128x64xf16, #tpu.memory_space<vmem>> -> memref<1x1x128x64xf16, #tpu.memory_space<vmem>>
      %dma_start3A_242 = tpu.memref_squeeze %dma_start3A_241 : memref<1x1x128x64xf16, #tpu.memory_space<vmem>> -> memref<128x64xf16, #tpu.memory_space<vmem>>
      tpu.enqueue_dma source(%dma_start3A_242 : memref<128x64xf16, #tpu.memory_space<vmem>>) target(%dma_start3A_238 : memref<128x64xf16, #tpu.memory_space<hbm>>) target_semaphore(%arg9 : memref<!tpu.dma_semaphore, #tpu.memory_space<semaphore_mem>>)
      %mul3A_243 = arith.constant 64 : i32
      %mul3A_244 = arith.muli %add3A_15, %mul3A_243 : i32
      %dma_start3A_245 = arith.constant 0 : i32
      %dma_start3A_246 = arith.constant 3 : i32
      %dma_start3A_247 = arith.constant 0 : i32
      %dma_start3A_248 = arith.constant 0 : i32
      %dma_start3A_249 = tpu.memref_slice %arg7[%dma_start3A_245, %dma_start3A_246, %dma_start3A_247, %dma_start3A_248] : memref<2x8x128x64xf16, #tpu.memory_space<vmem>> -> memref<1x1x128x64xf16, #tpu.memory_space<vmem>>
      %dma_start3A_250 = tpu.memref_squeeze %dma_start3A_249 : memref<1x1x128x64xf16, #tpu.memory_space<vmem>> -> memref<128x64xf16, #tpu.memory_space<vmem>>
      %dma_start3A_251 = arith.constant 384 : i32
      %dma_start3A_252 = tpu.memref_slice %arg4[%dma_start3A_251, %mul3A_244] : memref<4096x12800xf16, #tpu.memory_space<hbm>> -> memref<128x64xf16, #tpu.memory_space<hbm>>
      %dma_start3A_253 = arith.constant 384 : i32
      %dma_start3A_254 = tpu.memref_slice %arg4[%dma_start3A_253, %mul3A_244] : memref<4096x12800xf16, #tpu.memory_space<hbm>> -> memref<128x64xf16, #tpu.memory_space<hbm>>
      %dma_start3A_255 = arith.constant 0 : i32
      %dma_start3A_256 = arith.constant 0 : i32
      %dma_start3A_257 = tpu.memref_slice %arg7[%dma_start3A_245, %dma_start3A_246, %dma_start3A_255, %dma_start3A_256] : memref<2x8x128x64xf16, #tpu.memory_space<vmem>> -> memref<1x1x128x64xf16, #tpu.memory_space<vmem>>
      %dma_start3A_258 = tpu.memref_squeeze %dma_start3A_257 : memref<1x1x128x64xf16, #tpu.memory_space<vmem>> -> memref<128x64xf16, #tpu.memory_space<vmem>>
      tpu.enqueue_dma source(%dma_start3A_258 : memref<128x64xf16, #tpu.memory_space<vmem>>) target(%dma_start3A_254 : memref<128x64xf16, #tpu.memory_space<hbm>>) target_semaphore(%arg9 : memref<!tpu.dma_semaphore, #tpu.memory_space<semaphore_mem>>)
      %mul3A_259 = arith.constant 64 : i32
      %mul3A_260 = arith.muli %add3A_15, %mul3A_259 : i32
      %dma_start3A_261 = arith.constant 0 : i32
      %dma_start3A_262 = arith.constant 4 : i32
      %dma_start3A_263 = arith.constant 0 : i32
      %dma_start3A_264 = arith.constant 0 : i32
      %dma_start3A_265 = tpu.memref_slice %arg7[%dma_start3A_261, %dma_start3A_262, %dma_start3A_263, %dma_start3A_264] : memref<2x8x128x64xf16, #tpu.memory_space<vmem>> -> memref<1x1x128x64xf16, #tpu.memory_space<vmem>>
      %dma_start3A_266 = tpu.memref_squeeze %dma_start3A_265 : memref<1x1x128x64xf16, #tpu.memory_space<vmem>> -> memref<128x64xf16, #tpu.memory_space<vmem>>
      %dma_start3A_267 = arith.constant 512 : i32
      %dma_start3A_268 = tpu.memref_slice %arg4[%dma_start3A_267, %mul3A_260] : memref<4096x12800xf16, #tpu.memory_space<hbm>> -> memref<128x64xf16, #tpu.memory_space<hbm>>
      %dma_start3A_269 = arith.constant 512 : i32
      %dma_start3A_270 = tpu.memref_slice %arg4[%dma_start3A_269, %mul3A_260] : memref<4096x12800xf16, #tpu.memory_space<hbm>> -> memref<128x64xf16, #tpu.memory_space<hbm>>
      %dma_start3A_271 = arith.constant 0 : i32
      %dma_start3A_272 = arith.constant 0 : i32
      %dma_start3A_273 = tpu.memref_slice %arg7[%dma_start3A_261, %dma_start3A_262, %dma_start3A_271, %dma_start3A_272] : memref<2x8x128x64xf16, #tpu.memory_space<vmem>> -> memref<1x1x128x64xf16, #tpu.memory_space<vmem>>
      %dma_start3A_274 = tpu.memref_squeeze %dma_start3A_273 : memref<1x1x128x64xf16, #tpu.memory_space<vmem>> -> memref<128x64xf16, #tpu.memory_space<vmem>>
      tpu.enqueue_dma source(%dma_start3A_274 : memref<128x64xf16, #tpu.memory_space<vmem>>) target(%dma_start3A_270 : memref<128x64xf16, #tpu.memory_space<hbm>>) target_semaphore(%arg9 : memref<!tpu.dma_semaphore, #tpu.memory_space<semaphore_mem>>)
      %mul3A_275 = arith.constant 64 : i32
      %mul3A_276 = arith.muli %add3A_15, %mul3A_275 : i32
      %dma_start3A_277 = arith.constant 0 : i32
      %dma_start3A_278 = arith.constant 5 : i32
      %dma_start3A_279 = arith.constant 0 : i32
      %dma_start3A_280 = arith.constant 0 : i32
      %dma_start3A_281 = tpu.memref_slice %arg7[%dma_start3A_277, %dma_start3A_278, %dma_start3A_279, %dma_start3A_280] : memref<2x8x128x64xf16, #tpu.memory_space<vmem>> -> memref<1x1x128x64xf16, #tpu.memory_space<vmem>>
      %dma_start3A_282 = tpu.memref_squeeze %dma_start3A_281 : memref<1x1x128x64xf16, #tpu.memory_space<vmem>> -> memref<128x64xf16, #tpu.memory_space<vmem>>
      %dma_start3A_283 = arith.constant 640 : i32
      %dma_start3A_284 = tpu.memref_slice %arg4[%dma_start3A_283, %mul3A_276] : memref<4096x12800xf16, #tpu.memory_space<hbm>> -> memref<128x64xf16, #tpu.memory_space<hbm>>
      %dma_start3A_285 = arith.constant 640 : i32
      %dma_start3A_286 = tpu.memref_slice %arg4[%dma_start3A_285, %mul3A_276] : memref<4096x12800xf16, #tpu.memory_space<hbm>> -> memref<128x64xf16, #tpu.memory_space<hbm>>
      %dma_start3A_287 = arith.constant 0 : i32
      %dma_start3A_288 = arith.constant 0 : i32
      %dma_start3A_289 = tpu.memref_slice %arg7[%dma_start3A_277, %dma_start3A_278, %dma_start3A_287, %dma_start3A_288] : memref<2x8x128x64xf16, #tpu.memory_space<vmem>> -> memref<1x1x128x64xf16, #tpu.memory_space<vmem>>
      %dma_start3A_290 = tpu.memref_squeeze %dma_start3A_289 : memref<1x1x128x64xf16, #tpu.memory_space<vmem>> -> memref<128x64xf16, #tpu.memory_space<vmem>>
      tpu.enqueue_dma source(%dma_start3A_290 : memref<128x64xf16, #tpu.memory_space<vmem>>) target(%dma_start3A_286 : memref<128x64xf16, #tpu.memory_space<hbm>>) target_semaphore(%arg9 : memref<!tpu.dma_semaphore, #tpu.memory_space<semaphore_mem>>)
      %mul3A_291 = arith.constant 64 : i32
      %mul3A_292 = arith.muli %add3A_15, %mul3A_291 : i32
      %dma_start3A_293 = arith.constant 0 : i32
      %dma_start3A_294 = arith.constant 6 : i32
      %dma_start3A_295 = arith.constant 0 : i32
      %dma_start3A_296 = arith.constant 0 : i32
      %dma_start3A_297 = tpu.memref_slice %arg7[%dma_start3A_293, %dma_start3A_294, %dma_start3A_295, %dma_start3A_296] : memref<2x8x128x64xf16, #tpu.memory_space<vmem>> -> memref<1x1x128x64xf16, #tpu.memory_space<vmem>>
      %dma_start3A_298 = tpu.memref_squeeze %dma_start3A_297 : memref<1x1x128x64xf16, #tpu.memory_space<vmem>> -> memref<128x64xf16, #tpu.memory_space<vmem>>
      %dma_start3A_299 = arith.constant 768 : i32
      %dma_start3A_300 = tpu.memref_slice %arg4[%dma_start3A_299, %mul3A_292] : memref<4096x12800xf16, #tpu.memory_space<hbm>> -> memref<128x64xf16, #tpu.memory_space<hbm>>
      %dma_start3A_301 = arith.constant 768 : i32
      %dma_start3A_302 = tpu.memref_slice %arg4[%dma_start3A_301, %mul3A_292] : memref<4096x12800xf16, #tpu.memory_space<hbm>> -> memref<128x64xf16, #tpu.memory_space<hbm>>
      %dma_start3A_303 = arith.constant 0 : i32
      %dma_start3A_304 = arith.constant 0 : i32
      %dma_start3A_305 = tpu.memref_slice %arg7[%dma_start3A_293, %dma_start3A_294, %dma_start3A_303, %dma_start3A_304] : memref<2x8x128x64xf16, #tpu.memory_space<vmem>> -> memref<1x1x128x64xf16, #tpu.memory_space<vmem>>
      %dma_start3A_306 = tpu.memref_squeeze %dma_start3A_305 : memref<1x1x128x64xf16, #tpu.memory_space<vmem>> -> memref<128x64xf16, #tpu.memory_space<vmem>>
      tpu.enqueue_dma source(%dma_start3A_306 : memref<128x64xf16, #tpu.memory_space<vmem>>) target(%dma_start3A_302 : memref<128x64xf16, #tpu.memory_space<hbm>>) target_semaphore(%arg9 : memref<!tpu.dma_semaphore, #tpu.memory_space<semaphore_mem>>)
      %mul3A_307 = arith.constant 64 : i32
      %mul3A_308 = arith.muli %add3A_15, %mul3A_307 : i32
      %dma_start3A_309 = arith.constant 0 : i32
      %dma_start3A_310 = arith.constant 7 : i32
      %dma_start3A_311 = arith.constant 0 : i32
      %dma_start3A_312 = arith.constant 0 : i32
      %dma_start3A_313 = tpu.memref_slice %arg7[%dma_start3A_309, %dma_start3A_310, %dma_start3A_311, %dma_start3A_312] : memref<2x8x128x64xf16, #tpu.memory_space<vmem>> -> memref<1x1x128x64xf16, #tpu.memory_space<vmem>>
      %dma_start3A_314 = tpu.memref_squeeze %dma_start3A_313 : memref<1x1x128x64xf16, #tpu.memory_space<vmem>> -> memref<128x64xf16, #tpu.memory_space<vmem>>
      %dma_start3A_315 = arith.constant 896 : i32
      %dma_start3A_316 = tpu.memref_slice %arg4[%dma_start3A_315, %mul3A_308] : memref<4096x12800xf16, #tpu.memory_space<hbm>> -> memref<128x64xf16, #tpu.memory_space<hbm>>
      %dma_start3A_317 = arith.constant 896 : i32
      %dma_start3A_318 = tpu.memref_slice %arg4[%dma_start3A_317, %mul3A_308] : memref<4096x12800xf16, #tpu.memory_space<hbm>> -> memref<128x64xf16, #tpu.memory_space<hbm>>
      %dma_start3A_319 = arith.constant 0 : i32
      %dma_start3A_320 = arith.constant 0 : i32
      %dma_start3A_321 = tpu.memref_slice %arg7[%dma_start3A_309, %dma_start3A_310, %dma_start3A_319, %dma_start3A_320] : memref<2x8x128x64xf16, #tpu.memory_space<vmem>> -> memref<1x1x128x64xf16, #tpu.memory_space<vmem>>
      %dma_start3A_322 = tpu.memref_squeeze %dma_start3A_321 : memref<1x1x128x64xf16, #tpu.memory_space<vmem>> -> memref<128x64xf16, #tpu.memory_space<vmem>>
      tpu.enqueue_dma source(%dma_start3A_322 : memref<128x64xf16, #tpu.memory_space<vmem>>) target(%dma_start3A_318 : memref<128x64xf16, #tpu.memory_space<hbm>>) target_semaphore(%arg9 : memref<!tpu.dma_semaphore, #tpu.memory_space<semaphore_mem>>)
      %dma_start3A_323 = arith.constant 1 : i32
      %dma_start3A_324 = arith.constant 0 : i32
      %dma_start3A_325 = arith.constant 0 : i32
      %dma_start3A_326 = arith.constant 0 : i32
      %dma_start3A_327 = tpu.memref_slice %arg7[%dma_start3A_323, %dma_start3A_324, %dma_start3A_325, %dma_start3A_326] : memref<2x8x128x64xf16, #tpu.memory_space<vmem>> -> memref<1x1x128x64xf16, #tpu.memory_space<vmem>>
      %dma_start3A_328 = tpu.memref_squeeze %dma_start3A_327 : memref<1x1x128x64xf16, #tpu.memory_space<vmem>> -> memref<128x64xf16, #tpu.memory_space<vmem>>
      %dma_start3A_329 = arith.constant 1024 : i32
      %dma_start3A_330 = tpu.memref_slice %arg6[%dma_start3A_329] : memref<4096xi32, #tpu.memory_space<vmem>> -> memref<128xi32, #tpu.memory_space<vmem>>
      %dma_start3A_331 = arith.constant 0 : i32
      %dma_start3A_332 = arith.constant 0 : i32
      %dma_start3A_333 = tpu.memref_slice %arg3[%dma_start3A_331, %dma_start3A_332] : memref<1000000x64xf16, #tpu.memory_space<hbm>> -> memref<1000000x64xf16, #tpu.memory_space<hbm>>
      tpu.enqueue_indirect_dma source(%dma_start3A_333 : memref<1000000x64xf16, #tpu.memory_space<hbm>>) target(%dma_start3A_328 : memref<128x64xf16, #tpu.memory_space<vmem>>) offsets(%dma_start3A_330 : memref<128xi32, #tpu.memory_space<vmem>>) semaphore(%arg8 : memref<!tpu.dma_semaphore, #tpu.memory_space<semaphore_mem>>)
      %dma_start3A_334 = arith.constant 1 : i32
      %dma_start3A_335 = arith.constant 1 : i32
      %dma_start3A_336 = arith.constant 0 : i32
      %dma_start3A_337 = arith.constant 0 : i32
      %dma_start3A_338 = tpu.memref_slice %arg7[%dma_start3A_334, %dma_start3A_335, %dma_start3A_336, %dma_start3A_337] : memref<2x8x128x64xf16, #tpu.memory_space<vmem>> -> memref<1x1x128x64xf16, #tpu.memory_space<vmem>>
      %dma_start3A_339 = tpu.memref_squeeze %dma_start3A_338 : memref<1x1x128x64xf16, #tpu.memory_space<vmem>> -> memref<128x64xf16, #tpu.memory_space<vmem>>
      %dma_start3A_340 = arith.constant 1152 : i32
      %dma_start3A_341 = tpu.memref_slice %arg6[%dma_start3A_340] : memref<4096xi32, #tpu.memory_space<vmem>> -> memref<128xi32, #tpu.memory_space<vmem>>
      %dma_start3A_342 = arith.constant 0 : i32
      %dma_start3A_343 = arith.constant 0 : i32
      %dma_start3A_344 = tpu.memref_slice %arg3[%dma_start3A_342, %dma_start3A_343] : memref<1000000x64xf16, #tpu.memory_space<hbm>> -> memref<1000000x64xf16, #tpu.memory_space<hbm>>
      tpu.enqueue_indirect_dma source(%dma_start3A_344 : memref<1000000x64xf16, #tpu.memory_space<hbm>>) target(%dma_start3A_339 : memref<128x64xf16, #tpu.memory_space<vmem>>) offsets(%dma_start3A_341 : memref<128xi32, #tpu.memory_space<vmem>>) semaphore(%arg8 : memref<!tpu.dma_semaphore, #tpu.memory_space<semaphore_mem>>)
      %dma_start3A_345 = arith.constant 1 : i32
      %dma_start3A_346 = arith.constant 2 : i32
      %dma_start3A_347 = arith.constant 0 : i32
      %dma_start3A_348 = arith.constant 0 : i32
      %dma_start3A_349 = tpu.memref_slice %arg7[%dma_start3A_345, %dma_start3A_346, %dma_start3A_347, %dma_start3A_348] : memref<2x8x128x64xf16, #tpu.memory_space<vmem>> -> memref<1x1x128x64xf16, #tpu.memory_space<vmem>>
      %dma_start3A_350 = tpu.memref_squeeze %dma_start3A_349 : memref<1x1x128x64xf16, #tpu.memory_space<vmem>> -> memref<128x64xf16, #tpu.memory_space<vmem>>
      %dma_start3A_351 = arith.constant 1280 : i32
      %dma_start3A_352 = tpu.memref_slice %arg6[%dma_start3A_351] : memref<4096xi32, #tpu.memory_space<vmem>> -> memref<128xi32, #tpu.memory_space<vmem>>
      %dma_start3A_353 = arith.constant 0 : i32
      %dma_start3A_354 = arith.constant 0 : i32
      %dma_start3A_355 = tpu.memref_slice %arg3[%dma_start3A_353, %dma_start3A_354] : memref<1000000x64xf16, #tpu.memory_space<hbm>> -> memref<1000000x64xf16, #tpu.memory_space<hbm>>
      tpu.enqueue_indirect_dma source(%dma_start3A_355 : memref<1000000x64xf16, #tpu.memory_space<hbm>>) target(%dma_start3A_350 : memref<128x64xf16, #tpu.memory_space<vmem>>) offsets(%dma_start3A_352 : memref<128xi32, #tpu.memory_space<vmem>>) semaphore(%arg8 : memref<!tpu.dma_semaphore, #tpu.memory_space<semaphore_mem>>)
      %dma_start3A_356 = arith.constant 1 : i32
      %dma_start3A_357 = arith.constant 3 : i32
      %dma_start3A_358 = arith.constant 0 : i32
      %dma_start3A_359 = arith.constant 0 : i32
      %dma_start3A_360 = tpu.memref_slice %arg7[%dma_start3A_356, %dma_start3A_357, %dma_start3A_358, %dma_start3A_359] : memref<2x8x128x64xf16, #tpu.memory_space<vmem>> -> memref<1x1x128x64xf16, #tpu.memory_space<vmem>>
      %dma_start3A_361 = tpu.memref_squeeze %dma_start3A_360 : memref<1x1x128x64xf16, #tpu.memory_space<vmem>> -> memref<128x64xf16, #tpu.memory_space<vmem>>
      %dma_start3A_362 = arith.constant 1408 : i32
      %dma_start3A_363 = tpu.memref_slice %arg6[%dma_start3A_362] : memref<4096xi32, #tpu.memory_space<vmem>> -> memref<128xi32, #tpu.memory_space<vmem>>
      %dma_start3A_364 = arith.constant 0 : i32
      %dma_start3A_365 = arith.constant 0 : i32
      %dma_start3A_366 = tpu.memref_slice %arg3[%dma_start3A_364, %dma_start3A_365] : memref<1000000x64xf16, #tpu.memory_space<hbm>> -> memref<1000000x64xf16, #tpu.memory_space<hbm>>
      tpu.enqueue_indirect_dma source(%dma_start3A_366 : memref<1000000x64xf16, #tpu.memory_space<hbm>>) target(%dma_start3A_361 : memref<128x64xf16, #tpu.memory_space<vmem>>) offsets(%dma_start3A_363 : memref<128xi32, #tpu.memory_space<vmem>>) semaphore(%arg8 : memref<!tpu.dma_semaphore, #tpu.memory_space<semaphore_mem>>)
      %dma_start3A_367 = arith.constant 1 : i32
      %dma_start3A_368 = arith.constant 4 : i32
      %dma_start3A_369 = arith.constant 0 : i32
      %dma_start3A_370 = arith.constant 0 : i32
      %dma_start3A_371 = tpu.memref_slice %arg7[%dma_start3A_367, %dma_start3A_368, %dma_start3A_369, %dma_start3A_370] : memref<2x8x128x64xf16, #tpu.memory_space<vmem>> -> memref<1x1x128x64xf16, #tpu.memory_space<vmem>>
      %dma_start3A_372 = tpu.memref_squeeze %dma_start3A_371 : memref<1x1x128x64xf16, #tpu.memory_space<vmem>> -> memref<128x64xf16, #tpu.memory_space<vmem>>
      %dma_start3A_373 = arith.constant 1536 : i32
      %dma_start3A_374 = tpu.memref_slice %arg6[%dma_start3A_373] : memref<4096xi32, #tpu.memory_space<vmem>> -> memref<128xi32, #tpu.memory_space<vmem>>
      %dma_start3A_375 = arith.constant 0 : i32
      %dma_start3A_376 = arith.constant 0 : i32
      %dma_start3A_377 = tpu.memref_slice %arg3[%dma_start3A_375, %dma_start3A_376] : memref<1000000x64xf16, #tpu.memory_space<hbm>> -> memref<1000000x64xf16, #tpu.memory_space<hbm>>
      tpu.enqueue_indirect_dma source(%dma_start3A_377 : memref<1000000x64xf16, #tpu.memory_space<hbm>>) target(%dma_start3A_372 : memref<128x64xf16, #tpu.memory_space<vmem>>) offsets(%dma_start3A_374 : memref<128xi32, #tpu.memory_space<vmem>>) semaphore(%arg8 : memref<!tpu.dma_semaphore, #tpu.memory_space<semaphore_mem>>)
      %dma_start3A_378 = arith.constant 1 : i32
      %dma_start3A_379 = arith.constant 5 : i32
      %dma_start3A_380 = arith.constant 0 : i32
      %dma_start3A_381 = arith.constant 0 : i32
      %dma_start3A_382 = tpu.memref_slice %arg7[%dma_start3A_378, %dma_start3A_379, %dma_start3A_380, %dma_start3A_381] : memref<2x8x128x64xf16, #tpu.memory_space<vmem>> -> memref<1x1x128x64xf16, #tpu.memory_space<vmem>>
      %dma_start3A_383 = tpu.memref_squeeze %dma_start3A_382 : memref<1x1x128x64xf16, #tpu.memory_space<vmem>> -> memref<128x64xf16, #tpu.memory_space<vmem>>
      %dma_start3A_384 = arith.constant 1664 : i32
      %dma_start3A_385 = tpu.memref_slice %arg6[%dma_start3A_384] : memref<4096xi32, #tpu.memory_space<vmem>> -> memref<128xi32, #tpu.memory_space<vmem>>
      %dma_start3A_386 = arith.constant 0 : i32
      %dma_start3A_387 = arith.constant 0 : i32
      %dma_start3A_388 = tpu.memref_slice %arg3[%dma_start3A_386, %dma_start3A_387] : memref<1000000x64xf16, #tpu.memory_space<hbm>> -> memref<1000000x64xf16, #tpu.memory_space<hbm>>
      tpu.enqueue_indirect_dma source(%dma_start3A_388 : memref<1000000x64xf16, #tpu.memory_space<hbm>>) target(%dma_start3A_383 : memref<128x64xf16, #tpu.memory_space<vmem>>) offsets(%dma_start3A_385 : memref<128xi32, #tpu.memory_space<vmem>>) semaphore(%arg8 : memref<!tpu.dma_semaphore, #tpu.memory_space<semaphore_mem>>)
      %dma_start3A_389 = arith.constant 1 : i32
      %dma_start3A_390 = arith.constant 6 : i32
      %dma_start3A_391 = arith.constant 0 : i32
      %dma_start3A_392 = arith.constant 0 : i32
      %dma_start3A_393 = tpu.memref_slice %arg7[%dma_start3A_389, %dma_start3A_390, %dma_start3A_391, %dma_start3A_392] : memref<2x8x128x64xf16, #tpu.memory_space<vmem>> -> memref<1x1x128x64xf16, #tpu.memory_space<vmem>>
      %dma_start3A_394 = tpu.memref_squeeze %dma_start3A_393 : memref<1x1x128x64xf16, #tpu.memory_space<vmem>> -> memref<128x64xf16, #tpu.memory_space<vmem>>
      %dma_start3A_395 = arith.constant 1792 : i32
      %dma_start3A_396 = tpu.memref_slice %arg6[%dma_start3A_395] : memref<4096xi32, #tpu.memory_space<vmem>> -> memref<128xi32, #tpu.memory_space<vmem>>
      %dma_start3A_397 = arith.constant 0 : i32
      %dma_start3A_398 = arith.constant 0 : i32
      %dma_start3A_399 = tpu.memref_slice %arg3[%dma_start3A_397, %dma_start3A_398] : memref<1000000x64xf16, #tpu.memory_space<hbm>> -> memref<1000000x64xf16, #tpu.memory_space<hbm>>
      tpu.enqueue_indirect_dma source(%dma_start3A_399 : memref<1000000x64xf16, #tpu.memory_space<hbm>>) target(%dma_start3A_394 : memref<128x64xf16, #tpu.memory_space<vmem>>) offsets(%dma_start3A_396 : memref<128xi32, #tpu.memory_space<vmem>>) semaphore(%arg8 : memref<!tpu.dma_semaphore, #tpu.memory_space<semaphore_mem>>)
      %dma_start3A_400 = arith.constant 1 : i32
      %dma_start3A_401 = arith.constant 7 : i32
      %dma_start3A_402 = arith.constant 0 : i32
      %dma_start3A_403 = arith.constant 0 : i32
      %dma_start3A_404 = tpu.memref_slice %arg7[%dma_start3A_400, %dma_start3A_401, %dma_start3A_402, %dma_start3A_403] : memref<2x8x128x64xf16, #tpu.memory_space<vmem>> -> memref<1x1x128x64xf16, #tpu.memory_space<vmem>>
      %dma_start3A_405 = tpu.memref_squeeze %dma_start3A_404 : memref<1x1x128x64xf16, #tpu.memory_space<vmem>> -> memref<128x64xf16, #tpu.memory_space<vmem>>
      %dma_start3A_406 = arith.constant 1920 : i32
      %dma_start3A_407 = tpu.memref_slice %arg6[%dma_start3A_406] : memref<4096xi32, #tpu.memory_space<vmem>> -> memref<128xi32, #tpu.memory_space<vmem>>
      %dma_start3A_408 = arith.constant 0 : i32
      %dma_start3A_409 = arith.constant 0 : i32
      %dma_start3A_410 = tpu.memref_slice %arg3[%dma_start3A_408, %dma_start3A_409] : memref<1000000x64xf16, #tpu.memory_space<hbm>> -> memref<1000000x64xf16, #tpu.memory_space<hbm>>
      tpu.enqueue_indirect_dma source(%dma_start3A_410 : memref<1000000x64xf16, #tpu.memory_space<hbm>>) target(%dma_start3A_405 : memref<128x64xf16, #tpu.memory_space<vmem>>) offsets(%dma_start3A_407 : memref<128xi32, #tpu.memory_space<vmem>>) semaphore(%arg8 : memref<!tpu.dma_semaphore, #tpu.memory_space<semaphore_mem>>)
      %dma_wait3A_411 = arith.constant 1 : i32
      %dma_wait3A_412 = arith.constant 0 : i32
      %dma_wait3A_413 = arith.constant 0 : i32
      %dma_wait3A_414 = arith.constant 0 : i32
      %dma_wait3A_415 = tpu.memref_slice %arg7[%dma_wait3A_411, %dma_wait3A_412, %dma_wait3A_413, %dma_wait3A_414] : memref<2x8x128x64xf16, #tpu.memory_space<vmem>> -> memref<1x1x128x64xf16, #tpu.memory_space<vmem>>
      %dma_wait3A_416 = tpu.memref_squeeze %dma_wait3A_415 : memref<1x1x128x64xf16, #tpu.memory_space<vmem>> -> memref<128x64xf16, #tpu.memory_space<vmem>>
      %dma_wait3A_417 = arith.constant 1024 : i32
      %dma_wait3A_418 = tpu.memref_slice %arg6[%dma_wait3A_417] : memref<4096xi32, #tpu.memory_space<vmem>> -> memref<128xi32, #tpu.memory_space<vmem>>
      %dma_wait3A_419 = arith.constant 0 : i32
      %dma_wait3A_420 = arith.constant 0 : i32
      %dma_wait3A_421 = tpu.memref_slice %arg3[%dma_wait3A_419, %dma_wait3A_420] : memref<1000000x64xf16, #tpu.memory_space<hbm>> -> memref<1000000x64xf16, #tpu.memory_space<hbm>>
      tpu.wait_indirect_dma semaphore(%arg8 : memref<!tpu.dma_semaphore, #tpu.memory_space<semaphore_mem>>) src(%dma_wait3A_421 : memref<1000000x64xf16, #tpu.memory_space<hbm>>) dst(%dma_wait3A_416 : memref<128x64xf16, #tpu.memory_space<vmem>>)
      %dma_wait3A_422 = arith.constant 1 : i32
      %dma_wait3A_423 = arith.constant 1 : i32
      %dma_wait3A_424 = arith.constant 0 : i32
      %dma_wait3A_425 = arith.constant 0 : i32
      %dma_wait3A_426 = tpu.memref_slice %arg7[%dma_wait3A_422, %dma_wait3A_423, %dma_wait3A_424, %dma_wait3A_425] : memref<2x8x128x64xf16, #tpu.memory_space<vmem>> -> memref<1x1x128x64xf16, #tpu.memory_space<vmem>>
      %dma_wait3A_427 = tpu.memref_squeeze %dma_wait3A_426 : memref<1x1x128x64xf16, #tpu.memory_space<vmem>> -> memref<128x64xf16, #tpu.memory_space<vmem>>
      %dma_wait3A_428 = arith.constant 1152 : i32
      %dma_wait3A_429 = tpu.memref_slice %arg6[%dma_wait3A_428] : memref<4096xi32, #tpu.memory_space<vmem>> -> memref<128xi32, #tpu.memory_space<vmem>>
      %dma_wait3A_430 = arith.constant 0 : i32
      %dma_wait3A_431 = arith.constant 0 : i32
      %dma_wait3A_432 = tpu.memref_slice %arg3[%dma_wait3A_430, %dma_wait3A_431] : memref<1000000x64xf16, #tpu.memory_space<hbm>> -> memref<1000000x64xf16, #tpu.memory_space<hbm>>
      tpu.wait_indirect_dma semaphore(%arg8 : memref<!tpu.dma_semaphore, #tpu.memory_space<semaphore_mem>>) src(%dma_wait3A_432 : memref<1000000x64xf16, #tpu.memory_space<hbm>>) dst(%dma_wait3A_427 : memref<128x64xf16, #tpu.memory_space<vmem>>)
      %dma_wait3A_433 = arith.constant 1 : i32
      %dma_wait3A_434 = arith.constant 2 : i32
      %dma_wait3A_435 = arith.constant 0 : i32
      %dma_wait3A_436 = arith.constant 0 : i32
      %dma_wait3A_437 = tpu.memref_slice %arg7[%dma_wait3A_433, %dma_wait3A_434, %dma_wait3A_435, %dma_wait3A_436] : memref<2x8x128x64xf16, #tpu.memory_space<vmem>> -> memref<1x1x128x64xf16, #tpu.memory_space<vmem>>
      %dma_wait3A_438 = tpu.memref_squeeze %dma_wait3A_437 : memref<1x1x128x64xf16, #tpu.memory_space<vmem>> -> memref<128x64xf16, #tpu.memory_space<vmem>>
      %dma_wait3A_439 = arith.constant 1280 : i32
      %dma_wait3A_440 = tpu.memref_slice %arg6[%dma_wait3A_439] : memref<4096xi32, #tpu.memory_space<vmem>> -> memref<128xi32, #tpu.memory_space<vmem>>
      %dma_wait3A_441 = arith.constant 0 : i32
      %dma_wait3A_442 = arith.constant 0 : i32
      %dma_wait3A_443 = tpu.memref_slice %arg3[%dma_wait3A_441, %dma_wait3A_442] : memref<1000000x64xf16, #tpu.memory_space<hbm>> -> memref<1000000x64xf16, #tpu.memory_space<hbm>>
      tpu.wait_indirect_dma semaphore(%arg8 : memref<!tpu.dma_semaphore, #tpu.memory_space<semaphore_mem>>) src(%dma_wait3A_443 : memref<1000000x64xf16, #tpu.memory_space<hbm>>) dst(%dma_wait3A_438 : memref<128x64xf16, #tpu.memory_space<vmem>>)
      %dma_wait3A_444 = arith.constant 1 : i32
      %dma_wait3A_445 = arith.constant 3 : i32
      %dma_wait3A_446 = arith.constant 0 : i32
      %dma_wait3A_447 = arith.constant 0 : i32
      %dma_wait3A_448 = tpu.memref_slice %arg7[%dma_wait3A_444, %dma_wait3A_445, %dma_wait3A_446, %dma_wait3A_447] : memref<2x8x128x64xf16, #tpu.memory_space<vmem>> -> memref<1x1x128x64xf16, #tpu.memory_space<vmem>>
      %dma_wait3A_449 = tpu.memref_squeeze %dma_wait3A_448 : memref<1x1x128x64xf16, #tpu.memory_space<vmem>> -> memref<128x64xf16, #tpu.memory_space<vmem>>
      %dma_wait3A_450 = arith.constant 1408 : i32
      %dma_wait3A_451 = tpu.memref_slice %arg6[%dma_wait3A_450] : memref<4096xi32, #tpu.memory_space<vmem>> -> memref<128xi32, #tpu.memory_space<vmem>>
      %dma_wait3A_452 = arith.constant 0 : i32
      %dma_wait3A_453 = arith.constant 0 : i32
      %dma_wait3A_454 = tpu.memref_slice %arg3[%dma_wait3A_452, %dma_wait3A_453] : memref<1000000x64xf16, #tpu.memory_space<hbm>> -> memref<1000000x64xf16, #tpu.memory_space<hbm>>
      tpu.wait_indirect_dma semaphore(%arg8 : memref<!tpu.dma_semaphore, #tpu.memory_space<semaphore_mem>>) src(%dma_wait3A_454 : memref<1000000x64xf16, #tpu.memory_space<hbm>>) dst(%dma_wait3A_449 : memref<128x64xf16, #tpu.memory_space<vmem>>)
      %dma_wait3A_455 = arith.constant 1 : i32
      %dma_wait3A_456 = arith.constant 4 : i32
      %dma_wait3A_457 = arith.constant 0 : i32
      %dma_wait3A_458 = arith.constant 0 : i32
      %dma_wait3A_459 = tpu.memref_slice %arg7[%dma_wait3A_455, %dma_wait3A_456, %dma_wait3A_457, %dma_wait3A_458] : memref<2x8x128x64xf16, #tpu.memory_space<vmem>> -> memref<1x1x128x64xf16, #tpu.memory_space<vmem>>
      %dma_wait3A_460 = tpu.memref_squeeze %dma_wait3A_459 : memref<1x1x128x64xf16, #tpu.memory_space<vmem>> -> memref<128x64xf16, #tpu.memory_space<vmem>>
      %dma_wait3A_461 = arith.constant 1536 : i32
      %dma_wait3A_462 = tpu.memref_slice %arg6[%dma_wait3A_461] : memref<4096xi32, #tpu.memory_space<vmem>> -> memref<128xi32, #tpu.memory_space<vmem>>
      %dma_wait3A_463 = arith.constant 0 : i32
      %dma_wait3A_464 = arith.constant 0 : i32
      %dma_wait3A_465 = tpu.memref_slice %arg3[%dma_wait3A_463, %dma_wait3A_464] : memref<1000000x64xf16, #tpu.memory_space<hbm>> -> memref<1000000x64xf16, #tpu.memory_space<hbm>>
      tpu.wait_indirect_dma semaphore(%arg8 : memref<!tpu.dma_semaphore, #tpu.memory_space<semaphore_mem>>) src(%dma_wait3A_465 : memref<1000000x64xf16, #tpu.memory_space<hbm>>) dst(%dma_wait3A_460 : memref<128x64xf16, #tpu.memory_space<vmem>>)
      %dma_wait3A_466 = arith.constant 1 : i32
      %dma_wait3A_467 = arith.constant 5 : i32
      %dma_wait3A_468 = arith.constant 0 : i32
      %dma_wait3A_469 = arith.constant 0 : i32
      %dma_wait3A_470 = tpu.memref_slice %arg7[%dma_wait3A_466, %dma_wait3A_467, %dma_wait3A_468, %dma_wait3A_469] : memref<2x8x128x64xf16, #tpu.memory_space<vmem>> -> memref<1x1x128x64xf16, #tpu.memory_space<vmem>>
      %dma_wait3A_471 = tpu.memref_squeeze %dma_wait3A_470 : memref<1x1x128x64xf16, #tpu.memory_space<vmem>> -> memref<128x64xf16, #tpu.memory_space<vmem>>
      %dma_wait3A_472 = arith.constant 1664 : i32
      %dma_wait3A_473 = tpu.memref_slice %arg6[%dma_wait3A_472] : memref<4096xi32, #tpu.memory_space<vmem>> -> memref<128xi32, #tpu.memory_space<vmem>>
      %dma_wait3A_474 = arith.constant 0 : i32
      %dma_wait3A_475 = arith.constant 0 : i32
      %dma_wait3A_476 = tpu.memref_slice %arg3[%dma_wait3A_474, %dma_wait3A_475] : memref<1000000x64xf16, #tpu.memory_space<hbm>> -> memref<1000000x64xf16, #tpu.memory_space<hbm>>
      tpu.wait_indirect_dma semaphore(%arg8 : memref<!tpu.dma_semaphore, #tpu.memory_space<semaphore_mem>>) src(%dma_wait3A_476 : memref<1000000x64xf16, #tpu.memory_space<hbm>>) dst(%dma_wait3A_471 : memref<128x64xf16, #tpu.memory_space<vmem>>)
      %dma_wait3A_477 = arith.constant 1 : i32
      %dma_wait3A_478 = arith.constant 6 : i32
      %dma_wait3A_479 = arith.constant 0 : i32
      %dma_wait3A_480 = arith.constant 0 : i32
      %dma_wait3A_481 = tpu.memref_slice %arg7[%dma_wait3A_477, %dma_wait3A_478, %dma_wait3A_479, %dma_wait3A_480] : memref<2x8x128x64xf16, #tpu.memory_space<vmem>> -> memref<1x1x128x64xf16, #tpu.memory_space<vmem>>
      %dma_wait3A_482 = tpu.memref_squeeze %dma_wait3A_481 : memref<1x1x128x64xf16, #tpu.memory_space<vmem>> -> memref<128x64xf16, #tpu.memory_space<vmem>>
      %dma_wait3A_483 = arith.constant 1792 : i32
      %dma_wait3A_484 = tpu.memref_slice %arg6[%dma_wait3A_483] : memref<4096xi32, #tpu.memory_space<vmem>> -> memref<128xi32, #tpu.memory_space<vmem>>
      %dma_wait3A_485 = arith.constant 0 : i32
      %dma_wait3A_486 = arith.constant 0 : i32
      %dma_wait3A_487 = tpu.memref_slice %arg3[%dma_wait3A_485, %dma_wait3A_486] : memref<1000000x64xf16, #tpu.memory_space<hbm>> -> memref<1000000x64xf16, #tpu.memory_space<hbm>>
      tpu.wait_indirect_dma semaphore(%arg8 : memref<!tpu.dma_semaphore, #tpu.memory_space<semaphore_mem>>) src(%dma_wait3A_487 : memref<1000000x64xf16, #tpu.memory_space<hbm>>) dst(%dma_wait3A_482 : memref<128x64xf16, #tpu.memory_space<vmem>>)
      %dma_wait3A_488 = arith.constant 1 : i32
      %dma_wait3A_489 = arith.constant 7 : i32
      %dma_wait3A_490 = arith.constant 0 : i32
      %dma_wait3A_491 = arith.constant 0 : i32
      %dma_wait3A_492 = tpu.memref_slice %arg7[%dma_wait3A_488, %dma_wait3A_489, %dma_wait3A_490, %dma_wait3A_491] : memref<2x8x128x64xf16, #tpu.memory_space<vmem>> -> memref<1x1x128x64xf16, #tpu.memory_space<vmem>>
      %dma_wait3A_493 = tpu.memref_squeeze %dma_wait3A_492 : memref<1x1x128x64xf16, #tpu.memory_space<vmem>> -> memref<128x64xf16, #tpu.memory_space<vmem>>
      %dma_wait3A_494 = arith.constant 1920 : i32
      %dma_wait3A_495 = tpu.memref_slice %arg6[%dma_wait3A_494] : memref<4096xi32, #tpu.memory_space<vmem>> -> memref<128xi32, #tpu.memory_space<vmem>>
      %dma_wait3A_496 = arith.constant 0 : i32
      %dma_wait3A_497 = arith.constant 0 : i32
      %dma_wait3A_498 = tpu.memref_slice %arg3[%dma_wait3A_496, %dma_wait3A_497] : memref<1000000x64xf16, #tpu.memory_space<hbm>> -> memref<1000000x64xf16, #tpu.memory_space<hbm>>
      tpu.wait_indirect_dma semaphore(%arg8 : memref<!tpu.dma_semaphore, #tpu.memory_space<semaphore_mem>>) src(%dma_wait3A_498 : memref<1000000x64xf16, #tpu.memory_space<hbm>>) dst(%dma_wait3A_493 : memref<128x64xf16, #tpu.memory_space<vmem>>)
      %mul3A_499 = arith.constant 64 : i32
      %mul3A_500 = arith.muli %add3A_15, %mul3A_499 : i32
      %dma_start3A_501 = arith.constant 1 : i32
      %dma_start3A_502 = arith.constant 0 : i32
      %dma_start3A_503 = arith.constant 0 : i32
      %dma_start3A_504 = arith.constant 0 : i32
      %dma_start3A_505 = tpu.memref_slice %arg7[%dma_start3A_501, %dma_start3A_502, %dma_start3A_503, %dma_start3A_504] : memref<2x8x128x64xf16, #tpu.memory_space<vmem>> -> memref<1x1x128x64xf16, #tpu.memory_space<vmem>>
      %dma_start3A_506 = tpu.memref_squeeze %dma_start3A_505 : memref<1x1x128x64xf16, #tpu.memory_space<vmem>> -> memref<128x64xf16, #tpu.memory_space<vmem>>
      %dma_start3A_507 = arith.constant 1024 : i32
      %dma_start3A_508 = tpu.memref_slice %arg4[%dma_start3A_507, %mul3A_500] : memref<4096x12800xf16, #tpu.memory_space<hbm>> -> memref<128x64xf16, #tpu.memory_space<hbm>>
      %dma_start3A_509 = arith.constant 1024 : i32
      %dma_start3A_510 = tpu.memref_slice %arg4[%dma_start3A_509, %mul3A_500] : memref<4096x12800xf16, #tpu.memory_space<hbm>> -> memref<128x64xf16, #tpu.memory_space<hbm>>
      %dma_start3A_511 = arith.constant 0 : i32
      %dma_start3A_512 = arith.constant 0 : i32
      %dma_start3A_513 = tpu.memref_slice %arg7[%dma_start3A_501, %dma_start3A_502, %dma_start3A_511, %dma_start3A_512] : memref<2x8x128x64xf16, #tpu.memory_space<vmem>> -> memref<1x1x128x64xf16, #tpu.memory_space<vmem>>
      %dma_start3A_514 = tpu.memref_squeeze %dma_start3A_513 : memref<1x1x128x64xf16, #tpu.memory_space<vmem>> -> memref<128x64xf16, #tpu.memory_space<vmem>>
      tpu.enqueue_dma source(%dma_start3A_514 : memref<128x64xf16, #tpu.memory_space<vmem>>) target(%dma_start3A_510 : memref<128x64xf16, #tpu.memory_space<hbm>>) target_semaphore(%arg9 : memref<!tpu.dma_semaphore, #tpu.memory_space<semaphore_mem>>)
      %mul3A_515 = arith.constant 64 : i32
      %mul3A_516 = arith.muli %add3A_15, %mul3A_515 : i32
      %dma_start3A_517 = arith.constant 1 : i32
      %dma_start3A_518 = arith.constant 1 : i32
      %dma_start3A_519 = arith.constant 0 : i32
      %dma_start3A_520 = arith.constant 0 : i32
      %dma_start3A_521 = tpu.memref_slice %arg7[%dma_start3A_517, %dma_start3A_518, %dma_start3A_519, %dma_start3A_520] : memref<2x8x128x64xf16, #tpu.memory_space<vmem>> -> memref<1x1x128x64xf16, #tpu.memory_space<vmem>>
      %dma_start3A_522 = tpu.memref_squeeze %dma_start3A_521 : memref<1x1x128x64xf16, #tpu.memory_space<vmem>> -> memref<128x64xf16, #tpu.memory_space<vmem>>
      %dma_start3A_523 = arith.constant 1152 : i32
      %dma_start3A_524 = tpu.memref_slice %arg4[%dma_start3A_523, %mul3A_516] : memref<4096x12800xf16, #tpu.memory_space<hbm>> -> memref<128x64xf16, #tpu.memory_space<hbm>>
      %dma_start3A_525 = arith.constant 1152 : i32
      %dma_start3A_526 = tpu.memref_slice %arg4[%dma_start3A_525, %mul3A_516] : memref<4096x12800xf16, #tpu.memory_space<hbm>> -> memref<128x64xf16, #tpu.memory_space<hbm>>
      %dma_start3A_527 = arith.constant 0 : i32
      %dma_start3A_528 = arith.constant 0 : i32
      %dma_start3A_529 = tpu.memref_slice %arg7[%dma_start3A_517, %dma_start3A_518, %dma_start3A_527, %dma_start3A_528] : memref<2x8x128x64xf16, #tpu.memory_space<vmem>> -> memref<1x1x128x64xf16, #tpu.memory_space<vmem>>
      %dma_start3A_530 = tpu.memref_squeeze %dma_start3A_529 : memref<1x1x128x64xf16, #tpu.memory_space<vmem>> -> memref<128x64xf16, #tpu.memory_space<vmem>>
      tpu.enqueue_dma source(%dma_start3A_530 : memref<128x64xf16, #tpu.memory_space<vmem>>) target(%dma_start3A_526 : memref<128x64xf16, #tpu.memory_space<hbm>>) target_semaphore(%arg9 : memref<!tpu.dma_semaphore, #tpu.memory_space<semaphore_mem>>)
      %mul3A_531 = arith.constant 64 : i32
      %mul3A_532 = arith.muli %add3A_15, %mul3A_531 : i32
      %dma_start3A_533 = arith.constant 1 : i32
      %dma_start3A_534 = arith.constant 2 : i32
      %dma_start3A_535 = arith.constant 0 : i32
      %dma_start3A_536 = arith.constant 0 : i32
      %dma_start3A_537 = tpu.memref_slice %arg7[%dma_start3A_533, %dma_start3A_534, %dma_start3A_535, %dma_start3A_536] : memref<2x8x128x64xf16, #tpu.memory_space<vmem>> -> memref<1x1x128x64xf16, #tpu.memory_space<vmem>>
      %dma_start3A_538 = tpu.memref_squeeze %dma_start3A_537 : memref<1x1x128x64xf16, #tpu.memory_space<vmem>> -> memref<128x64xf16, #tpu.memory_space<vmem>>
      %dma_start3A_539 = arith.constant 1280 : i32
      %dma_start3A_540 = tpu.memref_slice %arg4[%dma_start3A_539, %mul3A_532] : memref<4096x12800xf16, #tpu.memory_space<hbm>> -> memref<128x64xf16, #tpu.memory_space<hbm>>
      %dma_start3A_541 = arith.constant 1280 : i32
      %dma_start3A_542 = tpu.memref_slice %arg4[%dma_start3A_541, %mul3A_532] : memref<4096x12800xf16, #tpu.memory_space<hbm>> -> memref<128x64xf16, #tpu.memory_space<hbm>>
      %dma_start3A_543 = arith.constant 0 : i32
      %dma_start3A_544 = arith.constant 0 : i32
      %dma_start3A_545 = tpu.memref_slice %arg7[%dma_start3A_533, %dma_start3A_534, %dma_start3A_543, %dma_start3A_544] : memref<2x8x128x64xf16, #tpu.memory_space<vmem>> -> memref<1x1x128x64xf16, #tpu.memory_space<vmem>>
      %dma_start3A_546 = tpu.memref_squeeze %dma_start3A_545 : memref<1x1x128x64xf16, #tpu.memory_space<vmem>> -> memref<128x64xf16, #tpu.memory_space<vmem>>
      tpu.enqueue_dma source(%dma_start3A_546 : memref<128x64xf16, #tpu.memory_space<vmem>>) target(%dma_start3A_542 : memref<128x64xf16, #tpu.memory_space<hbm>>) target_semaphore(%arg9 : memref<!tpu.dma_semaphore, #tpu.memory_space<semaphore_mem>>)
      %mul3A_547 = arith.constant 64 : i32
      %mul3A_548 = arith.muli %add3A_15, %mul3A_547 : i32
      %dma_start3A_549 = arith.constant 1 : i32
      %dma_start3A_550 = arith.constant 3 : i32
      %dma_start3A_551 = arith.constant 0 : i32
      %dma_start3A_552 = arith.constant 0 : i32
      %dma_start3A_553 = tpu.memref_slice %arg7[%dma_start3A_549, %dma_start3A_550, %dma_start3A_551, %dma_start3A_552] : memref<2x8x128x64xf16, #tpu.memory_space<vmem>> -> memref<1x1x128x64xf16, #tpu.memory_space<vmem>>
      %dma_start3A_554 = tpu.memref_squeeze %dma_start3A_553 : memref<1x1x128x64xf16, #tpu.memory_space<vmem>> -> memref<128x64xf16, #tpu.memory_space<vmem>>
      %dma_start3A_555 = arith.constant 1408 : i32
      %dma_start3A_556 = tpu.memref_slice %arg4[%dma_start3A_555, %mul3A_548] : memref<4096x12800xf16, #tpu.memory_space<hbm>> -> memref<128x64xf16, #tpu.memory_space<hbm>>
      %dma_start3A_557 = arith.constant 1408 : i32
      %dma_start3A_558 = tpu.memref_slice %arg4[%dma_start3A_557, %mul3A_548] : memref<4096x12800xf16, #tpu.memory_space<hbm>> -> memref<128x64xf16, #tpu.memory_space<hbm>>
      %dma_start3A_559 = arith.constant 0 : i32
      %dma_start3A_560 = arith.constant 0 : i32
      %dma_start3A_561 = tpu.memref_slice %arg7[%dma_start3A_549, %dma_start3A_550, %dma_start3A_559, %dma_start3A_560] : memref<2x8x128x64xf16, #tpu.memory_space<vmem>> -> memref<1x1x128x64xf16, #tpu.memory_space<vmem>>
      %dma_start3A_562 = tpu.memref_squeeze %dma_start3A_561 : memref<1x1x128x64xf16, #tpu.memory_space<vmem>> -> memref<128x64xf16, #tpu.memory_space<vmem>>
      tpu.enqueue_dma source(%dma_start3A_562 : memref<128x64xf16, #tpu.memory_space<vmem>>) target(%dma_start3A_558 : memref<128x64xf16, #tpu.memory_space<hbm>>) target_semaphore(%arg9 : memref<!tpu.dma_semaphore, #tpu.memory_space<semaphore_mem>>)
      %mul3A_563 = arith.constant 64 : i32
      %mul3A_564 = arith.muli %add3A_15, %mul3A_563 : i32
      %dma_start3A_565 = arith.constant 1 : i32
      %dma_start3A_566 = arith.constant 4 : i32
      %dma_start3A_567 = arith.constant 0 : i32
      %dma_start3A_568 = arith.constant 0 : i32
      %dma_start3A_569 = tpu.memref_slice %arg7[%dma_start3A_565, %dma_start3A_566, %dma_start3A_567, %dma_start3A_568] : memref<2x8x128x64xf16, #tpu.memory_space<vmem>> -> memref<1x1x128x64xf16, #tpu.memory_space<vmem>>
      %dma_start3A_570 = tpu.memref_squeeze %dma_start3A_569 : memref<1x1x128x64xf16, #tpu.memory_space<vmem>> -> memref<128x64xf16, #tpu.memory_space<vmem>>
      %dma_start3A_571 = arith.constant 1536 : i32
      %dma_start3A_572 = tpu.memref_slice %arg4[%dma_start3A_571, %mul3A_564] : memref<4096x12800xf16, #tpu.memory_space<hbm>> -> memref<128x64xf16, #tpu.memory_space<hbm>>
      %dma_start3A_573 = arith.constant 1536 : i32
      %dma_start3A_574 = tpu.memref_slice %arg4[%dma_start3A_573, %mul3A_564] : memref<4096x12800xf16, #tpu.memory_space<hbm>> -> memref<128x64xf16, #tpu.memory_space<hbm>>
      %dma_start3A_575 = arith.constant 0 : i32
      %dma_start3A_576 = arith.constant 0 : i32
      %dma_start3A_577 = tpu.memref_slice %arg7[%dma_start3A_565, %dma_start3A_566, %dma_start3A_575, %dma_start3A_576] : memref<2x8x128x64xf16, #tpu.memory_space<vmem>> -> memref<1x1x128x64xf16, #tpu.memory_space<vmem>>
      %dma_start3A_578 = tpu.memref_squeeze %dma_start3A_577 : memref<1x1x128x64xf16, #tpu.memory_space<vmem>> -> memref<128x64xf16, #tpu.memory_space<vmem>>
      tpu.enqueue_dma source(%dma_start3A_578 : memref<128x64xf16, #tpu.memory_space<vmem>>) target(%dma_start3A_574 : memref<128x64xf16, #tpu.memory_space<hbm>>) target_semaphore(%arg9 : memref<!tpu.dma_semaphore, #tpu.memory_space<semaphore_mem>>)
      %mul3A_579 = arith.constant 64 : i32
      %mul3A_580 = arith.muli %add3A_15, %mul3A_579 : i32
      %dma_start3A_581 = arith.constant 1 : i32
      %dma_start3A_582 = arith.constant 5 : i32
      %dma_start3A_583 = arith.constant 0 : i32
      %dma_start3A_584 = arith.constant 0 : i32
      %dma_start3A_585 = tpu.memref_slice %arg7[%dma_start3A_581, %dma_start3A_582, %dma_start3A_583, %dma_start3A_584] : memref<2x8x128x64xf16, #tpu.memory_space<vmem>> -> memref<1x1x128x64xf16, #tpu.memory_space<vmem>>
      %dma_start3A_586 = tpu.memref_squeeze %dma_start3A_585 : memref<1x1x128x64xf16, #tpu.memory_space<vmem>> -> memref<128x64xf16, #tpu.memory_space<vmem>>
      %dma_start3A_587 = arith.constant 1664 : i32
      %dma_start3A_588 = tpu.memref_slice %arg4[%dma_start3A_587, %mul3A_580] : memref<4096x12800xf16, #tpu.memory_space<hbm>> -> memref<128x64xf16, #tpu.memory_space<hbm>>
      %dma_start3A_589 = arith.constant 1664 : i32
      %dma_start3A_590 = tpu.memref_slice %arg4[%dma_start3A_589, %mul3A_580] : memref<4096x12800xf16, #tpu.memory_space<hbm>> -> memref<128x64xf16, #tpu.memory_space<hbm>>
      %dma_start3A_591 = arith.constant 0 : i32
      %dma_start3A_592 = arith.constant 0 : i32
      %dma_start3A_593 = tpu.memref_slice %arg7[%dma_start3A_581, %dma_start3A_582, %dma_start3A_591, %dma_start3A_592] : memref<2x8x128x64xf16, #tpu.memory_space<vmem>> -> memref<1x1x128x64xf16, #tpu.memory_space<vmem>>
      %dma_start3A_594 = tpu.memref_squeeze %dma_start3A_593 : memref<1x1x128x64xf16, #tpu.memory_space<vmem>> -> memref<128x64xf16, #tpu.memory_space<vmem>>
      tpu.enqueue_dma source(%dma_start3A_594 : memref<128x64xf16, #tpu.memory_space<vmem>>) target(%dma_start3A_590 : memref<128x64xf16, #tpu.memory_space<hbm>>) target_semaphore(%arg9 : memref<!tpu.dma_semaphore, #tpu.memory_space<semaphore_mem>>)
      %mul3A_595 = arith.constant 64 : i32
      %mul3A_596 = arith.muli %add3A_15, %mul3A_595 : i32
      %dma_start3A_597 = arith.constant 1 : i32
      %dma_start3A_598 = arith.constant 6 : i32
      %dma_start3A_599 = arith.constant 0 : i32
      %dma_start3A_600 = arith.constant 0 : i32
      %dma_start3A_601 = tpu.memref_slice %arg7[%dma_start3A_597, %dma_start3A_598, %dma_start3A_599, %dma_start3A_600] : memref<2x8x128x64xf16, #tpu.memory_space<vmem>> -> memref<1x1x128x64xf16, #tpu.memory_space<vmem>>
      %dma_start3A_602 = tpu.memref_squeeze %dma_start3A_601 : memref<1x1x128x64xf16, #tpu.memory_space<vmem>> -> memref<128x64xf16, #tpu.memory_space<vmem>>
      %dma_start3A_603 = arith.constant 1792 : i32
      %dma_start3A_604 = tpu.memref_slice %arg4[%dma_start3A_603, %mul3A_596] : memref<4096x12800xf16, #tpu.memory_space<hbm>> -> memref<128x64xf16, #tpu.memory_space<hbm>>
      %dma_start3A_605 = arith.constant 1792 : i32
      %dma_start3A_606 = tpu.memref_slice %arg4[%dma_start3A_605, %mul3A_596] : memref<4096x12800xf16, #tpu.memory_space<hbm>> -> memref<128x64xf16, #tpu.memory_space<hbm>>
      %dma_start3A_607 = arith.constant 0 : i32
      %dma_start3A_608 = arith.constant 0 : i32
      %dma_start3A_609 = tpu.memref_slice %arg7[%dma_start3A_597, %dma_start3A_598, %dma_start3A_607, %dma_start3A_608] : memref<2x8x128x64xf16, #tpu.memory_space<vmem>> -> memref<1x1x128x64xf16, #tpu.memory_space<vmem>>
      %dma_start3A_610 = tpu.memref_squeeze %dma_start3A_609 : memref<1x1x128x64xf16, #tpu.memory_space<vmem>> -> memref<128x64xf16, #tpu.memory_space<vmem>>
      tpu.enqueue_dma source(%dma_start3A_610 : memref<128x64xf16, #tpu.memory_space<vmem>>) target(%dma_start3A_606 : memref<128x64xf16, #tpu.memory_space<hbm>>) target_semaphore(%arg9 : memref<!tpu.dma_semaphore, #tpu.memory_space<semaphore_mem>>)
      %mul3A_611 = arith.constant 64 : i32
      %mul3A_612 = arith.muli %add3A_15, %mul3A_611 : i32
      %dma_start3A_613 = arith.constant 1 : i32
      %dma_start3A_614 = arith.constant 7 : i32
      %dma_start3A_615 = arith.constant 0 : i32
      %dma_start3A_616 = arith.constant 0 : i32
      %dma_start3A_617 = tpu.memref_slice %arg7[%dma_start3A_613, %dma_start3A_614, %dma_start3A_615, %dma_start3A_616] : memref<2x8x128x64xf16, #tpu.memory_space<vmem>> -> memref<1x1x128x64xf16, #tpu.memory_space<vmem>>
      %dma_start3A_618 = tpu.memref_squeeze %dma_start3A_617 : memref<1x1x128x64xf16, #tpu.memory_space<vmem>> -> memref<128x64xf16, #tpu.memory_space<vmem>>
      %dma_start3A_619 = arith.constant 1920 : i32
      %dma_start3A_620 = tpu.memref_slice %arg4[%dma_start3A_619, %mul3A_612] : memref<4096x12800xf16, #tpu.memory_space<hbm>> -> memref<128x64xf16, #tpu.memory_space<hbm>>
      %dma_start3A_621 = arith.constant 1920 : i32
      %dma_start3A_622 = tpu.memref_slice %arg4[%dma_start3A_621, %mul3A_612] : memref<4096x12800xf16, #tpu.memory_space<hbm>> -> memref<128x64xf16, #tpu.memory_space<hbm>>
      %dma_start3A_623 = arith.constant 0 : i32
      %dma_start3A_624 = arith.constant 0 : i32
      %dma_start3A_625 = tpu.memref_slice %arg7[%dma_start3A_613, %dma_start3A_614, %dma_start3A_623, %dma_start3A_624] : memref<2x8x128x64xf16, #tpu.memory_space<vmem>> -> memref<1x1x128x64xf16, #tpu.memory_space<vmem>>
      %dma_start3A_626 = tpu.memref_squeeze %dma_start3A_625 : memref<1x1x128x64xf16, #tpu.memory_space<vmem>> -> memref<128x64xf16, #tpu.memory_space<vmem>>
      tpu.enqueue_dma source(%dma_start3A_626 : memref<128x64xf16, #tpu.memory_space<vmem>>) target(%dma_start3A_622 : memref<128x64xf16, #tpu.memory_space<hbm>>) target_semaphore(%arg9 : memref<!tpu.dma_semaphore, #tpu.memory_space<semaphore_mem>>)
      %dma_wait3A_627 = arith.constant 0 : i32
      %dma_wait3A_628 = arith.constant 0 : i32
      %dma_wait3A_629 = arith.constant 0 : i32
      %dma_wait3A_630 = arith.constant 0 : i32
      %dma_wait3A_631 = tpu.memref_slice %arg7[%dma_wait3A_627, %dma_wait3A_628, %dma_wait3A_629, %dma_wait3A_630] : memref<2x8x128x64xf16, #tpu.memory_space<vmem>> -> memref<1x1x128x64xf16, #tpu.memory_space<vmem>>
      %dma_wait3A_632 = tpu.memref_squeeze %dma_wait3A_631 : memref<1x1x128x64xf16, #tpu.memory_space<vmem>> -> memref<128x64xf16, #tpu.memory_space<vmem>>
      %dma_wait3A_633 = arith.constant 0 : i32
      %dma_wait3A_634 = tpu.memref_slice %arg4[%dma_wait3A_633, %mul3A_196] : memref<4096x12800xf16, #tpu.memory_space<hbm>> -> memref<128x64xf16, #tpu.memory_space<hbm>>
      %dma_wait3A_635 = arith.constant 0 : i32
      %dma_wait3A_636 = tpu.memref_slice %arg4[%dma_wait3A_635, %mul3A_196] : memref<4096x12800xf16, #tpu.memory_space<hbm>> -> memref<128x64xf16, #tpu.memory_space<hbm>>
      %dma_wait3A_637 = arith.constant 0 : i32
      %dma_wait3A_638 = arith.constant 0 : i32
      %dma_wait3A_639 = tpu.memref_slice %arg7[%dma_wait3A_627, %dma_wait3A_628, %dma_wait3A_637, %dma_wait3A_638] : memref<2x8x128x64xf16, #tpu.memory_space<vmem>> -> memref<1x1x128x64xf16, #tpu.memory_space<vmem>>
      %dma_wait3A_640 = tpu.memref_squeeze %dma_wait3A_639 : memref<1x1x128x64xf16, #tpu.memory_space<vmem>> -> memref<128x64xf16, #tpu.memory_space<vmem>>
      tpu.wait_dma2 semaphore(%arg9 : memref<!tpu.dma_semaphore, #tpu.memory_space<semaphore_mem>>) src(%dma_wait3A_640 : memref<128x64xf16, #tpu.memory_space<vmem>>) dst(%dma_wait3A_636 : memref<128x64xf16, #tpu.memory_space<hbm>>)
      %dma_wait3A_641 = arith.constant 0 : i32
      %dma_wait3A_642 = arith.constant 1 : i32
      %dma_wait3A_643 = arith.constant 0 : i32
      %dma_wait3A_644 = arith.constant 0 : i32
      %dma_wait3A_645 = tpu.memref_slice %arg7[%dma_wait3A_641, %dma_wait3A_642, %dma_wait3A_643, %dma_wait3A_644] : memref<2x8x128x64xf16, #tpu.memory_space<vmem>> -> memref<1x1x128x64xf16, #tpu.memory_space<vmem>>
      %dma_wait3A_646 = tpu.memref_squeeze %dma_wait3A_645 : memref<1x1x128x64xf16, #tpu.memory_space<vmem>> -> memref<128x64xf16, #tpu.memory_space<vmem>>
      %dma_wait3A_647 = arith.constant 128 : i32
      %dma_wait3A_648 = tpu.memref_slice %arg4[%dma_wait3A_647, %mul3A_212] : memref<4096x12800xf16, #tpu.memory_space<hbm>> -> memref<128x64xf16, #tpu.memory_space<hbm>>
      %dma_wait3A_649 = arith.constant 128 : i32
      %dma_wait3A_650 = tpu.memref_slice %arg4[%dma_wait3A_649, %mul3A_212] : memref<4096x12800xf16, #tpu.memory_space<hbm>> -> memref<128x64xf16, #tpu.memory_space<hbm>>
      %dma_wait3A_651 = arith.constant 0 : i32
      %dma_wait3A_652 = arith.constant 0 : i32
      %dma_wait3A_653 = tpu.memref_slice %arg7[%dma_wait3A_641, %dma_wait3A_642, %dma_wait3A_651, %dma_wait3A_652] : memref<2x8x128x64xf16, #tpu.memory_space<vmem>> -> memref<1x1x128x64xf16, #tpu.memory_space<vmem>>
      %dma_wait3A_654 = tpu.memref_squeeze %dma_wait3A_653 : memref<1x1x128x64xf16, #tpu.memory_space<vmem>> -> memref<128x64xf16, #tpu.memory_space<vmem>>
      tpu.wait_dma2 semaphore(%arg9 : memref<!tpu.dma_semaphore, #tpu.memory_space<semaphore_mem>>) src(%dma_wait3A_654 : memref<128x64xf16, #tpu.memory_space<vmem>>) dst(%dma_wait3A_650 : memref<128x64xf16, #tpu.memory_space<hbm>>)
      %dma_wait3A_655 = arith.constant 0 : i32
      %dma_wait3A_656 = arith.constant 2 : i32
      %dma_wait3A_657 = arith.constant 0 : i32
      %dma_wait3A_658 = arith.constant 0 : i32
      %dma_wait3A_659 = tpu.memref_slice %arg7[%dma_wait3A_655, %dma_wait3A_656, %dma_wait3A_657, %dma_wait3A_658] : memref<2x8x128x64xf16, #tpu.memory_space<vmem>> -> memref<1x1x128x64xf16, #tpu.memory_space<vmem>>
      %dma_wait3A_660 = tpu.memref_squeeze %dma_wait3A_659 : memref<1x1x128x64xf16, #tpu.memory_space<vmem>> -> memref<128x64xf16, #tpu.memory_space<vmem>>
      %dma_wait3A_661 = arith.constant 256 : i32
      %dma_wait3A_662 = tpu.memref_slice %arg4[%dma_wait3A_661, %mul3A_228] : memref<4096x12800xf16, #tpu.memory_space<hbm>> -> memref<128x64xf16, #tpu.memory_space<hbm>>
      %dma_wait3A_663 = arith.constant 256 : i32
      %dma_wait3A_664 = tpu.memref_slice %arg4[%dma_wait3A_663, %mul3A_228] : memref<4096x12800xf16, #tpu.memory_space<hbm>> -> memref<128x64xf16, #tpu.memory_space<hbm>>
      %dma_wait3A_665 = arith.constant 0 : i32
      %dma_wait3A_666 = arith.constant 0 : i32
      %dma_wait3A_667 = tpu.memref_slice %arg7[%dma_wait3A_655, %dma_wait3A_656, %dma_wait3A_665, %dma_wait3A_666] : memref<2x8x128x64xf16, #tpu.memory_space<vmem>> -> memref<1x1x128x64xf16, #tpu.memory_space<vmem>>
      %dma_wait3A_668 = tpu.memref_squeeze %dma_wait3A_667 : memref<1x1x128x64xf16, #tpu.memory_space<vmem>> -> memref<128x64xf16, #tpu.memory_space<vmem>>
      tpu.wait_dma2 semaphore(%arg9 : memref<!tpu.dma_semaphore, #tpu.memory_space<semaphore_mem>>) src(%dma_wait3A_668 : memref<128x64xf16, #tpu.memory_space<vmem>>) dst(%dma_wait3A_664 : memref<128x64xf16, #tpu.memory_space<hbm>>)
      %dma_wait3A_669 = arith.constant 0 : i32
      %dma_wait3A_670 = arith.constant 3 : i32
      %dma_wait3A_671 = arith.constant 0 : i32
      %dma_wait3A_672 = arith.constant 0 : i32
      %dma_wait3A_673 = tpu.memref_slice %arg7[%dma_wait3A_669, %dma_wait3A_670, %dma_wait3A_671, %dma_wait3A_672] : memref<2x8x128x64xf16, #tpu.memory_space<vmem>> -> memref<1x1x128x64xf16, #tpu.memory_space<vmem>>
      %dma_wait3A_674 = tpu.memref_squeeze %dma_wait3A_673 : memref<1x1x128x64xf16, #tpu.memory_space<vmem>> -> memref<128x64xf16, #tpu.memory_space<vmem>>
      %dma_wait3A_675 = arith.constant 384 : i32
      %dma_wait3A_676 = tpu.memref_slice %arg4[%dma_wait3A_675, %mul3A_244] : memref<4096x12800xf16, #tpu.memory_space<hbm>> -> memref<128x64xf16, #tpu.memory_space<hbm>>
      %dma_wait3A_677 = arith.constant 384 : i32
      %dma_wait3A_678 = tpu.memref_slice %arg4[%dma_wait3A_677, %mul3A_244] : memref<4096x12800xf16, #tpu.memory_space<hbm>> -> memref<128x64xf16, #tpu.memory_space<hbm>>
      %dma_wait3A_679 = arith.constant 0 : i32
      %dma_wait3A_680 = arith.constant 0 : i32
      %dma_wait3A_681 = tpu.memref_slice %arg7[%dma_wait3A_669, %dma_wait3A_670, %dma_wait3A_679, %dma_wait3A_680] : memref<2x8x128x64xf16, #tpu.memory_space<vmem>> -> memref<1x1x128x64xf16, #tpu.memory_space<vmem>>
      %dma_wait3A_682 = tpu.memref_squeeze %dma_wait3A_681 : memref<1x1x128x64xf16, #tpu.memory_space<vmem>> -> memref<128x64xf16, #tpu.memory_space<vmem>>
      tpu.wait_dma2 semaphore(%arg9 : memref<!tpu.dma_semaphore, #tpu.memory_space<semaphore_mem>>) src(%dma_wait3A_682 : memref<128x64xf16, #tpu.memory_space<vmem>>) dst(%dma_wait3A_678 : memref<128x64xf16, #tpu.memory_space<hbm>>)
      %dma_wait3A_683 = arith.constant 0 : i32
      %dma_wait3A_684 = arith.constant 4 : i32
      %dma_wait3A_685 = arith.constant 0 : i32
      %dma_wait3A_686 = arith.constant 0 : i32
      %dma_wait3A_687 = tpu.memref_slice %arg7[%dma_wait3A_683, %dma_wait3A_684, %dma_wait3A_685, %dma_wait3A_686] : memref<2x8x128x64xf16, #tpu.memory_space<vmem>> -> memref<1x1x128x64xf16, #tpu.memory_space<vmem>>
      %dma_wait3A_688 = tpu.memref_squeeze %dma_wait3A_687 : memref<1x1x128x64xf16, #tpu.memory_space<vmem>> -> memref<128x64xf16, #tpu.memory_space<vmem>>
      %dma_wait3A_689 = arith.constant 512 : i32
      %dma_wait3A_690 = tpu.memref_slice %arg4[%dma_wait3A_689, %mul3A_260] : memref<4096x12800xf16, #tpu.memory_space<hbm>> -> memref<128x64xf16, #tpu.memory_space<hbm>>
      %dma_wait3A_691 = arith.constant 512 : i32
      %dma_wait3A_692 = tpu.memref_slice %arg4[%dma_wait3A_691, %mul3A_260] : memref<4096x12800xf16, #tpu.memory_space<hbm>> -> memref<128x64xf16, #tpu.memory_space<hbm>>
      %dma_wait3A_693 = arith.constant 0 : i32
      %dma_wait3A_694 = arith.constant 0 : i32
      %dma_wait3A_695 = tpu.memref_slice %arg7[%dma_wait3A_683, %dma_wait3A_684, %dma_wait3A_693, %dma_wait3A_694] : memref<2x8x128x64xf16, #tpu.memory_space<vmem>> -> memref<1x1x128x64xf16, #tpu.memory_space<vmem>>
      %dma_wait3A_696 = tpu.memref_squeeze %dma_wait3A_695 : memref<1x1x128x64xf16, #tpu.memory_space<vmem>> -> memref<128x64xf16, #tpu.memory_space<vmem>>
      tpu.wait_dma2 semaphore(%arg9 : memref<!tpu.dma_semaphore, #tpu.memory_space<semaphore_mem>>) src(%dma_wait3A_696 : memref<128x64xf16, #tpu.memory_space<vmem>>) dst(%dma_wait3A_692 : memref<128x64xf16, #tpu.memory_space<hbm>>)
      %dma_wait3A_697 = arith.constant 0 : i32
      %dma_wait3A_698 = arith.constant 5 : i32
      %dma_wait3A_699 = arith.constant 0 : i32
      %dma_wait3A_700 = arith.constant 0 : i32
      %dma_wait3A_701 = tpu.memref_slice %arg7[%dma_wait3A_697, %dma_wait3A_698, %dma_wait3A_699, %dma_wait3A_700] : memref<2x8x128x64xf16, #tpu.memory_space<vmem>> -> memref<1x1x128x64xf16, #tpu.memory_space<vmem>>
      %dma_wait3A_702 = tpu.memref_squeeze %dma_wait3A_701 : memref<1x1x128x64xf16, #tpu.memory_space<vmem>> -> memref<128x64xf16, #tpu.memory_space<vmem>>
      %dma_wait3A_703 = arith.constant 640 : i32
      %dma_wait3A_704 = tpu.memref_slice %arg4[%dma_wait3A_703, %mul3A_276] : memref<4096x12800xf16, #tpu.memory_space<hbm>> -> memref<128x64xf16, #tpu.memory_space<hbm>>
      %dma_wait3A_705 = arith.constant 640 : i32
      %dma_wait3A_706 = tpu.memref_slice %arg4[%dma_wait3A_705, %mul3A_276] : memref<4096x12800xf16, #tpu.memory_space<hbm>> -> memref<128x64xf16, #tpu.memory_space<hbm>>
      %dma_wait3A_707 = arith.constant 0 : i32
      %dma_wait3A_708 = arith.constant 0 : i32
      %dma_wait3A_709 = tpu.memref_slice %arg7[%dma_wait3A_697, %dma_wait3A_698, %dma_wait3A_707, %dma_wait3A_708] : memref<2x8x128x64xf16, #tpu.memory_space<vmem>> -> memref<1x1x128x64xf16, #tpu.memory_space<vmem>>
      %dma_wait3A_710 = tpu.memref_squeeze %dma_wait3A_709 : memref<1x1x128x64xf16, #tpu.memory_space<vmem>> -> memref<128x64xf16, #tpu.memory_space<vmem>>
      tpu.wait_dma2 semaphore(%arg9 : memref<!tpu.dma_semaphore, #tpu.memory_space<semaphore_mem>>) src(%dma_wait3A_710 : memref<128x64xf16, #tpu.memory_space<vmem>>) dst(%dma_wait3A_706 : memref<128x64xf16, #tpu.memory_space<hbm>>)
      %dma_wait3A_711 = arith.constant 0 : i32
      %dma_wait3A_712 = arith.constant 6 : i32
      %dma_wait3A_713 = arith.constant 0 : i32
      %dma_wait3A_714 = arith.constant 0 : i32
      %dma_wait3A_715 = tpu.memref_slice %arg7[%dma_wait3A_711, %dma_wait3A_712, %dma_wait3A_713, %dma_wait3A_714] : memref<2x8x128x64xf16, #tpu.memory_space<vmem>> -> memref<1x1x128x64xf16, #tpu.memory_space<vmem>>
      %dma_wait3A_716 = tpu.memref_squeeze %dma_wait3A_715 : memref<1x1x128x64xf16, #tpu.memory_space<vmem>> -> memref<128x64xf16, #tpu.memory_space<vmem>>
      %dma_wait3A_717 = arith.constant 768 : i32
      %dma_wait3A_718 = tpu.memref_slice %arg4[%dma_wait3A_717, %mul3A_292] : memref<4096x12800xf16, #tpu.memory_space<hbm>> -> memref<128x64xf16, #tpu.memory_space<hbm>>
      %dma_wait3A_719 = arith.constant 768 : i32
      %dma_wait3A_720 = tpu.memref_slice %arg4[%dma_wait3A_719, %mul3A_292] : memref<4096x12800xf16, #tpu.memory_space<hbm>> -> memref<128x64xf16, #tpu.memory_space<hbm>>
      %dma_wait3A_721 = arith.constant 0 : i32
      %dma_wait3A_722 = arith.constant 0 : i32
      %dma_wait3A_723 = tpu.memref_slice %arg7[%dma_wait3A_711, %dma_wait3A_712, %dma_wait3A_721, %dma_wait3A_722] : memref<2x8x128x64xf16, #tpu.memory_space<vmem>> -> memref<1x1x128x64xf16, #tpu.memory_space<vmem>>
      %dma_wait3A_724 = tpu.memref_squeeze %dma_wait3A_723 : memref<1x1x128x64xf16, #tpu.memory_space<vmem>> -> memref<128x64xf16, #tpu.memory_space<vmem>>
      tpu.wait_dma2 semaphore(%arg9 : memref<!tpu.dma_semaphore, #tpu.memory_space<semaphore_mem>>) src(%dma_wait3A_724 : memref<128x64xf16, #tpu.memory_space<vmem>>) dst(%dma_wait3A_720 : memref<128x64xf16, #tpu.memory_space<hbm>>)
      %dma_wait3A_725 = arith.constant 0 : i32
      %dma_wait3A_726 = arith.constant 7 : i32
      %dma_wait3A_727 = arith.constant 0 : i32
      %dma_wait3A_728 = arith.constant 0 : i32
      %dma_wait3A_729 = tpu.memref_slice %arg7[%dma_wait3A_725, %dma_wait3A_726, %dma_wait3A_727, %dma_wait3A_728] : memref<2x8x128x64xf16, #tpu.memory_space<vmem>> -> memref<1x1x128x64xf16, #tpu.memory_space<vmem>>
      %dma_wait3A_730 = tpu.memref_squeeze %dma_wait3A_729 : memref<1x1x128x64xf16, #tpu.memory_space<vmem>> -> memref<128x64xf16, #tpu.memory_space<vmem>>
      %dma_wait3A_731 = arith.constant 896 : i32
      %dma_wait3A_732 = tpu.memref_slice %arg4[%dma_wait3A_731, %mul3A_308] : memref<4096x12800xf16, #tpu.memory_space<hbm>> -> memref<128x64xf16, #tpu.memory_space<hbm>>
      %dma_wait3A_733 = arith.constant 896 : i32
      %dma_wait3A_734 = tpu.memref_slice %arg4[%dma_wait3A_733, %mul3A_308] : memref<4096x12800xf16, #tpu.memory_space<hbm>> -> memref<128x64xf16, #tpu.memory_space<hbm>>
      %dma_wait3A_735 = arith.constant 0 : i32
      %dma_wait3A_736 = arith.constant 0 : i32
      %dma_wait3A_737 = tpu.memref_slice %arg7[%dma_wait3A_725, %dma_wait3A_726, %dma_wait3A_735, %dma_wait3A_736] : memref<2x8x128x64xf16, #tpu.memory_space<vmem>> -> memref<1x1x128x64xf16, #tpu.memory_space<vmem>>
      %dma_wait3A_738 = tpu.memref_squeeze %dma_wait3A_737 : memref<1x1x128x64xf16, #tpu.memory_space<vmem>> -> memref<128x64xf16, #tpu.memory_space<vmem>>
      tpu.wait_dma2 semaphore(%arg9 : memref<!tpu.dma_semaphore, #tpu.memory_space<semaphore_mem>>) src(%dma_wait3A_738 : memref<128x64xf16, #tpu.memory_space<vmem>>) dst(%dma_wait3A_734 : memref<128x64xf16, #tpu.memory_space<hbm>>)
      %dma_start3A_739 = arith.constant 0 : i32
      %dma_start3A_740 = arith.constant 0 : i32
      %dma_start3A_741 = arith.constant 0 : i32
      %dma_start3A_742 = arith.constant 0 : i32
      %dma_start3A_743 = tpu.memref_slice %arg7[%dma_start3A_739, %dma_start3A_740, %dma_start3A_741, %dma_start3A_742] : memref<2x8x128x64xf16, #tpu.memory_space<vmem>> -> memref<1x1x128x64xf16, #tpu.memory_space<vmem>>
      %dma_start3A_744 = tpu.memref_squeeze %dma_start3A_743 : memref<1x1x128x64xf16, #tpu.memory_space<vmem>> -> memref<128x64xf16, #tpu.memory_space<vmem>>
      %dma_start3A_745 = arith.constant 2048 : i32
      %dma_start3A_746 = tpu.memref_slice %arg6[%dma_start3A_745] : memref<4096xi32, #tpu.memory_space<vmem>> -> memref<128xi32, #tpu.memory_space<vmem>>
      %dma_start3A_747 = arith.constant 0 : i32
      %dma_start3A_748 = arith.constant 0 : i32
      %dma_start3A_749 = tpu.memref_slice %arg3[%dma_start3A_747, %dma_start3A_748] : memref<1000000x64xf16, #tpu.memory_space<hbm>> -> memref<1000000x64xf16, #tpu.memory_space<hbm>>
      tpu.enqueue_indirect_dma source(%dma_start3A_749 : memref<1000000x64xf16, #tpu.memory_space<hbm>>) target(%dma_start3A_744 : memref<128x64xf16, #tpu.memory_space<vmem>>) offsets(%dma_start3A_746 : memref<128xi32, #tpu.memory_space<vmem>>) semaphore(%arg8 : memref<!tpu.dma_semaphore, #tpu.memory_space<semaphore_mem>>)
      %dma_start3A_750 = arith.constant 0 : i32
      %dma_start3A_751 = arith.constant 1 : i32
      %dma_start3A_752 = arith.constant 0 : i32
      %dma_start3A_753 = arith.constant 0 : i32
      %dma_start3A_754 = tpu.memref_slice %arg7[%dma_start3A_750, %dma_start3A_751, %dma_start3A_752, %dma_start3A_753] : memref<2x8x128x64xf16, #tpu.memory_space<vmem>> -> memref<1x1x128x64xf16, #tpu.memory_space<vmem>>
      %dma_start3A_755 = tpu.memref_squeeze %dma_start3A_754 : memref<1x1x128x64xf16, #tpu.memory_space<vmem>> -> memref<128x64xf16, #tpu.memory_space<vmem>>
      %dma_start3A_756 = arith.constant 2176 : i32
      %dma_start3A_757 = tpu.memref_slice %arg6[%dma_start3A_756] : memref<4096xi32, #tpu.memory_space<vmem>> -> memref<128xi32, #tpu.memory_space<vmem>>
      %dma_start3A_758 = arith.constant 0 : i32
      %dma_start3A_759 = arith.constant 0 : i32
      %dma_start3A_760 = tpu.memref_slice %arg3[%dma_start3A_758, %dma_start3A_759] : memref<1000000x64xf16, #tpu.memory_space<hbm>> -> memref<1000000x64xf16, #tpu.memory_space<hbm>>
      tpu.enqueue_indirect_dma source(%dma_start3A_760 : memref<1000000x64xf16, #tpu.memory_space<hbm>>) target(%dma_start3A_755 : memref<128x64xf16, #tpu.memory_space<vmem>>) offsets(%dma_start3A_757 : memref<128xi32, #tpu.memory_space<vmem>>) semaphore(%arg8 : memref<!tpu.dma_semaphore, #tpu.memory_space<semaphore_mem>>)
      %dma_start3A_761 = arith.constant 0 : i32
      %dma_start3A_762 = arith.constant 2 : i32
      %dma_start3A_763 = arith.constant 0 : i32
      %dma_start3A_764 = arith.constant 0 : i32
      %dma_start3A_765 = tpu.memref_slice %arg7[%dma_start3A_761, %dma_start3A_762, %dma_start3A_763, %dma_start3A_764] : memref<2x8x128x64xf16, #tpu.memory_space<vmem>> -> memref<1x1x128x64xf16, #tpu.memory_space<vmem>>
      %dma_start3A_766 = tpu.memref_squeeze %dma_start3A_765 : memref<1x1x128x64xf16, #tpu.memory_space<vmem>> -> memref<128x64xf16, #tpu.memory_space<vmem>>
      %dma_start3A_767 = arith.constant 2304 : i32
      %dma_start3A_768 = tpu.memref_slice %arg6[%dma_start3A_767] : memref<4096xi32, #tpu.memory_space<vmem>> -> memref<128xi32, #tpu.memory_space<vmem>>
      %dma_start3A_769 = arith.constant 0 : i32
      %dma_start3A_770 = arith.constant 0 : i32
      %dma_start3A_771 = tpu.memref_slice %arg3[%dma_start3A_769, %dma_start3A_770] : memref<1000000x64xf16, #tpu.memory_space<hbm>> -> memref<1000000x64xf16, #tpu.memory_space<hbm>>
      tpu.enqueue_indirect_dma source(%dma_start3A_771 : memref<1000000x64xf16, #tpu.memory_space<hbm>>) target(%dma_start3A_766 : memref<128x64xf16, #tpu.memory_space<vmem>>) offsets(%dma_start3A_768 : memref<128xi32, #tpu.memory_space<vmem>>) semaphore(%arg8 : memref<!tpu.dma_semaphore, #tpu.memory_space<semaphore_mem>>)
      %dma_start3A_772 = arith.constant 0 : i32
      %dma_start3A_773 = arith.constant 3 : i32
      %dma_start3A_774 = arith.constant 0 : i32
      %dma_start3A_775 = arith.constant 0 : i32
      %dma_start3A_776 = tpu.memref_slice %arg7[%dma_start3A_772, %dma_start3A_773, %dma_start3A_774, %dma_start3A_775] : memref<2x8x128x64xf16, #tpu.memory_space<vmem>> -> memref<1x1x128x64xf16, #tpu.memory_space<vmem>>
      %dma_start3A_777 = tpu.memref_squeeze %dma_start3A_776 : memref<1x1x128x64xf16, #tpu.memory_space<vmem>> -> memref<128x64xf16, #tpu.memory_space<vmem>>
      %dma_start3A_778 = arith.constant 2432 : i32
      %dma_start3A_779 = tpu.memref_slice %arg6[%dma_start3A_778] : memref<4096xi32, #tpu.memory_space<vmem>> -> memref<128xi32, #tpu.memory_space<vmem>>
      %dma_start3A_780 = arith.constant 0 : i32
      %dma_start3A_781 = arith.constant 0 : i32
      %dma_start3A_782 = tpu.memref_slice %arg3[%dma_start3A_780, %dma_start3A_781] : memref<1000000x64xf16, #tpu.memory_space<hbm>> -> memref<1000000x64xf16, #tpu.memory_space<hbm>>
      tpu.enqueue_indirect_dma source(%dma_start3A_782 : memref<1000000x64xf16, #tpu.memory_space<hbm>>) target(%dma_start3A_777 : memref<128x64xf16, #tpu.memory_space<vmem>>) offsets(%dma_start3A_779 : memref<128xi32, #tpu.memory_space<vmem>>) semaphore(%arg8 : memref<!tpu.dma_semaphore, #tpu.memory_space<semaphore_mem>>)
      %dma_start3A_783 = arith.constant 0 : i32
      %dma_start3A_784 = arith.constant 4 : i32
      %dma_start3A_785 = arith.constant 0 : i32
      %dma_start3A_786 = arith.constant 0 : i32
      %dma_start3A_787 = tpu.memref_slice %arg7[%dma_start3A_783, %dma_start3A_784, %dma_start3A_785, %dma_start3A_786] : memref<2x8x128x64xf16, #tpu.memory_space<vmem>> -> memref<1x1x128x64xf16, #tpu.memory_space<vmem>>
      %dma_start3A_788 = tpu.memref_squeeze %dma_start3A_787 : memref<1x1x128x64xf16, #tpu.memory_space<vmem>> -> memref<128x64xf16, #tpu.memory_space<vmem>>
      %dma_start3A_789 = arith.constant 2560 : i32
      %dma_start3A_790 = tpu.memref_slice %arg6[%dma_start3A_789] : memref<4096xi32, #tpu.memory_space<vmem>> -> memref<128xi32, #tpu.memory_space<vmem>>
      %dma_start3A_791 = arith.constant 0 : i32
      %dma_start3A_792 = arith.constant 0 : i32
      %dma_start3A_793 = tpu.memref_slice %arg3[%dma_start3A_791, %dma_start3A_792] : memref<1000000x64xf16, #tpu.memory_space<hbm>> -> memref<1000000x64xf16, #tpu.memory_space<hbm>>
      tpu.enqueue_indirect_dma source(%dma_start3A_793 : memref<1000000x64xf16, #tpu.memory_space<hbm>>) target(%dma_start3A_788 : memref<128x64xf16, #tpu.memory_space<vmem>>) offsets(%dma_start3A_790 : memref<128xi32, #tpu.memory_space<vmem>>) semaphore(%arg8 : memref<!tpu.dma_semaphore, #tpu.memory_space<semaphore_mem>>)
      %dma_start3A_794 = arith.constant 0 : i32
      %dma_start3A_795 = arith.constant 5 : i32
      %dma_start3A_796 = arith.constant 0 : i32
      %dma_start3A_797 = arith.constant 0 : i32
      %dma_start3A_798 = tpu.memref_slice %arg7[%dma_start3A_794, %dma_start3A_795, %dma_start3A_796, %dma_start3A_797] : memref<2x8x128x64xf16, #tpu.memory_space<vmem>> -> memref<1x1x128x64xf16, #tpu.memory_space<vmem>>
      %dma_start3A_799 = tpu.memref_squeeze %dma_start3A_798 : memref<1x1x128x64xf16, #tpu.memory_space<vmem>> -> memref<128x64xf16, #tpu.memory_space<vmem>>
      %dma_start3A_800 = arith.constant 2688 : i32
      %dma_start3A_801 = tpu.memref_slice %arg6[%dma_start3A_800] : memref<4096xi32, #tpu.memory_space<vmem>> -> memref<128xi32, #tpu.memory_space<vmem>>
      %dma_start3A_802 = arith.constant 0 : i32
      %dma_start3A_803 = arith.constant 0 : i32
      %dma_start3A_804 = tpu.memref_slice %arg3[%dma_start3A_802, %dma_start3A_803] : memref<1000000x64xf16, #tpu.memory_space<hbm>> -> memref<1000000x64xf16, #tpu.memory_space<hbm>>
      tpu.enqueue_indirect_dma source(%dma_start3A_804 : memref<1000000x64xf16, #tpu.memory_space<hbm>>) target(%dma_start3A_799 : memref<128x64xf16, #tpu.memory_space<vmem>>) offsets(%dma_start3A_801 : memref<128xi32, #tpu.memory_space<vmem>>) semaphore(%arg8 : memref<!tpu.dma_semaphore, #tpu.memory_space<semaphore_mem>>)
      %dma_start3A_805 = arith.constant 0 : i32
      %dma_start3A_806 = arith.constant 6 : i32
      %dma_start3A_807 = arith.constant 0 : i32
      %dma_start3A_808 = arith.constant 0 : i32
      %dma_start3A_809 = tpu.memref_slice %arg7[%dma_start3A_805, %dma_start3A_806, %dma_start3A_807, %dma_start3A_808] : memref<2x8x128x64xf16, #tpu.memory_space<vmem>> -> memref<1x1x128x64xf16, #tpu.memory_space<vmem>>
      %dma_start3A_810 = tpu.memref_squeeze %dma_start3A_809 : memref<1x1x128x64xf16, #tpu.memory_space<vmem>> -> memref<128x64xf16, #tpu.memory_space<vmem>>
      %dma_start3A_811 = arith.constant 2816 : i32
      %dma_start3A_812 = tpu.memref_slice %arg6[%dma_start3A_811] : memref<4096xi32, #tpu.memory_space<vmem>> -> memref<128xi32, #tpu.memory_space<vmem>>
      %dma_start3A_813 = arith.constant 0 : i32
      %dma_start3A_814 = arith.constant 0 : i32
      %dma_start3A_815 = tpu.memref_slice %arg3[%dma_start3A_813, %dma_start3A_814] : memref<1000000x64xf16, #tpu.memory_space<hbm>> -> memref<1000000x64xf16, #tpu.memory_space<hbm>>
      tpu.enqueue_indirect_dma source(%dma_start3A_815 : memref<1000000x64xf16, #tpu.memory_space<hbm>>) target(%dma_start3A_810 : memref<128x64xf16, #tpu.memory_space<vmem>>) offsets(%dma_start3A_812 : memref<128xi32, #tpu.memory_space<vmem>>) semaphore(%arg8 : memref<!tpu.dma_semaphore, #tpu.memory_space<semaphore_mem>>)
      %dma_start3A_816 = arith.constant 0 : i32
      %dma_start3A_817 = arith.constant 7 : i32
      %dma_start3A_818 = arith.constant 0 : i32
      %dma_start3A_819 = arith.constant 0 : i32
      %dma_start3A_820 = tpu.memref_slice %arg7[%dma_start3A_816, %dma_start3A_817, %dma_start3A_818, %dma_start3A_819] : memref<2x8x128x64xf16, #tpu.memory_space<vmem>> -> memref<1x1x128x64xf16, #tpu.memory_space<vmem>>
      %dma_start3A_821 = tpu.memref_squeeze %dma_start3A_820 : memref<1x1x128x64xf16, #tpu.memory_space<vmem>> -> memref<128x64xf16, #tpu.memory_space<vmem>>
      %dma_start3A_822 = arith.constant 2944 : i32
      %dma_start3A_823 = tpu.memref_slice %arg6[%dma_start3A_822] : memref<4096xi32, #tpu.memory_space<vmem>> -> memref<128xi32, #tpu.memory_space<vmem>>
      %dma_start3A_824 = arith.constant 0 : i32
      %dma_start3A_825 = arith.constant 0 : i32
      %dma_start3A_826 = tpu.memref_slice %arg3[%dma_start3A_824, %dma_start3A_825] : memref<1000000x64xf16, #tpu.memory_space<hbm>> -> memref<1000000x64xf16, #tpu.memory_space<hbm>>
      tpu.enqueue_indirect_dma source(%dma_start3A_826 : memref<1000000x64xf16, #tpu.memory_space<hbm>>) target(%dma_start3A_821 : memref<128x64xf16, #tpu.memory_space<vmem>>) offsets(%dma_start3A_823 : memref<128xi32, #tpu.memory_space<vmem>>) semaphore(%arg8 : memref<!tpu.dma_semaphore, #tpu.memory_space<semaphore_mem>>)
      %dma_wait3A_827 = arith.constant 0 : i32
      %dma_wait3A_828 = arith.constant 0 : i32
      %dma_wait3A_829 = arith.constant 0 : i32
      %dma_wait3A_830 = arith.constant 0 : i32
      %dma_wait3A_831 = tpu.memref_slice %arg7[%dma_wait3A_827, %dma_wait3A_828, %dma_wait3A_829, %dma_wait3A_830] : memref<2x8x128x64xf16, #tpu.memory_space<vmem>> -> memref<1x1x128x64xf16, #tpu.memory_space<vmem>>
      %dma_wait3A_832 = tpu.memref_squeeze %dma_wait3A_831 : memref<1x1x128x64xf16, #tpu.memory_space<vmem>> -> memref<128x64xf16, #tpu.memory_space<vmem>>
      %dma_wait3A_833 = arith.constant 2048 : i32
      %dma_wait3A_834 = tpu.memref_slice %arg6[%dma_wait3A_833] : memref<4096xi32, #tpu.memory_space<vmem>> -> memref<128xi32, #tpu.memory_space<vmem>>
      %dma_wait3A_835 = arith.constant 0 : i32
      %dma_wait3A_836 = arith.constant 0 : i32
      %dma_wait3A_837 = tpu.memref_slice %arg3[%dma_wait3A_835, %dma_wait3A_836] : memref<1000000x64xf16, #tpu.memory_space<hbm>> -> memref<1000000x64xf16, #tpu.memory_space<hbm>>
      tpu.wait_indirect_dma semaphore(%arg8 : memref<!tpu.dma_semaphore, #tpu.memory_space<semaphore_mem>>) src(%dma_wait3A_837 : memref<1000000x64xf16, #tpu.memory_space<hbm>>) dst(%dma_wait3A_832 : memref<128x64xf16, #tpu.memory_space<vmem>>)
      %dma_wait3A_838 = arith.constant 0 : i32
      %dma_wait3A_839 = arith.constant 1 : i32
      %dma_wait3A_840 = arith.constant 0 : i32
      %dma_wait3A_841 = arith.constant 0 : i32
      %dma_wait3A_842 = tpu.memref_slice %arg7[%dma_wait3A_838, %dma_wait3A_839, %dma_wait3A_840, %dma_wait3A_841] : memref<2x8x128x64xf16, #tpu.memory_space<vmem>> -> memref<1x1x128x64xf16, #tpu.memory_space<vmem>>
      %dma_wait3A_843 = tpu.memref_squeeze %dma_wait3A_842 : memref<1x1x128x64xf16, #tpu.memory_space<vmem>> -> memref<128x64xf16, #tpu.memory_space<vmem>>
      %dma_wait3A_844 = arith.constant 2176 : i32
      %dma_wait3A_845 = tpu.memref_slice %arg6[%dma_wait3A_844] : memref<4096xi32, #tpu.memory_space<vmem>> -> memref<128xi32, #tpu.memory_space<vmem>>
      %dma_wait3A_846 = arith.constant 0 : i32
      %dma_wait3A_847 = arith.constant 0 : i32
      %dma_wait3A_848 = tpu.memref_slice %arg3[%dma_wait3A_846, %dma_wait3A_847] : memref<1000000x64xf16, #tpu.memory_space<hbm>> -> memref<1000000x64xf16, #tpu.memory_space<hbm>>
      tpu.wait_indirect_dma semaphore(%arg8 : memref<!tpu.dma_semaphore, #tpu.memory_space<semaphore_mem>>) src(%dma_wait3A_848 : memref<1000000x64xf16, #tpu.memory_space<hbm>>) dst(%dma_wait3A_843 : memref<128x64xf16, #tpu.memory_space<vmem>>)
      %dma_wait3A_849 = arith.constant 0 : i32
      %dma_wait3A_850 = arith.constant 2 : i32
      %dma_wait3A_851 = arith.constant 0 : i32
      %dma_wait3A_852 = arith.constant 0 : i32
      %dma_wait3A_853 = tpu.memref_slice %arg7[%dma_wait3A_849, %dma_wait3A_850, %dma_wait3A_851, %dma_wait3A_852] : memref<2x8x128x64xf16, #tpu.memory_space<vmem>> -> memref<1x1x128x64xf16, #tpu.memory_space<vmem>>
      %dma_wait3A_854 = tpu.memref_squeeze %dma_wait3A_853 : memref<1x1x128x64xf16, #tpu.memory_space<vmem>> -> memref<128x64xf16, #tpu.memory_space<vmem>>
      %dma_wait3A_855 = arith.constant 2304 : i32
      %dma_wait3A_856 = tpu.memref_slice %arg6[%dma_wait3A_855] : memref<4096xi32, #tpu.memory_space<vmem>> -> memref<128xi32, #tpu.memory_space<vmem>>
      %dma_wait3A_857 = arith.constant 0 : i32
      %dma_wait3A_858 = arith.constant 0 : i32
      %dma_wait3A_859 = tpu.memref_slice %arg3[%dma_wait3A_857, %dma_wait3A_858] : memref<1000000x64xf16, #tpu.memory_space<hbm>> -> memref<1000000x64xf16, #tpu.memory_space<hbm>>
      tpu.wait_indirect_dma semaphore(%arg8 : memref<!tpu.dma_semaphore, #tpu.memory_space<semaphore_mem>>) src(%dma_wait3A_859 : memref<1000000x64xf16, #tpu.memory_space<hbm>>) dst(%dma_wait3A_854 : memref<128x64xf16, #tpu.memory_space<vmem>>)
      %dma_wait3A_860 = arith.constant 0 : i32
      %dma_wait3A_861 = arith.constant 3 : i32
      %dma_wait3A_862 = arith.constant 0 : i32
      %dma_wait3A_863 = arith.constant 0 : i32
      %dma_wait3A_864 = tpu.memref_slice %arg7[%dma_wait3A_860, %dma_wait3A_861, %dma_wait3A_862, %dma_wait3A_863] : memref<2x8x128x64xf16, #tpu.memory_space<vmem>> -> memref<1x1x128x64xf16, #tpu.memory_space<vmem>>
      %dma_wait3A_865 = tpu.memref_squeeze %dma_wait3A_864 : memref<1x1x128x64xf16, #tpu.memory_space<vmem>> -> memref<128x64xf16, #tpu.memory_space<vmem>>
      %dma_wait3A_866 = arith.constant 2432 : i32
      %dma_wait3A_867 = tpu.memref_slice %arg6[%dma_wait3A_866] : memref<4096xi32, #tpu.memory_space<vmem>> -> memref<128xi32, #tpu.memory_space<vmem>>
      %dma_wait3A_868 = arith.constant 0 : i32
      %dma_wait3A_869 = arith.constant 0 : i32
      %dma_wait3A_870 = tpu.memref_slice %arg3[%dma_wait3A_868, %dma_wait3A_869] : memref<1000000x64xf16, #tpu.memory_space<hbm>> -> memref<1000000x64xf16, #tpu.memory_space<hbm>>
      tpu.wait_indirect_dma semaphore(%arg8 : memref<!tpu.dma_semaphore, #tpu.memory_space<semaphore_mem>>) src(%dma_wait3A_870 : memref<1000000x64xf16, #tpu.memory_space<hbm>>) dst(%dma_wait3A_865 : memref<128x64xf16, #tpu.memory_space<vmem>>)
      %dma_wait3A_871 = arith.constant 0 : i32
      %dma_wait3A_872 = arith.constant 4 : i32
      %dma_wait3A_873 = arith.constant 0 : i32
      %dma_wait3A_874 = arith.constant 0 : i32
      %dma_wait3A_875 = tpu.memref_slice %arg7[%dma_wait3A_871, %dma_wait3A_872, %dma_wait3A_873, %dma_wait3A_874] : memref<2x8x128x64xf16, #tpu.memory_space<vmem>> -> memref<1x1x128x64xf16, #tpu.memory_space<vmem>>
      %dma_wait3A_876 = tpu.memref_squeeze %dma_wait3A_875 : memref<1x1x128x64xf16, #tpu.memory_space<vmem>> -> memref<128x64xf16, #tpu.memory_space<vmem>>
      %dma_wait3A_877 = arith.constant 2560 : i32
      %dma_wait3A_878 = tpu.memref_slice %arg6[%dma_wait3A_877] : memref<4096xi32, #tpu.memory_space<vmem>> -> memref<128xi32, #tpu.memory_space<vmem>>
      %dma_wait3A_879 = arith.constant 0 : i32
      %dma_wait3A_880 = arith.constant 0 : i32
      %dma_wait3A_881 = tpu.memref_slice %arg3[%dma_wait3A_879, %dma_wait3A_880] : memref<1000000x64xf16, #tpu.memory_space<hbm>> -> memref<1000000x64xf16, #tpu.memory_space<hbm>>
      tpu.wait_indirect_dma semaphore(%arg8 : memref<!tpu.dma_semaphore, #tpu.memory_space<semaphore_mem>>) src(%dma_wait3A_881 : memref<1000000x64xf16, #tpu.memory_space<hbm>>) dst(%dma_wait3A_876 : memref<128x64xf16, #tpu.memory_space<vmem>>)
      %dma_wait3A_882 = arith.constant 0 : i32
      %dma_wait3A_883 = arith.constant 5 : i32
      %dma_wait3A_884 = arith.constant 0 : i32
      %dma_wait3A_885 = arith.constant 0 : i32
      %dma_wait3A_886 = tpu.memref_slice %arg7[%dma_wait3A_882, %dma_wait3A_883, %dma_wait3A_884, %dma_wait3A_885] : memref<2x8x128x64xf16, #tpu.memory_space<vmem>> -> memref<1x1x128x64xf16, #tpu.memory_space<vmem>>
      %dma_wait3A_887 = tpu.memref_squeeze %dma_wait3A_886 : memref<1x1x128x64xf16, #tpu.memory_space<vmem>> -> memref<128x64xf16, #tpu.memory_space<vmem>>
      %dma_wait3A_888 = arith.constant 2688 : i32
      %dma_wait3A_889 = tpu.memref_slice %arg6[%dma_wait3A_888] : memref<4096xi32, #tpu.memory_space<vmem>> -> memref<128xi32, #tpu.memory_space<vmem>>
      %dma_wait3A_890 = arith.constant 0 : i32
      %dma_wait3A_891 = arith.constant 0 : i32
      %dma_wait3A_892 = tpu.memref_slice %arg3[%dma_wait3A_890, %dma_wait3A_891] : memref<1000000x64xf16, #tpu.memory_space<hbm>> -> memref<1000000x64xf16, #tpu.memory_space<hbm>>
      tpu.wait_indirect_dma semaphore(%arg8 : memref<!tpu.dma_semaphore, #tpu.memory_space<semaphore_mem>>) src(%dma_wait3A_892 : memref<1000000x64xf16, #tpu.memory_space<hbm>>) dst(%dma_wait3A_887 : memref<128x64xf16, #tpu.memory_space<vmem>>)
      %dma_wait3A_893 = arith.constant 0 : i32
      %dma_wait3A_894 = arith.constant 6 : i32
      %dma_wait3A_895 = arith.constant 0 : i32
      %dma_wait3A_896 = arith.constant 0 : i32
      %dma_wait3A_897 = tpu.memref_slice %arg7[%dma_wait3A_893, %dma_wait3A_894, %dma_wait3A_895, %dma_wait3A_896] : memref<2x8x128x64xf16, #tpu.memory_space<vmem>> -> memref<1x1x128x64xf16, #tpu.memory_space<vmem>>
      %dma_wait3A_898 = tpu.memref_squeeze %dma_wait3A_897 : memref<1x1x128x64xf16, #tpu.memory_space<vmem>> -> memref<128x64xf16, #tpu.memory_space<vmem>>
      %dma_wait3A_899 = arith.constant 2816 : i32
      %dma_wait3A_900 = tpu.memref_slice %arg6[%dma_wait3A_899] : memref<4096xi32, #tpu.memory_space<vmem>> -> memref<128xi32, #tpu.memory_space<vmem>>
      %dma_wait3A_901 = arith.constant 0 : i32
      %dma_wait3A_902 = arith.constant 0 : i32
      %dma_wait3A_903 = tpu.memref_slice %arg3[%dma_wait3A_901, %dma_wait3A_902] : memref<1000000x64xf16, #tpu.memory_space<hbm>> -> memref<1000000x64xf16, #tpu.memory_space<hbm>>
      tpu.wait_indirect_dma semaphore(%arg8 : memref<!tpu.dma_semaphore, #tpu.memory_space<semaphore_mem>>) src(%dma_wait3A_903 : memref<1000000x64xf16, #tpu.memory_space<hbm>>) dst(%dma_wait3A_898 : memref<128x64xf16, #tpu.memory_space<vmem>>)
      %dma_wait3A_904 = arith.constant 0 : i32
      %dma_wait3A_905 = arith.constant 7 : i32
      %dma_wait3A_906 = arith.constant 0 : i32
      %dma_wait3A_907 = arith.constant 0 : i32
      %dma_wait3A_908 = tpu.memref_slice %arg7[%dma_wait3A_904, %dma_wait3A_905, %dma_wait3A_906, %dma_wait3A_907] : memref<2x8x128x64xf16, #tpu.memory_space<vmem>> -> memref<1x1x128x64xf16, #tpu.memory_space<vmem>>
      %dma_wait3A_909 = tpu.memref_squeeze %dma_wait3A_908 : memref<1x1x128x64xf16, #tpu.memory_space<vmem>> -> memref<128x64xf16, #tpu.memory_space<vmem>>
      %dma_wait3A_910 = arith.constant 2944 : i32
      %dma_wait3A_911 = tpu.memref_slice %arg6[%dma_wait3A_910] : memref<4096xi32, #tpu.memory_space<vmem>> -> memref<128xi32, #tpu.memory_space<vmem>>
      %dma_wait3A_912 = arith.constant 0 : i32
      %dma_wait3A_913 = arith.constant 0 : i32
      %dma_wait3A_914 = tpu.memref_slice %arg3[%dma_wait3A_912, %dma_wait3A_913] : memref<1000000x64xf16, #tpu.memory_space<hbm>> -> memref<1000000x64xf16, #tpu.memory_space<hbm>>
      tpu.wait_indirect_dma semaphore(%arg8 : memref<!tpu.dma_semaphore, #tpu.memory_space<semaphore_mem>>) src(%dma_wait3A_914 : memref<1000000x64xf16, #tpu.memory_space<hbm>>) dst(%dma_wait3A_909 : memref<128x64xf16, #tpu.memory_space<vmem>>)
      %mul3A_915 = arith.constant 64 : i32
      %mul3A_916 = arith.muli %add3A_15, %mul3A_915 : i32
      %dma_start3A_917 = arith.constant 0 : i32
      %dma_start3A_918 = arith.constant 0 : i32
      %dma_start3A_919 = arith.constant 0 : i32
      %dma_start3A_920 = arith.constant 0 : i32
      %dma_start3A_921 = tpu.memref_slice %arg7[%dma_start3A_917, %dma_start3A_918, %dma_start3A_919, %dma_start3A_920] : memref<2x8x128x64xf16, #tpu.memory_space<vmem>> -> memref<1x1x128x64xf16, #tpu.memory_space<vmem>>
      %dma_start3A_922 = tpu.memref_squeeze %dma_start3A_921 : memref<1x1x128x64xf16, #tpu.memory_space<vmem>> -> memref<128x64xf16, #tpu.memory_space<vmem>>
      %dma_start3A_923 = arith.constant 2048 : i32
      %dma_start3A_924 = tpu.memref_slice %arg4[%dma_start3A_923, %mul3A_916] : memref<4096x12800xf16, #tpu.memory_space<hbm>> -> memref<128x64xf16, #tpu.memory_space<hbm>>
      %dma_start3A_925 = arith.constant 2048 : i32
      %dma_start3A_926 = tpu.memref_slice %arg4[%dma_start3A_925, %mul3A_916] : memref<4096x12800xf16, #tpu.memory_space<hbm>> -> memref<128x64xf16, #tpu.memory_space<hbm>>
      %dma_start3A_927 = arith.constant 0 : i32
      %dma_start3A_928 = arith.constant 0 : i32
      %dma_start3A_929 = tpu.memref_slice %arg7[%dma_start3A_917, %dma_start3A_918, %dma_start3A_927, %dma_start3A_928] : memref<2x8x128x64xf16, #tpu.memory_space<vmem>> -> memref<1x1x128x64xf16, #tpu.memory_space<vmem>>
      %dma_start3A_930 = tpu.memref_squeeze %dma_start3A_929 : memref<1x1x128x64xf16, #tpu.memory_space<vmem>> -> memref<128x64xf16, #tpu.memory_space<vmem>>
      tpu.enqueue_dma source(%dma_start3A_930 : memref<128x64xf16, #tpu.memory_space<vmem>>) target(%dma_start3A_926 : memref<128x64xf16, #tpu.memory_space<hbm>>) target_semaphore(%arg9 : memref<!tpu.dma_semaphore, #tpu.memory_space<semaphore_mem>>)
      %mul3A_931 = arith.constant 64 : i32
      %mul3A_932 = arith.muli %add3A_15, %mul3A_931 : i32
      %dma_start3A_933 = arith.constant 0 : i32
      %dma_start3A_934 = arith.constant 1 : i32
      %dma_start3A_935 = arith.constant 0 : i32
      %dma_start3A_936 = arith.constant 0 : i32
      %dma_start3A_937 = tpu.memref_slice %arg7[%dma_start3A_933, %dma_start3A_934, %dma_start3A_935, %dma_start3A_936] : memref<2x8x128x64xf16, #tpu.memory_space<vmem>> -> memref<1x1x128x64xf16, #tpu.memory_space<vmem>>
      %dma_start3A_938 = tpu.memref_squeeze %dma_start3A_937 : memref<1x1x128x64xf16, #tpu.memory_space<vmem>> -> memref<128x64xf16, #tpu.memory_space<vmem>>
      %dma_start3A_939 = arith.constant 2176 : i32
      %dma_start3A_940 = tpu.memref_slice %arg4[%dma_start3A_939, %mul3A_932] : memref<4096x12800xf16, #tpu.memory_space<hbm>> -> memref<128x64xf16, #tpu.memory_space<hbm>>
      %dma_start3A_941 = arith.constant 2176 : i32
      %dma_start3A_942 = tpu.memref_slice %arg4[%dma_start3A_941, %mul3A_932] : memref<4096x12800xf16, #tpu.memory_space<hbm>> -> memref<128x64xf16, #tpu.memory_space<hbm>>
      %dma_start3A_943 = arith.constant 0 : i32
      %dma_start3A_944 = arith.constant 0 : i32
      %dma_start3A_945 = tpu.memref_slice %arg7[%dma_start3A_933, %dma_start3A_934, %dma_start3A_943, %dma_start3A_944] : memref<2x8x128x64xf16, #tpu.memory_space<vmem>> -> memref<1x1x128x64xf16, #tpu.memory_space<vmem>>
      %dma_start3A_946 = tpu.memref_squeeze %dma_start3A_945 : memref<1x1x128x64xf16, #tpu.memory_space<vmem>> -> memref<128x64xf16, #tpu.memory_space<vmem>>
      tpu.enqueue_dma source(%dma_start3A_946 : memref<128x64xf16, #tpu.memory_space<vmem>>) target(%dma_start3A_942 : memref<128x64xf16, #tpu.memory_space<hbm>>) target_semaphore(%arg9 : memref<!tpu.dma_semaphore, #tpu.memory_space<semaphore_mem>>)
      %mul3A_947 = arith.constant 64 : i32
      %mul3A_948 = arith.muli %add3A_15, %mul3A_947 : i32
      %dma_start3A_949 = arith.constant 0 : i32
      %dma_start3A_950 = arith.constant 2 : i32
      %dma_start3A_951 = arith.constant 0 : i32
      %dma_start3A_952 = arith.constant 0 : i32
      %dma_start3A_953 = tpu.memref_slice %arg7[%dma_start3A_949, %dma_start3A_950, %dma_start3A_951, %dma_start3A_952] : memref<2x8x128x64xf16, #tpu.memory_space<vmem>> -> memref<1x1x128x64xf16, #tpu.memory_space<vmem>>
      %dma_start3A_954 = tpu.memref_squeeze %dma_start3A_953 : memref<1x1x128x64xf16, #tpu.memory_space<vmem>> -> memref<128x64xf16, #tpu.memory_space<vmem>>
      %dma_start3A_955 = arith.constant 2304 : i32
      %dma_start3A_956 = tpu.memref_slice %arg4[%dma_start3A_955, %mul3A_948] : memref<4096x12800xf16, #tpu.memory_space<hbm>> -> memref<128x64xf16, #tpu.memory_space<hbm>>
      %dma_start3A_957 = arith.constant 2304 : i32
      %dma_start3A_958 = tpu.memref_slice %arg4[%dma_start3A_957, %mul3A_948] : memref<4096x12800xf16, #tpu.memory_space<hbm>> -> memref<128x64xf16, #tpu.memory_space<hbm>>
      %dma_start3A_959 = arith.constant 0 : i32
      %dma_start3A_960 = arith.constant 0 : i32
      %dma_start3A_961 = tpu.memref_slice %arg7[%dma_start3A_949, %dma_start3A_950, %dma_start3A_959, %dma_start3A_960] : memref<2x8x128x64xf16, #tpu.memory_space<vmem>> -> memref<1x1x128x64xf16, #tpu.memory_space<vmem>>
      %dma_start3A_962 = tpu.memref_squeeze %dma_start3A_961 : memref<1x1x128x64xf16, #tpu.memory_space<vmem>> -> memref<128x64xf16, #tpu.memory_space<vmem>>
      tpu.enqueue_dma source(%dma_start3A_962 : memref<128x64xf16, #tpu.memory_space<vmem>>) target(%dma_start3A_958 : memref<128x64xf16, #tpu.memory_space<hbm>>) target_semaphore(%arg9 : memref<!tpu.dma_semaphore, #tpu.memory_space<semaphore_mem>>)
      %mul3A_963 = arith.constant 64 : i32
      %mul3A_964 = arith.muli %add3A_15, %mul3A_963 : i32
      %dma_start3A_965 = arith.constant 0 : i32
      %dma_start3A_966 = arith.constant 3 : i32
      %dma_start3A_967 = arith.constant 0 : i32
      %dma_start3A_968 = arith.constant 0 : i32
      %dma_start3A_969 = tpu.memref_slice %arg7[%dma_start3A_965, %dma_start3A_966, %dma_start3A_967, %dma_start3A_968] : memref<2x8x128x64xf16, #tpu.memory_space<vmem>> -> memref<1x1x128x64xf16, #tpu.memory_space<vmem>>
      %dma_start3A_970 = tpu.memref_squeeze %dma_start3A_969 : memref<1x1x128x64xf16, #tpu.memory_space<vmem>> -> memref<128x64xf16, #tpu.memory_space<vmem>>
      %dma_start3A_971 = arith.constant 2432 : i32
      %dma_start3A_972 = tpu.memref_slice %arg4[%dma_start3A_971, %mul3A_964] : memref<4096x12800xf16, #tpu.memory_space<hbm>> -> memref<128x64xf16, #tpu.memory_space<hbm>>
      %dma_start3A_973 = arith.constant 2432 : i32
      %dma_start3A_974 = tpu.memref_slice %arg4[%dma_start3A_973, %mul3A_964] : memref<4096x12800xf16, #tpu.memory_space<hbm>> -> memref<128x64xf16, #tpu.memory_space<hbm>>
      %dma_start3A_975 = arith.constant 0 : i32
      %dma_start3A_976 = arith.constant 0 : i32
      %dma_start3A_977 = tpu.memref_slice %arg7[%dma_start3A_965, %dma_start3A_966, %dma_start3A_975, %dma_start3A_976] : memref<2x8x128x64xf16, #tpu.memory_space<vmem>> -> memref<1x1x128x64xf16, #tpu.memory_space<vmem>>
      %dma_start3A_978 = tpu.memref_squeeze %dma_start3A_977 : memref<1x1x128x64xf16, #tpu.memory_space<vmem>> -> memref<128x64xf16, #tpu.memory_space<vmem>>
      tpu.enqueue_dma source(%dma_start3A_978 : memref<128x64xf16, #tpu.memory_space<vmem>>) target(%dma_start3A_974 : memref<128x64xf16, #tpu.memory_space<hbm>>) target_semaphore(%arg9 : memref<!tpu.dma_semaphore, #tpu.memory_space<semaphore_mem>>)
      %mul3A_979 = arith.constant 64 : i32
      %mul3A_980 = arith.muli %add3A_15, %mul3A_979 : i32
      %dma_start3A_981 = arith.constant 0 : i32
      %dma_start3A_982 = arith.constant 4 : i32
      %dma_start3A_983 = arith.constant 0 : i32
      %dma_start3A_984 = arith.constant 0 : i32
      %dma_start3A_985 = tpu.memref_slice %arg7[%dma_start3A_981, %dma_start3A_982, %dma_start3A_983, %dma_start3A_984] : memref<2x8x128x64xf16, #tpu.memory_space<vmem>> -> memref<1x1x128x64xf16, #tpu.memory_space<vmem>>
      %dma_start3A_986 = tpu.memref_squeeze %dma_start3A_985 : memref<1x1x128x64xf16, #tpu.memory_space<vmem>> -> memref<128x64xf16, #tpu.memory_space<vmem>>
      %dma_start3A_987 = arith.constant 2560 : i32
      %dma_start3A_988 = tpu.memref_slice %arg4[%dma_start3A_987, %mul3A_980] : memref<4096x12800xf16, #tpu.memory_space<hbm>> -> memref<128x64xf16, #tpu.memory_space<hbm>>
      %dma_start3A_989 = arith.constant 2560 : i32
      %dma_start3A_990 = tpu.memref_slice %arg4[%dma_start3A_989, %mul3A_980] : memref<4096x12800xf16, #tpu.memory_space<hbm>> -> memref<128x64xf16, #tpu.memory_space<hbm>>
      %dma_start3A_991 = arith.constant 0 : i32
      %dma_start3A_992 = arith.constant 0 : i32
      %dma_start3A_993 = tpu.memref_slice %arg7[%dma_start3A_981, %dma_start3A_982, %dma_start3A_991, %dma_start3A_992] : memref<2x8x128x64xf16, #tpu.memory_space<vmem>> -> memref<1x1x128x64xf16, #tpu.memory_space<vmem>>
      %dma_start3A_994 = tpu.memref_squeeze %dma_start3A_993 : memref<1x1x128x64xf16, #tpu.memory_space<vmem>> -> memref<128x64xf16, #tpu.memory_space<vmem>>
      tpu.enqueue_dma source(%dma_start3A_994 : memref<128x64xf16, #tpu.memory_space<vmem>>) target(%dma_start3A_990 : memref<128x64xf16, #tpu.memory_space<hbm>>) target_semaphore(%arg9 : memref<!tpu.dma_semaphore, #tpu.memory_space<semaphore_mem>>)
      %mul3A_995 = arith.constant 64 : i32
      %mul3A_996 = arith.muli %add3A_15, %mul3A_995 : i32
      %dma_start3A_997 = arith.constant 0 : i32
      %dma_start3A_998 = arith.constant 5 : i32
      %dma_start3A_999 = arith.constant 0 : i32
      %dma_start3A_1000 = arith.constant 0 : i32
      %dma_start3A_1001 = tpu.memref_slice %arg7[%dma_start3A_997, %dma_start3A_998, %dma_start3A_999, %dma_start3A_1000] : memref<2x8x128x64xf16, #tpu.memory_space<vmem>> -> memref<1x1x128x64xf16, #tpu.memory_space<vmem>>
      %dma_start3A_1002 = tpu.memref_squeeze %dma_start3A_1001 : memref<1x1x128x64xf16, #tpu.memory_space<vmem>> -> memref<128x64xf16, #tpu.memory_space<vmem>>
      %dma_start3A_1003 = arith.constant 2688 : i32
      %dma_start3A_1004 = tpu.memref_slice %arg4[%dma_start3A_1003, %mul3A_996] : memref<4096x12800xf16, #tpu.memory_space<hbm>> -> memref<128x64xf16, #tpu.memory_space<hbm>>
      %dma_start3A_1005 = arith.constant 2688 : i32
      %dma_start3A_1006 = tpu.memref_slice %arg4[%dma_start3A_1005, %mul3A_996] : memref<4096x12800xf16, #tpu.memory_space<hbm>> -> memref<128x64xf16, #tpu.memory_space<hbm>>
      %dma_start3A_1007 = arith.constant 0 : i32
      %dma_start3A_1008 = arith.constant 0 : i32
      %dma_start3A_1009 = tpu.memref_slice %arg7[%dma_start3A_997, %dma_start3A_998, %dma_start3A_1007, %dma_start3A_1008] : memref<2x8x128x64xf16, #tpu.memory_space<vmem>> -> memref<1x1x128x64xf16, #tpu.memory_space<vmem>>
      %dma_start3A_1010 = tpu.memref_squeeze %dma_start3A_1009 : memref<1x1x128x64xf16, #tpu.memory_space<vmem>> -> memref<128x64xf16, #tpu.memory_space<vmem>>
      tpu.enqueue_dma source(%dma_start3A_1010 : memref<128x64xf16, #tpu.memory_space<vmem>>) target(%dma_start3A_1006 : memref<128x64xf16, #tpu.memory_space<hbm>>) target_semaphore(%arg9 : memref<!tpu.dma_semaphore, #tpu.memory_space<semaphore_mem>>)
      %mul3A_1011 = arith.constant 64 : i32
      %mul3A_1012 = arith.muli %add3A_15, %mul3A_1011 : i32
      %dma_start3A_1013 = arith.constant 0 : i32
      %dma_start3A_1014 = arith.constant 6 : i32
      %dma_start3A_1015 = arith.constant 0 : i32
      %dma_start3A_1016 = arith.constant 0 : i32
      %dma_start3A_1017 = tpu.memref_slice %arg7[%dma_start3A_1013, %dma_start3A_1014, %dma_start3A_1015, %dma_start3A_1016] : memref<2x8x128x64xf16, #tpu.memory_space<vmem>> -> memref<1x1x128x64xf16, #tpu.memory_space<vmem>>
      %dma_start3A_1018 = tpu.memref_squeeze %dma_start3A_1017 : memref<1x1x128x64xf16, #tpu.memory_space<vmem>> -> memref<128x64xf16, #tpu.memory_space<vmem>>
      %dma_start3A_1019 = arith.constant 2816 : i32
      %dma_start3A_1020 = tpu.memref_slice %arg4[%dma_start3A_1019, %mul3A_1012] : memref<4096x12800xf16, #tpu.memory_space<hbm>> -> memref<128x64xf16, #tpu.memory_space<hbm>>
      %dma_start3A_1021 = arith.constant 2816 : i32
      %dma_start3A_1022 = tpu.memref_slice %arg4[%dma_start3A_1021, %mul3A_1012] : memref<4096x12800xf16, #tpu.memory_space<hbm>> -> memref<128x64xf16, #tpu.memory_space<hbm>>
      %dma_start3A_1023 = arith.constant 0 : i32
      %dma_start3A_1024 = arith.constant 0 : i32
      %dma_start3A_1025 = tpu.memref_slice %arg7[%dma_start3A_1013, %dma_start3A_1014, %dma_start3A_1023, %dma_start3A_1024] : memref<2x8x128x64xf16, #tpu.memory_space<vmem>> -> memref<1x1x128x64xf16, #tpu.memory_space<vmem>>
      %dma_start3A_1026 = tpu.memref_squeeze %dma_start3A_1025 : memref<1x1x128x64xf16, #tpu.memory_space<vmem>> -> memref<128x64xf16, #tpu.memory_space<vmem>>
      tpu.enqueue_dma source(%dma_start3A_1026 : memref<128x64xf16, #tpu.memory_space<vmem>>) target(%dma_start3A_1022 : memref<128x64xf16, #tpu.memory_space<hbm>>) target_semaphore(%arg9 : memref<!tpu.dma_semaphore, #tpu.memory_space<semaphore_mem>>)
      %mul3A_1027 = arith.constant 64 : i32
      %mul3A_1028 = arith.muli %add3A_15, %mul3A_1027 : i32
      %dma_start3A_1029 = arith.constant 0 : i32
      %dma_start3A_1030 = arith.constant 7 : i32
      %dma_start3A_1031 = arith.constant 0 : i32
      %dma_start3A_1032 = arith.constant 0 : i32
      %dma_start3A_1033 = tpu.memref_slice %arg7[%dma_start3A_1029, %dma_start3A_1030, %dma_start3A_1031, %dma_start3A_1032] : memref<2x8x128x64xf16, #tpu.memory_space<vmem>> -> memref<1x1x128x64xf16, #tpu.memory_space<vmem>>
      %dma_start3A_1034 = tpu.memref_squeeze %dma_start3A_1033 : memref<1x1x128x64xf16, #tpu.memory_space<vmem>> -> memref<128x64xf16, #tpu.memory_space<vmem>>
      %dma_start3A_1035 = arith.constant 2944 : i32
      %dma_start3A_1036 = tpu.memref_slice %arg4[%dma_start3A_1035, %mul3A_1028] : memref<4096x12800xf16, #tpu.memory_space<hbm>> -> memref<128x64xf16, #tpu.memory_space<hbm>>
      %dma_start3A_1037 = arith.constant 2944 : i32
      %dma_start3A_1038 = tpu.memref_slice %arg4[%dma_start3A_1037, %mul3A_1028] : memref<4096x12800xf16, #tpu.memory_space<hbm>> -> memref<128x64xf16, #tpu.memory_space<hbm>>
      %dma_start3A_1039 = arith.constant 0 : i32
      %dma_start3A_1040 = arith.constant 0 : i32
      %dma_start3A_1041 = tpu.memref_slice %arg7[%dma_start3A_1029, %dma_start3A_1030, %dma_start3A_1039, %dma_start3A_1040] : memref<2x8x128x64xf16, #tpu.memory_space<vmem>> -> memref<1x1x128x64xf16, #tpu.memory_space<vmem>>
      %dma_start3A_1042 = tpu.memref_squeeze %dma_start3A_1041 : memref<1x1x128x64xf16, #tpu.memory_space<vmem>> -> memref<128x64xf16, #tpu.memory_space<vmem>>
      tpu.enqueue_dma source(%dma_start3A_1042 : memref<128x64xf16, #tpu.memory_space<vmem>>) target(%dma_start3A_1038 : memref<128x64xf16, #tpu.memory_space<hbm>>) target_semaphore(%arg9 : memref<!tpu.dma_semaphore, #tpu.memory_space<semaphore_mem>>)
      %dma_wait3A_1043 = arith.constant 1 : i32
      %dma_wait3A_1044 = arith.constant 0 : i32
      %dma_wait3A_1045 = arith.constant 0 : i32
      %dma_wait3A_1046 = arith.constant 0 : i32
      %dma_wait3A_1047 = tpu.memref_slice %arg7[%dma_wait3A_1043, %dma_wait3A_1044, %dma_wait3A_1045, %dma_wait3A_1046] : memref<2x8x128x64xf16, #tpu.memory_space<vmem>> -> memref<1x1x128x64xf16, #tpu.memory_space<vmem>>
      %dma_wait3A_1048 = tpu.memref_squeeze %dma_wait3A_1047 : memref<1x1x128x64xf16, #tpu.memory_space<vmem>> -> memref<128x64xf16, #tpu.memory_space<vmem>>
      %dma_wait3A_1049 = arith.constant 1024 : i32
      %dma_wait3A_1050 = tpu.memref_slice %arg4[%dma_wait3A_1049, %mul3A_500] : memref<4096x12800xf16, #tpu.memory_space<hbm>> -> memref<128x64xf16, #tpu.memory_space<hbm>>
      %dma_wait3A_1051 = arith.constant 1024 : i32
      %dma_wait3A_1052 = tpu.memref_slice %arg4[%dma_wait3A_1051, %mul3A_500] : memref<4096x12800xf16, #tpu.memory_space<hbm>> -> memref<128x64xf16, #tpu.memory_space<hbm>>
      %dma_wait3A_1053 = arith.constant 0 : i32
      %dma_wait3A_1054 = arith.constant 0 : i32
      %dma_wait3A_1055 = tpu.memref_slice %arg7[%dma_wait3A_1043, %dma_wait3A_1044, %dma_wait3A_1053, %dma_wait3A_1054] : memref<2x8x128x64xf16, #tpu.memory_space<vmem>> -> memref<1x1x128x64xf16, #tpu.memory_space<vmem>>
      %dma_wait3A_1056 = tpu.memref_squeeze %dma_wait3A_1055 : memref<1x1x128x64xf16, #tpu.memory_space<vmem>> -> memref<128x64xf16, #tpu.memory_space<vmem>>
      tpu.wait_dma2 semaphore(%arg9 : memref<!tpu.dma_semaphore, #tpu.memory_space<semaphore_mem>>) src(%dma_wait3A_1056 : memref<128x64xf16, #tpu.memory_space<vmem>>) dst(%dma_wait3A_1052 : memref<128x64xf16, #tpu.memory_space<hbm>>)
      %dma_wait3A_1057 = arith.constant 1 : i32
      %dma_wait3A_1058 = arith.constant 1 : i32
      %dma_wait3A_1059 = arith.constant 0 : i32
      %dma_wait3A_1060 = arith.constant 0 : i32
      %dma_wait3A_1061 = tpu.memref_slice %arg7[%dma_wait3A_1057, %dma_wait3A_1058, %dma_wait3A_1059, %dma_wait3A_1060] : memref<2x8x128x64xf16, #tpu.memory_space<vmem>> -> memref<1x1x128x64xf16, #tpu.memory_space<vmem>>
      %dma_wait3A_1062 = tpu.memref_squeeze %dma_wait3A_1061 : memref<1x1x128x64xf16, #tpu.memory_space<vmem>> -> memref<128x64xf16, #tpu.memory_space<vmem>>
      %dma_wait3A_1063 = arith.constant 1152 : i32
      %dma_wait3A_1064 = tpu.memref_slice %arg4[%dma_wait3A_1063, %mul3A_516] : memref<4096x12800xf16, #tpu.memory_space<hbm>> -> memref<128x64xf16, #tpu.memory_space<hbm>>
      %dma_wait3A_1065 = arith.constant 1152 : i32
      %dma_wait3A_1066 = tpu.memref_slice %arg4[%dma_wait3A_1065, %mul3A_516] : memref<4096x12800xf16, #tpu.memory_space<hbm>> -> memref<128x64xf16, #tpu.memory_space<hbm>>
      %dma_wait3A_1067 = arith.constant 0 : i32
      %dma_wait3A_1068 = arith.constant 0 : i32
      %dma_wait3A_1069 = tpu.memref_slice %arg7[%dma_wait3A_1057, %dma_wait3A_1058, %dma_wait3A_1067, %dma_wait3A_1068] : memref<2x8x128x64xf16, #tpu.memory_space<vmem>> -> memref<1x1x128x64xf16, #tpu.memory_space<vmem>>
      %dma_wait3A_1070 = tpu.memref_squeeze %dma_wait3A_1069 : memref<1x1x128x64xf16, #tpu.memory_space<vmem>> -> memref<128x64xf16, #tpu.memory_space<vmem>>
      tpu.wait_dma2 semaphore(%arg9 : memref<!tpu.dma_semaphore, #tpu.memory_space<semaphore_mem>>) src(%dma_wait3A_1070 : memref<128x64xf16, #tpu.memory_space<vmem>>) dst(%dma_wait3A_1066 : memref<128x64xf16, #tpu.memory_space<hbm>>)
      %dma_wait3A_1071 = arith.constant 1 : i32
      %dma_wait3A_1072 = arith.constant 2 : i32
      %dma_wait3A_1073 = arith.constant 0 : i32
      %dma_wait3A_1074 = arith.constant 0 : i32
      %dma_wait3A_1075 = tpu.memref_slice %arg7[%dma_wait3A_1071, %dma_wait3A_1072, %dma_wait3A_1073, %dma_wait3A_1074] : memref<2x8x128x64xf16, #tpu.memory_space<vmem>> -> memref<1x1x128x64xf16, #tpu.memory_space<vmem>>
      %dma_wait3A_1076 = tpu.memref_squeeze %dma_wait3A_1075 : memref<1x1x128x64xf16, #tpu.memory_space<vmem>> -> memref<128x64xf16, #tpu.memory_space<vmem>>
      %dma_wait3A_1077 = arith.constant 1280 : i32
      %dma_wait3A_1078 = tpu.memref_slice %arg4[%dma_wait3A_1077, %mul3A_532] : memref<4096x12800xf16, #tpu.memory_space<hbm>> -> memref<128x64xf16, #tpu.memory_space<hbm>>
      %dma_wait3A_1079 = arith.constant 1280 : i32
      %dma_wait3A_1080 = tpu.memref_slice %arg4[%dma_wait3A_1079, %mul3A_532] : memref<4096x12800xf16, #tpu.memory_space<hbm>> -> memref<128x64xf16, #tpu.memory_space<hbm>>
      %dma_wait3A_1081 = arith.constant 0 : i32
      %dma_wait3A_1082 = arith.constant 0 : i32
      %dma_wait3A_1083 = tpu.memref_slice %arg7[%dma_wait3A_1071, %dma_wait3A_1072, %dma_wait3A_1081, %dma_wait3A_1082] : memref<2x8x128x64xf16, #tpu.memory_space<vmem>> -> memref<1x1x128x64xf16, #tpu.memory_space<vmem>>
      %dma_wait3A_1084 = tpu.memref_squeeze %dma_wait3A_1083 : memref<1x1x128x64xf16, #tpu.memory_space<vmem>> -> memref<128x64xf16, #tpu.memory_space<vmem>>
      tpu.wait_dma2 semaphore(%arg9 : memref<!tpu.dma_semaphore, #tpu.memory_space<semaphore_mem>>) src(%dma_wait3A_1084 : memref<128x64xf16, #tpu.memory_space<vmem>>) dst(%dma_wait3A_1080 : memref<128x64xf16, #tpu.memory_space<hbm>>)
      %dma_wait3A_1085 = arith.constant 1 : i32
      %dma_wait3A_1086 = arith.constant 3 : i32
      %dma_wait3A_1087 = arith.constant 0 : i32
      %dma_wait3A_1088 = arith.constant 0 : i32
      %dma_wait3A_1089 = tpu.memref_slice %arg7[%dma_wait3A_1085, %dma_wait3A_1086, %dma_wait3A_1087, %dma_wait3A_1088] : memref<2x8x128x64xf16, #tpu.memory_space<vmem>> -> memref<1x1x128x64xf16, #tpu.memory_space<vmem>>
      %dma_wait3A_1090 = tpu.memref_squeeze %dma_wait3A_1089 : memref<1x1x128x64xf16, #tpu.memory_space<vmem>> -> memref<128x64xf16, #tpu.memory_space<vmem>>
      %dma_wait3A_1091 = arith.constant 1408 : i32
      %dma_wait3A_1092 = tpu.memref_slice %arg4[%dma_wait3A_1091, %mul3A_548] : memref<4096x12800xf16, #tpu.memory_space<hbm>> -> memref<128x64xf16, #tpu.memory_space<hbm>>
      %dma_wait3A_1093 = arith.constant 1408 : i32
      %dma_wait3A_1094 = tpu.memref_slice %arg4[%dma_wait3A_1093, %mul3A_548] : memref<4096x12800xf16, #tpu.memory_space<hbm>> -> memref<128x64xf16, #tpu.memory_space<hbm>>
      %dma_wait3A_1095 = arith.constant 0 : i32
      %dma_wait3A_1096 = arith.constant 0 : i32
      %dma_wait3A_1097 = tpu.memref_slice %arg7[%dma_wait3A_1085, %dma_wait3A_1086, %dma_wait3A_1095, %dma_wait3A_1096] : memref<2x8x128x64xf16, #tpu.memory_space<vmem>> -> memref<1x1x128x64xf16, #tpu.memory_space<vmem>>
      %dma_wait3A_1098 = tpu.memref_squeeze %dma_wait3A_1097 : memref<1x1x128x64xf16, #tpu.memory_space<vmem>> -> memref<128x64xf16, #tpu.memory_space<vmem>>
      tpu.wait_dma2 semaphore(%arg9 : memref<!tpu.dma_semaphore, #tpu.memory_space<semaphore_mem>>) src(%dma_wait3A_1098 : memref<128x64xf16, #tpu.memory_space<vmem>>) dst(%dma_wait3A_1094 : memref<128x64xf16, #tpu.memory_space<hbm>>)
      %dma_wait3A_1099 = arith.constant 1 : i32
      %dma_wait3A_1100 = arith.constant 4 : i32
      %dma_wait3A_1101 = arith.constant 0 : i32
      %dma_wait3A_1102 = arith.constant 0 : i32
      %dma_wait3A_1103 = tpu.memref_slice %arg7[%dma_wait3A_1099, %dma_wait3A_1100, %dma_wait3A_1101, %dma_wait3A_1102] : memref<2x8x128x64xf16, #tpu.memory_space<vmem>> -> memref<1x1x128x64xf16, #tpu.memory_space<vmem>>
      %dma_wait3A_1104 = tpu.memref_squeeze %dma_wait3A_1103 : memref<1x1x128x64xf16, #tpu.memory_space<vmem>> -> memref<128x64xf16, #tpu.memory_space<vmem>>
      %dma_wait3A_1105 = arith.constant 1536 : i32
      %dma_wait3A_1106 = tpu.memref_slice %arg4[%dma_wait3A_1105, %mul3A_564] : memref<4096x12800xf16, #tpu.memory_space<hbm>> -> memref<128x64xf16, #tpu.memory_space<hbm>>
      %dma_wait3A_1107 = arith.constant 1536 : i32
      %dma_wait3A_1108 = tpu.memref_slice %arg4[%dma_wait3A_1107, %mul3A_564] : memref<4096x12800xf16, #tpu.memory_space<hbm>> -> memref<128x64xf16, #tpu.memory_space<hbm>>
      %dma_wait3A_1109 = arith.constant 0 : i32
      %dma_wait3A_1110 = arith.constant 0 : i32
      %dma_wait3A_1111 = tpu.memref_slice %arg7[%dma_wait3A_1099, %dma_wait3A_1100, %dma_wait3A_1109, %dma_wait3A_1110] : memref<2x8x128x64xf16, #tpu.memory_space<vmem>> -> memref<1x1x128x64xf16, #tpu.memory_space<vmem>>
      %dma_wait3A_1112 = tpu.memref_squeeze %dma_wait3A_1111 : memref<1x1x128x64xf16, #tpu.memory_space<vmem>> -> memref<128x64xf16, #tpu.memory_space<vmem>>
      tpu.wait_dma2 semaphore(%arg9 : memref<!tpu.dma_semaphore, #tpu.memory_space<semaphore_mem>>) src(%dma_wait3A_1112 : memref<128x64xf16, #tpu.memory_space<vmem>>) dst(%dma_wait3A_1108 : memref<128x64xf16, #tpu.memory_space<hbm>>)
      %dma_wait3A_1113 = arith.constant 1 : i32
      %dma_wait3A_1114 = arith.constant 5 : i32
      %dma_wait3A_1115 = arith.constant 0 : i32
      %dma_wait3A_1116 = arith.constant 0 : i32
      %dma_wait3A_1117 = tpu.memref_slice %arg7[%dma_wait3A_1113, %dma_wait3A_1114, %dma_wait3A_1115, %dma_wait3A_1116] : memref<2x8x128x64xf16, #tpu.memory_space<vmem>> -> memref<1x1x128x64xf16, #tpu.memory_space<vmem>>
      %dma_wait3A_1118 = tpu.memref_squeeze %dma_wait3A_1117 : memref<1x1x128x64xf16, #tpu.memory_space<vmem>> -> memref<128x64xf16, #tpu.memory_space<vmem>>
      %dma_wait3A_1119 = arith.constant 1664 : i32
      %dma_wait3A_1120 = tpu.memref_slice %arg4[%dma_wait3A_1119, %mul3A_580] : memref<4096x12800xf16, #tpu.memory_space<hbm>> -> memref<128x64xf16, #tpu.memory_space<hbm>>
      %dma_wait3A_1121 = arith.constant 1664 : i32
      %dma_wait3A_1122 = tpu.memref_slice %arg4[%dma_wait3A_1121, %mul3A_580] : memref<4096x12800xf16, #tpu.memory_space<hbm>> -> memref<128x64xf16, #tpu.memory_space<hbm>>
      %dma_wait3A_1123 = arith.constant 0 : i32
      %dma_wait3A_1124 = arith.constant 0 : i32
      %dma_wait3A_1125 = tpu.memref_slice %arg7[%dma_wait3A_1113, %dma_wait3A_1114, %dma_wait3A_1123, %dma_wait3A_1124] : memref<2x8x128x64xf16, #tpu.memory_space<vmem>> -> memref<1x1x128x64xf16, #tpu.memory_space<vmem>>
      %dma_wait3A_1126 = tpu.memref_squeeze %dma_wait3A_1125 : memref<1x1x128x64xf16, #tpu.memory_space<vmem>> -> memref<128x64xf16, #tpu.memory_space<vmem>>
      tpu.wait_dma2 semaphore(%arg9 : memref<!tpu.dma_semaphore, #tpu.memory_space<semaphore_mem>>) src(%dma_wait3A_1126 : memref<128x64xf16, #tpu.memory_space<vmem>>) dst(%dma_wait3A_1122 : memref<128x64xf16, #tpu.memory_space<hbm>>)
      %dma_wait3A_1127 = arith.constant 1 : i32
      %dma_wait3A_1128 = arith.constant 6 : i32
      %dma_wait3A_1129 = arith.constant 0 : i32
      %dma_wait3A_1130 = arith.constant 0 : i32
      %dma_wait3A_1131 = tpu.memref_slice %arg7[%dma_wait3A_1127, %dma_wait3A_1128, %dma_wait3A_1129, %dma_wait3A_1130] : memref<2x8x128x64xf16, #tpu.memory_space<vmem>> -> memref<1x1x128x64xf16, #tpu.memory_space<vmem>>
      %dma_wait3A_1132 = tpu.memref_squeeze %dma_wait3A_1131 : memref<1x1x128x64xf16, #tpu.memory_space<vmem>> -> memref<128x64xf16, #tpu.memory_space<vmem>>
      %dma_wait3A_1133 = arith.constant 1792 : i32
      %dma_wait3A_1134 = tpu.memref_slice %arg4[%dma_wait3A_1133, %mul3A_596] : memref<4096x12800xf16, #tpu.memory_space<hbm>> -> memref<128x64xf16, #tpu.memory_space<hbm>>
      %dma_wait3A_1135 = arith.constant 1792 : i32
      %dma_wait3A_1136 = tpu.memref_slice %arg4[%dma_wait3A_1135, %mul3A_596] : memref<4096x12800xf16, #tpu.memory_space<hbm>> -> memref<128x64xf16, #tpu.memory_space<hbm>>
      %dma_wait3A_1137 = arith.constant 0 : i32
      %dma_wait3A_1138 = arith.constant 0 : i32
      %dma_wait3A_1139 = tpu.memref_slice %arg7[%dma_wait3A_1127, %dma_wait3A_1128, %dma_wait3A_1137, %dma_wait3A_1138] : memref<2x8x128x64xf16, #tpu.memory_space<vmem>> -> memref<1x1x128x64xf16, #tpu.memory_space<vmem>>
      %dma_wait3A_1140 = tpu.memref_squeeze %dma_wait3A_1139 : memref<1x1x128x64xf16, #tpu.memory_space<vmem>> -> memref<128x64xf16, #tpu.memory_space<vmem>>
      tpu.wait_dma2 semaphore(%arg9 : memref<!tpu.dma_semaphore, #tpu.memory_space<semaphore_mem>>) src(%dma_wait3A_1140 : memref<128x64xf16, #tpu.memory_space<vmem>>) dst(%dma_wait3A_1136 : memref<128x64xf16, #tpu.memory_space<hbm>>)
      %dma_wait3A_1141 = arith.constant 1 : i32
      %dma_wait3A_1142 = arith.constant 7 : i32
      %dma_wait3A_1143 = arith.constant 0 : i32
      %dma_wait3A_1144 = arith.constant 0 : i32
      %dma_wait3A_1145 = tpu.memref_slice %arg7[%dma_wait3A_1141, %dma_wait3A_1142, %dma_wait3A_1143, %dma_wait3A_1144] : memref<2x8x128x64xf16, #tpu.memory_space<vmem>> -> memref<1x1x128x64xf16, #tpu.memory_space<vmem>>
      %dma_wait3A_1146 = tpu.memref_squeeze %dma_wait3A_1145 : memref<1x1x128x64xf16, #tpu.memory_space<vmem>> -> memref<128x64xf16, #tpu.memory_space<vmem>>
      %dma_wait3A_1147 = arith.constant 1920 : i32
      %dma_wait3A_1148 = tpu.memref_slice %arg4[%dma_wait3A_1147, %mul3A_612] : memref<4096x12800xf16, #tpu.memory_space<hbm>> -> memref<128x64xf16, #tpu.memory_space<hbm>>
      %dma_wait3A_1149 = arith.constant 1920 : i32
      %dma_wait3A_1150 = tpu.memref_slice %arg4[%dma_wait3A_1149, %mul3A_612] : memref<4096x12800xf16, #tpu.memory_space<hbm>> -> memref<128x64xf16, #tpu.memory_space<hbm>>
      %dma_wait3A_1151 = arith.constant 0 : i32
      %dma_wait3A_1152 = arith.constant 0 : i32
      %dma_wait3A_1153 = tpu.memref_slice %arg7[%dma_wait3A_1141, %dma_wait3A_1142, %dma_wait3A_1151, %dma_wait3A_1152] : memref<2x8x128x64xf16, #tpu.memory_space<vmem>> -> memref<1x1x128x64xf16, #tpu.memory_space<vmem>>
      %dma_wait3A_1154 = tpu.memref_squeeze %dma_wait3A_1153 : memref<1x1x128x64xf16, #tpu.memory_space<vmem>> -> memref<128x64xf16, #tpu.memory_space<vmem>>
      tpu.wait_dma2 semaphore(%arg9 : memref<!tpu.dma_semaphore, #tpu.memory_space<semaphore_mem>>) src(%dma_wait3A_1154 : memref<128x64xf16, #tpu.memory_space<vmem>>) dst(%dma_wait3A_1150 : memref<128x64xf16, #tpu.memory_space<hbm>>)
      %dma_start3A_1155 = arith.constant 1 : i32
      %dma_start3A_1156 = arith.constant 0 : i32
      %dma_start3A_1157 = arith.constant 0 : i32
      %dma_start3A_1158 = arith.constant 0 : i32
      %dma_start3A_1159 = tpu.memref_slice %arg7[%dma_start3A_1155, %dma_start3A_1156, %dma_start3A_1157, %dma_start3A_1158] : memref<2x8x128x64xf16, #tpu.memory_space<vmem>> -> memref<1x1x128x64xf16, #tpu.memory_space<vmem>>
      %dma_start3A_1160 = tpu.memref_squeeze %dma_start3A_1159 : memref<1x1x128x64xf16, #tpu.memory_space<vmem>> -> memref<128x64xf16, #tpu.memory_space<vmem>>
      %dma_start3A_1161 = arith.constant 3072 : i32
      %dma_start3A_1162 = tpu.memref_slice %arg6[%dma_start3A_1161] : memref<4096xi32, #tpu.memory_space<vmem>> -> memref<128xi32, #tpu.memory_space<vmem>>
      %dma_start3A_1163 = arith.constant 0 : i32
      %dma_start3A_1164 = arith.constant 0 : i32
      %dma_start3A_1165 = tpu.memref_slice %arg3[%dma_start3A_1163, %dma_start3A_1164] : memref<1000000x64xf16, #tpu.memory_space<hbm>> -> memref<1000000x64xf16, #tpu.memory_space<hbm>>
      tpu.enqueue_indirect_dma source(%dma_start3A_1165 : memref<1000000x64xf16, #tpu.memory_space<hbm>>) target(%dma_start3A_1160 : memref<128x64xf16, #tpu.memory_space<vmem>>) offsets(%dma_start3A_1162 : memref<128xi32, #tpu.memory_space<vmem>>) semaphore(%arg8 : memref<!tpu.dma_semaphore, #tpu.memory_space<semaphore_mem>>)
      %dma_start3A_1166 = arith.constant 1 : i32
      %dma_start3A_1167 = arith.constant 1 : i32
      %dma_start3A_1168 = arith.constant 0 : i32
      %dma_start3A_1169 = arith.constant 0 : i32
      %dma_start3A_1170 = tpu.memref_slice %arg7[%dma_start3A_1166, %dma_start3A_1167, %dma_start3A_1168, %dma_start3A_1169] : memref<2x8x128x64xf16, #tpu.memory_space<vmem>> -> memref<1x1x128x64xf16, #tpu.memory_space<vmem>>
      %dma_start3A_1171 = tpu.memref_squeeze %dma_start3A_1170 : memref<1x1x128x64xf16, #tpu.memory_space<vmem>> -> memref<128x64xf16, #tpu.memory_space<vmem>>
      %dma_start3A_1172 = arith.constant 3200 : i32
      %dma_start3A_1173 = tpu.memref_slice %arg6[%dma_start3A_1172] : memref<4096xi32, #tpu.memory_space<vmem>> -> memref<128xi32, #tpu.memory_space<vmem>>
      %dma_start3A_1174 = arith.constant 0 : i32
      %dma_start3A_1175 = arith.constant 0 : i32
      %dma_start3A_1176 = tpu.memref_slice %arg3[%dma_start3A_1174, %dma_start3A_1175] : memref<1000000x64xf16, #tpu.memory_space<hbm>> -> memref<1000000x64xf16, #tpu.memory_space<hbm>>
      tpu.enqueue_indirect_dma source(%dma_start3A_1176 : memref<1000000x64xf16, #tpu.memory_space<hbm>>) target(%dma_start3A_1171 : memref<128x64xf16, #tpu.memory_space<vmem>>) offsets(%dma_start3A_1173 : memref<128xi32, #tpu.memory_space<vmem>>) semaphore(%arg8 : memref<!tpu.dma_semaphore, #tpu.memory_space<semaphore_mem>>)
      %dma_start3A_1177 = arith.constant 1 : i32
      %dma_start3A_1178 = arith.constant 2 : i32
      %dma_start3A_1179 = arith.constant 0 : i32
      %dma_start3A_1180 = arith.constant 0 : i32
      %dma_start3A_1181 = tpu.memref_slice %arg7[%dma_start3A_1177, %dma_start3A_1178, %dma_start3A_1179, %dma_start3A_1180] : memref<2x8x128x64xf16, #tpu.memory_space<vmem>> -> memref<1x1x128x64xf16, #tpu.memory_space<vmem>>
      %dma_start3A_1182 = tpu.memref_squeeze %dma_start3A_1181 : memref<1x1x128x64xf16, #tpu.memory_space<vmem>> -> memref<128x64xf16, #tpu.memory_space<vmem>>
      %dma_start3A_1183 = arith.constant 3328 : i32
      %dma_start3A_1184 = tpu.memref_slice %arg6[%dma_start3A_1183] : memref<4096xi32, #tpu.memory_space<vmem>> -> memref<128xi32, #tpu.memory_space<vmem>>
      %dma_start3A_1185 = arith.constant 0 : i32
      %dma_start3A_1186 = arith.constant 0 : i32
      %dma_start3A_1187 = tpu.memref_slice %arg3[%dma_start3A_1185, %dma_start3A_1186] : memref<1000000x64xf16, #tpu.memory_space<hbm>> -> memref<1000000x64xf16, #tpu.memory_space<hbm>>
      tpu.enqueue_indirect_dma source(%dma_start3A_1187 : memref<1000000x64xf16, #tpu.memory_space<hbm>>) target(%dma_start3A_1182 : memref<128x64xf16, #tpu.memory_space<vmem>>) offsets(%dma_start3A_1184 : memref<128xi32, #tpu.memory_space<vmem>>) semaphore(%arg8 : memref<!tpu.dma_semaphore, #tpu.memory_space<semaphore_mem>>)
      %dma_start3A_1188 = arith.constant 1 : i32
      %dma_start3A_1189 = arith.constant 3 : i32
      %dma_start3A_1190 = arith.constant 0 : i32
      %dma_start3A_1191 = arith.constant 0 : i32
      %dma_start3A_1192 = tpu.memref_slice %arg7[%dma_start3A_1188, %dma_start3A_1189, %dma_start3A_1190, %dma_start3A_1191] : memref<2x8x128x64xf16, #tpu.memory_space<vmem>> -> memref<1x1x128x64xf16, #tpu.memory_space<vmem>>
      %dma_start3A_1193 = tpu.memref_squeeze %dma_start3A_1192 : memref<1x1x128x64xf16, #tpu.memory_space<vmem>> -> memref<128x64xf16, #tpu.memory_space<vmem>>
      %dma_start3A_1194 = arith.constant 3456 : i32
      %dma_start3A_1195 = tpu.memref_slice %arg6[%dma_start3A_1194] : memref<4096xi32, #tpu.memory_space<vmem>> -> memref<128xi32, #tpu.memory_space<vmem>>
      %dma_start3A_1196 = arith.constant 0 : i32
      %dma_start3A_1197 = arith.constant 0 : i32
      %dma_start3A_1198 = tpu.memref_slice %arg3[%dma_start3A_1196, %dma_start3A_1197] : memref<1000000x64xf16, #tpu.memory_space<hbm>> -> memref<1000000x64xf16, #tpu.memory_space<hbm>>
      tpu.enqueue_indirect_dma source(%dma_start3A_1198 : memref<1000000x64xf16, #tpu.memory_space<hbm>>) target(%dma_start3A_1193 : memref<128x64xf16, #tpu.memory_space<vmem>>) offsets(%dma_start3A_1195 : memref<128xi32, #tpu.memory_space<vmem>>) semaphore(%arg8 : memref<!tpu.dma_semaphore, #tpu.memory_space<semaphore_mem>>)
      %dma_start3A_1199 = arith.constant 1 : i32
      %dma_start3A_1200 = arith.constant 4 : i32
      %dma_start3A_1201 = arith.constant 0 : i32
      %dma_start3A_1202 = arith.constant 0 : i32
      %dma_start3A_1203 = tpu.memref_slice %arg7[%dma_start3A_1199, %dma_start3A_1200, %dma_start3A_1201, %dma_start3A_1202] : memref<2x8x128x64xf16, #tpu.memory_space<vmem>> -> memref<1x1x128x64xf16, #tpu.memory_space<vmem>>
      %dma_start3A_1204 = tpu.memref_squeeze %dma_start3A_1203 : memref<1x1x128x64xf16, #tpu.memory_space<vmem>> -> memref<128x64xf16, #tpu.memory_space<vmem>>
      %dma_start3A_1205 = arith.constant 3584 : i32
      %dma_start3A_1206 = tpu.memref_slice %arg6[%dma_start3A_1205] : memref<4096xi32, #tpu.memory_space<vmem>> -> memref<128xi32, #tpu.memory_space<vmem>>
      %dma_start3A_1207 = arith.constant 0 : i32
      %dma_start3A_1208 = arith.constant 0 : i32
      %dma_start3A_1209 = tpu.memref_slice %arg3[%dma_start3A_1207, %dma_start3A_1208] : memref<1000000x64xf16, #tpu.memory_space<hbm>> -> memref<1000000x64xf16, #tpu.memory_space<hbm>>
      tpu.enqueue_indirect_dma source(%dma_start3A_1209 : memref<1000000x64xf16, #tpu.memory_space<hbm>>) target(%dma_start3A_1204 : memref<128x64xf16, #tpu.memory_space<vmem>>) offsets(%dma_start3A_1206 : memref<128xi32, #tpu.memory_space<vmem>>) semaphore(%arg8 : memref<!tpu.dma_semaphore, #tpu.memory_space<semaphore_mem>>)
      %dma_start3A_1210 = arith.constant 1 : i32
      %dma_start3A_1211 = arith.constant 5 : i32
      %dma_start3A_1212 = arith.constant 0 : i32
      %dma_start3A_1213 = arith.constant 0 : i32
      %dma_start3A_1214 = tpu.memref_slice %arg7[%dma_start3A_1210, %dma_start3A_1211, %dma_start3A_1212, %dma_start3A_1213] : memref<2x8x128x64xf16, #tpu.memory_space<vmem>> -> memref<1x1x128x64xf16, #tpu.memory_space<vmem>>
      %dma_start3A_1215 = tpu.memref_squeeze %dma_start3A_1214 : memref<1x1x128x64xf16, #tpu.memory_space<vmem>> -> memref<128x64xf16, #tpu.memory_space<vmem>>
      %dma_start3A_1216 = arith.constant 3712 : i32
      %dma_start3A_1217 = tpu.memref_slice %arg6[%dma_start3A_1216] : memref<4096xi32, #tpu.memory_space<vmem>> -> memref<128xi32, #tpu.memory_space<vmem>>
      %dma_start3A_1218 = arith.constant 0 : i32
      %dma_start3A_1219 = arith.constant 0 : i32
      %dma_start3A_1220 = tpu.memref_slice %arg3[%dma_start3A_1218, %dma_start3A_1219] : memref<1000000x64xf16, #tpu.memory_space<hbm>> -> memref<1000000x64xf16, #tpu.memory_space<hbm>>
      tpu.enqueue_indirect_dma source(%dma_start3A_1220 : memref<1000000x64xf16, #tpu.memory_space<hbm>>) target(%dma_start3A_1215 : memref<128x64xf16, #tpu.memory_space<vmem>>) offsets(%dma_start3A_1217 : memref<128xi32, #tpu.memory_space<vmem>>) semaphore(%arg8 : memref<!tpu.dma_semaphore, #tpu.memory_space<semaphore_mem>>)
      %dma_start3A_1221 = arith.constant 1 : i32
      %dma_start3A_1222 = arith.constant 6 : i32
      %dma_start3A_1223 = arith.constant 0 : i32
      %dma_start3A_1224 = arith.constant 0 : i32
      %dma_start3A_1225 = tpu.memref_slice %arg7[%dma_start3A_1221, %dma_start3A_1222, %dma_start3A_1223, %dma_start3A_1224] : memref<2x8x128x64xf16, #tpu.memory_space<vmem>> -> memref<1x1x128x64xf16, #tpu.memory_space<vmem>>
      %dma_start3A_1226 = tpu.memref_squeeze %dma_start3A_1225 : memref<1x1x128x64xf16, #tpu.memory_space<vmem>> -> memref<128x64xf16, #tpu.memory_space<vmem>>
      %dma_start3A_1227 = arith.constant 3840 : i32
      %dma_start3A_1228 = tpu.memref_slice %arg6[%dma_start3A_1227] : memref<4096xi32, #tpu.memory_space<vmem>> -> memref<128xi32, #tpu.memory_space<vmem>>
      %dma_start3A_1229 = arith.constant 0 : i32
      %dma_start3A_1230 = arith.constant 0 : i32
      %dma_start3A_1231 = tpu.memref_slice %arg3[%dma_start3A_1229, %dma_start3A_1230] : memref<1000000x64xf16, #tpu.memory_space<hbm>> -> memref<1000000x64xf16, #tpu.memory_space<hbm>>
      tpu.enqueue_indirect_dma source(%dma_start3A_1231 : memref<1000000x64xf16, #tpu.memory_space<hbm>>) target(%dma_start3A_1226 : memref<128x64xf16, #tpu.memory_space<vmem>>) offsets(%dma_start3A_1228 : memref<128xi32, #tpu.memory_space<vmem>>) semaphore(%arg8 : memref<!tpu.dma_semaphore, #tpu.memory_space<semaphore_mem>>)
      %dma_start3A_1232 = arith.constant 1 : i32
      %dma_start3A_1233 = arith.constant 7 : i32
      %dma_start3A_1234 = arith.constant 0 : i32
      %dma_start3A_1235 = arith.constant 0 : i32
      %dma_start3A_1236 = tpu.memref_slice %arg7[%dma_start3A_1232, %dma_start3A_1233, %dma_start3A_1234, %dma_start3A_1235] : memref<2x8x128x64xf16, #tpu.memory_space<vmem>> -> memref<1x1x128x64xf16, #tpu.memory_space<vmem>>
      %dma_start3A_1237 = tpu.memref_squeeze %dma_start3A_1236 : memref<1x1x128x64xf16, #tpu.memory_space<vmem>> -> memref<128x64xf16, #tpu.memory_space<vmem>>
      %dma_start3A_1238 = arith.constant 3968 : i32
      %dma_start3A_1239 = tpu.memref_slice %arg6[%dma_start3A_1238] : memref<4096xi32, #tpu.memory_space<vmem>> -> memref<128xi32, #tpu.memory_space<vmem>>
      %dma_start3A_1240 = arith.constant 0 : i32
      %dma_start3A_1241 = arith.constant 0 : i32
      %dma_start3A_1242 = tpu.memref_slice %arg3[%dma_start3A_1240, %dma_start3A_1241] : memref<1000000x64xf16, #tpu.memory_space<hbm>> -> memref<1000000x64xf16, #tpu.memory_space<hbm>>
      tpu.enqueue_indirect_dma source(%dma_start3A_1242 : memref<1000000x64xf16, #tpu.memory_space<hbm>>) target(%dma_start3A_1237 : memref<128x64xf16, #tpu.memory_space<vmem>>) offsets(%dma_start3A_1239 : memref<128xi32, #tpu.memory_space<vmem>>) semaphore(%arg8 : memref<!tpu.dma_semaphore, #tpu.memory_space<semaphore_mem>>)
      %dma_wait3A_1243 = arith.constant 1 : i32
      %dma_wait3A_1244 = arith.constant 0 : i32
      %dma_wait3A_1245 = arith.constant 0 : i32
      %dma_wait3A_1246 = arith.constant 0 : i32
      %dma_wait3A_1247 = tpu.memref_slice %arg7[%dma_wait3A_1243, %dma_wait3A_1244, %dma_wait3A_1245, %dma_wait3A_1246] : memref<2x8x128x64xf16, #tpu.memory_space<vmem>> -> memref<1x1x128x64xf16, #tpu.memory_space<vmem>>
      %dma_wait3A_1248 = tpu.memref_squeeze %dma_wait3A_1247 : memref<1x1x128x64xf16, #tpu.memory_space<vmem>> -> memref<128x64xf16, #tpu.memory_space<vmem>>
      %dma_wait3A_1249 = arith.constant 3072 : i32
      %dma_wait3A_1250 = tpu.memref_slice %arg6[%dma_wait3A_1249] : memref<4096xi32, #tpu.memory_space<vmem>> -> memref<128xi32, #tpu.memory_space<vmem>>
      %dma_wait3A_1251 = arith.constant 0 : i32
      %dma_wait3A_1252 = arith.constant 0 : i32
      %dma_wait3A_1253 = tpu.memref_slice %arg3[%dma_wait3A_1251, %dma_wait3A_1252] : memref<1000000x64xf16, #tpu.memory_space<hbm>> -> memref<1000000x64xf16, #tpu.memory_space<hbm>>
      tpu.wait_indirect_dma semaphore(%arg8 : memref<!tpu.dma_semaphore, #tpu.memory_space<semaphore_mem>>) src(%dma_wait3A_1253 : memref<1000000x64xf16, #tpu.memory_space<hbm>>) dst(%dma_wait3A_1248 : memref<128x64xf16, #tpu.memory_space<vmem>>)
      %dma_wait3A_1254 = arith.constant 1 : i32
      %dma_wait3A_1255 = arith.constant 1 : i32
      %dma_wait3A_1256 = arith.constant 0 : i32
      %dma_wait3A_1257 = arith.constant 0 : i32
      %dma_wait3A_1258 = tpu.memref_slice %arg7[%dma_wait3A_1254, %dma_wait3A_1255, %dma_wait3A_1256, %dma_wait3A_1257] : memref<2x8x128x64xf16, #tpu.memory_space<vmem>> -> memref<1x1x128x64xf16, #tpu.memory_space<vmem>>
      %dma_wait3A_1259 = tpu.memref_squeeze %dma_wait3A_1258 : memref<1x1x128x64xf16, #tpu.memory_space<vmem>> -> memref<128x64xf16, #tpu.memory_space<vmem>>
      %dma_wait3A_1260 = arith.constant 3200 : i32
      %dma_wait3A_1261 = tpu.memref_slice %arg6[%dma_wait3A_1260] : memref<4096xi32, #tpu.memory_space<vmem>> -> memref<128xi32, #tpu.memory_space<vmem>>
      %dma_wait3A_1262 = arith.constant 0 : i32
      %dma_wait3A_1263 = arith.constant 0 : i32
      %dma_wait3A_1264 = tpu.memref_slice %arg3[%dma_wait3A_1262, %dma_wait3A_1263] : memref<1000000x64xf16, #tpu.memory_space<hbm>> -> memref<1000000x64xf16, #tpu.memory_space<hbm>>
      tpu.wait_indirect_dma semaphore(%arg8 : memref<!tpu.dma_semaphore, #tpu.memory_space<semaphore_mem>>) src(%dma_wait3A_1264 : memref<1000000x64xf16, #tpu.memory_space<hbm>>) dst(%dma_wait3A_1259 : memref<128x64xf16, #tpu.memory_space<vmem>>)
      %dma_wait3A_1265 = arith.constant 1 : i32
      %dma_wait3A_1266 = arith.constant 2 : i32
      %dma_wait3A_1267 = arith.constant 0 : i32
      %dma_wait3A_1268 = arith.constant 0 : i32
      %dma_wait3A_1269 = tpu.memref_slice %arg7[%dma_wait3A_1265, %dma_wait3A_1266, %dma_wait3A_1267, %dma_wait3A_1268] : memref<2x8x128x64xf16, #tpu.memory_space<vmem>> -> memref<1x1x128x64xf16, #tpu.memory_space<vmem>>
      %dma_wait3A_1270 = tpu.memref_squeeze %dma_wait3A_1269 : memref<1x1x128x64xf16, #tpu.memory_space<vmem>> -> memref<128x64xf16, #tpu.memory_space<vmem>>
      %dma_wait3A_1271 = arith.constant 3328 : i32
      %dma_wait3A_1272 = tpu.memref_slice %arg6[%dma_wait3A_1271] : memref<4096xi32, #tpu.memory_space<vmem>> -> memref<128xi32, #tpu.memory_space<vmem>>
      %dma_wait3A_1273 = arith.constant 0 : i32
      %dma_wait3A_1274 = arith.constant 0 : i32
      %dma_wait3A_1275 = tpu.memref_slice %arg3[%dma_wait3A_1273, %dma_wait3A_1274] : memref<1000000x64xf16, #tpu.memory_space<hbm>> -> memref<1000000x64xf16, #tpu.memory_space<hbm>>
      tpu.wait_indirect_dma semaphore(%arg8 : memref<!tpu.dma_semaphore, #tpu.memory_space<semaphore_mem>>) src(%dma_wait3A_1275 : memref<1000000x64xf16, #tpu.memory_space<hbm>>) dst(%dma_wait3A_1270 : memref<128x64xf16, #tpu.memory_space<vmem>>)
      %dma_wait3A_1276 = arith.constant 1 : i32
      %dma_wait3A_1277 = arith.constant 3 : i32
      %dma_wait3A_1278 = arith.constant 0 : i32
      %dma_wait3A_1279 = arith.constant 0 : i32
      %dma_wait3A_1280 = tpu.memref_slice %arg7[%dma_wait3A_1276, %dma_wait3A_1277, %dma_wait3A_1278, %dma_wait3A_1279] : memref<2x8x128x64xf16, #tpu.memory_space<vmem>> -> memref<1x1x128x64xf16, #tpu.memory_space<vmem>>
      %dma_wait3A_1281 = tpu.memref_squeeze %dma_wait3A_1280 : memref<1x1x128x64xf16, #tpu.memory_space<vmem>> -> memref<128x64xf16, #tpu.memory_space<vmem>>
      %dma_wait3A_1282 = arith.constant 3456 : i32
      %dma_wait3A_1283 = tpu.memref_slice %arg6[%dma_wait3A_1282] : memref<4096xi32, #tpu.memory_space<vmem>> -> memref<128xi32, #tpu.memory_space<vmem>>
      %dma_wait3A_1284 = arith.constant 0 : i32
      %dma_wait3A_1285 = arith.constant 0 : i32
      %dma_wait3A_1286 = tpu.memref_slice %arg3[%dma_wait3A_1284, %dma_wait3A_1285] : memref<1000000x64xf16, #tpu.memory_space<hbm>> -> memref<1000000x64xf16, #tpu.memory_space<hbm>>
      tpu.wait_indirect_dma semaphore(%arg8 : memref<!tpu.dma_semaphore, #tpu.memory_space<semaphore_mem>>) src(%dma_wait3A_1286 : memref<1000000x64xf16, #tpu.memory_space<hbm>>) dst(%dma_wait3A_1281 : memref<128x64xf16, #tpu.memory_space<vmem>>)
      %dma_wait3A_1287 = arith.constant 1 : i32
      %dma_wait3A_1288 = arith.constant 4 : i32
      %dma_wait3A_1289 = arith.constant 0 : i32
      %dma_wait3A_1290 = arith.constant 0 : i32
      %dma_wait3A_1291 = tpu.memref_slice %arg7[%dma_wait3A_1287, %dma_wait3A_1288, %dma_wait3A_1289, %dma_wait3A_1290] : memref<2x8x128x64xf16, #tpu.memory_space<vmem>> -> memref<1x1x128x64xf16, #tpu.memory_space<vmem>>
      %dma_wait3A_1292 = tpu.memref_squeeze %dma_wait3A_1291 : memref<1x1x128x64xf16, #tpu.memory_space<vmem>> -> memref<128x64xf16, #tpu.memory_space<vmem>>
      %dma_wait3A_1293 = arith.constant 3584 : i32
      %dma_wait3A_1294 = tpu.memref_slice %arg6[%dma_wait3A_1293] : memref<4096xi32, #tpu.memory_space<vmem>> -> memref<128xi32, #tpu.memory_space<vmem>>
      %dma_wait3A_1295 = arith.constant 0 : i32
      %dma_wait3A_1296 = arith.constant 0 : i32
      %dma_wait3A_1297 = tpu.memref_slice %arg3[%dma_wait3A_1295, %dma_wait3A_1296] : memref<1000000x64xf16, #tpu.memory_space<hbm>> -> memref<1000000x64xf16, #tpu.memory_space<hbm>>
      tpu.wait_indirect_dma semaphore(%arg8 : memref<!tpu.dma_semaphore, #tpu.memory_space<semaphore_mem>>) src(%dma_wait3A_1297 : memref<1000000x64xf16, #tpu.memory_space<hbm>>) dst(%dma_wait3A_1292 : memref<128x64xf16, #tpu.memory_space<vmem>>)
      %dma_wait3A_1298 = arith.constant 1 : i32
      %dma_wait3A_1299 = arith.constant 5 : i32
      %dma_wait3A_1300 = arith.constant 0 : i32
      %dma_wait3A_1301 = arith.constant 0 : i32
      %dma_wait3A_1302 = tpu.memref_slice %arg7[%dma_wait3A_1298, %dma_wait3A_1299, %dma_wait3A_1300, %dma_wait3A_1301] : memref<2x8x128x64xf16, #tpu.memory_space<vmem>> -> memref<1x1x128x64xf16, #tpu.memory_space<vmem>>
      %dma_wait3A_1303 = tpu.memref_squeeze %dma_wait3A_1302 : memref<1x1x128x64xf16, #tpu.memory_space<vmem>> -> memref<128x64xf16, #tpu.memory_space<vmem>>
      %dma_wait3A_1304 = arith.constant 3712 : i32
      %dma_wait3A_1305 = tpu.memref_slice %arg6[%dma_wait3A_1304] : memref<4096xi32, #tpu.memory_space<vmem>> -> memref<128xi32, #tpu.memory_space<vmem>>
      %dma_wait3A_1306 = arith.constant 0 : i32
      %dma_wait3A_1307 = arith.constant 0 : i32
      %dma_wait3A_1308 = tpu.memref_slice %arg3[%dma_wait3A_1306, %dma_wait3A_1307] : memref<1000000x64xf16, #tpu.memory_space<hbm>> -> memref<1000000x64xf16, #tpu.memory_space<hbm>>
      tpu.wait_indirect_dma semaphore(%arg8 : memref<!tpu.dma_semaphore, #tpu.memory_space<semaphore_mem>>) src(%dma_wait3A_1308 : memref<1000000x64xf16, #tpu.memory_space<hbm>>) dst(%dma_wait3A_1303 : memref<128x64xf16, #tpu.memory_space<vmem>>)
      %dma_wait3A_1309 = arith.constant 1 : i32
      %dma_wait3A_1310 = arith.constant 6 : i32
      %dma_wait3A_1311 = arith.constant 0 : i32
      %dma_wait3A_1312 = arith.constant 0 : i32
      %dma_wait3A_1313 = tpu.memref_slice %arg7[%dma_wait3A_1309, %dma_wait3A_1310, %dma_wait3A_1311, %dma_wait3A_1312] : memref<2x8x128x64xf16, #tpu.memory_space<vmem>> -> memref<1x1x128x64xf16, #tpu.memory_space<vmem>>
      %dma_wait3A_1314 = tpu.memref_squeeze %dma_wait3A_1313 : memref<1x1x128x64xf16, #tpu.memory_space<vmem>> -> memref<128x64xf16, #tpu.memory_space<vmem>>
      %dma_wait3A_1315 = arith.constant 3840 : i32
      %dma_wait3A_1316 = tpu.memref_slice %arg6[%dma_wait3A_1315] : memref<4096xi32, #tpu.memory_space<vmem>> -> memref<128xi32, #tpu.memory_space<vmem>>
      %dma_wait3A_1317 = arith.constant 0 : i32
      %dma_wait3A_1318 = arith.constant 0 : i32
      %dma_wait3A_1319 = tpu.memref_slice %arg3[%dma_wait3A_1317, %dma_wait3A_1318] : memref<1000000x64xf16, #tpu.memory_space<hbm>> -> memref<1000000x64xf16, #tpu.memory_space<hbm>>
      tpu.wait_indirect_dma semaphore(%arg8 : memref<!tpu.dma_semaphore, #tpu.memory_space<semaphore_mem>>) src(%dma_wait3A_1319 : memref<1000000x64xf16, #tpu.memory_space<hbm>>) dst(%dma_wait3A_1314 : memref<128x64xf16, #tpu.memory_space<vmem>>)
      %dma_wait3A_1320 = arith.constant 1 : i32
      %dma_wait3A_1321 = arith.constant 7 : i32
      %dma_wait3A_1322 = arith.constant 0 : i32
      %dma_wait3A_1323 = arith.constant 0 : i32
      %dma_wait3A_1324 = tpu.memref_slice %arg7[%dma_wait3A_1320, %dma_wait3A_1321, %dma_wait3A_1322, %dma_wait3A_1323] : memref<2x8x128x64xf16, #tpu.memory_space<vmem>> -> memref<1x1x128x64xf16, #tpu.memory_space<vmem>>
      %dma_wait3A_1325 = tpu.memref_squeeze %dma_wait3A_1324 : memref<1x1x128x64xf16, #tpu.memory_space<vmem>> -> memref<128x64xf16, #tpu.memory_space<vmem>>
      %dma_wait3A_1326 = arith.constant 3968 : i32
      %dma_wait3A_1327 = tpu.memref_slice %arg6[%dma_wait3A_1326] : memref<4096xi32, #tpu.memory_space<vmem>> -> memref<128xi32, #tpu.memory_space<vmem>>
      %dma_wait3A_1328 = arith.constant 0 : i32
      %dma_wait3A_1329 = arith.constant 0 : i32
      %dma_wait3A_1330 = tpu.memref_slice %arg3[%dma_wait3A_1328, %dma_wait3A_1329] : memref<1000000x64xf16, #tpu.memory_space<hbm>> -> memref<1000000x64xf16, #tpu.memory_space<hbm>>
      tpu.wait_indirect_dma semaphore(%arg8 : memref<!tpu.dma_semaphore, #tpu.memory_space<semaphore_mem>>) src(%dma_wait3A_1330 : memref<1000000x64xf16, #tpu.memory_space<hbm>>) dst(%dma_wait3A_1325 : memref<128x64xf16, #tpu.memory_space<vmem>>)
      %mul3A_1331 = arith.constant 64 : i32
      %mul3A_1332 = arith.muli %add3A_15, %mul3A_1331 : i32
      %dma_start3A_1333 = arith.constant 1 : i32
      %dma_start3A_1334 = arith.constant 0 : i32
      %dma_start3A_1335 = arith.constant 0 : i32
      %dma_start3A_1336 = arith.constant 0 : i32
      %dma_start3A_1337 = tpu.memref_slice %arg7[%dma_start3A_1333, %dma_start3A_1334, %dma_start3A_1335, %dma_start3A_1336] : memref<2x8x128x64xf16, #tpu.memory_space<vmem>> -> memref<1x1x128x64xf16, #tpu.memory_space<vmem>>
      %dma_start3A_1338 = tpu.memref_squeeze %dma_start3A_1337 : memref<1x1x128x64xf16, #tpu.memory_space<vmem>> -> memref<128x64xf16, #tpu.memory_space<vmem>>
      %dma_start3A_1339 = arith.constant 3072 : i32
      %dma_start3A_1340 = tpu.memref_slice %arg4[%dma_start3A_1339, %mul3A_1332] : memref<4096x12800xf16, #tpu.memory_space<hbm>> -> memref<128x64xf16, #tpu.memory_space<hbm>>
      %dma_start3A_1341 = arith.constant 3072 : i32
      %dma_start3A_1342 = tpu.memref_slice %arg4[%dma_start3A_1341, %mul3A_1332] : memref<4096x12800xf16, #tpu.memory_space<hbm>> -> memref<128x64xf16, #tpu.memory_space<hbm>>
      %dma_start3A_1343 = arith.constant 0 : i32
      %dma_start3A_1344 = arith.constant 0 : i32
      %dma_start3A_1345 = tpu.memref_slice %arg7[%dma_start3A_1333, %dma_start3A_1334, %dma_start3A_1343, %dma_start3A_1344] : memref<2x8x128x64xf16, #tpu.memory_space<vmem>> -> memref<1x1x128x64xf16, #tpu.memory_space<vmem>>
      %dma_start3A_1346 = tpu.memref_squeeze %dma_start3A_1345 : memref<1x1x128x64xf16, #tpu.memory_space<vmem>> -> memref<128x64xf16, #tpu.memory_space<vmem>>
      tpu.enqueue_dma source(%dma_start3A_1346 : memref<128x64xf16, #tpu.memory_space<vmem>>) target(%dma_start3A_1342 : memref<128x64xf16, #tpu.memory_space<hbm>>) target_semaphore(%arg9 : memref<!tpu.dma_semaphore, #tpu.memory_space<semaphore_mem>>)
      %mul3A_1347 = arith.constant 64 : i32
      %mul3A_1348 = arith.muli %add3A_15, %mul3A_1347 : i32
      %dma_start3A_1349 = arith.constant 1 : i32
      %dma_start3A_1350 = arith.constant 1 : i32
      %dma_start3A_1351 = arith.constant 0 : i32
      %dma_start3A_1352 = arith.constant 0 : i32
      %dma_start3A_1353 = tpu.memref_slice %arg7[%dma_start3A_1349, %dma_start3A_1350, %dma_start3A_1351, %dma_start3A_1352] : memref<2x8x128x64xf16, #tpu.memory_space<vmem>> -> memref<1x1x128x64xf16, #tpu.memory_space<vmem>>
      %dma_start3A_1354 = tpu.memref_squeeze %dma_start3A_1353 : memref<1x1x128x64xf16, #tpu.memory_space<vmem>> -> memref<128x64xf16, #tpu.memory_space<vmem>>
      %dma_start3A_1355 = arith.constant 3200 : i32
      %dma_start3A_1356 = tpu.memref_slice %arg4[%dma_start3A_1355, %mul3A_1348] : memref<4096x12800xf16, #tpu.memory_space<hbm>> -> memref<128x64xf16, #tpu.memory_space<hbm>>
      %dma_start3A_1357 = arith.constant 3200 : i32
      %dma_start3A_1358 = tpu.memref_slice %arg4[%dma_start3A_1357, %mul3A_1348] : memref<4096x12800xf16, #tpu.memory_space<hbm>> -> memref<128x64xf16, #tpu.memory_space<hbm>>
      %dma_start3A_1359 = arith.constant 0 : i32
      %dma_start3A_1360 = arith.constant 0 : i32
      %dma_start3A_1361 = tpu.memref_slice %arg7[%dma_start3A_1349, %dma_start3A_1350, %dma_start3A_1359, %dma_start3A_1360] : memref<2x8x128x64xf16, #tpu.memory_space<vmem>> -> memref<1x1x128x64xf16, #tpu.memory_space<vmem>>
      %dma_start3A_1362 = tpu.memref_squeeze %dma_start3A_1361 : memref<1x1x128x64xf16, #tpu.memory_space<vmem>> -> memref<128x64xf16, #tpu.memory_space<vmem>>
      tpu.enqueue_dma source(%dma_start3A_1362 : memref<128x64xf16, #tpu.memory_space<vmem>>) target(%dma_start3A_1358 : memref<128x64xf16, #tpu.memory_space<hbm>>) target_semaphore(%arg9 : memref<!tpu.dma_semaphore, #tpu.memory_space<semaphore_mem>>)
      %mul3A_1363 = arith.constant 64 : i32
      %mul3A_1364 = arith.muli %add3A_15, %mul3A_1363 : i32
      %dma_start3A_1365 = arith.constant 1 : i32
      %dma_start3A_1366 = arith.constant 2 : i32
      %dma_start3A_1367 = arith.constant 0 : i32
      %dma_start3A_1368 = arith.constant 0 : i32
      %dma_start3A_1369 = tpu.memref_slice %arg7[%dma_start3A_1365, %dma_start3A_1366, %dma_start3A_1367, %dma_start3A_1368] : memref<2x8x128x64xf16, #tpu.memory_space<vmem>> -> memref<1x1x128x64xf16, #tpu.memory_space<vmem>>
      %dma_start3A_1370 = tpu.memref_squeeze %dma_start3A_1369 : memref<1x1x128x64xf16, #tpu.memory_space<vmem>> -> memref<128x64xf16, #tpu.memory_space<vmem>>
      %dma_start3A_1371 = arith.constant 3328 : i32
      %dma_start3A_1372 = tpu.memref_slice %arg4[%dma_start3A_1371, %mul3A_1364] : memref<4096x12800xf16, #tpu.memory_space<hbm>> -> memref<128x64xf16, #tpu.memory_space<hbm>>
      %dma_start3A_1373 = arith.constant 3328 : i32
      %dma_start3A_1374 = tpu.memref_slice %arg4[%dma_start3A_1373, %mul3A_1364] : memref<4096x12800xf16, #tpu.memory_space<hbm>> -> memref<128x64xf16, #tpu.memory_space<hbm>>
      %dma_start3A_1375 = arith.constant 0 : i32
      %dma_start3A_1376 = arith.constant 0 : i32
      %dma_start3A_1377 = tpu.memref_slice %arg7[%dma_start3A_1365, %dma_start3A_1366, %dma_start3A_1375, %dma_start3A_1376] : memref<2x8x128x64xf16, #tpu.memory_space<vmem>> -> memref<1x1x128x64xf16, #tpu.memory_space<vmem>>
      %dma_start3A_1378 = tpu.memref_squeeze %dma_start3A_1377 : memref<1x1x128x64xf16, #tpu.memory_space<vmem>> -> memref<128x64xf16, #tpu.memory_space<vmem>>
      tpu.enqueue_dma source(%dma_start3A_1378 : memref<128x64xf16, #tpu.memory_space<vmem>>) target(%dma_start3A_1374 : memref<128x64xf16, #tpu.memory_space<hbm>>) target_semaphore(%arg9 : memref<!tpu.dma_semaphore, #tpu.memory_space<semaphore_mem>>)
      %mul3A_1379 = arith.constant 64 : i32
      %mul3A_1380 = arith.muli %add3A_15, %mul3A_1379 : i32
      %dma_start3A_1381 = arith.constant 1 : i32
      %dma_start3A_1382 = arith.constant 3 : i32
      %dma_start3A_1383 = arith.constant 0 : i32
      %dma_start3A_1384 = arith.constant 0 : i32
      %dma_start3A_1385 = tpu.memref_slice %arg7[%dma_start3A_1381, %dma_start3A_1382, %dma_start3A_1383, %dma_start3A_1384] : memref<2x8x128x64xf16, #tpu.memory_space<vmem>> -> memref<1x1x128x64xf16, #tpu.memory_space<vmem>>
      %dma_start3A_1386 = tpu.memref_squeeze %dma_start3A_1385 : memref<1x1x128x64xf16, #tpu.memory_space<vmem>> -> memref<128x64xf16, #tpu.memory_space<vmem>>
      %dma_start3A_1387 = arith.constant 3456 : i32
      %dma_start3A_1388 = tpu.memref_slice %arg4[%dma_start3A_1387, %mul3A_1380] : memref<4096x12800xf16, #tpu.memory_space<hbm>> -> memref<128x64xf16, #tpu.memory_space<hbm>>
      %dma_start3A_1389 = arith.constant 3456 : i32
      %dma_start3A_1390 = tpu.memref_slice %arg4[%dma_start3A_1389, %mul3A_1380] : memref<4096x12800xf16, #tpu.memory_space<hbm>> -> memref<128x64xf16, #tpu.memory_space<hbm>>
      %dma_start3A_1391 = arith.constant 0 : i32
      %dma_start3A_1392 = arith.constant 0 : i32
      %dma_start3A_1393 = tpu.memref_slice %arg7[%dma_start3A_1381, %dma_start3A_1382, %dma_start3A_1391, %dma_start3A_1392] : memref<2x8x128x64xf16, #tpu.memory_space<vmem>> -> memref<1x1x128x64xf16, #tpu.memory_space<vmem>>
      %dma_start3A_1394 = tpu.memref_squeeze %dma_start3A_1393 : memref<1x1x128x64xf16, #tpu.memory_space<vmem>> -> memref<128x64xf16, #tpu.memory_space<vmem>>
      tpu.enqueue_dma source(%dma_start3A_1394 : memref<128x64xf16, #tpu.memory_space<vmem>>) target(%dma_start3A_1390 : memref<128x64xf16, #tpu.memory_space<hbm>>) target_semaphore(%arg9 : memref<!tpu.dma_semaphore, #tpu.memory_space<semaphore_mem>>)
      %mul3A_1395 = arith.constant 64 : i32
      %mul3A_1396 = arith.muli %add3A_15, %mul3A_1395 : i32
      %dma_start3A_1397 = arith.constant 1 : i32
      %dma_start3A_1398 = arith.constant 4 : i32
      %dma_start3A_1399 = arith.constant 0 : i32
      %dma_start3A_1400 = arith.constant 0 : i32
      %dma_start3A_1401 = tpu.memref_slice %arg7[%dma_start3A_1397, %dma_start3A_1398, %dma_start3A_1399, %dma_start3A_1400] : memref<2x8x128x64xf16, #tpu.memory_space<vmem>> -> memref<1x1x128x64xf16, #tpu.memory_space<vmem>>
      %dma_start3A_1402 = tpu.memref_squeeze %dma_start3A_1401 : memref<1x1x128x64xf16, #tpu.memory_space<vmem>> -> memref<128x64xf16, #tpu.memory_space<vmem>>
      %dma_start3A_1403 = arith.constant 3584 : i32
      %dma_start3A_1404 = tpu.memref_slice %arg4[%dma_start3A_1403, %mul3A_1396] : memref<4096x12800xf16, #tpu.memory_space<hbm>> -> memref<128x64xf16, #tpu.memory_space<hbm>>
      %dma_start3A_1405 = arith.constant 3584 : i32
      %dma_start3A_1406 = tpu.memref_slice %arg4[%dma_start3A_1405, %mul3A_1396] : memref<4096x12800xf16, #tpu.memory_space<hbm>> -> memref<128x64xf16, #tpu.memory_space<hbm>>
      %dma_start3A_1407 = arith.constant 0 : i32
      %dma_start3A_1408 = arith.constant 0 : i32
      %dma_start3A_1409 = tpu.memref_slice %arg7[%dma_start3A_1397, %dma_start3A_1398, %dma_start3A_1407, %dma_start3A_1408] : memref<2x8x128x64xf16, #tpu.memory_space<vmem>> -> memref<1x1x128x64xf16, #tpu.memory_space<vmem>>
      %dma_start3A_1410 = tpu.memref_squeeze %dma_start3A_1409 : memref<1x1x128x64xf16, #tpu.memory_space<vmem>> -> memref<128x64xf16, #tpu.memory_space<vmem>>
      tpu.enqueue_dma source(%dma_start3A_1410 : memref<128x64xf16, #tpu.memory_space<vmem>>) target(%dma_start3A_1406 : memref<128x64xf16, #tpu.memory_space<hbm>>) target_semaphore(%arg9 : memref<!tpu.dma_semaphore, #tpu.memory_space<semaphore_mem>>)
      %mul3A_1411 = arith.constant 64 : i32
      %mul3A_1412 = arith.muli %add3A_15, %mul3A_1411 : i32
      %dma_start3A_1413 = arith.constant 1 : i32
      %dma_start3A_1414 = arith.constant 5 : i32
      %dma_start3A_1415 = arith.constant 0 : i32
      %dma_start3A_1416 = arith.constant 0 : i32
      %dma_start3A_1417 = tpu.memref_slice %arg7[%dma_start3A_1413, %dma_start3A_1414, %dma_start3A_1415, %dma_start3A_1416] : memref<2x8x128x64xf16, #tpu.memory_space<vmem>> -> memref<1x1x128x64xf16, #tpu.memory_space<vmem>>
      %dma_start3A_1418 = tpu.memref_squeeze %dma_start3A_1417 : memref<1x1x128x64xf16, #tpu.memory_space<vmem>> -> memref<128x64xf16, #tpu.memory_space<vmem>>
      %dma_start3A_1419 = arith.constant 3712 : i32
      %dma_start3A_1420 = tpu.memref_slice %arg4[%dma_start3A_1419, %mul3A_1412] : memref<4096x12800xf16, #tpu.memory_space<hbm>> -> memref<128x64xf16, #tpu.memory_space<hbm>>
      %dma_start3A_1421 = arith.constant 3712 : i32
      %dma_start3A_1422 = tpu.memref_slice %arg4[%dma_start3A_1421, %mul3A_1412] : memref<4096x12800xf16, #tpu.memory_space<hbm>> -> memref<128x64xf16, #tpu.memory_space<hbm>>
      %dma_start3A_1423 = arith.constant 0 : i32
      %dma_start3A_1424 = arith.constant 0 : i32
      %dma_start3A_1425 = tpu.memref_slice %arg7[%dma_start3A_1413, %dma_start3A_1414, %dma_start3A_1423, %dma_start3A_1424] : memref<2x8x128x64xf16, #tpu.memory_space<vmem>> -> memref<1x1x128x64xf16, #tpu.memory_space<vmem>>
      %dma_start3A_1426 = tpu.memref_squeeze %dma_start3A_1425 : memref<1x1x128x64xf16, #tpu.memory_space<vmem>> -> memref<128x64xf16, #tpu.memory_space<vmem>>
      tpu.enqueue_dma source(%dma_start3A_1426 : memref<128x64xf16, #tpu.memory_space<vmem>>) target(%dma_start3A_1422 : memref<128x64xf16, #tpu.memory_space<hbm>>) target_semaphore(%arg9 : memref<!tpu.dma_semaphore, #tpu.memory_space<semaphore_mem>>)
      %mul3A_1427 = arith.constant 64 : i32
      %mul3A_1428 = arith.muli %add3A_15, %mul3A_1427 : i32
      %dma_start3A_1429 = arith.constant 1 : i32
      %dma_start3A_1430 = arith.constant 6 : i32
      %dma_start3A_1431 = arith.constant 0 : i32
      %dma_start3A_1432 = arith.constant 0 : i32
      %dma_start3A_1433 = tpu.memref_slice %arg7[%dma_start3A_1429, %dma_start3A_1430, %dma_start3A_1431, %dma_start3A_1432] : memref<2x8x128x64xf16, #tpu.memory_space<vmem>> -> memref<1x1x128x64xf16, #tpu.memory_space<vmem>>
      %dma_start3A_1434 = tpu.memref_squeeze %dma_start3A_1433 : memref<1x1x128x64xf16, #tpu.memory_space<vmem>> -> memref<128x64xf16, #tpu.memory_space<vmem>>
      %dma_start3A_1435 = arith.constant 3840 : i32
      %dma_start3A_1436 = tpu.memref_slice %arg4[%dma_start3A_1435, %mul3A_1428] : memref<4096x12800xf16, #tpu.memory_space<hbm>> -> memref<128x64xf16, #tpu.memory_space<hbm>>
      %dma_start3A_1437 = arith.constant 3840 : i32
      %dma_start3A_1438 = tpu.memref_slice %arg4[%dma_start3A_1437, %mul3A_1428] : memref<4096x12800xf16, #tpu.memory_space<hbm>> -> memref<128x64xf16, #tpu.memory_space<hbm>>
      %dma_start3A_1439 = arith.constant 0 : i32
      %dma_start3A_1440 = arith.constant 0 : i32
      %dma_start3A_1441 = tpu.memref_slice %arg7[%dma_start3A_1429, %dma_start3A_1430, %dma_start3A_1439, %dma_start3A_1440] : memref<2x8x128x64xf16, #tpu.memory_space<vmem>> -> memref<1x1x128x64xf16, #tpu.memory_space<vmem>>
      %dma_start3A_1442 = tpu.memref_squeeze %dma_start3A_1441 : memref<1x1x128x64xf16, #tpu.memory_space<vmem>> -> memref<128x64xf16, #tpu.memory_space<vmem>>
      tpu.enqueue_dma source(%dma_start3A_1442 : memref<128x64xf16, #tpu.memory_space<vmem>>) target(%dma_start3A_1438 : memref<128x64xf16, #tpu.memory_space<hbm>>) target_semaphore(%arg9 : memref<!tpu.dma_semaphore, #tpu.memory_space<semaphore_mem>>)
      %mul3A_1443 = arith.constant 64 : i32
      %mul3A_1444 = arith.muli %add3A_15, %mul3A_1443 : i32
      %dma_start3A_1445 = arith.constant 1 : i32
      %dma_start3A_1446 = arith.constant 7 : i32
      %dma_start3A_1447 = arith.constant 0 : i32
      %dma_start3A_1448 = arith.constant 0 : i32
      %dma_start3A_1449 = tpu.memref_slice %arg7[%dma_start3A_1445, %dma_start3A_1446, %dma_start3A_1447, %dma_start3A_1448] : memref<2x8x128x64xf16, #tpu.memory_space<vmem>> -> memref<1x1x128x64xf16, #tpu.memory_space<vmem>>
      %dma_start3A_1450 = tpu.memref_squeeze %dma_start3A_1449 : memref<1x1x128x64xf16, #tpu.memory_space<vmem>> -> memref<128x64xf16, #tpu.memory_space<vmem>>
      %dma_start3A_1451 = arith.constant 3968 : i32
      %dma_start3A_1452 = tpu.memref_slice %arg4[%dma_start3A_1451, %mul3A_1444] : memref<4096x12800xf16, #tpu.memory_space<hbm>> -> memref<128x64xf16, #tpu.memory_space<hbm>>
      %dma_start3A_1453 = arith.constant 3968 : i32
      %dma_start3A_1454 = tpu.memref_slice %arg4[%dma_start3A_1453, %mul3A_1444] : memref<4096x12800xf16, #tpu.memory_space<hbm>> -> memref<128x64xf16, #tpu.memory_space<hbm>>
      %dma_start3A_1455 = arith.constant 0 : i32
      %dma_start3A_1456 = arith.constant 0 : i32
      %dma_start3A_1457 = tpu.memref_slice %arg7[%dma_start3A_1445, %dma_start3A_1446, %dma_start3A_1455, %dma_start3A_1456] : memref<2x8x128x64xf16, #tpu.memory_space<vmem>> -> memref<1x1x128x64xf16, #tpu.memory_space<vmem>>
      %dma_start3A_1458 = tpu.memref_squeeze %dma_start3A_1457 : memref<1x1x128x64xf16, #tpu.memory_space<vmem>> -> memref<128x64xf16, #tpu.memory_space<vmem>>
      tpu.enqueue_dma source(%dma_start3A_1458 : memref<128x64xf16, #tpu.memory_space<vmem>>) target(%dma_start3A_1454 : memref<128x64xf16, #tpu.memory_space<hbm>>) target_semaphore(%arg9 : memref<!tpu.dma_semaphore, #tpu.memory_space<semaphore_mem>>)
      %dma_wait3A_1459 = arith.constant 0 : i32
      %dma_wait3A_1460 = arith.constant 0 : i32
      %dma_wait3A_1461 = arith.constant 0 : i32
      %dma_wait3A_1462 = arith.constant 0 : i32
      %dma_wait3A_1463 = tpu.memref_slice %arg7[%dma_wait3A_1459, %dma_wait3A_1460, %dma_wait3A_1461, %dma_wait3A_1462] : memref<2x8x128x64xf16, #tpu.memory_space<vmem>> -> memref<1x1x128x64xf16, #tpu.memory_space<vmem>>
      %dma_wait3A_1464 = tpu.memref_squeeze %dma_wait3A_1463 : memref<1x1x128x64xf16, #tpu.memory_space<vmem>> -> memref<128x64xf16, #tpu.memory_space<vmem>>
      %dma_wait3A_1465 = arith.constant 2048 : i32
      %dma_wait3A_1466 = tpu.memref_slice %arg4[%dma_wait3A_1465, %mul3A_916] : memref<4096x12800xf16, #tpu.memory_space<hbm>> -> memref<128x64xf16, #tpu.memory_space<hbm>>
      %dma_wait3A_1467 = arith.constant 2048 : i32
      %dma_wait3A_1468 = tpu.memref_slice %arg4[%dma_wait3A_1467, %mul3A_916] : memref<4096x12800xf16, #tpu.memory_space<hbm>> -> memref<128x64xf16, #tpu.memory_space<hbm>>
      %dma_wait3A_1469 = arith.constant 0 : i32
      %dma_wait3A_1470 = arith.constant 0 : i32
      %dma_wait3A_1471 = tpu.memref_slice %arg7[%dma_wait3A_1459, %dma_wait3A_1460, %dma_wait3A_1469, %dma_wait3A_1470] : memref<2x8x128x64xf16, #tpu.memory_space<vmem>> -> memref<1x1x128x64xf16, #tpu.memory_space<vmem>>
      %dma_wait3A_1472 = tpu.memref_squeeze %dma_wait3A_1471 : memref<1x1x128x64xf16, #tpu.memory_space<vmem>> -> memref<128x64xf16, #tpu.memory_space<vmem>>
      tpu.wait_dma2 semaphore(%arg9 : memref<!tpu.dma_semaphore, #tpu.memory_space<semaphore_mem>>) src(%dma_wait3A_1472 : memref<128x64xf16, #tpu.memory_space<vmem>>) dst(%dma_wait3A_1468 : memref<128x64xf16, #tpu.memory_space<hbm>>)
      %dma_wait3A_1473 = arith.constant 0 : i32
      %dma_wait3A_1474 = arith.constant 1 : i32
      %dma_wait3A_1475 = arith.constant 0 : i32
      %dma_wait3A_1476 = arith.constant 0 : i32
      %dma_wait3A_1477 = tpu.memref_slice %arg7[%dma_wait3A_1473, %dma_wait3A_1474, %dma_wait3A_1475, %dma_wait3A_1476] : memref<2x8x128x64xf16, #tpu.memory_space<vmem>> -> memref<1x1x128x64xf16, #tpu.memory_space<vmem>>
      %dma_wait3A_1478 = tpu.memref_squeeze %dma_wait3A_1477 : memref<1x1x128x64xf16, #tpu.memory_space<vmem>> -> memref<128x64xf16, #tpu.memory_space<vmem>>
      %dma_wait3A_1479 = arith.constant 2176 : i32
      %dma_wait3A_1480 = tpu.memref_slice %arg4[%dma_wait3A_1479, %mul3A_932] : memref<4096x12800xf16, #tpu.memory_space<hbm>> -> memref<128x64xf16, #tpu.memory_space<hbm>>
      %dma_wait3A_1481 = arith.constant 2176 : i32
      %dma_wait3A_1482 = tpu.memref_slice %arg4[%dma_wait3A_1481, %mul3A_932] : memref<4096x12800xf16, #tpu.memory_space<hbm>> -> memref<128x64xf16, #tpu.memory_space<hbm>>
      %dma_wait3A_1483 = arith.constant 0 : i32
      %dma_wait3A_1484 = arith.constant 0 : i32
      %dma_wait3A_1485 = tpu.memref_slice %arg7[%dma_wait3A_1473, %dma_wait3A_1474, %dma_wait3A_1483, %dma_wait3A_1484] : memref<2x8x128x64xf16, #tpu.memory_space<vmem>> -> memref<1x1x128x64xf16, #tpu.memory_space<vmem>>
      %dma_wait3A_1486 = tpu.memref_squeeze %dma_wait3A_1485 : memref<1x1x128x64xf16, #tpu.memory_space<vmem>> -> memref<128x64xf16, #tpu.memory_space<vmem>>
      tpu.wait_dma2 semaphore(%arg9 : memref<!tpu.dma_semaphore, #tpu.memory_space<semaphore_mem>>) src(%dma_wait3A_1486 : memref<128x64xf16, #tpu.memory_space<vmem>>) dst(%dma_wait3A_1482 : memref<128x64xf16, #tpu.memory_space<hbm>>)
      %dma_wait3A_1487 = arith.constant 0 : i32
      %dma_wait3A_1488 = arith.constant 2 : i32
      %dma_wait3A_1489 = arith.constant 0 : i32
      %dma_wait3A_1490 = arith.constant 0 : i32
      %dma_wait3A_1491 = tpu.memref_slice %arg7[%dma_wait3A_1487, %dma_wait3A_1488, %dma_wait3A_1489, %dma_wait3A_1490] : memref<2x8x128x64xf16, #tpu.memory_space<vmem>> -> memref<1x1x128x64xf16, #tpu.memory_space<vmem>>
      %dma_wait3A_1492 = tpu.memref_squeeze %dma_wait3A_1491 : memref<1x1x128x64xf16, #tpu.memory_space<vmem>> -> memref<128x64xf16, #tpu.memory_space<vmem>>
      %dma_wait3A_1493 = arith.constant 2304 : i32
      %dma_wait3A_1494 = tpu.memref_slice %arg4[%dma_wait3A_1493, %mul3A_948] : memref<4096x12800xf16, #tpu.memory_space<hbm>> -> memref<128x64xf16, #tpu.memory_space<hbm>>
      %dma_wait3A_1495 = arith.constant 2304 : i32
      %dma_wait3A_1496 = tpu.memref_slice %arg4[%dma_wait3A_1495, %mul3A_948] : memref<4096x12800xf16, #tpu.memory_space<hbm>> -> memref<128x64xf16, #tpu.memory_space<hbm>>
      %dma_wait3A_1497 = arith.constant 0 : i32
      %dma_wait3A_1498 = arith.constant 0 : i32
      %dma_wait3A_1499 = tpu.memref_slice %arg7[%dma_wait3A_1487, %dma_wait3A_1488, %dma_wait3A_1497, %dma_wait3A_1498] : memref<2x8x128x64xf16, #tpu.memory_space<vmem>> -> memref<1x1x128x64xf16, #tpu.memory_space<vmem>>
      %dma_wait3A_1500 = tpu.memref_squeeze %dma_wait3A_1499 : memref<1x1x128x64xf16, #tpu.memory_space<vmem>> -> memref<128x64xf16, #tpu.memory_space<vmem>>
      tpu.wait_dma2 semaphore(%arg9 : memref<!tpu.dma_semaphore, #tpu.memory_space<semaphore_mem>>) src(%dma_wait3A_1500 : memref<128x64xf16, #tpu.memory_space<vmem>>) dst(%dma_wait3A_1496 : memref<128x64xf16, #tpu.memory_space<hbm>>)
      %dma_wait3A_1501 = arith.constant 0 : i32
      %dma_wait3A_1502 = arith.constant 3 : i32
      %dma_wait3A_1503 = arith.constant 0 : i32
      %dma_wait3A_1504 = arith.constant 0 : i32
      %dma_wait3A_1505 = tpu.memref_slice %arg7[%dma_wait3A_1501, %dma_wait3A_1502, %dma_wait3A_1503, %dma_wait3A_1504] : memref<2x8x128x64xf16, #tpu.memory_space<vmem>> -> memref<1x1x128x64xf16, #tpu.memory_space<vmem>>
      %dma_wait3A_1506 = tpu.memref_squeeze %dma_wait3A_1505 : memref<1x1x128x64xf16, #tpu.memory_space<vmem>> -> memref<128x64xf16, #tpu.memory_space<vmem>>
      %dma_wait3A_1507 = arith.constant 2432 : i32
      %dma_wait3A_1508 = tpu.memref_slice %arg4[%dma_wait3A_1507, %mul3A_964] : memref<4096x12800xf16, #tpu.memory_space<hbm>> -> memref<128x64xf16, #tpu.memory_space<hbm>>
      %dma_wait3A_1509 = arith.constant 2432 : i32
      %dma_wait3A_1510 = tpu.memref_slice %arg4[%dma_wait3A_1509, %mul3A_964] : memref<4096x12800xf16, #tpu.memory_space<hbm>> -> memref<128x64xf16, #tpu.memory_space<hbm>>
      %dma_wait3A_1511 = arith.constant 0 : i32
      %dma_wait3A_1512 = arith.constant 0 : i32
      %dma_wait3A_1513 = tpu.memref_slice %arg7[%dma_wait3A_1501, %dma_wait3A_1502, %dma_wait3A_1511, %dma_wait3A_1512] : memref<2x8x128x64xf16, #tpu.memory_space<vmem>> -> memref<1x1x128x64xf16, #tpu.memory_space<vmem>>
      %dma_wait3A_1514 = tpu.memref_squeeze %dma_wait3A_1513 : memref<1x1x128x64xf16, #tpu.memory_space<vmem>> -> memref<128x64xf16, #tpu.memory_space<vmem>>
      tpu.wait_dma2 semaphore(%arg9 : memref<!tpu.dma_semaphore, #tpu.memory_space<semaphore_mem>>) src(%dma_wait3A_1514 : memref<128x64xf16, #tpu.memory_space<vmem>>) dst(%dma_wait3A_1510 : memref<128x64xf16, #tpu.memory_space<hbm>>)
      %dma_wait3A_1515 = arith.constant 0 : i32
      %dma_wait3A_1516 = arith.constant 4 : i32
      %dma_wait3A_1517 = arith.constant 0 : i32
      %dma_wait3A_1518 = arith.constant 0 : i32
      %dma_wait3A_1519 = tpu.memref_slice %arg7[%dma_wait3A_1515, %dma_wait3A_1516, %dma_wait3A_1517, %dma_wait3A_1518] : memref<2x8x128x64xf16, #tpu.memory_space<vmem>> -> memref<1x1x128x64xf16, #tpu.memory_space<vmem>>
      %dma_wait3A_1520 = tpu.memref_squeeze %dma_wait3A_1519 : memref<1x1x128x64xf16, #tpu.memory_space<vmem>> -> memref<128x64xf16, #tpu.memory_space<vmem>>
      %dma_wait3A_1521 = arith.constant 2560 : i32
      %dma_wait3A_1522 = tpu.memref_slice %arg4[%dma_wait3A_1521, %mul3A_980] : memref<4096x12800xf16, #tpu.memory_space<hbm>> -> memref<128x64xf16, #tpu.memory_space<hbm>>
      %dma_wait3A_1523 = arith.constant 2560 : i32
      %dma_wait3A_1524 = tpu.memref_slice %arg4[%dma_wait3A_1523, %mul3A_980] : memref<4096x12800xf16, #tpu.memory_space<hbm>> -> memref<128x64xf16, #tpu.memory_space<hbm>>
      %dma_wait3A_1525 = arith.constant 0 : i32
      %dma_wait3A_1526 = arith.constant 0 : i32
      %dma_wait3A_1527 = tpu.memref_slice %arg7[%dma_wait3A_1515, %dma_wait3A_1516, %dma_wait3A_1525, %dma_wait3A_1526] : memref<2x8x128x64xf16, #tpu.memory_space<vmem>> -> memref<1x1x128x64xf16, #tpu.memory_space<vmem>>
      %dma_wait3A_1528 = tpu.memref_squeeze %dma_wait3A_1527 : memref<1x1x128x64xf16, #tpu.memory_space<vmem>> -> memref<128x64xf16, #tpu.memory_space<vmem>>
      tpu.wait_dma2 semaphore(%arg9 : memref<!tpu.dma_semaphore, #tpu.memory_space<semaphore_mem>>) src(%dma_wait3A_1528 : memref<128x64xf16, #tpu.memory_space<vmem>>) dst(%dma_wait3A_1524 : memref<128x64xf16, #tpu.memory_space<hbm>>)
      %dma_wait3A_1529 = arith.constant 0 : i32
      %dma_wait3A_1530 = arith.constant 5 : i32
      %dma_wait3A_1531 = arith.constant 0 : i32
      %dma_wait3A_1532 = arith.constant 0 : i32
      %dma_wait3A_1533 = tpu.memref_slice %arg7[%dma_wait3A_1529, %dma_wait3A_1530, %dma_wait3A_1531, %dma_wait3A_1532] : memref<2x8x128x64xf16, #tpu.memory_space<vmem>> -> memref<1x1x128x64xf16, #tpu.memory_space<vmem>>
      %dma_wait3A_1534 = tpu.memref_squeeze %dma_wait3A_1533 : memref<1x1x128x64xf16, #tpu.memory_space<vmem>> -> memref<128x64xf16, #tpu.memory_space<vmem>>
      %dma_wait3A_1535 = arith.constant 2688 : i32
      %dma_wait3A_1536 = tpu.memref_slice %arg4[%dma_wait3A_1535, %mul3A_996] : memref<4096x12800xf16, #tpu.memory_space<hbm>> -> memref<128x64xf16, #tpu.memory_space<hbm>>
      %dma_wait3A_1537 = arith.constant 2688 : i32
      %dma_wait3A_1538 = tpu.memref_slice %arg4[%dma_wait3A_1537, %mul3A_996] : memref<4096x12800xf16, #tpu.memory_space<hbm>> -> memref<128x64xf16, #tpu.memory_space<hbm>>
      %dma_wait3A_1539 = arith.constant 0 : i32
      %dma_wait3A_1540 = arith.constant 0 : i32
      %dma_wait3A_1541 = tpu.memref_slice %arg7[%dma_wait3A_1529, %dma_wait3A_1530, %dma_wait3A_1539, %dma_wait3A_1540] : memref<2x8x128x64xf16, #tpu.memory_space<vmem>> -> memref<1x1x128x64xf16, #tpu.memory_space<vmem>>
      %dma_wait3A_1542 = tpu.memref_squeeze %dma_wait3A_1541 : memref<1x1x128x64xf16, #tpu.memory_space<vmem>> -> memref<128x64xf16, #tpu.memory_space<vmem>>
      tpu.wait_dma2 semaphore(%arg9 : memref<!tpu.dma_semaphore, #tpu.memory_space<semaphore_mem>>) src(%dma_wait3A_1542 : memref<128x64xf16, #tpu.memory_space<vmem>>) dst(%dma_wait3A_1538 : memref<128x64xf16, #tpu.memory_space<hbm>>)
      %dma_wait3A_1543 = arith.constant 0 : i32
      %dma_wait3A_1544 = arith.constant 6 : i32
      %dma_wait3A_1545 = arith.constant 0 : i32
      %dma_wait3A_1546 = arith.constant 0 : i32
      %dma_wait3A_1547 = tpu.memref_slice %arg7[%dma_wait3A_1543, %dma_wait3A_1544, %dma_wait3A_1545, %dma_wait3A_1546] : memref<2x8x128x64xf16, #tpu.memory_space<vmem>> -> memref<1x1x128x64xf16, #tpu.memory_space<vmem>>
      %dma_wait3A_1548 = tpu.memref_squeeze %dma_wait3A_1547 : memref<1x1x128x64xf16, #tpu.memory_space<vmem>> -> memref<128x64xf16, #tpu.memory_space<vmem>>
      %dma_wait3A_1549 = arith.constant 2816 : i32
      %dma_wait3A_1550 = tpu.memref_slice %arg4[%dma_wait3A_1549, %mul3A_1012] : memref<4096x12800xf16, #tpu.memory_space<hbm>> -> memref<128x64xf16, #tpu.memory_space<hbm>>
      %dma_wait3A_1551 = arith.constant 2816 : i32
      %dma_wait3A_1552 = tpu.memref_slice %arg4[%dma_wait3A_1551, %mul3A_1012] : memref<4096x12800xf16, #tpu.memory_space<hbm>> -> memref<128x64xf16, #tpu.memory_space<hbm>>
      %dma_wait3A_1553 = arith.constant 0 : i32
      %dma_wait3A_1554 = arith.constant 0 : i32
      %dma_wait3A_1555 = tpu.memref_slice %arg7[%dma_wait3A_1543, %dma_wait3A_1544, %dma_wait3A_1553, %dma_wait3A_1554] : memref<2x8x128x64xf16, #tpu.memory_space<vmem>> -> memref<1x1x128x64xf16, #tpu.memory_space<vmem>>
      %dma_wait3A_1556 = tpu.memref_squeeze %dma_wait3A_1555 : memref<1x1x128x64xf16, #tpu.memory_space<vmem>> -> memref<128x64xf16, #tpu.memory_space<vmem>>
      tpu.wait_dma2 semaphore(%arg9 : memref<!tpu.dma_semaphore, #tpu.memory_space<semaphore_mem>>) src(%dma_wait3A_1556 : memref<128x64xf16, #tpu.memory_space<vmem>>) dst(%dma_wait3A_1552 : memref<128x64xf16, #tpu.memory_space<hbm>>)
      %dma_wait3A_1557 = arith.constant 0 : i32
      %dma_wait3A_1558 = arith.constant 7 : i32
      %dma_wait3A_1559 = arith.constant 0 : i32
      %dma_wait3A_1560 = arith.constant 0 : i32
      %dma_wait3A_1561 = tpu.memref_slice %arg7[%dma_wait3A_1557, %dma_wait3A_1558, %dma_wait3A_1559, %dma_wait3A_1560] : memref<2x8x128x64xf16, #tpu.memory_space<vmem>> -> memref<1x1x128x64xf16, #tpu.memory_space<vmem>>
      %dma_wait3A_1562 = tpu.memref_squeeze %dma_wait3A_1561 : memref<1x1x128x64xf16, #tpu.memory_space<vmem>> -> memref<128x64xf16, #tpu.memory_space<vmem>>
      %dma_wait3A_1563 = arith.constant 2944 : i32
      %dma_wait3A_1564 = tpu.memref_slice %arg4[%dma_wait3A_1563, %mul3A_1028] : memref<4096x12800xf16, #tpu.memory_space<hbm>> -> memref<128x64xf16, #tpu.memory_space<hbm>>
      %dma_wait3A_1565 = arith.constant 2944 : i32
      %dma_wait3A_1566 = tpu.memref_slice %arg4[%dma_wait3A_1565, %mul3A_1028] : memref<4096x12800xf16, #tpu.memory_space<hbm>> -> memref<128x64xf16, #tpu.memory_space<hbm>>
      %dma_wait3A_1567 = arith.constant 0 : i32
      %dma_wait3A_1568 = arith.constant 0 : i32
      %dma_wait3A_1569 = tpu.memref_slice %arg7[%dma_wait3A_1557, %dma_wait3A_1558, %dma_wait3A_1567, %dma_wait3A_1568] : memref<2x8x128x64xf16, #tpu.memory_space<vmem>> -> memref<1x1x128x64xf16, #tpu.memory_space<vmem>>
      %dma_wait3A_1570 = tpu.memref_squeeze %dma_wait3A_1569 : memref<1x1x128x64xf16, #tpu.memory_space<vmem>> -> memref<128x64xf16, #tpu.memory_space<vmem>>
      tpu.wait_dma2 semaphore(%arg9 : memref<!tpu.dma_semaphore, #tpu.memory_space<semaphore_mem>>) src(%dma_wait3A_1570 : memref<128x64xf16, #tpu.memory_space<vmem>>) dst(%dma_wait3A_1566 : memref<128x64xf16, #tpu.memory_space<hbm>>)
      %dma_wait3A_1571 = arith.constant 1 : i32
      %dma_wait3A_1572 = arith.constant 0 : i32
      %dma_wait3A_1573 = arith.constant 0 : i32
      %dma_wait3A_1574 = arith.constant 0 : i32
      %dma_wait3A_1575 = tpu.memref_slice %arg7[%dma_wait3A_1571, %dma_wait3A_1572, %dma_wait3A_1573, %dma_wait3A_1574] : memref<2x8x128x64xf16, #tpu.memory_space<vmem>> -> memref<1x1x128x64xf16, #tpu.memory_space<vmem>>
      %dma_wait3A_1576 = tpu.memref_squeeze %dma_wait3A_1575 : memref<1x1x128x64xf16, #tpu.memory_space<vmem>> -> memref<128x64xf16, #tpu.memory_space<vmem>>
      %dma_wait3A_1577 = arith.constant 3072 : i32
      %dma_wait3A_1578 = tpu.memref_slice %arg4[%dma_wait3A_1577, %mul3A_1332] : memref<4096x12800xf16, #tpu.memory_space<hbm>> -> memref<128x64xf16, #tpu.memory_space<hbm>>
      %dma_wait3A_1579 = arith.constant 3072 : i32
      %dma_wait3A_1580 = tpu.memref_slice %arg4[%dma_wait3A_1579, %mul3A_1332] : memref<4096x12800xf16, #tpu.memory_space<hbm>> -> memref<128x64xf16, #tpu.memory_space<hbm>>
      %dma_wait3A_1581 = arith.constant 0 : i32
      %dma_wait3A_1582 = arith.constant 0 : i32
      %dma_wait3A_1583 = tpu.memref_slice %arg7[%dma_wait3A_1571, %dma_wait3A_1572, %dma_wait3A_1581, %dma_wait3A_1582] : memref<2x8x128x64xf16, #tpu.memory_space<vmem>> -> memref<1x1x128x64xf16, #tpu.memory_space<vmem>>
      %dma_wait3A_1584 = tpu.memref_squeeze %dma_wait3A_1583 : memref<1x1x128x64xf16, #tpu.memory_space<vmem>> -> memref<128x64xf16, #tpu.memory_space<vmem>>
      tpu.wait_dma2 semaphore(%arg9 : memref<!tpu.dma_semaphore, #tpu.memory_space<semaphore_mem>>) src(%dma_wait3A_1584 : memref<128x64xf16, #tpu.memory_space<vmem>>) dst(%dma_wait3A_1580 : memref<128x64xf16, #tpu.memory_space<hbm>>)
      %dma_wait3A_1585 = arith.constant 1 : i32
      %dma_wait3A_1586 = arith.constant 1 : i32
      %dma_wait3A_1587 = arith.constant 0 : i32
      %dma_wait3A_1588 = arith.constant 0 : i32
      %dma_wait3A_1589 = tpu.memref_slice %arg7[%dma_wait3A_1585, %dma_wait3A_1586, %dma_wait3A_1587, %dma_wait3A_1588] : memref<2x8x128x64xf16, #tpu.memory_space<vmem>> -> memref<1x1x128x64xf16, #tpu.memory_space<vmem>>
      %dma_wait3A_1590 = tpu.memref_squeeze %dma_wait3A_1589 : memref<1x1x128x64xf16, #tpu.memory_space<vmem>> -> memref<128x64xf16, #tpu.memory_space<vmem>>
      %dma_wait3A_1591 = arith.constant 3200 : i32
      %dma_wait3A_1592 = tpu.memref_slice %arg4[%dma_wait3A_1591, %mul3A_1348] : memref<4096x12800xf16, #tpu.memory_space<hbm>> -> memref<128x64xf16, #tpu.memory_space<hbm>>
      %dma_wait3A_1593 = arith.constant 3200 : i32
      %dma_wait3A_1594 = tpu.memref_slice %arg4[%dma_wait3A_1593, %mul3A_1348] : memref<4096x12800xf16, #tpu.memory_space<hbm>> -> memref<128x64xf16, #tpu.memory_space<hbm>>
      %dma_wait3A_1595 = arith.constant 0 : i32
      %dma_wait3A_1596 = arith.constant 0 : i32
      %dma_wait3A_1597 = tpu.memref_slice %arg7[%dma_wait3A_1585, %dma_wait3A_1586, %dma_wait3A_1595, %dma_wait3A_1596] : memref<2x8x128x64xf16, #tpu.memory_space<vmem>> -> memref<1x1x128x64xf16, #tpu.memory_space<vmem>>
      %dma_wait3A_1598 = tpu.memref_squeeze %dma_wait3A_1597 : memref<1x1x128x64xf16, #tpu.memory_space<vmem>> -> memref<128x64xf16, #tpu.memory_space<vmem>>
      tpu.wait_dma2 semaphore(%arg9 : memref<!tpu.dma_semaphore, #tpu.memory_space<semaphore_mem>>) src(%dma_wait3A_1598 : memref<128x64xf16, #tpu.memory_space<vmem>>) dst(%dma_wait3A_1594 : memref<128x64xf16, #tpu.memory_space<hbm>>)
      %dma_wait3A_1599 = arith.constant 1 : i32
      %dma_wait3A_1600 = arith.constant 2 : i32
      %dma_wait3A_1601 = arith.constant 0 : i32
      %dma_wait3A_1602 = arith.constant 0 : i32
      %dma_wait3A_1603 = tpu.memref_slice %arg7[%dma_wait3A_1599, %dma_wait3A_1600, %dma_wait3A_1601, %dma_wait3A_1602] : memref<2x8x128x64xf16, #tpu.memory_space<vmem>> -> memref<1x1x128x64xf16, #tpu.memory_space<vmem>>
      %dma_wait3A_1604 = tpu.memref_squeeze %dma_wait3A_1603 : memref<1x1x128x64xf16, #tpu.memory_space<vmem>> -> memref<128x64xf16, #tpu.memory_space<vmem>>
      %dma_wait3A_1605 = arith.constant 3328 : i32
      %dma_wait3A_1606 = tpu.memref_slice %arg4[%dma_wait3A_1605, %mul3A_1364] : memref<4096x12800xf16, #tpu.memory_space<hbm>> -> memref<128x64xf16, #tpu.memory_space<hbm>>
      %dma_wait3A_1607 = arith.constant 3328 : i32
      %dma_wait3A_1608 = tpu.memref_slice %arg4[%dma_wait3A_1607, %mul3A_1364] : memref<4096x12800xf16, #tpu.memory_space<hbm>> -> memref<128x64xf16, #tpu.memory_space<hbm>>
      %dma_wait3A_1609 = arith.constant 0 : i32
      %dma_wait3A_1610 = arith.constant 0 : i32
      %dma_wait3A_1611 = tpu.memref_slice %arg7[%dma_wait3A_1599, %dma_wait3A_1600, %dma_wait3A_1609, %dma_wait3A_1610] : memref<2x8x128x64xf16, #tpu.memory_space<vmem>> -> memref<1x1x128x64xf16, #tpu.memory_space<vmem>>
      %dma_wait3A_1612 = tpu.memref_squeeze %dma_wait3A_1611 : memref<1x1x128x64xf16, #tpu.memory_space<vmem>> -> memref<128x64xf16, #tpu.memory_space<vmem>>
      tpu.wait_dma2 semaphore(%arg9 : memref<!tpu.dma_semaphore, #tpu.memory_space<semaphore_mem>>) src(%dma_wait3A_1612 : memref<128x64xf16, #tpu.memory_space<vmem>>) dst(%dma_wait3A_1608 : memref<128x64xf16, #tpu.memory_space<hbm>>)
      %dma_wait3A_1613 = arith.constant 1 : i32
      %dma_wait3A_1614 = arith.constant 3 : i32
      %dma_wait3A_1615 = arith.constant 0 : i32
      %dma_wait3A_1616 = arith.constant 0 : i32
      %dma_wait3A_1617 = tpu.memref_slice %arg7[%dma_wait3A_1613, %dma_wait3A_1614, %dma_wait3A_1615, %dma_wait3A_1616] : memref<2x8x128x64xf16, #tpu.memory_space<vmem>> -> memref<1x1x128x64xf16, #tpu.memory_space<vmem>>
      %dma_wait3A_1618 = tpu.memref_squeeze %dma_wait3A_1617 : memref<1x1x128x64xf16, #tpu.memory_space<vmem>> -> memref<128x64xf16, #tpu.memory_space<vmem>>
      %dma_wait3A_1619 = arith.constant 3456 : i32
      %dma_wait3A_1620 = tpu.memref_slice %arg4[%dma_wait3A_1619, %mul3A_1380] : memref<4096x12800xf16, #tpu.memory_space<hbm>> -> memref<128x64xf16, #tpu.memory_space<hbm>>
      %dma_wait3A_1621 = arith.constant 3456 : i32
      %dma_wait3A_1622 = tpu.memref_slice %arg4[%dma_wait3A_1621, %mul3A_1380] : memref<4096x12800xf16, #tpu.memory_space<hbm>> -> memref<128x64xf16, #tpu.memory_space<hbm>>
      %dma_wait3A_1623 = arith.constant 0 : i32
      %dma_wait3A_1624 = arith.constant 0 : i32
      %dma_wait3A_1625 = tpu.memref_slice %arg7[%dma_wait3A_1613, %dma_wait3A_1614, %dma_wait3A_1623, %dma_wait3A_1624] : memref<2x8x128x64xf16, #tpu.memory_space<vmem>> -> memref<1x1x128x64xf16, #tpu.memory_space<vmem>>
      %dma_wait3A_1626 = tpu.memref_squeeze %dma_wait3A_1625 : memref<1x1x128x64xf16, #tpu.memory_space<vmem>> -> memref<128x64xf16, #tpu.memory_space<vmem>>
      tpu.wait_dma2 semaphore(%arg9 : memref<!tpu.dma_semaphore, #tpu.memory_space<semaphore_mem>>) src(%dma_wait3A_1626 : memref<128x64xf16, #tpu.memory_space<vmem>>) dst(%dma_wait3A_1622 : memref<128x64xf16, #tpu.memory_space<hbm>>)
      %dma_wait3A_1627 = arith.constant 1 : i32
      %dma_wait3A_1628 = arith.constant 4 : i32
      %dma_wait3A_1629 = arith.constant 0 : i32
      %dma_wait3A_1630 = arith.constant 0 : i32
      %dma_wait3A_1631 = tpu.memref_slice %arg7[%dma_wait3A_1627, %dma_wait3A_1628, %dma_wait3A_1629, %dma_wait3A_1630] : memref<2x8x128x64xf16, #tpu.memory_space<vmem>> -> memref<1x1x128x64xf16, #tpu.memory_space<vmem>>
      %dma_wait3A_1632 = tpu.memref_squeeze %dma_wait3A_1631 : memref<1x1x128x64xf16, #tpu.memory_space<vmem>> -> memref<128x64xf16, #tpu.memory_space<vmem>>
      %dma_wait3A_1633 = arith.constant 3584 : i32
      %dma_wait3A_1634 = tpu.memref_slice %arg4[%dma_wait3A_1633, %mul3A_1396] : memref<4096x12800xf16, #tpu.memory_space<hbm>> -> memref<128x64xf16, #tpu.memory_space<hbm>>
      %dma_wait3A_1635 = arith.constant 3584 : i32
      %dma_wait3A_1636 = tpu.memref_slice %arg4[%dma_wait3A_1635, %mul3A_1396] : memref<4096x12800xf16, #tpu.memory_space<hbm>> -> memref<128x64xf16, #tpu.memory_space<hbm>>
      %dma_wait3A_1637 = arith.constant 0 : i32
      %dma_wait3A_1638 = arith.constant 0 : i32
      %dma_wait3A_1639 = tpu.memref_slice %arg7[%dma_wait3A_1627, %dma_wait3A_1628, %dma_wait3A_1637, %dma_wait3A_1638] : memref<2x8x128x64xf16, #tpu.memory_space<vmem>> -> memref<1x1x128x64xf16, #tpu.memory_space<vmem>>
      %dma_wait3A_1640 = tpu.memref_squeeze %dma_wait3A_1639 : memref<1x1x128x64xf16, #tpu.memory_space<vmem>> -> memref<128x64xf16, #tpu.memory_space<vmem>>
      tpu.wait_dma2 semaphore(%arg9 : memref<!tpu.dma_semaphore, #tpu.memory_space<semaphore_mem>>) src(%dma_wait3A_1640 : memref<128x64xf16, #tpu.memory_space<vmem>>) dst(%dma_wait3A_1636 : memref<128x64xf16, #tpu.memory_space<hbm>>)
      %dma_wait3A_1641 = arith.constant 1 : i32
      %dma_wait3A_1642 = arith.constant 5 : i32
      %dma_wait3A_1643 = arith.constant 0 : i32
      %dma_wait3A_1644 = arith.constant 0 : i32
      %dma_wait3A_1645 = tpu.memref_slice %arg7[%dma_wait3A_1641, %dma_wait3A_1642, %dma_wait3A_1643, %dma_wait3A_1644] : memref<2x8x128x64xf16, #tpu.memory_space<vmem>> -> memref<1x1x128x64xf16, #tpu.memory_space<vmem>>
      %dma_wait3A_1646 = tpu.memref_squeeze %dma_wait3A_1645 : memref<1x1x128x64xf16, #tpu.memory_space<vmem>> -> memref<128x64xf16, #tpu.memory_space<vmem>>
      %dma_wait3A_1647 = arith.constant 3712 : i32
      %dma_wait3A_1648 = tpu.memref_slice %arg4[%dma_wait3A_1647, %mul3A_1412] : memref<4096x12800xf16, #tpu.memory_space<hbm>> -> memref<128x64xf16, #tpu.memory_space<hbm>>
      %dma_wait3A_1649 = arith.constant 3712 : i32
      %dma_wait3A_1650 = tpu.memref_slice %arg4[%dma_wait3A_1649, %mul3A_1412] : memref<4096x12800xf16, #tpu.memory_space<hbm>> -> memref<128x64xf16, #tpu.memory_space<hbm>>
      %dma_wait3A_1651 = arith.constant 0 : i32
      %dma_wait3A_1652 = arith.constant 0 : i32
      %dma_wait3A_1653 = tpu.memref_slice %arg7[%dma_wait3A_1641, %dma_wait3A_1642, %dma_wait3A_1651, %dma_wait3A_1652] : memref<2x8x128x64xf16, #tpu.memory_space<vmem>> -> memref<1x1x128x64xf16, #tpu.memory_space<vmem>>
      %dma_wait3A_1654 = tpu.memref_squeeze %dma_wait3A_1653 : memref<1x1x128x64xf16, #tpu.memory_space<vmem>> -> memref<128x64xf16, #tpu.memory_space<vmem>>
      tpu.wait_dma2 semaphore(%arg9 : memref<!tpu.dma_semaphore, #tpu.memory_space<semaphore_mem>>) src(%dma_wait3A_1654 : memref<128x64xf16, #tpu.memory_space<vmem>>) dst(%dma_wait3A_1650 : memref<128x64xf16, #tpu.memory_space<hbm>>)
      %dma_wait3A_1655 = arith.constant 1 : i32
      %dma_wait3A_1656 = arith.constant 6 : i32
      %dma_wait3A_1657 = arith.constant 0 : i32
      %dma_wait3A_1658 = arith.constant 0 : i32
      %dma_wait3A_1659 = tpu.memref_slice %arg7[%dma_wait3A_1655, %dma_wait3A_1656, %dma_wait3A_1657, %dma_wait3A_1658] : memref<2x8x128x64xf16, #tpu.memory_space<vmem>> -> memref<1x1x128x64xf16, #tpu.memory_space<vmem>>
      %dma_wait3A_1660 = tpu.memref_squeeze %dma_wait3A_1659 : memref<1x1x128x64xf16, #tpu.memory_space<vmem>> -> memref<128x64xf16, #tpu.memory_space<vmem>>
      %dma_wait3A_1661 = arith.constant 3840 : i32
      %dma_wait3A_1662 = tpu.memref_slice %arg4[%dma_wait3A_1661, %mul3A_1428] : memref<4096x12800xf16, #tpu.memory_space<hbm>> -> memref<128x64xf16, #tpu.memory_space<hbm>>
      %dma_wait3A_1663 = arith.constant 3840 : i32
      %dma_wait3A_1664 = tpu.memref_slice %arg4[%dma_wait3A_1663, %mul3A_1428] : memref<4096x12800xf16, #tpu.memory_space<hbm>> -> memref<128x64xf16, #tpu.memory_space<hbm>>
      %dma_wait3A_1665 = arith.constant 0 : i32
      %dma_wait3A_1666 = arith.constant 0 : i32
      %dma_wait3A_1667 = tpu.memref_slice %arg7[%dma_wait3A_1655, %dma_wait3A_1656, %dma_wait3A_1665, %dma_wait3A_1666] : memref<2x8x128x64xf16, #tpu.memory_space<vmem>> -> memref<1x1x128x64xf16, #tpu.memory_space<vmem>>
      %dma_wait3A_1668 = tpu.memref_squeeze %dma_wait3A_1667 : memref<1x1x128x64xf16, #tpu.memory_space<vmem>> -> memref<128x64xf16, #tpu.memory_space<vmem>>
      tpu.wait_dma2 semaphore(%arg9 : memref<!tpu.dma_semaphore, #tpu.memory_space<semaphore_mem>>) src(%dma_wait3A_1668 : memref<128x64xf16, #tpu.memory_space<vmem>>) dst(%dma_wait3A_1664 : memref<128x64xf16, #tpu.memory_space<hbm>>)
      %dma_wait3A_1669 = arith.constant 1 : i32
      %dma_wait3A_1670 = arith.constant 7 : i32
      %dma_wait3A_1671 = arith.constant 0 : i32
      %dma_wait3A_1672 = arith.constant 0 : i32
      %dma_wait3A_1673 = tpu.memref_slice %arg7[%dma_wait3A_1669, %dma_wait3A_1670, %dma_wait3A_1671, %dma_wait3A_1672] : memref<2x8x128x64xf16, #tpu.memory_space<vmem>> -> memref<1x1x128x64xf16, #tpu.memory_space<vmem>>
      %dma_wait3A_1674 = tpu.memref_squeeze %dma_wait3A_1673 : memref<1x1x128x64xf16, #tpu.memory_space<vmem>> -> memref<128x64xf16, #tpu.memory_space<vmem>>
      %dma_wait3A_1675 = arith.constant 3968 : i32
      %dma_wait3A_1676 = tpu.memref_slice %arg4[%dma_wait3A_1675, %mul3A_1444] : memref<4096x12800xf16, #tpu.memory_space<hbm>> -> memref<128x64xf16, #tpu.memory_space<hbm>>
      %dma_wait3A_1677 = arith.constant 3968 : i32
      %dma_wait3A_1678 = tpu.memref_slice %arg4[%dma_wait3A_1677, %mul3A_1444] : memref<4096x12800xf16, #tpu.memory_space<hbm>> -> memref<128x64xf16, #tpu.memory_space<hbm>>
      %dma_wait3A_1679 = arith.constant 0 : i32
      %dma_wait3A_1680 = arith.constant 0 : i32
      %dma_wait3A_1681 = tpu.memref_slice %arg7[%dma_wait3A_1669, %dma_wait3A_1670, %dma_wait3A_1679, %dma_wait3A_1680] : memref<2x8x128x64xf16, #tpu.memory_space<vmem>> -> memref<1x1x128x64xf16, #tpu.memory_space<vmem>>
      %dma_wait3A_1682 = tpu.memref_squeeze %dma_wait3A_1681 : memref<1x1x128x64xf16, #tpu.memory_space<vmem>> -> memref<128x64xf16, #tpu.memory_space<vmem>>
      tpu.wait_dma2 semaphore(%arg9 : memref<!tpu.dma_semaphore, #tpu.memory_space<semaphore_mem>>) src(%dma_wait3A_1682 : memref<128x64xf16, #tpu.memory_space<vmem>>) dst(%dma_wait3A_1678 : memref<128x64xf16, #tpu.memory_space<hbm>>)
    }
    %while3A_11 = arith.constant 1 : i32
    scf.for %while3A_12 = %while3A_9 to %while3A_5 step %while3A_11  : i32 {
      %mul3A_13 = arith.constant 32 : i32
      %mul3A_14 = arith.muli %while3A_12, %mul3A_13 : i32
      %add3A_15 = arith.addi %add3A, %mul3A_14 : i32
      "tpu.region"() ({
        %run_scoped3A = tpu.sem_alloc : memref<!tpu.dma_semaphore, #tpu.memory_space<semaphore_mem>>
        %dma_start3A_1683 = arith.constant 0 : i32
        %dma_start3A_1684 = arith.constant 0 : i32
        %dma_start3A_1685 = arith.constant 0 : i32
        %dma_start3A_1686 = tpu.memref_slice %arg2[%add3A_15, %dma_start3A_1683, %dma_start3A_1684, %dma_start3A_1685] : memref<200x32x2x128xf32, #tpu.memory_space<hbm>> -> memref<1x32x2x128xf32, #tpu.memory_space<hbm>>
        %dma_start3A_1687 = tpu.memref_squeeze %dma_start3A_1686 : memref<1x32x2x128xf32, #tpu.memory_space<hbm>> -> memref<32x2x128xf32, #tpu.memory_space<hbm>>
        %dma_start3A_1688 = arith.constant 0 : i32
        %dma_start3A_1689 = arith.constant 0 : i32
        %dma_start3A_1690 = arith.constant 0 : i32
        %dma_start3A_1691 = tpu.memref_slice %arg2[%add3A_15, %dma_start3A_1688, %dma_start3A_1689, %dma_start3A_1690] : memref<200x32x2x128xf32, #tpu.memory_space<hbm>> -> memref<1x32x2x128xf32, #tpu.memory_space<hbm>>
        %dma_start3A_1692 = tpu.memref_squeeze %dma_start3A_1691 : memref<1x32x2x128xf32, #tpu.memory_space<hbm>> -> memref<32x2x128xf32, #tpu.memory_space<hbm>>
        tpu.enqueue_dma source(%dma_start3A_1692 : memref<32x2x128xf32, #tpu.memory_space<hbm>>) target(%arg5 : memref<32x2x128xf32, #tpu.memory_space<vmem>>) target_semaphore(%run_scoped3A : memref<!tpu.dma_semaphore, #tpu.memory_space<semaphore_mem>>)
        %dma_wait3A_1693 = arith.constant 0 : i32
        %dma_wait3A_1694 = arith.constant 0 : i32
        %dma_wait3A_1695 = arith.constant 0 : i32
        %dma_wait3A_1696 = tpu.memref_slice %arg2[%add3A_15, %dma_wait3A_1693, %dma_wait3A_1694, %dma_wait3A_1695] : memref<200x32x2x128xf32, #tpu.memory_space<hbm>> -> memref<1x32x2x128xf32, #tpu.memory_space<hbm>>
        %dma_wait3A_1697 = tpu.memref_squeeze %dma_wait3A_1696 : memref<1x32x2x128xf32, #tpu.memory_space<hbm>> -> memref<32x2x128xf32, #tpu.memory_space<hbm>>
        %dma_wait3A_1698 = arith.constant 0 : i32
        %dma_wait3A_1699 = arith.constant 0 : i32
        %dma_wait3A_1700 = arith.constant 0 : i32
        %dma_wait3A_1701 = tpu.memref_slice %arg2[%add3A_15, %dma_wait3A_1698, %dma_wait3A_1699, %dma_wait3A_1700] : memref<200x32x2x128xf32, #tpu.memory_space<hbm>> -> memref<1x32x2x128xf32, #tpu.memory_space<hbm>>
        %dma_wait3A_1702 = tpu.memref_squeeze %dma_wait3A_1701 : memref<1x32x2x128xf32, #tpu.memory_space<hbm>> -> memref<32x2x128xf32, #tpu.memory_space<hbm>>
        tpu.wait_dma2 semaphore(%run_scoped3A : memref<!tpu.dma_semaphore, #tpu.memory_space<semaphore_mem>>) src(%dma_wait3A_1702 : memref<32x2x128xf32, #tpu.memory_space<hbm>>) dst(%arg5 : memref<32x2x128xf32, #tpu.memory_space<vmem>>)
        tpu.yield
      }) : () -> ()
      %scan3A = arith.constant 0 : i32
      %scan3A_16 = arith.constant 0 : i32
      %scan3A_17 = arith.constant 256 : i32
      %scan3A_18 = arith.addi %scan3A_16, %scan3A_17 : i32
      %scan3A_19 = arith.constant 2 : i32
      scf.for %scan3A_1683 = %scan3A_16 to %scan3A_18 step %scan3A_19  : i32 {
        %jit3A_1684 = arith.constant 8 : i32
        %div3A = arith.divsi %scan3A_1683, %jit3A_1684 : i32
        %sign3A = arith.constant 0 : i32
        %sign3A_1685 = arith.cmpi sgt, %scan3A_1683, %sign3A : i32
        %sign3A_1686 = arith.extui %sign3A_1685 : i1 to i32
        %sign3A_1687 = arith.constant 0 : i32
        %sign3A_1688 = arith.cmpi slt, %scan3A_1683, %sign3A_1687 : i32
        %sign3A_1689 = arith.extui %sign3A_1688 : i1 to i32
        %sign3A_1690 = arith.subi %sign3A_1686, %sign3A_1689 : i32
        %sign3A_1691 = arith.constant 0 : i32
        %sign3A_1692 = arith.cmpi sgt, %jit3A_1684, %sign3A_1691 : i32
        %sign3A_1693 = arith.extui %sign3A_1692 : i1 to i32
        %sign3A_1694 = arith.constant 0 : i32
        %sign3A_1695 = arith.cmpi slt, %jit3A_1684, %sign3A_1694 : i32
        %sign3A_1696 = arith.extui %sign3A_1695 : i1 to i32
        %sign3A_1697 = arith.subi %sign3A_1693, %sign3A_1696 : i32
        %ne3A = arith.cmpi ne, %sign3A_1690, %sign3A_1697 : i32
        %rem3A = arith.remsi %scan3A_1683, %jit3A_1684 : i32
        %ne3A_1698 = arith.constant 0 : i32
        %ne3A_1699 = arith.cmpi ne, %rem3A, %ne3A_1698 : i32
        %and3A = arith.andi %ne3A, %ne3A_1699 : i1
        %sub3A = arith.constant 1 : i32
        %sub3A_1700 = arith.subi %div3A, %sub3A : i32
        %select_n3A_1701 = arith.select %and3A, %sub3A_1700, %div3A : i32
        %jit3A_1702 = arith.constant 8 : i32
        %eq3A = arith.constant 0 : i32
        %eq3A_1703 = arith.cmpi eq, %jit3A_1702, %eq3A : i32
        %jit3A_1704 = arith.constant 1 : i32
        %select_n3A_1705 = arith.select %eq3A_1703, %jit3A_1704, %jit3A_1702 : i32
        %rem3A_1706 = arith.remsi %scan3A_1683, %select_n3A_1705 : i32
        %ne3A_1707 = arith.constant 0 : i32
        %ne3A_1708 = arith.cmpi ne, %rem3A_1706, %ne3A_1707 : i32
        %lt3A_1709 = arith.constant 0 : i32
        %lt3A_1710 = arith.cmpi slt, %rem3A_1706, %lt3A_1709 : i32
        %lt3A_1711 = arith.constant 0 : i32
        %lt3A_1712 = arith.cmpi slt, %select_n3A_1705, %lt3A_1711 : i32
        %ne3A_1713 = arith.xori %lt3A_1710, %lt3A_1712 : i1
        %and3A_1714 = arith.andi %ne3A_1713, %ne3A_1708 : i1
        %add3A_1715 = arith.addi %rem3A_1706, %select_n3A_1705 : i32
        %select_n3A_1716 = arith.select %and3A_1714, %add3A_1715, %rem3A_1706 : i32
        %mul3A_1717 = arith.constant 16 : i32
        %mul3A_1718 = arith.muli %select_n3A_1716, %mul3A_1717 : i32
        %get3A = arith.constant 0 : i32
        %get3A_1719 = arith.index_cast %select_n3A_1701 : i32 to index
        %get3A_1720 = arith.index_cast %get3A : i32 to index
        %get3A_1721 = arith.index_cast %mul3A_1718 : i32 to index
        %get3A_1722 = tpu.vector_load %arg5[%get3A_1719, %get3A_1720, %get3A_1721] {strides = array<i32>} : memref<32x2x128xf32, #tpu.memory_space<vmem>>, vector<16xf32>,
        %mul3A_1723 = arith.constant 16 : i32
        %mul3A_1724 = arith.muli %select_n3A_1716, %mul3A_1723 : i32
        %get3A_1725 = arith.constant 1 : i32
        %get3A_1726 = arith.index_cast %select_n3A_1701 : i32 to index
        %get3A_1727 = arith.index_cast %get3A_1725 : i32 to index
        %get3A_1728 = arith.index_cast %mul3A_1724 : i32 to index
        %get3A_1729 = tpu.vector_load %arg5[%get3A_1726, %get3A_1727, %get3A_1728] {strides = array<i32>} : memref<32x2x128xf32, #tpu.memory_space<vmem>>, vector<16xf32>,
        %mul3A_1730 = arith.constant 3.906250e-03 : f32
        %mul3A_1731 = vector.broadcast %mul3A_1730 : f32 to vector<16xf32>
        %mul3A_1732 = arith.mulf %get3A_1722, %mul3A_1731 : vector<16xf32>
        %convert_element_type3A = arith.fptosi %mul3A_1732 : vector<16xf32> to vector<16xi32>
        %mul3A_1733 = arith.constant 3.906250e-03 : f32
        %mul3A_1734 = vector.broadcast %mul3A_1733 : f32 to vector<16xf32>
        %mul3A_1735 = arith.mulf %get3A_1729, %mul3A_1734 : vector<16xf32>
        %convert_element_type3A_1736 = arith.fptosi %mul3A_1735 : vector<16xf32> to vector<16xi32>
        %mul3A_1737 = arith.constant 1000 : i32
        %mul3A_1738 = vector.broadcast %mul3A_1737 : i32 to vector<16xi32>
        %mul3A_1739 = arith.muli %convert_element_type3A, %mul3A_1738 : vector<16xi32>
        %add3A_1740 = arith.addi %mul3A_1739, %convert_element_type3A_1736 : vector<16xi32>
        %max3A = arith.constant 0 : i32
        %max3A_1741 = vector.broadcast %max3A : i32 to vector<16xi32>
        %max3A_1742 = arith.maxsi %add3A_1740, %max3A_1741 : vector<16xi32>
        %min3A = arith.constant 999999 : i32
        %min3A_1743 = vector.broadcast %min3A : i32 to vector<16xi32>
        %min3A_1744 = arith.minsi %max3A_1742, %min3A_1743 : vector<16xi32>
        %mul3A_1745 = arith.constant 16 : i32
        %mul3A_1746 = arith.muli %scan3A_1683, %mul3A_1745 : i32
        %swap3A = arith.index_cast %mul3A_1746 : i32 to index
        %swap3A_1747 = tpu.vector_load %arg6[%swap3A] {strides = array<i32>} : memref<4096xi32, #tpu.memory_space<vmem>>, vector<16xi32>,
        tpu.vector_store %arg6[%swap3A], %min3A_1744 {strides = array<i32>} : memref<4096xi32, #tpu.memory_space<vmem>>, vector<16xi32>,
        %scan3A_1748 = arith.constant 1 : i32
        %scan3A_1749 = arith.addi %scan3A_1683, %scan3A_1748 : i32
        %jit3A_1750 = arith.constant 8 : i32
        %div3A_1751 = arith.divsi %scan3A_1749, %jit3A_1750 : i32
        %sign3A_1752 = arith.constant 0 : i32
        %sign3A_1753 = arith.cmpi sgt, %scan3A_1749, %sign3A_1752 : i32
        %sign3A_1754 = arith.extui %sign3A_1753 : i1 to i32
        %sign3A_1755 = arith.constant 0 : i32
        %sign3A_1756 = arith.cmpi slt, %scan3A_1749, %sign3A_1755 : i32
        %sign3A_1757 = arith.extui %sign3A_1756 : i1 to i32
        %sign3A_1758 = arith.subi %sign3A_1754, %sign3A_1757 : i32
        %sign3A_1759 = arith.constant 0 : i32
        %sign3A_1760 = arith.cmpi sgt, %jit3A_1750, %sign3A_1759 : i32
        %sign3A_1761 = arith.extui %sign3A_1760 : i1 to i32
        %sign3A_1762 = arith.constant 0 : i32
        %sign3A_1763 = arith.cmpi slt, %jit3A_1750, %sign3A_1762 : i32
        %sign3A_1764 = arith.extui %sign3A_1763 : i1 to i32
        %sign3A_1765 = arith.subi %sign3A_1761, %sign3A_1764 : i32
        %ne3A_1766 = arith.cmpi ne, %sign3A_1758, %sign3A_1765 : i32
        %rem3A_1767 = arith.remsi %scan3A_1749, %jit3A_1750 : i32
        %ne3A_1768 = arith.constant 0 : i32
        %ne3A_1769 = arith.cmpi ne, %rem3A_1767, %ne3A_1768 : i32
        %and3A_1770 = arith.andi %ne3A_1766, %ne3A_1769 : i1
        %sub3A_1771 = arith.constant 1 : i32
        %sub3A_1772 = arith.subi %div3A_1751, %sub3A_1771 : i32
        %select_n3A_1773 = arith.select %and3A_1770, %sub3A_1772, %div3A_1751 : i32
        %jit3A_1774 = arith.constant 8 : i32
        %eq3A_1775 = arith.constant 0 : i32
        %eq3A_1776 = arith.cmpi eq, %jit3A_1774, %eq3A_1775 : i32
        %jit3A_1777 = arith.constant 1 : i32
        %select_n3A_1778 = arith.select %eq3A_1776, %jit3A_1777, %jit3A_1774 : i32
        %rem3A_1779 = arith.remsi %scan3A_1749, %select_n3A_1778 : i32
        %ne3A_1780 = arith.constant 0 : i32
        %ne3A_1781 = arith.cmpi ne, %rem3A_1779, %ne3A_1780 : i32
        %lt3A_1782 = arith.constant 0 : i32
        %lt3A_1783 = arith.cmpi slt, %rem3A_1779, %lt3A_1782 : i32
        %lt3A_1784 = arith.constant 0 : i32
        %lt3A_1785 = arith.cmpi slt, %select_n3A_1778, %lt3A_1784 : i32
        %ne3A_1786 = arith.xori %lt3A_1783, %lt3A_1785 : i1
        %and3A_1787 = arith.andi %ne3A_1786, %ne3A_1781 : i1
        %add3A_1788 = arith.addi %rem3A_1779, %select_n3A_1778 : i32
        %select_n3A_1789 = arith.select %and3A_1787, %add3A_1788, %rem3A_1779 : i32
        %mul3A_1790 = arith.constant 16 : i32
        %mul3A_1791 = arith.muli %select_n3A_1789, %mul3A_1790 : i32
        %get3A_1792 = arith.constant 0 : i32
        %get3A_1793 = arith.index_cast %select_n3A_1773 : i32 to index
        %get3A_1794 = arith.index_cast %get3A_1792 : i32 to index
        %get3A_1795 = arith.index_cast %mul3A_1791 : i32 to index
        %get3A_1796 = tpu.vector_load %arg5[%get3A_1793, %get3A_1794, %get3A_1795] {strides = array<i32>} : memref<32x2x128xf32, #tpu.memory_space<vmem>>, vector<16xf32>,
        %mul3A_1797 = arith.constant 16 : i32
        %mul3A_1798 = arith.muli %select_n3A_1789, %mul3A_1797 : i32
        %get3A_1799 = arith.constant 1 : i32
        %get3A_1800 = arith.index_cast %select_n3A_1773 : i32 to index
        %get3A_1801 = arith.index_cast %get3A_1799 : i32 to index
        %get3A_1802 = arith.index_cast %mul3A_1798 : i32 to index
        %get3A_1803 = tpu.vector_load %arg5[%get3A_1800, %get3A_1801, %get3A_1802] {strides = array<i32>} : memref<32x2x128xf32, #tpu.memory_space<vmem>>, vector<16xf32>,
        %mul3A_1804 = arith.constant 3.906250e-03 : f32
        %mul3A_1805 = vector.broadcast %mul3A_1804 : f32 to vector<16xf32>
        %mul3A_1806 = arith.mulf %get3A_1796, %mul3A_1805 : vector<16xf32>
        %convert_element_type3A_1807 = arith.fptosi %mul3A_1806 : vector<16xf32> to vector<16xi32>
        %mul3A_1808 = arith.constant 3.906250e-03 : f32
        %mul3A_1809 = vector.broadcast %mul3A_1808 : f32 to vector<16xf32>
        %mul3A_1810 = arith.mulf %get3A_1803, %mul3A_1809 : vector<16xf32>
        %convert_element_type3A_1811 = arith.fptosi %mul3A_1810 : vector<16xf32> to vector<16xi32>
        %mul3A_1812 = arith.constant 1000 : i32
        %mul3A_1813 = vector.broadcast %mul3A_1812 : i32 to vector<16xi32>
        %mul3A_1814 = arith.muli %convert_element_type3A_1807, %mul3A_1813 : vector<16xi32>
        %add3A_1815 = arith.addi %mul3A_1814, %convert_element_type3A_1811 : vector<16xi32>
        %max3A_1816 = arith.constant 0 : i32
        %max3A_1817 = vector.broadcast %max3A_1816 : i32 to vector<16xi32>
        %max3A_1818 = arith.maxsi %add3A_1815, %max3A_1817 : vector<16xi32>
        %min3A_1819 = arith.constant 999999 : i32
        %min3A_1820 = vector.broadcast %min3A_1819 : i32 to vector<16xi32>
        %min3A_1821 = arith.minsi %max3A_1818, %min3A_1820 : vector<16xi32>
        %mul3A_1822 = arith.constant 16 : i32
        %mul3A_1823 = arith.muli %scan3A_1749, %mul3A_1822 : i32
        %swap3A_1824 = arith.index_cast %mul3A_1823 : i32 to index
        %swap3A_1825 = tpu.vector_load %arg6[%swap3A_1824] {strides = array<i32>} : memref<4096xi32, #tpu.memory_space<vmem>>, vector<16xi32>,
        tpu.vector_store %arg6[%swap3A_1824], %min3A_1821 {strides = array<i32>} : memref<4096xi32, #tpu.memory_space<vmem>>, vector<16xi32>,
      }
      %scan3A_20 = arith.constant 256 : i32
      %dma_start3A = arith.constant 0 : i32
      %dma_start3A_21 = arith.constant 0 : i32
      %dma_start3A_22 = arith.constant 0 : i32
      %dma_start3A_23 = arith.constant 0 : i32
      %dma_start3A_24 = tpu.memref_slice %arg7[%dma_start3A, %dma_start3A_21, %dma_start3A_22, %dma_start3A_23] : memref<2x8x128x64xf16, #tpu.memory_space<vmem>> -> memref<1x1x128x64xf16, #tpu.memory_space<vmem>>
      %dma_start3A_25 = tpu.memref_squeeze %dma_start3A_24 : memref<1x1x128x64xf16, #tpu.memory_space<vmem>> -> memref<128x64xf16, #tpu.memory_space<vmem>>
      %dma_start3A_26 = arith.constant 0 : i32
      %dma_start3A_27 = tpu.memref_slice %arg6[%dma_start3A_26] : memref<4096xi32, #tpu.memory_space<vmem>> -> memref<128xi32, #tpu.memory_space<vmem>>
      %dma_start3A_28 = arith.constant 0 : i32
      %dma_start3A_29 = arith.constant 0 : i32
      %dma_start3A_30 = tpu.memref_slice %arg3[%dma_start3A_28, %dma_start3A_29] : memref<1000000x64xf16, #tpu.memory_space<hbm>> -> memref<1000000x64xf16, #tpu.memory_space<hbm>>
      tpu.enqueue_indirect_dma source(%dma_start3A_30 : memref<1000000x64xf16, #tpu.memory_space<hbm>>) target(%dma_start3A_25 : memref<128x64xf16, #tpu.memory_space<vmem>>) offsets(%dma_start3A_27 : memref<128xi32, #tpu.memory_space<vmem>>) semaphore(%arg8 : memref<!tpu.dma_semaphore, #tpu.memory_space<semaphore_mem>>)
      %dma_start3A_31 = arith.constant 0 : i32
      %dma_start3A_32 = arith.constant 1 : i32
      %dma_start3A_33 = arith.constant 0 : i32
      %dma_start3A_34 = arith.constant 0 : i32
      %dma_start3A_35 = tpu.memref_slice %arg7[%dma_start3A_31, %dma_start3A_32, %dma_start3A_33, %dma_start3A_34] : memref<2x8x128x64xf16, #tpu.memory_space<vmem>> -> memref<1x1x128x64xf16, #tpu.memory_space<vmem>>
      %dma_start3A_36 = tpu.memref_squeeze %dma_start3A_35 : memref<1x1x128x64xf16, #tpu.memory_space<vmem>> -> memref<128x64xf16, #tpu.memory_space<vmem>>
      %dma_start3A_37 = arith.constant 128 : i32
      %dma_start3A_38 = tpu.memref_slice %arg6[%dma_start3A_37] : memref<4096xi32, #tpu.memory_space<vmem>> -> memref<128xi32, #tpu.memory_space<vmem>>
      %dma_start3A_39 = arith.constant 0 : i32
      %dma_start3A_40 = arith.constant 0 : i32
      %dma_start3A_41 = tpu.memref_slice %arg3[%dma_start3A_39, %dma_start3A_40] : memref<1000000x64xf16, #tpu.memory_space<hbm>> -> memref<1000000x64xf16, #tpu.memory_space<hbm>>
      tpu.enqueue_indirect_dma source(%dma_start3A_41 : memref<1000000x64xf16, #tpu.memory_space<hbm>>) target(%dma_start3A_36 : memref<128x64xf16, #tpu.memory_space<vmem>>) offsets(%dma_start3A_38 : memref<128xi32, #tpu.memory_space<vmem>>) semaphore(%arg8 : memref<!tpu.dma_semaphore, #tpu.memory_space<semaphore_mem>>)
      %dma_start3A_42 = arith.constant 0 : i32
      %dma_start3A_43 = arith.constant 2 : i32
      %dma_start3A_44 = arith.constant 0 : i32
      %dma_start3A_45 = arith.constant 0 : i32
      %dma_start3A_46 = tpu.memref_slice %arg7[%dma_start3A_42, %dma_start3A_43, %dma_start3A_44, %dma_start3A_45] : memref<2x8x128x64xf16, #tpu.memory_space<vmem>> -> memref<1x1x128x64xf16, #tpu.memory_space<vmem>>
      %dma_start3A_47 = tpu.memref_squeeze %dma_start3A_46 : memref<1x1x128x64xf16, #tpu.memory_space<vmem>> -> memref<128x64xf16, #tpu.memory_space<vmem>>
      %dma_start3A_48 = arith.constant 256 : i32
      %dma_start3A_49 = tpu.memref_slice %arg6[%dma_start3A_48] : memref<4096xi32, #tpu.memory_space<vmem>> -> memref<128xi32, #tpu.memory_space<vmem>>
      %dma_start3A_50 = arith.constant 0 : i32
      %dma_start3A_51 = arith.constant 0 : i32
      %dma_start3A_52 = tpu.memref_slice %arg3[%dma_start3A_50, %dma_start3A_51] : memref<1000000x64xf16, #tpu.memory_space<hbm>> -> memref<1000000x64xf16, #tpu.memory_space<hbm>>
      tpu.enqueue_indirect_dma source(%dma_start3A_52 : memref<1000000x64xf16, #tpu.memory_space<hbm>>) target(%dma_start3A_47 : memref<128x64xf16, #tpu.memory_space<vmem>>) offsets(%dma_start3A_49 : memref<128xi32, #tpu.memory_space<vmem>>) semaphore(%arg8 : memref<!tpu.dma_semaphore, #tpu.memory_space<semaphore_mem>>)
      %dma_start3A_53 = arith.constant 0 : i32
      %dma_start3A_54 = arith.constant 3 : i32
      %dma_start3A_55 = arith.constant 0 : i32
      %dma_start3A_56 = arith.constant 0 : i32
      %dma_start3A_57 = tpu.memref_slice %arg7[%dma_start3A_53, %dma_start3A_54, %dma_start3A_55, %dma_start3A_56] : memref<2x8x128x64xf16, #tpu.memory_space<vmem>> -> memref<1x1x128x64xf16, #tpu.memory_space<vmem>>
      %dma_start3A_58 = tpu.memref_squeeze %dma_start3A_57 : memref<1x1x128x64xf16, #tpu.memory_space<vmem>> -> memref<128x64xf16, #tpu.memory_space<vmem>>
      %dma_start3A_59 = arith.constant 384 : i32
      %dma_start3A_60 = tpu.memref_slice %arg6[%dma_start3A_59] : memref<4096xi32, #tpu.memory_space<vmem>> -> memref<128xi32, #tpu.memory_space<vmem>>
      %dma_start3A_61 = arith.constant 0 : i32
      %dma_start3A_62 = arith.constant 0 : i32
      %dma_start3A_63 = tpu.memref_slice %arg3[%dma_start3A_61, %dma_start3A_62] : memref<1000000x64xf16, #tpu.memory_space<hbm>> -> memref<1000000x64xf16, #tpu.memory_space<hbm>>
      tpu.enqueue_indirect_dma source(%dma_start3A_63 : memref<1000000x64xf16, #tpu.memory_space<hbm>>) target(%dma_start3A_58 : memref<128x64xf16, #tpu.memory_space<vmem>>) offsets(%dma_start3A_60 : memref<128xi32, #tpu.memory_space<vmem>>) semaphore(%arg8 : memref<!tpu.dma_semaphore, #tpu.memory_space<semaphore_mem>>)
      %dma_start3A_64 = arith.constant 0 : i32
      %dma_start3A_65 = arith.constant 4 : i32
      %dma_start3A_66 = arith.constant 0 : i32
      %dma_start3A_67 = arith.constant 0 : i32
      %dma_start3A_68 = tpu.memref_slice %arg7[%dma_start3A_64, %dma_start3A_65, %dma_start3A_66, %dma_start3A_67] : memref<2x8x128x64xf16, #tpu.memory_space<vmem>> -> memref<1x1x128x64xf16, #tpu.memory_space<vmem>>
      %dma_start3A_69 = tpu.memref_squeeze %dma_start3A_68 : memref<1x1x128x64xf16, #tpu.memory_space<vmem>> -> memref<128x64xf16, #tpu.memory_space<vmem>>
      %dma_start3A_70 = arith.constant 512 : i32
      %dma_start3A_71 = tpu.memref_slice %arg6[%dma_start3A_70] : memref<4096xi32, #tpu.memory_space<vmem>> -> memref<128xi32, #tpu.memory_space<vmem>>
      %dma_start3A_72 = arith.constant 0 : i32
      %dma_start3A_73 = arith.constant 0 : i32
      %dma_start3A_74 = tpu.memref_slice %arg3[%dma_start3A_72, %dma_start3A_73] : memref<1000000x64xf16, #tpu.memory_space<hbm>> -> memref<1000000x64xf16, #tpu.memory_space<hbm>>
      tpu.enqueue_indirect_dma source(%dma_start3A_74 : memref<1000000x64xf16, #tpu.memory_space<hbm>>) target(%dma_start3A_69 : memref<128x64xf16, #tpu.memory_space<vmem>>) offsets(%dma_start3A_71 : memref<128xi32, #tpu.memory_space<vmem>>) semaphore(%arg8 : memref<!tpu.dma_semaphore, #tpu.memory_space<semaphore_mem>>)
      %dma_start3A_75 = arith.constant 0 : i32
      %dma_start3A_76 = arith.constant 5 : i32
      %dma_start3A_77 = arith.constant 0 : i32
      %dma_start3A_78 = arith.constant 0 : i32
      %dma_start3A_79 = tpu.memref_slice %arg7[%dma_start3A_75, %dma_start3A_76, %dma_start3A_77, %dma_start3A_78] : memref<2x8x128x64xf16, #tpu.memory_space<vmem>> -> memref<1x1x128x64xf16, #tpu.memory_space<vmem>>
      %dma_start3A_80 = tpu.memref_squeeze %dma_start3A_79 : memref<1x1x128x64xf16, #tpu.memory_space<vmem>> -> memref<128x64xf16, #tpu.memory_space<vmem>>
      %dma_start3A_81 = arith.constant 640 : i32
      %dma_start3A_82 = tpu.memref_slice %arg6[%dma_start3A_81] : memref<4096xi32, #tpu.memory_space<vmem>> -> memref<128xi32, #tpu.memory_space<vmem>>
      %dma_start3A_83 = arith.constant 0 : i32
      %dma_start3A_84 = arith.constant 0 : i32
      %dma_start3A_85 = tpu.memref_slice %arg3[%dma_start3A_83, %dma_start3A_84] : memref<1000000x64xf16, #tpu.memory_space<hbm>> -> memref<1000000x64xf16, #tpu.memory_space<hbm>>
      tpu.enqueue_indirect_dma source(%dma_start3A_85 : memref<1000000x64xf16, #tpu.memory_space<hbm>>) target(%dma_start3A_80 : memref<128x64xf16, #tpu.memory_space<vmem>>) offsets(%dma_start3A_82 : memref<128xi32, #tpu.memory_space<vmem>>) semaphore(%arg8 : memref<!tpu.dma_semaphore, #tpu.memory_space<semaphore_mem>>)
      %dma_start3A_86 = arith.constant 0 : i32
      %dma_start3A_87 = arith.constant 6 : i32
      %dma_start3A_88 = arith.constant 0 : i32
      %dma_start3A_89 = arith.constant 0 : i32
      %dma_start3A_90 = tpu.memref_slice %arg7[%dma_start3A_86, %dma_start3A_87, %dma_start3A_88, %dma_start3A_89] : memref<2x8x128x64xf16, #tpu.memory_space<vmem>> -> memref<1x1x128x64xf16, #tpu.memory_space<vmem>>
      %dma_start3A_91 = tpu.memref_squeeze %dma_start3A_90 : memref<1x1x128x64xf16, #tpu.memory_space<vmem>> -> memref<128x64xf16, #tpu.memory_space<vmem>>
      %dma_start3A_92 = arith.constant 768 : i32
      %dma_start3A_93 = tpu.memref_slice %arg6[%dma_start3A_92] : memref<4096xi32, #tpu.memory_space<vmem>> -> memref<128xi32, #tpu.memory_space<vmem>>
      %dma_start3A_94 = arith.constant 0 : i32
      %dma_start3A_95 = arith.constant 0 : i32
      %dma_start3A_96 = tpu.memref_slice %arg3[%dma_start3A_94, %dma_start3A_95] : memref<1000000x64xf16, #tpu.memory_space<hbm>> -> memref<1000000x64xf16, #tpu.memory_space<hbm>>
      tpu.enqueue_indirect_dma source(%dma_start3A_96 : memref<1000000x64xf16, #tpu.memory_space<hbm>>) target(%dma_start3A_91 : memref<128x64xf16, #tpu.memory_space<vmem>>) offsets(%dma_start3A_93 : memref<128xi32, #tpu.memory_space<vmem>>) semaphore(%arg8 : memref<!tpu.dma_semaphore, #tpu.memory_space<semaphore_mem>>)
      %dma_start3A_97 = arith.constant 0 : i32
      %dma_start3A_98 = arith.constant 7 : i32
      %dma_start3A_99 = arith.constant 0 : i32
      %dma_start3A_100 = arith.constant 0 : i32
      %dma_start3A_101 = tpu.memref_slice %arg7[%dma_start3A_97, %dma_start3A_98, %dma_start3A_99, %dma_start3A_100] : memref<2x8x128x64xf16, #tpu.memory_space<vmem>> -> memref<1x1x128x64xf16, #tpu.memory_space<vmem>>
      %dma_start3A_102 = tpu.memref_squeeze %dma_start3A_101 : memref<1x1x128x64xf16, #tpu.memory_space<vmem>> -> memref<128x64xf16, #tpu.memory_space<vmem>>
      %dma_start3A_103 = arith.constant 896 : i32
      %dma_start3A_104 = tpu.memref_slice %arg6[%dma_start3A_103] : memref<4096xi32, #tpu.memory_space<vmem>> -> memref<128xi32, #tpu.memory_space<vmem>>
      %dma_start3A_105 = arith.constant 0 : i32
      %dma_start3A_106 = arith.constant 0 : i32
      %dma_start3A_107 = tpu.memref_slice %arg3[%dma_start3A_105, %dma_start3A_106] : memref<1000000x64xf16, #tpu.memory_space<hbm>> -> memref<1000000x64xf16, #tpu.memory_space<hbm>>
      tpu.enqueue_indirect_dma source(%dma_start3A_107 : memref<1000000x64xf16, #tpu.memory_space<hbm>>) target(%dma_start3A_102 : memref<128x64xf16, #tpu.memory_space<vmem>>) offsets(%dma_start3A_104 : memref<128xi32, #tpu.memory_space<vmem>>) semaphore(%arg8 : memref<!tpu.dma_semaphore, #tpu.memory_space<semaphore_mem>>)
      %dma_wait3A = arith.constant 0 : i32
      %dma_wait3A_108 = arith.constant 0 : i32
      %dma_wait3A_109 = arith.constant 0 : i32
      %dma_wait3A_110 = arith.constant 0 : i32
      %dma_wait3A_111 = tpu.memref_slice %arg7[%dma_wait3A, %dma_wait3A_108, %dma_wait3A_109, %dma_wait3A_110] : memref<2x8x128x64xf16, #tpu.memory_space<vmem>> -> memref<1x1x128x64xf16, #tpu.memory_space<vmem>>
      %dma_wait3A_112 = tpu.memref_squeeze %dma_wait3A_111 : memref<1x1x128x64xf16, #tpu.memory_space<vmem>> -> memref<128x64xf16, #tpu.memory_space<vmem>>
      %dma_wait3A_113 = arith.constant 0 : i32
      %dma_wait3A_114 = tpu.memref_slice %arg6[%dma_wait3A_113] : memref<4096xi32, #tpu.memory_space<vmem>> -> memref<128xi32, #tpu.memory_space<vmem>>
      %dma_wait3A_115 = arith.constant 0 : i32
      %dma_wait3A_116 = arith.constant 0 : i32
      %dma_wait3A_117 = tpu.memref_slice %arg3[%dma_wait3A_115, %dma_wait3A_116] : memref<1000000x64xf16, #tpu.memory_space<hbm>> -> memref<1000000x64xf16, #tpu.memory_space<hbm>>
      tpu.wait_indirect_dma semaphore(%arg8 : memref<!tpu.dma_semaphore, #tpu.memory_space<semaphore_mem>>) src(%dma_wait3A_117 : memref<1000000x64xf16, #tpu.memory_space<hbm>>) dst(%dma_wait3A_112 : memref<128x64xf16, #tpu.memory_space<vmem>>)
      %dma_wait3A_118 = arith.constant 0 : i32
      %dma_wait3A_119 = arith.constant 1 : i32
      %dma_wait3A_120 = arith.constant 0 : i32
      %dma_wait3A_121 = arith.constant 0 : i32
      %dma_wait3A_122 = tpu.memref_slice %arg7[%dma_wait3A_118, %dma_wait3A_119, %dma_wait3A_120, %dma_wait3A_121] : memref<2x8x128x64xf16, #tpu.memory_space<vmem>> -> memref<1x1x128x64xf16, #tpu.memory_space<vmem>>
      %dma_wait3A_123 = tpu.memref_squeeze %dma_wait3A_122 : memref<1x1x128x64xf16, #tpu.memory_space<vmem>> -> memref<128x64xf16, #tpu.memory_space<vmem>>
      %dma_wait3A_124 = arith.constant 128 : i32
      %dma_wait3A_125 = tpu.memref_slice %arg6[%dma_wait3A_124] : memref<4096xi32, #tpu.memory_space<vmem>> -> memref<128xi32, #tpu.memory_space<vmem>>
      %dma_wait3A_126 = arith.constant 0 : i32
      %dma_wait3A_127 = arith.constant 0 : i32
      %dma_wait3A_128 = tpu.memref_slice %arg3[%dma_wait3A_126, %dma_wait3A_127] : memref<1000000x64xf16, #tpu.memory_space<hbm>> -> memref<1000000x64xf16, #tpu.memory_space<hbm>>
      tpu.wait_indirect_dma semaphore(%arg8 : memref<!tpu.dma_semaphore, #tpu.memory_space<semaphore_mem>>) src(%dma_wait3A_128 : memref<1000000x64xf16, #tpu.memory_space<hbm>>) dst(%dma_wait3A_123 : memref<128x64xf16, #tpu.memory_space<vmem>>)
      %dma_wait3A_129 = arith.constant 0 : i32
      %dma_wait3A_130 = arith.constant 2 : i32
      %dma_wait3A_131 = arith.constant 0 : i32
      %dma_wait3A_132 = arith.constant 0 : i32
      %dma_wait3A_133 = tpu.memref_slice %arg7[%dma_wait3A_129, %dma_wait3A_130, %dma_wait3A_131, %dma_wait3A_132] : memref<2x8x128x64xf16, #tpu.memory_space<vmem>> -> memref<1x1x128x64xf16, #tpu.memory_space<vmem>>
      %dma_wait3A_134 = tpu.memref_squeeze %dma_wait3A_133 : memref<1x1x128x64xf16, #tpu.memory_space<vmem>> -> memref<128x64xf16, #tpu.memory_space<vmem>>
      %dma_wait3A_135 = arith.constant 256 : i32
      %dma_wait3A_136 = tpu.memref_slice %arg6[%dma_wait3A_135] : memref<4096xi32, #tpu.memory_space<vmem>> -> memref<128xi32, #tpu.memory_space<vmem>>
      %dma_wait3A_137 = arith.constant 0 : i32
      %dma_wait3A_138 = arith.constant 0 : i32
      %dma_wait3A_139 = tpu.memref_slice %arg3[%dma_wait3A_137, %dma_wait3A_138] : memref<1000000x64xf16, #tpu.memory_space<hbm>> -> memref<1000000x64xf16, #tpu.memory_space<hbm>>
      tpu.wait_indirect_dma semaphore(%arg8 : memref<!tpu.dma_semaphore, #tpu.memory_space<semaphore_mem>>) src(%dma_wait3A_139 : memref<1000000x64xf16, #tpu.memory_space<hbm>>) dst(%dma_wait3A_134 : memref<128x64xf16, #tpu.memory_space<vmem>>)
      %dma_wait3A_140 = arith.constant 0 : i32
      %dma_wait3A_141 = arith.constant 3 : i32
      %dma_wait3A_142 = arith.constant 0 : i32
      %dma_wait3A_143 = arith.constant 0 : i32
      %dma_wait3A_144 = tpu.memref_slice %arg7[%dma_wait3A_140, %dma_wait3A_141, %dma_wait3A_142, %dma_wait3A_143] : memref<2x8x128x64xf16, #tpu.memory_space<vmem>> -> memref<1x1x128x64xf16, #tpu.memory_space<vmem>>
      %dma_wait3A_145 = tpu.memref_squeeze %dma_wait3A_144 : memref<1x1x128x64xf16, #tpu.memory_space<vmem>> -> memref<128x64xf16, #tpu.memory_space<vmem>>
      %dma_wait3A_146 = arith.constant 384 : i32
      %dma_wait3A_147 = tpu.memref_slice %arg6[%dma_wait3A_146] : memref<4096xi32, #tpu.memory_space<vmem>> -> memref<128xi32, #tpu.memory_space<vmem>>
      %dma_wait3A_148 = arith.constant 0 : i32
      %dma_wait3A_149 = arith.constant 0 : i32
      %dma_wait3A_150 = tpu.memref_slice %arg3[%dma_wait3A_148, %dma_wait3A_149] : memref<1000000x64xf16, #tpu.memory_space<hbm>> -> memref<1000000x64xf16, #tpu.memory_space<hbm>>
      tpu.wait_indirect_dma semaphore(%arg8 : memref<!tpu.dma_semaphore, #tpu.memory_space<semaphore_mem>>) src(%dma_wait3A_150 : memref<1000000x64xf16, #tpu.memory_space<hbm>>) dst(%dma_wait3A_145 : memref<128x64xf16, #tpu.memory_space<vmem>>)
      %dma_wait3A_151 = arith.constant 0 : i32
      %dma_wait3A_152 = arith.constant 4 : i32
      %dma_wait3A_153 = arith.constant 0 : i32
      %dma_wait3A_154 = arith.constant 0 : i32
      %dma_wait3A_155 = tpu.memref_slice %arg7[%dma_wait3A_151, %dma_wait3A_152, %dma_wait3A_153, %dma_wait3A_154] : memref<2x8x128x64xf16, #tpu.memory_space<vmem>> -> memref<1x1x128x64xf16, #tpu.memory_space<vmem>>
      %dma_wait3A_156 = tpu.memref_squeeze %dma_wait3A_155 : memref<1x1x128x64xf16, #tpu.memory_space<vmem>> -> memref<128x64xf16, #tpu.memory_space<vmem>>
      %dma_wait3A_157 = arith.constant 512 : i32
      %dma_wait3A_158 = tpu.memref_slice %arg6[%dma_wait3A_157] : memref<4096xi32, #tpu.memory_space<vmem>> -> memref<128xi32, #tpu.memory_space<vmem>>
      %dma_wait3A_159 = arith.constant 0 : i32
      %dma_wait3A_160 = arith.constant 0 : i32
      %dma_wait3A_161 = tpu.memref_slice %arg3[%dma_wait3A_159, %dma_wait3A_160] : memref<1000000x64xf16, #tpu.memory_space<hbm>> -> memref<1000000x64xf16, #tpu.memory_space<hbm>>
      tpu.wait_indirect_dma semaphore(%arg8 : memref<!tpu.dma_semaphore, #tpu.memory_space<semaphore_mem>>) src(%dma_wait3A_161 : memref<1000000x64xf16, #tpu.memory_space<hbm>>) dst(%dma_wait3A_156 : memref<128x64xf16, #tpu.memory_space<vmem>>)
      %dma_wait3A_162 = arith.constant 0 : i32
      %dma_wait3A_163 = arith.constant 5 : i32
      %dma_wait3A_164 = arith.constant 0 : i32
      %dma_wait3A_165 = arith.constant 0 : i32
      %dma_wait3A_166 = tpu.memref_slice %arg7[%dma_wait3A_162, %dma_wait3A_163, %dma_wait3A_164, %dma_wait3A_165] : memref<2x8x128x64xf16, #tpu.memory_space<vmem>> -> memref<1x1x128x64xf16, #tpu.memory_space<vmem>>
      %dma_wait3A_167 = tpu.memref_squeeze %dma_wait3A_166 : memref<1x1x128x64xf16, #tpu.memory_space<vmem>> -> memref<128x64xf16, #tpu.memory_space<vmem>>
      %dma_wait3A_168 = arith.constant 640 : i32
      %dma_wait3A_169 = tpu.memref_slice %arg6[%dma_wait3A_168] : memref<4096xi32, #tpu.memory_space<vmem>> -> memref<128xi32, #tpu.memory_space<vmem>>
      %dma_wait3A_170 = arith.constant 0 : i32
      %dma_wait3A_171 = arith.constant 0 : i32
      %dma_wait3A_172 = tpu.memref_slice %arg3[%dma_wait3A_170, %dma_wait3A_171] : memref<1000000x64xf16, #tpu.memory_space<hbm>> -> memref<1000000x64xf16, #tpu.memory_space<hbm>>
      tpu.wait_indirect_dma semaphore(%arg8 : memref<!tpu.dma_semaphore, #tpu.memory_space<semaphore_mem>>) src(%dma_wait3A_172 : memref<1000000x64xf16, #tpu.memory_space<hbm>>) dst(%dma_wait3A_167 : memref<128x64xf16, #tpu.memory_space<vmem>>)
      %dma_wait3A_173 = arith.constant 0 : i32
      %dma_wait3A_174 = arith.constant 6 : i32
      %dma_wait3A_175 = arith.constant 0 : i32
      %dma_wait3A_176 = arith.constant 0 : i32
      %dma_wait3A_177 = tpu.memref_slice %arg7[%dma_wait3A_173, %dma_wait3A_174, %dma_wait3A_175, %dma_wait3A_176] : memref<2x8x128x64xf16, #tpu.memory_space<vmem>> -> memref<1x1x128x64xf16, #tpu.memory_space<vmem>>
      %dma_wait3A_178 = tpu.memref_squeeze %dma_wait3A_177 : memref<1x1x128x64xf16, #tpu.memory_space<vmem>> -> memref<128x64xf16, #tpu.memory_space<vmem>>
      %dma_wait3A_179 = arith.constant 768 : i32
      %dma_wait3A_180 = tpu.memref_slice %arg6[%dma_wait3A_179] : memref<4096xi32, #tpu.memory_space<vmem>> -> memref<128xi32, #tpu.memory_space<vmem>>
      %dma_wait3A_181 = arith.constant 0 : i32
      %dma_wait3A_182 = arith.constant 0 : i32
      %dma_wait3A_183 = tpu.memref_slice %arg3[%dma_wait3A_181, %dma_wait3A_182] : memref<1000000x64xf16, #tpu.memory_space<hbm>> -> memref<1000000x64xf16, #tpu.memory_space<hbm>>
      tpu.wait_indirect_dma semaphore(%arg8 : memref<!tpu.dma_semaphore, #tpu.memory_space<semaphore_mem>>) src(%dma_wait3A_183 : memref<1000000x64xf16, #tpu.memory_space<hbm>>) dst(%dma_wait3A_178 : memref<128x64xf16, #tpu.memory_space<vmem>>)
      %dma_wait3A_184 = arith.constant 0 : i32
      %dma_wait3A_185 = arith.constant 7 : i32
      %dma_wait3A_186 = arith.constant 0 : i32
      %dma_wait3A_187 = arith.constant 0 : i32
      %dma_wait3A_188 = tpu.memref_slice %arg7[%dma_wait3A_184, %dma_wait3A_185, %dma_wait3A_186, %dma_wait3A_187] : memref<2x8x128x64xf16, #tpu.memory_space<vmem>> -> memref<1x1x128x64xf16, #tpu.memory_space<vmem>>
      %dma_wait3A_189 = tpu.memref_squeeze %dma_wait3A_188 : memref<1x1x128x64xf16, #tpu.memory_space<vmem>> -> memref<128x64xf16, #tpu.memory_space<vmem>>
      %dma_wait3A_190 = arith.constant 896 : i32
      %dma_wait3A_191 = tpu.memref_slice %arg6[%dma_wait3A_190] : memref<4096xi32, #tpu.memory_space<vmem>> -> memref<128xi32, #tpu.memory_space<vmem>>
      %dma_wait3A_192 = arith.constant 0 : i32
      %dma_wait3A_193 = arith.constant 0 : i32
      %dma_wait3A_194 = tpu.memref_slice %arg3[%dma_wait3A_192, %dma_wait3A_193] : memref<1000000x64xf16, #tpu.memory_space<hbm>> -> memref<1000000x64xf16, #tpu.memory_space<hbm>>
      tpu.wait_indirect_dma semaphore(%arg8 : memref<!tpu.dma_semaphore, #tpu.memory_space<semaphore_mem>>) src(%dma_wait3A_194 : memref<1000000x64xf16, #tpu.memory_space<hbm>>) dst(%dma_wait3A_189 : memref<128x64xf16, #tpu.memory_space<vmem>>)
      %mul3A_195 = arith.constant 64 : i32
      %mul3A_196 = arith.muli %add3A_15, %mul3A_195 : i32
      %dma_start3A_197 = arith.constant 0 : i32
      %dma_start3A_198 = arith.constant 0 : i32
      %dma_start3A_199 = arith.constant 0 : i32
      %dma_start3A_200 = arith.constant 0 : i32
      %dma_start3A_201 = tpu.memref_slice %arg7[%dma_start3A_197, %dma_start3A_198, %dma_start3A_199, %dma_start3A_200] : memref<2x8x128x64xf16, #tpu.memory_space<vmem>> -> memref<1x1x128x64xf16, #tpu.memory_space<vmem>>
      %dma_start3A_202 = tpu.memref_squeeze %dma_start3A_201 : memref<1x1x128x64xf16, #tpu.memory_space<vmem>> -> memref<128x64xf16, #tpu.memory_space<vmem>>
      %dma_start3A_203 = arith.constant 0 : i32
      %dma_start3A_204 = tpu.memref_slice %arg4[%dma_start3A_203, %mul3A_196] : memref<4096x12800xf16, #tpu.memory_space<hbm>> -> memref<128x64xf16, #tpu.memory_space<hbm>>
      %dma_start3A_205 = arith.constant 0 : i32
      %dma_start3A_206 = tpu.memref_slice %arg4[%dma_start3A_205, %mul3A_196] : memref<4096x12800xf16, #tpu.memory_space<hbm>> -> memref<128x64xf16, #tpu.memory_space<hbm>>
      %dma_start3A_207 = arith.constant 0 : i32
      %dma_start3A_208 = arith.constant 0 : i32
      %dma_start3A_209 = tpu.memref_slice %arg7[%dma_start3A_197, %dma_start3A_198, %dma_start3A_207, %dma_start3A_208] : memref<2x8x128x64xf16, #tpu.memory_space<vmem>> -> memref<1x1x128x64xf16, #tpu.memory_space<vmem>>
      %dma_start3A_210 = tpu.memref_squeeze %dma_start3A_209 : memref<1x1x128x64xf16, #tpu.memory_space<vmem>> -> memref<128x64xf16, #tpu.memory_space<vmem>>
      tpu.enqueue_dma source(%dma_start3A_210 : memref<128x64xf16, #tpu.memory_space<vmem>>) target(%dma_start3A_206 : memref<128x64xf16, #tpu.memory_space<hbm>>) target_semaphore(%arg9 : memref<!tpu.dma_semaphore, #tpu.memory_space<semaphore_mem>>)
      %mul3A_211 = arith.constant 64 : i32
      %mul3A_212 = arith.muli %add3A_15, %mul3A_211 : i32
      %dma_start3A_213 = arith.constant 0 : i32
      %dma_start3A_214 = arith.constant 1 : i32
      %dma_start3A_215 = arith.constant 0 : i32
      %dma_start3A_216 = arith.constant 0 : i32
      %dma_start3A_217 = tpu.memref_slice %arg7[%dma_start3A_213, %dma_start3A_214, %dma_start3A_215, %dma_start3A_216] : memref<2x8x128x64xf16, #tpu.memory_space<vmem>> -> memref<1x1x128x64xf16, #tpu.memory_space<vmem>>
      %dma_start3A_218 = tpu.memref_squeeze %dma_start3A_217 : memref<1x1x128x64xf16, #tpu.memory_space<vmem>> -> memref<128x64xf16, #tpu.memory_space<vmem>>
      %dma_start3A_219 = arith.constant 128 : i32
      %dma_start3A_220 = tpu.memref_slice %arg4[%dma_start3A_219, %mul3A_212] : memref<4096x12800xf16, #tpu.memory_space<hbm>> -> memref<128x64xf16, #tpu.memory_space<hbm>>
      %dma_start3A_221 = arith.constant 128 : i32
      %dma_start3A_222 = tpu.memref_slice %arg4[%dma_start3A_221, %mul3A_212] : memref<4096x12800xf16, #tpu.memory_space<hbm>> -> memref<128x64xf16, #tpu.memory_space<hbm>>
      %dma_start3A_223 = arith.constant 0 : i32
      %dma_start3A_224 = arith.constant 0 : i32
      %dma_start3A_225 = tpu.memref_slice %arg7[%dma_start3A_213, %dma_start3A_214, %dma_start3A_223, %dma_start3A_224] : memref<2x8x128x64xf16, #tpu.memory_space<vmem>> -> memref<1x1x128x64xf16, #tpu.memory_space<vmem>>
      %dma_start3A_226 = tpu.memref_squeeze %dma_start3A_225 : memref<1x1x128x64xf16, #tpu.memory_space<vmem>> -> memref<128x64xf16, #tpu.memory_space<vmem>>
      tpu.enqueue_dma source(%dma_start3A_226 : memref<128x64xf16, #tpu.memory_space<vmem>>) target(%dma_start3A_222 : memref<128x64xf16, #tpu.memory_space<hbm>>) target_semaphore(%arg9 : memref<!tpu.dma_semaphore, #tpu.memory_space<semaphore_mem>>)
      %mul3A_227 = arith.constant 64 : i32
      %mul3A_228 = arith.muli %add3A_15, %mul3A_227 : i32
      %dma_start3A_229 = arith.constant 0 : i32
      %dma_start3A_230 = arith.constant 2 : i32
      %dma_start3A_231 = arith.constant 0 : i32
      %dma_start3A_232 = arith.constant 0 : i32
      %dma_start3A_233 = tpu.memref_slice %arg7[%dma_start3A_229, %dma_start3A_230, %dma_start3A_231, %dma_start3A_232] : memref<2x8x128x64xf16, #tpu.memory_space<vmem>> -> memref<1x1x128x64xf16, #tpu.memory_space<vmem>>
      %dma_start3A_234 = tpu.memref_squeeze %dma_start3A_233 : memref<1x1x128x64xf16, #tpu.memory_space<vmem>> -> memref<128x64xf16, #tpu.memory_space<vmem>>
      %dma_start3A_235 = arith.constant 256 : i32
      %dma_start3A_236 = tpu.memref_slice %arg4[%dma_start3A_235, %mul3A_228] : memref<4096x12800xf16, #tpu.memory_space<hbm>> -> memref<128x64xf16, #tpu.memory_space<hbm>>
      %dma_start3A_237 = arith.constant 256 : i32
      %dma_start3A_238 = tpu.memref_slice %arg4[%dma_start3A_237, %mul3A_228] : memref<4096x12800xf16, #tpu.memory_space<hbm>> -> memref<128x64xf16, #tpu.memory_space<hbm>>
      %dma_start3A_239 = arith.constant 0 : i32
      %dma_start3A_240 = arith.constant 0 : i32
      %dma_start3A_241 = tpu.memref_slice %arg7[%dma_start3A_229, %dma_start3A_230, %dma_start3A_239, %dma_start3A_240] : memref<2x8x128x64xf16, #tpu.memory_space<vmem>> -> memref<1x1x128x64xf16, #tpu.memory_space<vmem>>
      %dma_start3A_242 = tpu.memref_squeeze %dma_start3A_241 : memref<1x1x128x64xf16, #tpu.memory_space<vmem>> -> memref<128x64xf16, #tpu.memory_space<vmem>>
      tpu.enqueue_dma source(%dma_start3A_242 : memref<128x64xf16, #tpu.memory_space<vmem>>) target(%dma_start3A_238 : memref<128x64xf16, #tpu.memory_space<hbm>>) target_semaphore(%arg9 : memref<!tpu.dma_semaphore, #tpu.memory_space<semaphore_mem>>)
      %mul3A_243 = arith.constant 64 : i32
      %mul3A_244 = arith.muli %add3A_15, %mul3A_243 : i32
      %dma_start3A_245 = arith.constant 0 : i32
      %dma_start3A_246 = arith.constant 3 : i32
      %dma_start3A_247 = arith.constant 0 : i32
      %dma_start3A_248 = arith.constant 0 : i32
      %dma_start3A_249 = tpu.memref_slice %arg7[%dma_start3A_245, %dma_start3A_246, %dma_start3A_247, %dma_start3A_248] : memref<2x8x128x64xf16, #tpu.memory_space<vmem>> -> memref<1x1x128x64xf16, #tpu.memory_space<vmem>>
      %dma_start3A_250 = tpu.memref_squeeze %dma_start3A_249 : memref<1x1x128x64xf16, #tpu.memory_space<vmem>> -> memref<128x64xf16, #tpu.memory_space<vmem>>
      %dma_start3A_251 = arith.constant 384 : i32
      %dma_start3A_252 = tpu.memref_slice %arg4[%dma_start3A_251, %mul3A_244] : memref<4096x12800xf16, #tpu.memory_space<hbm>> -> memref<128x64xf16, #tpu.memory_space<hbm>>
      %dma_start3A_253 = arith.constant 384 : i32
      %dma_start3A_254 = tpu.memref_slice %arg4[%dma_start3A_253, %mul3A_244] : memref<4096x12800xf16, #tpu.memory_space<hbm>> -> memref<128x64xf16, #tpu.memory_space<hbm>>
      %dma_start3A_255 = arith.constant 0 : i32
      %dma_start3A_256 = arith.constant 0 : i32
      %dma_start3A_257 = tpu.memref_slice %arg7[%dma_start3A_245, %dma_start3A_246, %dma_start3A_255, %dma_start3A_256] : memref<2x8x128x64xf16, #tpu.memory_space<vmem>> -> memref<1x1x128x64xf16, #tpu.memory_space<vmem>>
      %dma_start3A_258 = tpu.memref_squeeze %dma_start3A_257 : memref<1x1x128x64xf16, #tpu.memory_space<vmem>> -> memref<128x64xf16, #tpu.memory_space<vmem>>
      tpu.enqueue_dma source(%dma_start3A_258 : memref<128x64xf16, #tpu.memory_space<vmem>>) target(%dma_start3A_254 : memref<128x64xf16, #tpu.memory_space<hbm>>) target_semaphore(%arg9 : memref<!tpu.dma_semaphore, #tpu.memory_space<semaphore_mem>>)
      %mul3A_259 = arith.constant 64 : i32
      %mul3A_260 = arith.muli %add3A_15, %mul3A_259 : i32
      %dma_start3A_261 = arith.constant 0 : i32
      %dma_start3A_262 = arith.constant 4 : i32
      %dma_start3A_263 = arith.constant 0 : i32
      %dma_start3A_264 = arith.constant 0 : i32
      %dma_start3A_265 = tpu.memref_slice %arg7[%dma_start3A_261, %dma_start3A_262, %dma_start3A_263, %dma_start3A_264] : memref<2x8x128x64xf16, #tpu.memory_space<vmem>> -> memref<1x1x128x64xf16, #tpu.memory_space<vmem>>
      %dma_start3A_266 = tpu.memref_squeeze %dma_start3A_265 : memref<1x1x128x64xf16, #tpu.memory_space<vmem>> -> memref<128x64xf16, #tpu.memory_space<vmem>>
      %dma_start3A_267 = arith.constant 512 : i32
      %dma_start3A_268 = tpu.memref_slice %arg4[%dma_start3A_267, %mul3A_260] : memref<4096x12800xf16, #tpu.memory_space<hbm>> -> memref<128x64xf16, #tpu.memory_space<hbm>>
      %dma_start3A_269 = arith.constant 512 : i32
      %dma_start3A_270 = tpu.memref_slice %arg4[%dma_start3A_269, %mul3A_260] : memref<4096x12800xf16, #tpu.memory_space<hbm>> -> memref<128x64xf16, #tpu.memory_space<hbm>>
      %dma_start3A_271 = arith.constant 0 : i32
      %dma_start3A_272 = arith.constant 0 : i32
      %dma_start3A_273 = tpu.memref_slice %arg7[%dma_start3A_261, %dma_start3A_262, %dma_start3A_271, %dma_start3A_272] : memref<2x8x128x64xf16, #tpu.memory_space<vmem>> -> memref<1x1x128x64xf16, #tpu.memory_space<vmem>>
      %dma_start3A_274 = tpu.memref_squeeze %dma_start3A_273 : memref<1x1x128x64xf16, #tpu.memory_space<vmem>> -> memref<128x64xf16, #tpu.memory_space<vmem>>
      tpu.enqueue_dma source(%dma_start3A_274 : memref<128x64xf16, #tpu.memory_space<vmem>>) target(%dma_start3A_270 : memref<128x64xf16, #tpu.memory_space<hbm>>) target_semaphore(%arg9 : memref<!tpu.dma_semaphore, #tpu.memory_space<semaphore_mem>>)
      %mul3A_275 = arith.constant 64 : i32
      %mul3A_276 = arith.muli %add3A_15, %mul3A_275 : i32
      %dma_start3A_277 = arith.constant 0 : i32
      %dma_start3A_278 = arith.constant 5 : i32
      %dma_start3A_279 = arith.constant 0 : i32
      %dma_start3A_280 = arith.constant 0 : i32
      %dma_start3A_281 = tpu.memref_slice %arg7[%dma_start3A_277, %dma_start3A_278, %dma_start3A_279, %dma_start3A_280] : memref<2x8x128x64xf16, #tpu.memory_space<vmem>> -> memref<1x1x128x64xf16, #tpu.memory_space<vmem>>
      %dma_start3A_282 = tpu.memref_squeeze %dma_start3A_281 : memref<1x1x128x64xf16, #tpu.memory_space<vmem>> -> memref<128x64xf16, #tpu.memory_space<vmem>>
      %dma_start3A_283 = arith.constant 640 : i32
      %dma_start3A_284 = tpu.memref_slice %arg4[%dma_start3A_283, %mul3A_276] : memref<4096x12800xf16, #tpu.memory_space<hbm>> -> memref<128x64xf16, #tpu.memory_space<hbm>>
      %dma_start3A_285 = arith.constant 640 : i32
      %dma_start3A_286 = tpu.memref_slice %arg4[%dma_start3A_285, %mul3A_276] : memref<4096x12800xf16, #tpu.memory_space<hbm>> -> memref<128x64xf16, #tpu.memory_space<hbm>>
      %dma_start3A_287 = arith.constant 0 : i32
      %dma_start3A_288 = arith.constant 0 : i32
      %dma_start3A_289 = tpu.memref_slice %arg7[%dma_start3A_277, %dma_start3A_278, %dma_start3A_287, %dma_start3A_288] : memref<2x8x128x64xf16, #tpu.memory_space<vmem>> -> memref<1x1x128x64xf16, #tpu.memory_space<vmem>>
      %dma_start3A_290 = tpu.memref_squeeze %dma_start3A_289 : memref<1x1x128x64xf16, #tpu.memory_space<vmem>> -> memref<128x64xf16, #tpu.memory_space<vmem>>
      tpu.enqueue_dma source(%dma_start3A_290 : memref<128x64xf16, #tpu.memory_space<vmem>>) target(%dma_start3A_286 : memref<128x64xf16, #tpu.memory_space<hbm>>) target_semaphore(%arg9 : memref<!tpu.dma_semaphore, #tpu.memory_space<semaphore_mem>>)
      %mul3A_291 = arith.constant 64 : i32
      %mul3A_292 = arith.muli %add3A_15, %mul3A_291 : i32
      %dma_start3A_293 = arith.constant 0 : i32
      %dma_start3A_294 = arith.constant 6 : i32
      %dma_start3A_295 = arith.constant 0 : i32
      %dma_start3A_296 = arith.constant 0 : i32
      %dma_start3A_297 = tpu.memref_slice %arg7[%dma_start3A_293, %dma_start3A_294, %dma_start3A_295, %dma_start3A_296] : memref<2x8x128x64xf16, #tpu.memory_space<vmem>> -> memref<1x1x128x64xf16, #tpu.memory_space<vmem>>
      %dma_start3A_298 = tpu.memref_squeeze %dma_start3A_297 : memref<1x1x128x64xf16, #tpu.memory_space<vmem>> -> memref<128x64xf16, #tpu.memory_space<vmem>>
      %dma_start3A_299 = arith.constant 768 : i32
      %dma_start3A_300 = tpu.memref_slice %arg4[%dma_start3A_299, %mul3A_292] : memref<4096x12800xf16, #tpu.memory_space<hbm>> -> memref<128x64xf16, #tpu.memory_space<hbm>>
      %dma_start3A_301 = arith.constant 768 : i32
      %dma_start3A_302 = tpu.memref_slice %arg4[%dma_start3A_301, %mul3A_292] : memref<4096x12800xf16, #tpu.memory_space<hbm>> -> memref<128x64xf16, #tpu.memory_space<hbm>>
      %dma_start3A_303 = arith.constant 0 : i32
      %dma_start3A_304 = arith.constant 0 : i32
      %dma_start3A_305 = tpu.memref_slice %arg7[%dma_start3A_293, %dma_start3A_294, %dma_start3A_303, %dma_start3A_304] : memref<2x8x128x64xf16, #tpu.memory_space<vmem>> -> memref<1x1x128x64xf16, #tpu.memory_space<vmem>>
      %dma_start3A_306 = tpu.memref_squeeze %dma_start3A_305 : memref<1x1x128x64xf16, #tpu.memory_space<vmem>> -> memref<128x64xf16, #tpu.memory_space<vmem>>
      tpu.enqueue_dma source(%dma_start3A_306 : memref<128x64xf16, #tpu.memory_space<vmem>>) target(%dma_start3A_302 : memref<128x64xf16, #tpu.memory_space<hbm>>) target_semaphore(%arg9 : memref<!tpu.dma_semaphore, #tpu.memory_space<semaphore_mem>>)
      %mul3A_307 = arith.constant 64 : i32
      %mul3A_308 = arith.muli %add3A_15, %mul3A_307 : i32
      %dma_start3A_309 = arith.constant 0 : i32
      %dma_start3A_310 = arith.constant 7 : i32
      %dma_start3A_311 = arith.constant 0 : i32
      %dma_start3A_312 = arith.constant 0 : i32
      %dma_start3A_313 = tpu.memref_slice %arg7[%dma_start3A_309, %dma_start3A_310, %dma_start3A_311, %dma_start3A_312] : memref<2x8x128x64xf16, #tpu.memory_space<vmem>> -> memref<1x1x128x64xf16, #tpu.memory_space<vmem>>
      %dma_start3A_314 = tpu.memref_squeeze %dma_start3A_313 : memref<1x1x128x64xf16, #tpu.memory_space<vmem>> -> memref<128x64xf16, #tpu.memory_space<vmem>>
      %dma_start3A_315 = arith.constant 896 : i32
      %dma_start3A_316 = tpu.memref_slice %arg4[%dma_start3A_315, %mul3A_308] : memref<4096x12800xf16, #tpu.memory_space<hbm>> -> memref<128x64xf16, #tpu.memory_space<hbm>>
      %dma_start3A_317 = arith.constant 896 : i32
      %dma_start3A_318 = tpu.memref_slice %arg4[%dma_start3A_317, %mul3A_308] : memref<4096x12800xf16, #tpu.memory_space<hbm>> -> memref<128x64xf16, #tpu.memory_space<hbm>>
      %dma_start3A_319 = arith.constant 0 : i32
      %dma_start3A_320 = arith.constant 0 : i32
      %dma_start3A_321 = tpu.memref_slice %arg7[%dma_start3A_309, %dma_start3A_310, %dma_start3A_319, %dma_start3A_320] : memref<2x8x128x64xf16, #tpu.memory_space<vmem>> -> memref<1x1x128x64xf16, #tpu.memory_space<vmem>>
      %dma_start3A_322 = tpu.memref_squeeze %dma_start3A_321 : memref<1x1x128x64xf16, #tpu.memory_space<vmem>> -> memref<128x64xf16, #tpu.memory_space<vmem>>
      tpu.enqueue_dma source(%dma_start3A_322 : memref<128x64xf16, #tpu.memory_space<vmem>>) target(%dma_start3A_318 : memref<128x64xf16, #tpu.memory_space<hbm>>) target_semaphore(%arg9 : memref<!tpu.dma_semaphore, #tpu.memory_space<semaphore_mem>>)
      %dma_start3A_323 = arith.constant 1 : i32
      %dma_start3A_324 = arith.constant 0 : i32
      %dma_start3A_325 = arith.constant 0 : i32
      %dma_start3A_326 = arith.constant 0 : i32
      %dma_start3A_327 = tpu.memref_slice %arg7[%dma_start3A_323, %dma_start3A_324, %dma_start3A_325, %dma_start3A_326] : memref<2x8x128x64xf16, #tpu.memory_space<vmem>> -> memref<1x1x128x64xf16, #tpu.memory_space<vmem>>
      %dma_start3A_328 = tpu.memref_squeeze %dma_start3A_327 : memref<1x1x128x64xf16, #tpu.memory_space<vmem>> -> memref<128x64xf16, #tpu.memory_space<vmem>>
      %dma_start3A_329 = arith.constant 1024 : i32
      %dma_start3A_330 = tpu.memref_slice %arg6[%dma_start3A_329] : memref<4096xi32, #tpu.memory_space<vmem>> -> memref<128xi32, #tpu.memory_space<vmem>>
      %dma_start3A_331 = arith.constant 0 : i32
      %dma_start3A_332 = arith.constant 0 : i32
      %dma_start3A_333 = tpu.memref_slice %arg3[%dma_start3A_331, %dma_start3A_332] : memref<1000000x64xf16, #tpu.memory_space<hbm>> -> memref<1000000x64xf16, #tpu.memory_space<hbm>>
      tpu.enqueue_indirect_dma source(%dma_start3A_333 : memref<1000000x64xf16, #tpu.memory_space<hbm>>) target(%dma_start3A_328 : memref<128x64xf16, #tpu.memory_space<vmem>>) offsets(%dma_start3A_330 : memref<128xi32, #tpu.memory_space<vmem>>) semaphore(%arg8 : memref<!tpu.dma_semaphore, #tpu.memory_space<semaphore_mem>>)
      %dma_start3A_334 = arith.constant 1 : i32
      %dma_start3A_335 = arith.constant 1 : i32
      %dma_start3A_336 = arith.constant 0 : i32
      %dma_start3A_337 = arith.constant 0 : i32
      %dma_start3A_338 = tpu.memref_slice %arg7[%dma_start3A_334, %dma_start3A_335, %dma_start3A_336, %dma_start3A_337] : memref<2x8x128x64xf16, #tpu.memory_space<vmem>> -> memref<1x1x128x64xf16, #tpu.memory_space<vmem>>
      %dma_start3A_339 = tpu.memref_squeeze %dma_start3A_338 : memref<1x1x128x64xf16, #tpu.memory_space<vmem>> -> memref<128x64xf16, #tpu.memory_space<vmem>>
      %dma_start3A_340 = arith.constant 1152 : i32
      %dma_start3A_341 = tpu.memref_slice %arg6[%dma_start3A_340] : memref<4096xi32, #tpu.memory_space<vmem>> -> memref<128xi32, #tpu.memory_space<vmem>>
      %dma_start3A_342 = arith.constant 0 : i32
      %dma_start3A_343 = arith.constant 0 : i32
      %dma_start3A_344 = tpu.memref_slice %arg3[%dma_start3A_342, %dma_start3A_343] : memref<1000000x64xf16, #tpu.memory_space<hbm>> -> memref<1000000x64xf16, #tpu.memory_space<hbm>>
      tpu.enqueue_indirect_dma source(%dma_start3A_344 : memref<1000000x64xf16, #tpu.memory_space<hbm>>) target(%dma_start3A_339 : memref<128x64xf16, #tpu.memory_space<vmem>>) offsets(%dma_start3A_341 : memref<128xi32, #tpu.memory_space<vmem>>) semaphore(%arg8 : memref<!tpu.dma_semaphore, #tpu.memory_space<semaphore_mem>>)
      %dma_start3A_345 = arith.constant 1 : i32
      %dma_start3A_346 = arith.constant 2 : i32
      %dma_start3A_347 = arith.constant 0 : i32
      %dma_start3A_348 = arith.constant 0 : i32
      %dma_start3A_349 = tpu.memref_slice %arg7[%dma_start3A_345, %dma_start3A_346, %dma_start3A_347, %dma_start3A_348] : memref<2x8x128x64xf16, #tpu.memory_space<vmem>> -> memref<1x1x128x64xf16, #tpu.memory_space<vmem>>
      %dma_start3A_350 = tpu.memref_squeeze %dma_start3A_349 : memref<1x1x128x64xf16, #tpu.memory_space<vmem>> -> memref<128x64xf16, #tpu.memory_space<vmem>>
      %dma_start3A_351 = arith.constant 1280 : i32
      %dma_start3A_352 = tpu.memref_slice %arg6[%dma_start3A_351] : memref<4096xi32, #tpu.memory_space<vmem>> -> memref<128xi32, #tpu.memory_space<vmem>>
      %dma_start3A_353 = arith.constant 0 : i32
      %dma_start3A_354 = arith.constant 0 : i32
      %dma_start3A_355 = tpu.memref_slice %arg3[%dma_start3A_353, %dma_start3A_354] : memref<1000000x64xf16, #tpu.memory_space<hbm>> -> memref<1000000x64xf16, #tpu.memory_space<hbm>>
      tpu.enqueue_indirect_dma source(%dma_start3A_355 : memref<1000000x64xf16, #tpu.memory_space<hbm>>) target(%dma_start3A_350 : memref<128x64xf16, #tpu.memory_space<vmem>>) offsets(%dma_start3A_352 : memref<128xi32, #tpu.memory_space<vmem>>) semaphore(%arg8 : memref<!tpu.dma_semaphore, #tpu.memory_space<semaphore_mem>>)
      %dma_start3A_356 = arith.constant 1 : i32
      %dma_start3A_357 = arith.constant 3 : i32
      %dma_start3A_358 = arith.constant 0 : i32
      %dma_start3A_359 = arith.constant 0 : i32
      %dma_start3A_360 = tpu.memref_slice %arg7[%dma_start3A_356, %dma_start3A_357, %dma_start3A_358, %dma_start3A_359] : memref<2x8x128x64xf16, #tpu.memory_space<vmem>> -> memref<1x1x128x64xf16, #tpu.memory_space<vmem>>
      %dma_start3A_361 = tpu.memref_squeeze %dma_start3A_360 : memref<1x1x128x64xf16, #tpu.memory_space<vmem>> -> memref<128x64xf16, #tpu.memory_space<vmem>>
      %dma_start3A_362 = arith.constant 1408 : i32
      %dma_start3A_363 = tpu.memref_slice %arg6[%dma_start3A_362] : memref<4096xi32, #tpu.memory_space<vmem>> -> memref<128xi32, #tpu.memory_space<vmem>>
      %dma_start3A_364 = arith.constant 0 : i32
      %dma_start3A_365 = arith.constant 0 : i32
      %dma_start3A_366 = tpu.memref_slice %arg3[%dma_start3A_364, %dma_start3A_365] : memref<1000000x64xf16, #tpu.memory_space<hbm>> -> memref<1000000x64xf16, #tpu.memory_space<hbm>>
      tpu.enqueue_indirect_dma source(%dma_start3A_366 : memref<1000000x64xf16, #tpu.memory_space<hbm>>) target(%dma_start3A_361 : memref<128x64xf16, #tpu.memory_space<vmem>>) offsets(%dma_start3A_363 : memref<128xi32, #tpu.memory_space<vmem>>) semaphore(%arg8 : memref<!tpu.dma_semaphore, #tpu.memory_space<semaphore_mem>>)
      %dma_start3A_367 = arith.constant 1 : i32
      %dma_start3A_368 = arith.constant 4 : i32
      %dma_start3A_369 = arith.constant 0 : i32
      %dma_start3A_370 = arith.constant 0 : i32
      %dma_start3A_371 = tpu.memref_slice %arg7[%dma_start3A_367, %dma_start3A_368, %dma_start3A_369, %dma_start3A_370] : memref<2x8x128x64xf16, #tpu.memory_space<vmem>> -> memref<1x1x128x64xf16, #tpu.memory_space<vmem>>
      %dma_start3A_372 = tpu.memref_squeeze %dma_start3A_371 : memref<1x1x128x64xf16, #tpu.memory_space<vmem>> -> memref<128x64xf16, #tpu.memory_space<vmem>>
      %dma_start3A_373 = arith.constant 1536 : i32
      %dma_start3A_374 = tpu.memref_slice %arg6[%dma_start3A_373] : memref<4096xi32, #tpu.memory_space<vmem>> -> memref<128xi32, #tpu.memory_space<vmem>>
      %dma_start3A_375 = arith.constant 0 : i32
      %dma_start3A_376 = arith.constant 0 : i32
      %dma_start3A_377 = tpu.memref_slice %arg3[%dma_start3A_375, %dma_start3A_376] : memref<1000000x64xf16, #tpu.memory_space<hbm>> -> memref<1000000x64xf16, #tpu.memory_space<hbm>>
      tpu.enqueue_indirect_dma source(%dma_start3A_377 : memref<1000000x64xf16, #tpu.memory_space<hbm>>) target(%dma_start3A_372 : memref<128x64xf16, #tpu.memory_space<vmem>>) offsets(%dma_start3A_374 : memref<128xi32, #tpu.memory_space<vmem>>) semaphore(%arg8 : memref<!tpu.dma_semaphore, #tpu.memory_space<semaphore_mem>>)
      %dma_start3A_378 = arith.constant 1 : i32
      %dma_start3A_379 = arith.constant 5 : i32
      %dma_start3A_380 = arith.constant 0 : i32
      %dma_start3A_381 = arith.constant 0 : i32
      %dma_start3A_382 = tpu.memref_slice %arg7[%dma_start3A_378, %dma_start3A_379, %dma_start3A_380, %dma_start3A_381] : memref<2x8x128x64xf16, #tpu.memory_space<vmem>> -> memref<1x1x128x64xf16, #tpu.memory_space<vmem>>
      %dma_start3A_383 = tpu.memref_squeeze %dma_start3A_382 : memref<1x1x128x64xf16, #tpu.memory_space<vmem>> -> memref<128x64xf16, #tpu.memory_space<vmem>>
      %dma_start3A_384 = arith.constant 1664 : i32
      %dma_start3A_385 = tpu.memref_slice %arg6[%dma_start3A_384] : memref<4096xi32, #tpu.memory_space<vmem>> -> memref<128xi32, #tpu.memory_space<vmem>>
      %dma_start3A_386 = arith.constant 0 : i32
      %dma_start3A_387 = arith.constant 0 : i32
      %dma_start3A_388 = tpu.memref_slice %arg3[%dma_start3A_386, %dma_start3A_387] : memref<1000000x64xf16, #tpu.memory_space<hbm>> -> memref<1000000x64xf16, #tpu.memory_space<hbm>>
      tpu.enqueue_indirect_dma source(%dma_start3A_388 : memref<1000000x64xf16, #tpu.memory_space<hbm>>) target(%dma_start3A_383 : memref<128x64xf16, #tpu.memory_space<vmem>>) offsets(%dma_start3A_385 : memref<128xi32, #tpu.memory_space<vmem>>) semaphore(%arg8 : memref<!tpu.dma_semaphore, #tpu.memory_space<semaphore_mem>>)
      %dma_start3A_389 = arith.constant 1 : i32
      %dma_start3A_390 = arith.constant 6 : i32
      %dma_start3A_391 = arith.constant 0 : i32
      %dma_start3A_392 = arith.constant 0 : i32
      %dma_start3A_393 = tpu.memref_slice %arg7[%dma_start3A_389, %dma_start3A_390, %dma_start3A_391, %dma_start3A_392] : memref<2x8x128x64xf16, #tpu.memory_space<vmem>> -> memref<1x1x128x64xf16, #tpu.memory_space<vmem>>
      %dma_start3A_394 = tpu.memref_squeeze %dma_start3A_393 : memref<1x1x128x64xf16, #tpu.memory_space<vmem>> -> memref<128x64xf16, #tpu.memory_space<vmem>>
      %dma_start3A_395 = arith.constant 1792 : i32
      %dma_start3A_396 = tpu.memref_slice %arg6[%dma_start3A_395] : memref<4096xi32, #tpu.memory_space<vmem>> -> memref<128xi32, #tpu.memory_space<vmem>>
      %dma_start3A_397 = arith.constant 0 : i32
      %dma_start3A_398 = arith.constant 0 : i32
      %dma_start3A_399 = tpu.memref_slice %arg3[%dma_start3A_397, %dma_start3A_398] : memref<1000000x64xf16, #tpu.memory_space<hbm>> -> memref<1000000x64xf16, #tpu.memory_space<hbm>>
      tpu.enqueue_indirect_dma source(%dma_start3A_399 : memref<1000000x64xf16, #tpu.memory_space<hbm>>) target(%dma_start3A_394 : memref<128x64xf16, #tpu.memory_space<vmem>>) offsets(%dma_start3A_396 : memref<128xi32, #tpu.memory_space<vmem>>) semaphore(%arg8 : memref<!tpu.dma_semaphore, #tpu.memory_space<semaphore_mem>>)
      %dma_start3A_400 = arith.constant 1 : i32
      %dma_start3A_401 = arith.constant 7 : i32
      %dma_start3A_402 = arith.constant 0 : i32
      %dma_start3A_403 = arith.constant 0 : i32
      %dma_start3A_404 = tpu.memref_slice %arg7[%dma_start3A_400, %dma_start3A_401, %dma_start3A_402, %dma_start3A_403] : memref<2x8x128x64xf16, #tpu.memory_space<vmem>> -> memref<1x1x128x64xf16, #tpu.memory_space<vmem>>
      %dma_start3A_405 = tpu.memref_squeeze %dma_start3A_404 : memref<1x1x128x64xf16, #tpu.memory_space<vmem>> -> memref<128x64xf16, #tpu.memory_space<vmem>>
      %dma_start3A_406 = arith.constant 1920 : i32
      %dma_start3A_407 = tpu.memref_slice %arg6[%dma_start3A_406] : memref<4096xi32, #tpu.memory_space<vmem>> -> memref<128xi32, #tpu.memory_space<vmem>>
      %dma_start3A_408 = arith.constant 0 : i32
      %dma_start3A_409 = arith.constant 0 : i32
      %dma_start3A_410 = tpu.memref_slice %arg3[%dma_start3A_408, %dma_start3A_409] : memref<1000000x64xf16, #tpu.memory_space<hbm>> -> memref<1000000x64xf16, #tpu.memory_space<hbm>>
      tpu.enqueue_indirect_dma source(%dma_start3A_410 : memref<1000000x64xf16, #tpu.memory_space<hbm>>) target(%dma_start3A_405 : memref<128x64xf16, #tpu.memory_space<vmem>>) offsets(%dma_start3A_407 : memref<128xi32, #tpu.memory_space<vmem>>) semaphore(%arg8 : memref<!tpu.dma_semaphore, #tpu.memory_space<semaphore_mem>>)
      %dma_wait3A_411 = arith.constant 1 : i32
      %dma_wait3A_412 = arith.constant 0 : i32
      %dma_wait3A_413 = arith.constant 0 : i32
      %dma_wait3A_414 = arith.constant 0 : i32
      %dma_wait3A_415 = tpu.memref_slice %arg7[%dma_wait3A_411, %dma_wait3A_412, %dma_wait3A_413, %dma_wait3A_414] : memref<2x8x128x64xf16, #tpu.memory_space<vmem>> -> memref<1x1x128x64xf16, #tpu.memory_space<vmem>>
      %dma_wait3A_416 = tpu.memref_squeeze %dma_wait3A_415 : memref<1x1x128x64xf16, #tpu.memory_space<vmem>> -> memref<128x64xf16, #tpu.memory_space<vmem>>
      %dma_wait3A_417 = arith.constant 1024 : i32
      %dma_wait3A_418 = tpu.memref_slice %arg6[%dma_wait3A_417] : memref<4096xi32, #tpu.memory_space<vmem>> -> memref<128xi32, #tpu.memory_space<vmem>>
      %dma_wait3A_419 = arith.constant 0 : i32
      %dma_wait3A_420 = arith.constant 0 : i32
      %dma_wait3A_421 = tpu.memref_slice %arg3[%dma_wait3A_419, %dma_wait3A_420] : memref<1000000x64xf16, #tpu.memory_space<hbm>> -> memref<1000000x64xf16, #tpu.memory_space<hbm>>
      tpu.wait_indirect_dma semaphore(%arg8 : memref<!tpu.dma_semaphore, #tpu.memory_space<semaphore_mem>>) src(%dma_wait3A_421 : memref<1000000x64xf16, #tpu.memory_space<hbm>>) dst(%dma_wait3A_416 : memref<128x64xf16, #tpu.memory_space<vmem>>)
      %dma_wait3A_422 = arith.constant 1 : i32
      %dma_wait3A_423 = arith.constant 1 : i32
      %dma_wait3A_424 = arith.constant 0 : i32
      %dma_wait3A_425 = arith.constant 0 : i32
      %dma_wait3A_426 = tpu.memref_slice %arg7[%dma_wait3A_422, %dma_wait3A_423, %dma_wait3A_424, %dma_wait3A_425] : memref<2x8x128x64xf16, #tpu.memory_space<vmem>> -> memref<1x1x128x64xf16, #tpu.memory_space<vmem>>
      %dma_wait3A_427 = tpu.memref_squeeze %dma_wait3A_426 : memref<1x1x128x64xf16, #tpu.memory_space<vmem>> -> memref<128x64xf16, #tpu.memory_space<vmem>>
      %dma_wait3A_428 = arith.constant 1152 : i32
      %dma_wait3A_429 = tpu.memref_slice %arg6[%dma_wait3A_428] : memref<4096xi32, #tpu.memory_space<vmem>> -> memref<128xi32, #tpu.memory_space<vmem>>
      %dma_wait3A_430 = arith.constant 0 : i32
      %dma_wait3A_431 = arith.constant 0 : i32
      %dma_wait3A_432 = tpu.memref_slice %arg3[%dma_wait3A_430, %dma_wait3A_431] : memref<1000000x64xf16, #tpu.memory_space<hbm>> -> memref<1000000x64xf16, #tpu.memory_space<hbm>>
      tpu.wait_indirect_dma semaphore(%arg8 : memref<!tpu.dma_semaphore, #tpu.memory_space<semaphore_mem>>) src(%dma_wait3A_432 : memref<1000000x64xf16, #tpu.memory_space<hbm>>) dst(%dma_wait3A_427 : memref<128x64xf16, #tpu.memory_space<vmem>>)
      %dma_wait3A_433 = arith.constant 1 : i32
      %dma_wait3A_434 = arith.constant 2 : i32
      %dma_wait3A_435 = arith.constant 0 : i32
      %dma_wait3A_436 = arith.constant 0 : i32
      %dma_wait3A_437 = tpu.memref_slice %arg7[%dma_wait3A_433, %dma_wait3A_434, %dma_wait3A_435, %dma_wait3A_436] : memref<2x8x128x64xf16, #tpu.memory_space<vmem>> -> memref<1x1x128x64xf16, #tpu.memory_space<vmem>>
      %dma_wait3A_438 = tpu.memref_squeeze %dma_wait3A_437 : memref<1x1x128x64xf16, #tpu.memory_space<vmem>> -> memref<128x64xf16, #tpu.memory_space<vmem>>
      %dma_wait3A_439 = arith.constant 1280 : i32
      %dma_wait3A_440 = tpu.memref_slice %arg6[%dma_wait3A_439] : memref<4096xi32, #tpu.memory_space<vmem>> -> memref<128xi32, #tpu.memory_space<vmem>>
      %dma_wait3A_441 = arith.constant 0 : i32
      %dma_wait3A_442 = arith.constant 0 : i32
      %dma_wait3A_443 = tpu.memref_slice %arg3[%dma_wait3A_441, %dma_wait3A_442] : memref<1000000x64xf16, #tpu.memory_space<hbm>> -> memref<1000000x64xf16, #tpu.memory_space<hbm>>
      tpu.wait_indirect_dma semaphore(%arg8 : memref<!tpu.dma_semaphore, #tpu.memory_space<semaphore_mem>>) src(%dma_wait3A_443 : memref<1000000x64xf16, #tpu.memory_space<hbm>>) dst(%dma_wait3A_438 : memref<128x64xf16, #tpu.memory_space<vmem>>)
      %dma_wait3A_444 = arith.constant 1 : i32
      %dma_wait3A_445 = arith.constant 3 : i32
      %dma_wait3A_446 = arith.constant 0 : i32
      %dma_wait3A_447 = arith.constant 0 : i32
      %dma_wait3A_448 = tpu.memref_slice %arg7[%dma_wait3A_444, %dma_wait3A_445, %dma_wait3A_446, %dma_wait3A_447] : memref<2x8x128x64xf16, #tpu.memory_space<vmem>> -> memref<1x1x128x64xf16, #tpu.memory_space<vmem>>
      %dma_wait3A_449 = tpu.memref_squeeze %dma_wait3A_448 : memref<1x1x128x64xf16, #tpu.memory_space<vmem>> -> memref<128x64xf16, #tpu.memory_space<vmem>>
      %dma_wait3A_450 = arith.constant 1408 : i32
      %dma_wait3A_451 = tpu.memref_slice %arg6[%dma_wait3A_450] : memref<4096xi32, #tpu.memory_space<vmem>> -> memref<128xi32, #tpu.memory_space<vmem>>
      %dma_wait3A_452 = arith.constant 0 : i32
      %dma_wait3A_453 = arith.constant 0 : i32
      %dma_wait3A_454 = tpu.memref_slice %arg3[%dma_wait3A_452, %dma_wait3A_453] : memref<1000000x64xf16, #tpu.memory_space<hbm>> -> memref<1000000x64xf16, #tpu.memory_space<hbm>>
      tpu.wait_indirect_dma semaphore(%arg8 : memref<!tpu.dma_semaphore, #tpu.memory_space<semaphore_mem>>) src(%dma_wait3A_454 : memref<1000000x64xf16, #tpu.memory_space<hbm>>) dst(%dma_wait3A_449 : memref<128x64xf16, #tpu.memory_space<vmem>>)
      %dma_wait3A_455 = arith.constant 1 : i32
      %dma_wait3A_456 = arith.constant 4 : i32
      %dma_wait3A_457 = arith.constant 0 : i32
      %dma_wait3A_458 = arith.constant 0 : i32
      %dma_wait3A_459 = tpu.memref_slice %arg7[%dma_wait3A_455, %dma_wait3A_456, %dma_wait3A_457, %dma_wait3A_458] : memref<2x8x128x64xf16, #tpu.memory_space<vmem>> -> memref<1x1x128x64xf16, #tpu.memory_space<vmem>>
      %dma_wait3A_460 = tpu.memref_squeeze %dma_wait3A_459 : memref<1x1x128x64xf16, #tpu.memory_space<vmem>> -> memref<128x64xf16, #tpu.memory_space<vmem>>
      %dma_wait3A_461 = arith.constant 1536 : i32
      %dma_wait3A_462 = tpu.memref_slice %arg6[%dma_wait3A_461] : memref<4096xi32, #tpu.memory_space<vmem>> -> memref<128xi32, #tpu.memory_space<vmem>>
      %dma_wait3A_463 = arith.constant 0 : i32
      %dma_wait3A_464 = arith.constant 0 : i32
      %dma_wait3A_465 = tpu.memref_slice %arg3[%dma_wait3A_463, %dma_wait3A_464] : memref<1000000x64xf16, #tpu.memory_space<hbm>> -> memref<1000000x64xf16, #tpu.memory_space<hbm>>
      tpu.wait_indirect_dma semaphore(%arg8 : memref<!tpu.dma_semaphore, #tpu.memory_space<semaphore_mem>>) src(%dma_wait3A_465 : memref<1000000x64xf16, #tpu.memory_space<hbm>>) dst(%dma_wait3A_460 : memref<128x64xf16, #tpu.memory_space<vmem>>)
      %dma_wait3A_466 = arith.constant 1 : i32
      %dma_wait3A_467 = arith.constant 5 : i32
      %dma_wait3A_468 = arith.constant 0 : i32
      %dma_wait3A_469 = arith.constant 0 : i32
      %dma_wait3A_470 = tpu.memref_slice %arg7[%dma_wait3A_466, %dma_wait3A_467, %dma_wait3A_468, %dma_wait3A_469] : memref<2x8x128x64xf16, #tpu.memory_space<vmem>> -> memref<1x1x128x64xf16, #tpu.memory_space<vmem>>
      %dma_wait3A_471 = tpu.memref_squeeze %dma_wait3A_470 : memref<1x1x128x64xf16, #tpu.memory_space<vmem>> -> memref<128x64xf16, #tpu.memory_space<vmem>>
      %dma_wait3A_472 = arith.constant 1664 : i32
      %dma_wait3A_473 = tpu.memref_slice %arg6[%dma_wait3A_472] : memref<4096xi32, #tpu.memory_space<vmem>> -> memref<128xi32, #tpu.memory_space<vmem>>
      %dma_wait3A_474 = arith.constant 0 : i32
      %dma_wait3A_475 = arith.constant 0 : i32
      %dma_wait3A_476 = tpu.memref_slice %arg3[%dma_wait3A_474, %dma_wait3A_475] : memref<1000000x64xf16, #tpu.memory_space<hbm>> -> memref<1000000x64xf16, #tpu.memory_space<hbm>>
      tpu.wait_indirect_dma semaphore(%arg8 : memref<!tpu.dma_semaphore, #tpu.memory_space<semaphore_mem>>) src(%dma_wait3A_476 : memref<1000000x64xf16, #tpu.memory_space<hbm>>) dst(%dma_wait3A_471 : memref<128x64xf16, #tpu.memory_space<vmem>>)
      %dma_wait3A_477 = arith.constant 1 : i32
      %dma_wait3A_478 = arith.constant 6 : i32
      %dma_wait3A_479 = arith.constant 0 : i32
      %dma_wait3A_480 = arith.constant 0 : i32
      %dma_wait3A_481 = tpu.memref_slice %arg7[%dma_wait3A_477, %dma_wait3A_478, %dma_wait3A_479, %dma_wait3A_480] : memref<2x8x128x64xf16, #tpu.memory_space<vmem>> -> memref<1x1x128x64xf16, #tpu.memory_space<vmem>>
      %dma_wait3A_482 = tpu.memref_squeeze %dma_wait3A_481 : memref<1x1x128x64xf16, #tpu.memory_space<vmem>> -> memref<128x64xf16, #tpu.memory_space<vmem>>
      %dma_wait3A_483 = arith.constant 1792 : i32
      %dma_wait3A_484 = tpu.memref_slice %arg6[%dma_wait3A_483] : memref<4096xi32, #tpu.memory_space<vmem>> -> memref<128xi32, #tpu.memory_space<vmem>>
      %dma_wait3A_485 = arith.constant 0 : i32
      %dma_wait3A_486 = arith.constant 0 : i32
      %dma_wait3A_487 = tpu.memref_slice %arg3[%dma_wait3A_485, %dma_wait3A_486] : memref<1000000x64xf16, #tpu.memory_space<hbm>> -> memref<1000000x64xf16, #tpu.memory_space<hbm>>
      tpu.wait_indirect_dma semaphore(%arg8 : memref<!tpu.dma_semaphore, #tpu.memory_space<semaphore_mem>>) src(%dma_wait3A_487 : memref<1000000x64xf16, #tpu.memory_space<hbm>>) dst(%dma_wait3A_482 : memref<128x64xf16, #tpu.memory_space<vmem>>)
      %dma_wait3A_488 = arith.constant 1 : i32
      %dma_wait3A_489 = arith.constant 7 : i32
      %dma_wait3A_490 = arith.constant 0 : i32
      %dma_wait3A_491 = arith.constant 0 : i32
      %dma_wait3A_492 = tpu.memref_slice %arg7[%dma_wait3A_488, %dma_wait3A_489, %dma_wait3A_490, %dma_wait3A_491] : memref<2x8x128x64xf16, #tpu.memory_space<vmem>> -> memref<1x1x128x64xf16, #tpu.memory_space<vmem>>
      %dma_wait3A_493 = tpu.memref_squeeze %dma_wait3A_492 : memref<1x1x128x64xf16, #tpu.memory_space<vmem>> -> memref<128x64xf16, #tpu.memory_space<vmem>>
      %dma_wait3A_494 = arith.constant 1920 : i32
      %dma_wait3A_495 = tpu.memref_slice %arg6[%dma_wait3A_494] : memref<4096xi32, #tpu.memory_space<vmem>> -> memref<128xi32, #tpu.memory_space<vmem>>
      %dma_wait3A_496 = arith.constant 0 : i32
      %dma_wait3A_497 = arith.constant 0 : i32
      %dma_wait3A_498 = tpu.memref_slice %arg3[%dma_wait3A_496, %dma_wait3A_497] : memref<1000000x64xf16, #tpu.memory_space<hbm>> -> memref<1000000x64xf16, #tpu.memory_space<hbm>>
      tpu.wait_indirect_dma semaphore(%arg8 : memref<!tpu.dma_semaphore, #tpu.memory_space<semaphore_mem>>) src(%dma_wait3A_498 : memref<1000000x64xf16, #tpu.memory_space<hbm>>) dst(%dma_wait3A_493 : memref<128x64xf16, #tpu.memory_space<vmem>>)
      %mul3A_499 = arith.constant 64 : i32
      %mul3A_500 = arith.muli %add3A_15, %mul3A_499 : i32
      %dma_start3A_501 = arith.constant 1 : i32
      %dma_start3A_502 = arith.constant 0 : i32
      %dma_start3A_503 = arith.constant 0 : i32
      %dma_start3A_504 = arith.constant 0 : i32
      %dma_start3A_505 = tpu.memref_slice %arg7[%dma_start3A_501, %dma_start3A_502, %dma_start3A_503, %dma_start3A_504] : memref<2x8x128x64xf16, #tpu.memory_space<vmem>> -> memref<1x1x128x64xf16, #tpu.memory_space<vmem>>
      %dma_start3A_506 = tpu.memref_squeeze %dma_start3A_505 : memref<1x1x128x64xf16, #tpu.memory_space<vmem>> -> memref<128x64xf16, #tpu.memory_space<vmem>>
      %dma_start3A_507 = arith.constant 1024 : i32
      %dma_start3A_508 = tpu.memref_slice %arg4[%dma_start3A_507, %mul3A_500] : memref<4096x12800xf16, #tpu.memory_space<hbm>> -> memref<128x64xf16, #tpu.memory_space<hbm>>
      %dma_start3A_509 = arith.constant 1024 : i32
      %dma_start3A_510 = tpu.memref_slice %arg4[%dma_start3A_509, %mul3A_500] : memref<4096x12800xf16, #tpu.memory_space<hbm>> -> memref<128x64xf16, #tpu.memory_space<hbm>>
      %dma_start3A_511 = arith.constant 0 : i32
      %dma_start3A_512 = arith.constant 0 : i32
      %dma_start3A_513 = tpu.memref_slice %arg7[%dma_start3A_501, %dma_start3A_502, %dma_start3A_511, %dma_start3A_512] : memref<2x8x128x64xf16, #tpu.memory_space<vmem>> -> memref<1x1x128x64xf16, #tpu.memory_space<vmem>>
      %dma_start3A_514 = tpu.memref_squeeze %dma_start3A_513 : memref<1x1x128x64xf16, #tpu.memory_space<vmem>> -> memref<128x64xf16, #tpu.memory_space<vmem>>
      tpu.enqueue_dma source(%dma_start3A_514 : memref<128x64xf16, #tpu.memory_space<vmem>>) target(%dma_start3A_510 : memref<128x64xf16, #tpu.memory_space<hbm>>) target_semaphore(%arg9 : memref<!tpu.dma_semaphore, #tpu.memory_space<semaphore_mem>>)
      %mul3A_515 = arith.constant 64 : i32
      %mul3A_516 = arith.muli %add3A_15, %mul3A_515 : i32
      %dma_start3A_517 = arith.constant 1 : i32
      %dma_start3A_518 = arith.constant 1 : i32
      %dma_start3A_519 = arith.constant 0 : i32
      %dma_start3A_520 = arith.constant 0 : i32
      %dma_start3A_521 = tpu.memref_slice %arg7[%dma_start3A_517, %dma_start3A_518, %dma_start3A_519, %dma_start3A_520] : memref<2x8x128x64xf16, #tpu.memory_space<vmem>> -> memref<1x1x128x64xf16, #tpu.memory_space<vmem>>
      %dma_start3A_522 = tpu.memref_squeeze %dma_start3A_521 : memref<1x1x128x64xf16, #tpu.memory_space<vmem>> -> memref<128x64xf16, #tpu.memory_space<vmem>>
      %dma_start3A_523 = arith.constant 1152 : i32
      %dma_start3A_524 = tpu.memref_slice %arg4[%dma_start3A_523, %mul3A_516] : memref<4096x12800xf16, #tpu.memory_space<hbm>> -> memref<128x64xf16, #tpu.memory_space<hbm>>
      %dma_start3A_525 = arith.constant 1152 : i32
      %dma_start3A_526 = tpu.memref_slice %arg4[%dma_start3A_525, %mul3A_516] : memref<4096x12800xf16, #tpu.memory_space<hbm>> -> memref<128x64xf16, #tpu.memory_space<hbm>>
      %dma_start3A_527 = arith.constant 0 : i32
      %dma_start3A_528 = arith.constant 0 : i32
      %dma_start3A_529 = tpu.memref_slice %arg7[%dma_start3A_517, %dma_start3A_518, %dma_start3A_527, %dma_start3A_528] : memref<2x8x128x64xf16, #tpu.memory_space<vmem>> -> memref<1x1x128x64xf16, #tpu.memory_space<vmem>>
      %dma_start3A_530 = tpu.memref_squeeze %dma_start3A_529 : memref<1x1x128x64xf16, #tpu.memory_space<vmem>> -> memref<128x64xf16, #tpu.memory_space<vmem>>
      tpu.enqueue_dma source(%dma_start3A_530 : memref<128x64xf16, #tpu.memory_space<vmem>>) target(%dma_start3A_526 : memref<128x64xf16, #tpu.memory_space<hbm>>) target_semaphore(%arg9 : memref<!tpu.dma_semaphore, #tpu.memory_space<semaphore_mem>>)
      %mul3A_531 = arith.constant 64 : i32
      %mul3A_532 = arith.muli %add3A_15, %mul3A_531 : i32
      %dma_start3A_533 = arith.constant 1 : i32
      %dma_start3A_534 = arith.constant 2 : i32
      %dma_start3A_535 = arith.constant 0 : i32
      %dma_start3A_536 = arith.constant 0 : i32
      %dma_start3A_537 = tpu.memref_slice %arg7[%dma_start3A_533, %dma_start3A_534, %dma_start3A_535, %dma_start3A_536] : memref<2x8x128x64xf16, #tpu.memory_space<vmem>> -> memref<1x1x128x64xf16, #tpu.memory_space<vmem>>
      %dma_start3A_538 = tpu.memref_squeeze %dma_start3A_537 : memref<1x1x128x64xf16, #tpu.memory_space<vmem>> -> memref<128x64xf16, #tpu.memory_space<vmem>>
      %dma_start3A_539 = arith.constant 1280 : i32
      %dma_start3A_540 = tpu.memref_slice %arg4[%dma_start3A_539, %mul3A_532] : memref<4096x12800xf16, #tpu.memory_space<hbm>> -> memref<128x64xf16, #tpu.memory_space<hbm>>
      %dma_start3A_541 = arith.constant 1280 : i32
      %dma_start3A_542 = tpu.memref_slice %arg4[%dma_start3A_541, %mul3A_532] : memref<4096x12800xf16, #tpu.memory_space<hbm>> -> memref<128x64xf16, #tpu.memory_space<hbm>>
      %dma_start3A_543 = arith.constant 0 : i32
      %dma_start3A_544 = arith.constant 0 : i32
      %dma_start3A_545 = tpu.memref_slice %arg7[%dma_start3A_533, %dma_start3A_534, %dma_start3A_543, %dma_start3A_544] : memref<2x8x128x64xf16, #tpu.memory_space<vmem>> -> memref<1x1x128x64xf16, #tpu.memory_space<vmem>>
      %dma_start3A_546 = tpu.memref_squeeze %dma_start3A_545 : memref<1x1x128x64xf16, #tpu.memory_space<vmem>> -> memref<128x64xf16, #tpu.memory_space<vmem>>
      tpu.enqueue_dma source(%dma_start3A_546 : memref<128x64xf16, #tpu.memory_space<vmem>>) target(%dma_start3A_542 : memref<128x64xf16, #tpu.memory_space<hbm>>) target_semaphore(%arg9 : memref<!tpu.dma_semaphore, #tpu.memory_space<semaphore_mem>>)
      %mul3A_547 = arith.constant 64 : i32
      %mul3A_548 = arith.muli %add3A_15, %mul3A_547 : i32
      %dma_start3A_549 = arith.constant 1 : i32
      %dma_start3A_550 = arith.constant 3 : i32
      %dma_start3A_551 = arith.constant 0 : i32
      %dma_start3A_552 = arith.constant 0 : i32
      %dma_start3A_553 = tpu.memref_slice %arg7[%dma_start3A_549, %dma_start3A_550, %dma_start3A_551, %dma_start3A_552] : memref<2x8x128x64xf16, #tpu.memory_space<vmem>> -> memref<1x1x128x64xf16, #tpu.memory_space<vmem>>
      %dma_start3A_554 = tpu.memref_squeeze %dma_start3A_553 : memref<1x1x128x64xf16, #tpu.memory_space<vmem>> -> memref<128x64xf16, #tpu.memory_space<vmem>>
      %dma_start3A_555 = arith.constant 1408 : i32
      %dma_start3A_556 = tpu.memref_slice %arg4[%dma_start3A_555, %mul3A_548] : memref<4096x12800xf16, #tpu.memory_space<hbm>> -> memref<128x64xf16, #tpu.memory_space<hbm>>
      %dma_start3A_557 = arith.constant 1408 : i32
      %dma_start3A_558 = tpu.memref_slice %arg4[%dma_start3A_557, %mul3A_548] : memref<4096x12800xf16, #tpu.memory_space<hbm>> -> memref<128x64xf16, #tpu.memory_space<hbm>>
      %dma_start3A_559 = arith.constant 0 : i32
      %dma_start3A_560 = arith.constant 0 : i32
      %dma_start3A_561 = tpu.memref_slice %arg7[%dma_start3A_549, %dma_start3A_550, %dma_start3A_559, %dma_start3A_560] : memref<2x8x128x64xf16, #tpu.memory_space<vmem>> -> memref<1x1x128x64xf16, #tpu.memory_space<vmem>>
      %dma_start3A_562 = tpu.memref_squeeze %dma_start3A_561 : memref<1x1x128x64xf16, #tpu.memory_space<vmem>> -> memref<128x64xf16, #tpu.memory_space<vmem>>
      tpu.enqueue_dma source(%dma_start3A_562 : memref<128x64xf16, #tpu.memory_space<vmem>>) target(%dma_start3A_558 : memref<128x64xf16, #tpu.memory_space<hbm>>) target_semaphore(%arg9 : memref<!tpu.dma_semaphore, #tpu.memory_space<semaphore_mem>>)
      %mul3A_563 = arith.constant 64 : i32
      %mul3A_564 = arith.muli %add3A_15, %mul3A_563 : i32
      %dma_start3A_565 = arith.constant 1 : i32
      %dma_start3A_566 = arith.constant 4 : i32
      %dma_start3A_567 = arith.constant 0 : i32
      %dma_start3A_568 = arith.constant 0 : i32
      %dma_start3A_569 = tpu.memref_slice %arg7[%dma_start3A_565, %dma_start3A_566, %dma_start3A_567, %dma_start3A_568] : memref<2x8x128x64xf16, #tpu.memory_space<vmem>> -> memref<1x1x128x64xf16, #tpu.memory_space<vmem>>
      %dma_start3A_570 = tpu.memref_squeeze %dma_start3A_569 : memref<1x1x128x64xf16, #tpu.memory_space<vmem>> -> memref<128x64xf16, #tpu.memory_space<vmem>>
      %dma_start3A_571 = arith.constant 1536 : i32
      %dma_start3A_572 = tpu.memref_slice %arg4[%dma_start3A_571, %mul3A_564] : memref<4096x12800xf16, #tpu.memory_space<hbm>> -> memref<128x64xf16, #tpu.memory_space<hbm>>
      %dma_start3A_573 = arith.constant 1536 : i32
      %dma_start3A_574 = tpu.memref_slice %arg4[%dma_start3A_573, %mul3A_564] : memref<4096x12800xf16, #tpu.memory_space<hbm>> -> memref<128x64xf16, #tpu.memory_space<hbm>>
      %dma_start3A_575 = arith.constant 0 : i32
      %dma_start3A_576 = arith.constant 0 : i32
      %dma_start3A_577 = tpu.memref_slice %arg7[%dma_start3A_565, %dma_start3A_566, %dma_start3A_575, %dma_start3A_576] : memref<2x8x128x64xf16, #tpu.memory_space<vmem>> -> memref<1x1x128x64xf16, #tpu.memory_space<vmem>>
      %dma_start3A_578 = tpu.memref_squeeze %dma_start3A_577 : memref<1x1x128x64xf16, #tpu.memory_space<vmem>> -> memref<128x64xf16, #tpu.memory_space<vmem>>
      tpu.enqueue_dma source(%dma_start3A_578 : memref<128x64xf16, #tpu.memory_space<vmem>>) target(%dma_start3A_574 : memref<128x64xf16, #tpu.memory_space<hbm>>) target_semaphore(%arg9 : memref<!tpu.dma_semaphore, #tpu.memory_space<semaphore_mem>>)
      %mul3A_579 = arith.constant 64 : i32
      %mul3A_580 = arith.muli %add3A_15, %mul3A_579 : i32
      %dma_start3A_581 = arith.constant 1 : i32
      %dma_start3A_582 = arith.constant 5 : i32
      %dma_start3A_583 = arith.constant 0 : i32
      %dma_start3A_584 = arith.constant 0 : i32
      %dma_start3A_585 = tpu.memref_slice %arg7[%dma_start3A_581, %dma_start3A_582, %dma_start3A_583, %dma_start3A_584] : memref<2x8x128x64xf16, #tpu.memory_space<vmem>> -> memref<1x1x128x64xf16, #tpu.memory_space<vmem>>
      %dma_start3A_586 = tpu.memref_squeeze %dma_start3A_585 : memref<1x1x128x64xf16, #tpu.memory_space<vmem>> -> memref<128x64xf16, #tpu.memory_space<vmem>>
      %dma_start3A_587 = arith.constant 1664 : i32
      %dma_start3A_588 = tpu.memref_slice %arg4[%dma_start3A_587, %mul3A_580] : memref<4096x12800xf16, #tpu.memory_space<hbm>> -> memref<128x64xf16, #tpu.memory_space<hbm>>
      %dma_start3A_589 = arith.constant 1664 : i32
      %dma_start3A_590 = tpu.memref_slice %arg4[%dma_start3A_589, %mul3A_580] : memref<4096x12800xf16, #tpu.memory_space<hbm>> -> memref<128x64xf16, #tpu.memory_space<hbm>>
      %dma_start3A_591 = arith.constant 0 : i32
      %dma_start3A_592 = arith.constant 0 : i32
      %dma_start3A_593 = tpu.memref_slice %arg7[%dma_start3A_581, %dma_start3A_582, %dma_start3A_591, %dma_start3A_592] : memref<2x8x128x64xf16, #tpu.memory_space<vmem>> -> memref<1x1x128x64xf16, #tpu.memory_space<vmem>>
      %dma_start3A_594 = tpu.memref_squeeze %dma_start3A_593 : memref<1x1x128x64xf16, #tpu.memory_space<vmem>> -> memref<128x64xf16, #tpu.memory_space<vmem>>
      tpu.enqueue_dma source(%dma_start3A_594 : memref<128x64xf16, #tpu.memory_space<vmem>>) target(%dma_start3A_590 : memref<128x64xf16, #tpu.memory_space<hbm>>) target_semaphore(%arg9 : memref<!tpu.dma_semaphore, #tpu.memory_space<semaphore_mem>>)
      %mul3A_595 = arith.constant 64 : i32
      %mul3A_596 = arith.muli %add3A_15, %mul3A_595 : i32
      %dma_start3A_597 = arith.constant 1 : i32
      %dma_start3A_598 = arith.constant 6 : i32
      %dma_start3A_599 = arith.constant 0 : i32
      %dma_start3A_600 = arith.constant 0 : i32
      %dma_start3A_601 = tpu.memref_slice %arg7[%dma_start3A_597, %dma_start3A_598, %dma_start3A_599, %dma_start3A_600] : memref<2x8x128x64xf16, #tpu.memory_space<vmem>> -> memref<1x1x128x64xf16, #tpu.memory_space<vmem>>
      %dma_start3A_602 = tpu.memref_squeeze %dma_start3A_601 : memref<1x1x128x64xf16, #tpu.memory_space<vmem>> -> memref<128x64xf16, #tpu.memory_space<vmem>>
      %dma_start3A_603 = arith.constant 1792 : i32
      %dma_start3A_604 = tpu.memref_slice %arg4[%dma_start3A_603, %mul3A_596] : memref<4096x12800xf16, #tpu.memory_space<hbm>> -> memref<128x64xf16, #tpu.memory_space<hbm>>
      %dma_start3A_605 = arith.constant 1792 : i32
      %dma_start3A_606 = tpu.memref_slice %arg4[%dma_start3A_605, %mul3A_596] : memref<4096x12800xf16, #tpu.memory_space<hbm>> -> memref<128x64xf16, #tpu.memory_space<hbm>>
      %dma_start3A_607 = arith.constant 0 : i32
      %dma_start3A_608 = arith.constant 0 : i32
      %dma_start3A_609 = tpu.memref_slice %arg7[%dma_start3A_597, %dma_start3A_598, %dma_start3A_607, %dma_start3A_608] : memref<2x8x128x64xf16, #tpu.memory_space<vmem>> -> memref<1x1x128x64xf16, #tpu.memory_space<vmem>>
      %dma_start3A_610 = tpu.memref_squeeze %dma_start3A_609 : memref<1x1x128x64xf16, #tpu.memory_space<vmem>> -> memref<128x64xf16, #tpu.memory_space<vmem>>
      tpu.enqueue_dma source(%dma_start3A_610 : memref<128x64xf16, #tpu.memory_space<vmem>>) target(%dma_start3A_606 : memref<128x64xf16, #tpu.memory_space<hbm>>) target_semaphore(%arg9 : memref<!tpu.dma_semaphore, #tpu.memory_space<semaphore_mem>>)
      %mul3A_611 = arith.constant 64 : i32
      %mul3A_612 = arith.muli %add3A_15, %mul3A_611 : i32
      %dma_start3A_613 = arith.constant 1 : i32
      %dma_start3A_614 = arith.constant 7 : i32
      %dma_start3A_615 = arith.constant 0 : i32
      %dma_start3A_616 = arith.constant 0 : i32
      %dma_start3A_617 = tpu.memref_slice %arg7[%dma_start3A_613, %dma_start3A_614, %dma_start3A_615, %dma_start3A_616] : memref<2x8x128x64xf16, #tpu.memory_space<vmem>> -> memref<1x1x128x64xf16, #tpu.memory_space<vmem>>
      %dma_start3A_618 = tpu.memref_squeeze %dma_start3A_617 : memref<1x1x128x64xf16, #tpu.memory_space<vmem>> -> memref<128x64xf16, #tpu.memory_space<vmem>>
      %dma_start3A_619 = arith.constant 1920 : i32
      %dma_start3A_620 = tpu.memref_slice %arg4[%dma_start3A_619, %mul3A_612] : memref<4096x12800xf16, #tpu.memory_space<hbm>> -> memref<128x64xf16, #tpu.memory_space<hbm>>
      %dma_start3A_621 = arith.constant 1920 : i32
      %dma_start3A_622 = tpu.memref_slice %arg4[%dma_start3A_621, %mul3A_612] : memref<4096x12800xf16, #tpu.memory_space<hbm>> -> memref<128x64xf16, #tpu.memory_space<hbm>>
      %dma_start3A_623 = arith.constant 0 : i32
      %dma_start3A_624 = arith.constant 0 : i32
      %dma_start3A_625 = tpu.memref_slice %arg7[%dma_start3A_613, %dma_start3A_614, %dma_start3A_623, %dma_start3A_624] : memref<2x8x128x64xf16, #tpu.memory_space<vmem>> -> memref<1x1x128x64xf16, #tpu.memory_space<vmem>>
      %dma_start3A_626 = tpu.memref_squeeze %dma_start3A_625 : memref<1x1x128x64xf16, #tpu.memory_space<vmem>> -> memref<128x64xf16, #tpu.memory_space<vmem>>
      tpu.enqueue_dma source(%dma_start3A_626 : memref<128x64xf16, #tpu.memory_space<vmem>>) target(%dma_start3A_622 : memref<128x64xf16, #tpu.memory_space<hbm>>) target_semaphore(%arg9 : memref<!tpu.dma_semaphore, #tpu.memory_space<semaphore_mem>>)
      %dma_wait3A_627 = arith.constant 0 : i32
      %dma_wait3A_628 = arith.constant 0 : i32
      %dma_wait3A_629 = arith.constant 0 : i32
      %dma_wait3A_630 = arith.constant 0 : i32
      %dma_wait3A_631 = tpu.memref_slice %arg7[%dma_wait3A_627, %dma_wait3A_628, %dma_wait3A_629, %dma_wait3A_630] : memref<2x8x128x64xf16, #tpu.memory_space<vmem>> -> memref<1x1x128x64xf16, #tpu.memory_space<vmem>>
      %dma_wait3A_632 = tpu.memref_squeeze %dma_wait3A_631 : memref<1x1x128x64xf16, #tpu.memory_space<vmem>> -> memref<128x64xf16, #tpu.memory_space<vmem>>
      %dma_wait3A_633 = arith.constant 0 : i32
      %dma_wait3A_634 = tpu.memref_slice %arg4[%dma_wait3A_633, %mul3A_196] : memref<4096x12800xf16, #tpu.memory_space<hbm>> -> memref<128x64xf16, #tpu.memory_space<hbm>>
      %dma_wait3A_635 = arith.constant 0 : i32
      %dma_wait3A_636 = tpu.memref_slice %arg4[%dma_wait3A_635, %mul3A_196] : memref<4096x12800xf16, #tpu.memory_space<hbm>> -> memref<128x64xf16, #tpu.memory_space<hbm>>
      %dma_wait3A_637 = arith.constant 0 : i32
      %dma_wait3A_638 = arith.constant 0 : i32
      %dma_wait3A_639 = tpu.memref_slice %arg7[%dma_wait3A_627, %dma_wait3A_628, %dma_wait3A_637, %dma_wait3A_638] : memref<2x8x128x64xf16, #tpu.memory_space<vmem>> -> memref<1x1x128x64xf16, #tpu.memory_space<vmem>>
      %dma_wait3A_640 = tpu.memref_squeeze %dma_wait3A_639 : memref<1x1x128x64xf16, #tpu.memory_space<vmem>> -> memref<128x64xf16, #tpu.memory_space<vmem>>
      tpu.wait_dma2 semaphore(%arg9 : memref<!tpu.dma_semaphore, #tpu.memory_space<semaphore_mem>>) src(%dma_wait3A_640 : memref<128x64xf16, #tpu.memory_space<vmem>>) dst(%dma_wait3A_636 : memref<128x64xf16, #tpu.memory_space<hbm>>)
      %dma_wait3A_641 = arith.constant 0 : i32
      %dma_wait3A_642 = arith.constant 1 : i32
      %dma_wait3A_643 = arith.constant 0 : i32
      %dma_wait3A_644 = arith.constant 0 : i32
      %dma_wait3A_645 = tpu.memref_slice %arg7[%dma_wait3A_641, %dma_wait3A_642, %dma_wait3A_643, %dma_wait3A_644] : memref<2x8x128x64xf16, #tpu.memory_space<vmem>> -> memref<1x1x128x64xf16, #tpu.memory_space<vmem>>
      %dma_wait3A_646 = tpu.memref_squeeze %dma_wait3A_645 : memref<1x1x128x64xf16, #tpu.memory_space<vmem>> -> memref<128x64xf16, #tpu.memory_space<vmem>>
      %dma_wait3A_647 = arith.constant 128 : i32
      %dma_wait3A_648 = tpu.memref_slice %arg4[%dma_wait3A_647, %mul3A_212] : memref<4096x12800xf16, #tpu.memory_space<hbm>> -> memref<128x64xf16, #tpu.memory_space<hbm>>
      %dma_wait3A_649 = arith.constant 128 : i32
      %dma_wait3A_650 = tpu.memref_slice %arg4[%dma_wait3A_649, %mul3A_212] : memref<4096x12800xf16, #tpu.memory_space<hbm>> -> memref<128x64xf16, #tpu.memory_space<hbm>>
      %dma_wait3A_651 = arith.constant 0 : i32
      %dma_wait3A_652 = arith.constant 0 : i32
      %dma_wait3A_653 = tpu.memref_slice %arg7[%dma_wait3A_641, %dma_wait3A_642, %dma_wait3A_651, %dma_wait3A_652] : memref<2x8x128x64xf16, #tpu.memory_space<vmem>> -> memref<1x1x128x64xf16, #tpu.memory_space<vmem>>
      %dma_wait3A_654 = tpu.memref_squeeze %dma_wait3A_653 : memref<1x1x128x64xf16, #tpu.memory_space<vmem>> -> memref<128x64xf16, #tpu.memory_space<vmem>>
      tpu.wait_dma2 semaphore(%arg9 : memref<!tpu.dma_semaphore, #tpu.memory_space<semaphore_mem>>) src(%dma_wait3A_654 : memref<128x64xf16, #tpu.memory_space<vmem>>) dst(%dma_wait3A_650 : memref<128x64xf16, #tpu.memory_space<hbm>>)
      %dma_wait3A_655 = arith.constant 0 : i32
      %dma_wait3A_656 = arith.constant 2 : i32
      %dma_wait3A_657 = arith.constant 0 : i32
      %dma_wait3A_658 = arith.constant 0 : i32
      %dma_wait3A_659 = tpu.memref_slice %arg7[%dma_wait3A_655, %dma_wait3A_656, %dma_wait3A_657, %dma_wait3A_658] : memref<2x8x128x64xf16, #tpu.memory_space<vmem>> -> memref<1x1x128x64xf16, #tpu.memory_space<vmem>>
      %dma_wait3A_660 = tpu.memref_squeeze %dma_wait3A_659 : memref<1x1x128x64xf16, #tpu.memory_space<vmem>> -> memref<128x64xf16, #tpu.memory_space<vmem>>
      %dma_wait3A_661 = arith.constant 256 : i32
      %dma_wait3A_662 = tpu.memref_slice %arg4[%dma_wait3A_661, %mul3A_228] : memref<4096x12800xf16, #tpu.memory_space<hbm>> -> memref<128x64xf16, #tpu.memory_space<hbm>>
      %dma_wait3A_663 = arith.constant 256 : i32
      %dma_wait3A_664 = tpu.memref_slice %arg4[%dma_wait3A_663, %mul3A_228] : memref<4096x12800xf16, #tpu.memory_space<hbm>> -> memref<128x64xf16, #tpu.memory_space<hbm>>
      %dma_wait3A_665 = arith.constant 0 : i32
      %dma_wait3A_666 = arith.constant 0 : i32
      %dma_wait3A_667 = tpu.memref_slice %arg7[%dma_wait3A_655, %dma_wait3A_656, %dma_wait3A_665, %dma_wait3A_666] : memref<2x8x128x64xf16, #tpu.memory_space<vmem>> -> memref<1x1x128x64xf16, #tpu.memory_space<vmem>>
      %dma_wait3A_668 = tpu.memref_squeeze %dma_wait3A_667 : memref<1x1x128x64xf16, #tpu.memory_space<vmem>> -> memref<128x64xf16, #tpu.memory_space<vmem>>
      tpu.wait_dma2 semaphore(%arg9 : memref<!tpu.dma_semaphore, #tpu.memory_space<semaphore_mem>>) src(%dma_wait3A_668 : memref<128x64xf16, #tpu.memory_space<vmem>>) dst(%dma_wait3A_664 : memref<128x64xf16, #tpu.memory_space<hbm>>)
      %dma_wait3A_669 = arith.constant 0 : i32
      %dma_wait3A_670 = arith.constant 3 : i32
      %dma_wait3A_671 = arith.constant 0 : i32
      %dma_wait3A_672 = arith.constant 0 : i32
      %dma_wait3A_673 = tpu.memref_slice %arg7[%dma_wait3A_669, %dma_wait3A_670, %dma_wait3A_671, %dma_wait3A_672] : memref<2x8x128x64xf16, #tpu.memory_space<vmem>> -> memref<1x1x128x64xf16, #tpu.memory_space<vmem>>
      %dma_wait3A_674 = tpu.memref_squeeze %dma_wait3A_673 : memref<1x1x128x64xf16, #tpu.memory_space<vmem>> -> memref<128x64xf16, #tpu.memory_space<vmem>>
      %dma_wait3A_675 = arith.constant 384 : i32
      %dma_wait3A_676 = tpu.memref_slice %arg4[%dma_wait3A_675, %mul3A_244] : memref<4096x12800xf16, #tpu.memory_space<hbm>> -> memref<128x64xf16, #tpu.memory_space<hbm>>
      %dma_wait3A_677 = arith.constant 384 : i32
      %dma_wait3A_678 = tpu.memref_slice %arg4[%dma_wait3A_677, %mul3A_244] : memref<4096x12800xf16, #tpu.memory_space<hbm>> -> memref<128x64xf16, #tpu.memory_space<hbm>>
      %dma_wait3A_679 = arith.constant 0 : i32
      %dma_wait3A_680 = arith.constant 0 : i32
      %dma_wait3A_681 = tpu.memref_slice %arg7[%dma_wait3A_669, %dma_wait3A_670, %dma_wait3A_679, %dma_wait3A_680] : memref<2x8x128x64xf16, #tpu.memory_space<vmem>> -> memref<1x1x128x64xf16, #tpu.memory_space<vmem>>
      %dma_wait3A_682 = tpu.memref_squeeze %dma_wait3A_681 : memref<1x1x128x64xf16, #tpu.memory_space<vmem>> -> memref<128x64xf16, #tpu.memory_space<vmem>>
      tpu.wait_dma2 semaphore(%arg9 : memref<!tpu.dma_semaphore, #tpu.memory_space<semaphore_mem>>) src(%dma_wait3A_682 : memref<128x64xf16, #tpu.memory_space<vmem>>) dst(%dma_wait3A_678 : memref<128x64xf16, #tpu.memory_space<hbm>>)
      %dma_wait3A_683 = arith.constant 0 : i32
      %dma_wait3A_684 = arith.constant 4 : i32
      %dma_wait3A_685 = arith.constant 0 : i32
      %dma_wait3A_686 = arith.constant 0 : i32
      %dma_wait3A_687 = tpu.memref_slice %arg7[%dma_wait3A_683, %dma_wait3A_684, %dma_wait3A_685, %dma_wait3A_686] : memref<2x8x128x64xf16, #tpu.memory_space<vmem>> -> memref<1x1x128x64xf16, #tpu.memory_space<vmem>>
      %dma_wait3A_688 = tpu.memref_squeeze %dma_wait3A_687 : memref<1x1x128x64xf16, #tpu.memory_space<vmem>> -> memref<128x64xf16, #tpu.memory_space<vmem>>
      %dma_wait3A_689 = arith.constant 512 : i32
      %dma_wait3A_690 = tpu.memref_slice %arg4[%dma_wait3A_689, %mul3A_260] : memref<4096x12800xf16, #tpu.memory_space<hbm>> -> memref<128x64xf16, #tpu.memory_space<hbm>>
      %dma_wait3A_691 = arith.constant 512 : i32
      %dma_wait3A_692 = tpu.memref_slice %arg4[%dma_wait3A_691, %mul3A_260] : memref<4096x12800xf16, #tpu.memory_space<hbm>> -> memref<128x64xf16, #tpu.memory_space<hbm>>
      %dma_wait3A_693 = arith.constant 0 : i32
      %dma_wait3A_694 = arith.constant 0 : i32
      %dma_wait3A_695 = tpu.memref_slice %arg7[%dma_wait3A_683, %dma_wait3A_684, %dma_wait3A_693, %dma_wait3A_694] : memref<2x8x128x64xf16, #tpu.memory_space<vmem>> -> memref<1x1x128x64xf16, #tpu.memory_space<vmem>>
      %dma_wait3A_696 = tpu.memref_squeeze %dma_wait3A_695 : memref<1x1x128x64xf16, #tpu.memory_space<vmem>> -> memref<128x64xf16, #tpu.memory_space<vmem>>
      tpu.wait_dma2 semaphore(%arg9 : memref<!tpu.dma_semaphore, #tpu.memory_space<semaphore_mem>>) src(%dma_wait3A_696 : memref<128x64xf16, #tpu.memory_space<vmem>>) dst(%dma_wait3A_692 : memref<128x64xf16, #tpu.memory_space<hbm>>)
      %dma_wait3A_697 = arith.constant 0 : i32
      %dma_wait3A_698 = arith.constant 5 : i32
      %dma_wait3A_699 = arith.constant 0 : i32
      %dma_wait3A_700 = arith.constant 0 : i32
      %dma_wait3A_701 = tpu.memref_slice %arg7[%dma_wait3A_697, %dma_wait3A_698, %dma_wait3A_699, %dma_wait3A_700] : memref<2x8x128x64xf16, #tpu.memory_space<vmem>> -> memref<1x1x128x64xf16, #tpu.memory_space<vmem>>
      %dma_wait3A_702 = tpu.memref_squeeze %dma_wait3A_701 : memref<1x1x128x64xf16, #tpu.memory_space<vmem>> -> memref<128x64xf16, #tpu.memory_space<vmem>>
      %dma_wait3A_703 = arith.constant 640 : i32
      %dma_wait3A_704 = tpu.memref_slice %arg4[%dma_wait3A_703, %mul3A_276] : memref<4096x12800xf16, #tpu.memory_space<hbm>> -> memref<128x64xf16, #tpu.memory_space<hbm>>
      %dma_wait3A_705 = arith.constant 640 : i32
      %dma_wait3A_706 = tpu.memref_slice %arg4[%dma_wait3A_705, %mul3A_276] : memref<4096x12800xf16, #tpu.memory_space<hbm>> -> memref<128x64xf16, #tpu.memory_space<hbm>>
      %dma_wait3A_707 = arith.constant 0 : i32
      %dma_wait3A_708 = arith.constant 0 : i32
      %dma_wait3A_709 = tpu.memref_slice %arg7[%dma_wait3A_697, %dma_wait3A_698, %dma_wait3A_707, %dma_wait3A_708] : memref<2x8x128x64xf16, #tpu.memory_space<vmem>> -> memref<1x1x128x64xf16, #tpu.memory_space<vmem>>
      %dma_wait3A_710 = tpu.memref_squeeze %dma_wait3A_709 : memref<1x1x128x64xf16, #tpu.memory_space<vmem>> -> memref<128x64xf16, #tpu.memory_space<vmem>>
      tpu.wait_dma2 semaphore(%arg9 : memref<!tpu.dma_semaphore, #tpu.memory_space<semaphore_mem>>) src(%dma_wait3A_710 : memref<128x64xf16, #tpu.memory_space<vmem>>) dst(%dma_wait3A_706 : memref<128x64xf16, #tpu.memory_space<hbm>>)
      %dma_wait3A_711 = arith.constant 0 : i32
      %dma_wait3A_712 = arith.constant 6 : i32
      %dma_wait3A_713 = arith.constant 0 : i32
      %dma_wait3A_714 = arith.constant 0 : i32
      %dma_wait3A_715 = tpu.memref_slice %arg7[%dma_wait3A_711, %dma_wait3A_712, %dma_wait3A_713, %dma_wait3A_714] : memref<2x8x128x64xf16, #tpu.memory_space<vmem>> -> memref<1x1x128x64xf16, #tpu.memory_space<vmem>>
      %dma_wait3A_716 = tpu.memref_squeeze %dma_wait3A_715 : memref<1x1x128x64xf16, #tpu.memory_space<vmem>> -> memref<128x64xf16, #tpu.memory_space<vmem>>
      %dma_wait3A_717 = arith.constant 768 : i32
      %dma_wait3A_718 = tpu.memref_slice %arg4[%dma_wait3A_717, %mul3A_292] : memref<4096x12800xf16, #tpu.memory_space<hbm>> -> memref<128x64xf16, #tpu.memory_space<hbm>>
      %dma_wait3A_719 = arith.constant 768 : i32
      %dma_wait3A_720 = tpu.memref_slice %arg4[%dma_wait3A_719, %mul3A_292] : memref<4096x12800xf16, #tpu.memory_space<hbm>> -> memref<128x64xf16, #tpu.memory_space<hbm>>
      %dma_wait3A_721 = arith.constant 0 : i32
      %dma_wait3A_722 = arith.constant 0 : i32
      %dma_wait3A_723 = tpu.memref_slice %arg7[%dma_wait3A_711, %dma_wait3A_712, %dma_wait3A_721, %dma_wait3A_722] : memref<2x8x128x64xf16, #tpu.memory_space<vmem>> -> memref<1x1x128x64xf16, #tpu.memory_space<vmem>>
      %dma_wait3A_724 = tpu.memref_squeeze %dma_wait3A_723 : memref<1x1x128x64xf16, #tpu.memory_space<vmem>> -> memref<128x64xf16, #tpu.memory_space<vmem>>
      tpu.wait_dma2 semaphore(%arg9 : memref<!tpu.dma_semaphore, #tpu.memory_space<semaphore_mem>>) src(%dma_wait3A_724 : memref<128x64xf16, #tpu.memory_space<vmem>>) dst(%dma_wait3A_720 : memref<128x64xf16, #tpu.memory_space<hbm>>)
      %dma_wait3A_725 = arith.constant 0 : i32
      %dma_wait3A_726 = arith.constant 7 : i32
      %dma_wait3A_727 = arith.constant 0 : i32
      %dma_wait3A_728 = arith.constant 0 : i32
      %dma_wait3A_729 = tpu.memref_slice %arg7[%dma_wait3A_725, %dma_wait3A_726, %dma_wait3A_727, %dma_wait3A_728] : memref<2x8x128x64xf16, #tpu.memory_space<vmem>> -> memref<1x1x128x64xf16, #tpu.memory_space<vmem>>
      %dma_wait3A_730 = tpu.memref_squeeze %dma_wait3A_729 : memref<1x1x128x64xf16, #tpu.memory_space<vmem>> -> memref<128x64xf16, #tpu.memory_space<vmem>>
      %dma_wait3A_731 = arith.constant 896 : i32
      %dma_wait3A_732 = tpu.memref_slice %arg4[%dma_wait3A_731, %mul3A_308] : memref<4096x12800xf16, #tpu.memory_space<hbm>> -> memref<128x64xf16, #tpu.memory_space<hbm>>
      %dma_wait3A_733 = arith.constant 896 : i32
      %dma_wait3A_734 = tpu.memref_slice %arg4[%dma_wait3A_733, %mul3A_308] : memref<4096x12800xf16, #tpu.memory_space<hbm>> -> memref<128x64xf16, #tpu.memory_space<hbm>>
      %dma_wait3A_735 = arith.constant 0 : i32
      %dma_wait3A_736 = arith.constant 0 : i32
      %dma_wait3A_737 = tpu.memref_slice %arg7[%dma_wait3A_725, %dma_wait3A_726, %dma_wait3A_735, %dma_wait3A_736] : memref<2x8x128x64xf16, #tpu.memory_space<vmem>> -> memref<1x1x128x64xf16, #tpu.memory_space<vmem>>
      %dma_wait3A_738 = tpu.memref_squeeze %dma_wait3A_737 : memref<1x1x128x64xf16, #tpu.memory_space<vmem>> -> memref<128x64xf16, #tpu.memory_space<vmem>>
      tpu.wait_dma2 semaphore(%arg9 : memref<!tpu.dma_semaphore, #tpu.memory_space<semaphore_mem>>) src(%dma_wait3A_738 : memref<128x64xf16, #tpu.memory_space<vmem>>) dst(%dma_wait3A_734 : memref<128x64xf16, #tpu.memory_space<hbm>>)
      %dma_start3A_739 = arith.constant 0 : i32
      %dma_start3A_740 = arith.constant 0 : i32
      %dma_start3A_741 = arith.constant 0 : i32
      %dma_start3A_742 = arith.constant 0 : i32
      %dma_start3A_743 = tpu.memref_slice %arg7[%dma_start3A_739, %dma_start3A_740, %dma_start3A_741, %dma_start3A_742] : memref<2x8x128x64xf16, #tpu.memory_space<vmem>> -> memref<1x1x128x64xf16, #tpu.memory_space<vmem>>
      %dma_start3A_744 = tpu.memref_squeeze %dma_start3A_743 : memref<1x1x128x64xf16, #tpu.memory_space<vmem>> -> memref<128x64xf16, #tpu.memory_space<vmem>>
      %dma_start3A_745 = arith.constant 2048 : i32
      %dma_start3A_746 = tpu.memref_slice %arg6[%dma_start3A_745] : memref<4096xi32, #tpu.memory_space<vmem>> -> memref<128xi32, #tpu.memory_space<vmem>>
      %dma_start3A_747 = arith.constant 0 : i32
      %dma_start3A_748 = arith.constant 0 : i32
      %dma_start3A_749 = tpu.memref_slice %arg3[%dma_start3A_747, %dma_start3A_748] : memref<1000000x64xf16, #tpu.memory_space<hbm>> -> memref<1000000x64xf16, #tpu.memory_space<hbm>>
      tpu.enqueue_indirect_dma source(%dma_start3A_749 : memref<1000000x64xf16, #tpu.memory_space<hbm>>) target(%dma_start3A_744 : memref<128x64xf16, #tpu.memory_space<vmem>>) offsets(%dma_start3A_746 : memref<128xi32, #tpu.memory_space<vmem>>) semaphore(%arg8 : memref<!tpu.dma_semaphore, #tpu.memory_space<semaphore_mem>>)
      %dma_start3A_750 = arith.constant 0 : i32
      %dma_start3A_751 = arith.constant 1 : i32
      %dma_start3A_752 = arith.constant 0 : i32
      %dma_start3A_753 = arith.constant 0 : i32
      %dma_start3A_754 = tpu.memref_slice %arg7[%dma_start3A_750, %dma_start3A_751, %dma_start3A_752, %dma_start3A_753] : memref<2x8x128x64xf16, #tpu.memory_space<vmem>> -> memref<1x1x128x64xf16, #tpu.memory_space<vmem>>
      %dma_start3A_755 = tpu.memref_squeeze %dma_start3A_754 : memref<1x1x128x64xf16, #tpu.memory_space<vmem>> -> memref<128x64xf16, #tpu.memory_space<vmem>>
      %dma_start3A_756 = arith.constant 2176 : i32
      %dma_start3A_757 = tpu.memref_slice %arg6[%dma_start3A_756] : memref<4096xi32, #tpu.memory_space<vmem>> -> memref<128xi32, #tpu.memory_space<vmem>>
      %dma_start3A_758 = arith.constant 0 : i32
      %dma_start3A_759 = arith.constant 0 : i32
      %dma_start3A_760 = tpu.memref_slice %arg3[%dma_start3A_758, %dma_start3A_759] : memref<1000000x64xf16, #tpu.memory_space<hbm>> -> memref<1000000x64xf16, #tpu.memory_space<hbm>>
      tpu.enqueue_indirect_dma source(%dma_start3A_760 : memref<1000000x64xf16, #tpu.memory_space<hbm>>) target(%dma_start3A_755 : memref<128x64xf16, #tpu.memory_space<vmem>>) offsets(%dma_start3A_757 : memref<128xi32, #tpu.memory_space<vmem>>) semaphore(%arg8 : memref<!tpu.dma_semaphore, #tpu.memory_space<semaphore_mem>>)
      %dma_start3A_761 = arith.constant 0 : i32
      %dma_start3A_762 = arith.constant 2 : i32
      %dma_start3A_763 = arith.constant 0 : i32
      %dma_start3A_764 = arith.constant 0 : i32
      %dma_start3A_765 = tpu.memref_slice %arg7[%dma_start3A_761, %dma_start3A_762, %dma_start3A_763, %dma_start3A_764] : memref<2x8x128x64xf16, #tpu.memory_space<vmem>> -> memref<1x1x128x64xf16, #tpu.memory_space<vmem>>
      %dma_start3A_766 = tpu.memref_squeeze %dma_start3A_765 : memref<1x1x128x64xf16, #tpu.memory_space<vmem>> -> memref<128x64xf16, #tpu.memory_space<vmem>>
      %dma_start3A_767 = arith.constant 2304 : i32
      %dma_start3A_768 = tpu.memref_slice %arg6[%dma_start3A_767] : memref<4096xi32, #tpu.memory_space<vmem>> -> memref<128xi32, #tpu.memory_space<vmem>>
      %dma_start3A_769 = arith.constant 0 : i32
      %dma_start3A_770 = arith.constant 0 : i32
      %dma_start3A_771 = tpu.memref_slice %arg3[%dma_start3A_769, %dma_start3A_770] : memref<1000000x64xf16, #tpu.memory_space<hbm>> -> memref<1000000x64xf16, #tpu.memory_space<hbm>>
      tpu.enqueue_indirect_dma source(%dma_start3A_771 : memref<1000000x64xf16, #tpu.memory_space<hbm>>) target(%dma_start3A_766 : memref<128x64xf16, #tpu.memory_space<vmem>>) offsets(%dma_start3A_768 : memref<128xi32, #tpu.memory_space<vmem>>) semaphore(%arg8 : memref<!tpu.dma_semaphore, #tpu.memory_space<semaphore_mem>>)
      %dma_start3A_772 = arith.constant 0 : i32
      %dma_start3A_773 = arith.constant 3 : i32
      %dma_start3A_774 = arith.constant 0 : i32
      %dma_start3A_775 = arith.constant 0 : i32
      %dma_start3A_776 = tpu.memref_slice %arg7[%dma_start3A_772, %dma_start3A_773, %dma_start3A_774, %dma_start3A_775] : memref<2x8x128x64xf16, #tpu.memory_space<vmem>> -> memref<1x1x128x64xf16, #tpu.memory_space<vmem>>
      %dma_start3A_777 = tpu.memref_squeeze %dma_start3A_776 : memref<1x1x128x64xf16, #tpu.memory_space<vmem>> -> memref<128x64xf16, #tpu.memory_space<vmem>>
      %dma_start3A_778 = arith.constant 2432 : i32
      %dma_start3A_779 = tpu.memref_slice %arg6[%dma_start3A_778] : memref<4096xi32, #tpu.memory_space<vmem>> -> memref<128xi32, #tpu.memory_space<vmem>>
      %dma_start3A_780 = arith.constant 0 : i32
      %dma_start3A_781 = arith.constant 0 : i32
      %dma_start3A_782 = tpu.memref_slice %arg3[%dma_start3A_780, %dma_start3A_781] : memref<1000000x64xf16, #tpu.memory_space<hbm>> -> memref<1000000x64xf16, #tpu.memory_space<hbm>>
      tpu.enqueue_indirect_dma source(%dma_start3A_782 : memref<1000000x64xf16, #tpu.memory_space<hbm>>) target(%dma_start3A_777 : memref<128x64xf16, #tpu.memory_space<vmem>>) offsets(%dma_start3A_779 : memref<128xi32, #tpu.memory_space<vmem>>) semaphore(%arg8 : memref<!tpu.dma_semaphore, #tpu.memory_space<semaphore_mem>>)
      %dma_start3A_783 = arith.constant 0 : i32
      %dma_start3A_784 = arith.constant 4 : i32
      %dma_start3A_785 = arith.constant 0 : i32
      %dma_start3A_786 = arith.constant 0 : i32
      %dma_start3A_787 = tpu.memref_slice %arg7[%dma_start3A_783, %dma_start3A_784, %dma_start3A_785, %dma_start3A_786] : memref<2x8x128x64xf16, #tpu.memory_space<vmem>> -> memref<1x1x128x64xf16, #tpu.memory_space<vmem>>
      %dma_start3A_788 = tpu.memref_squeeze %dma_start3A_787 : memref<1x1x128x64xf16, #tpu.memory_space<vmem>> -> memref<128x64xf16, #tpu.memory_space<vmem>>
      %dma_start3A_789 = arith.constant 2560 : i32
      %dma_start3A_790 = tpu.memref_slice %arg6[%dma_start3A_789] : memref<4096xi32, #tpu.memory_space<vmem>> -> memref<128xi32, #tpu.memory_space<vmem>>
      %dma_start3A_791 = arith.constant 0 : i32
      %dma_start3A_792 = arith.constant 0 : i32
      %dma_start3A_793 = tpu.memref_slice %arg3[%dma_start3A_791, %dma_start3A_792] : memref<1000000x64xf16, #tpu.memory_space<hbm>> -> memref<1000000x64xf16, #tpu.memory_space<hbm>>
      tpu.enqueue_indirect_dma source(%dma_start3A_793 : memref<1000000x64xf16, #tpu.memory_space<hbm>>) target(%dma_start3A_788 : memref<128x64xf16, #tpu.memory_space<vmem>>) offsets(%dma_start3A_790 : memref<128xi32, #tpu.memory_space<vmem>>) semaphore(%arg8 : memref<!tpu.dma_semaphore, #tpu.memory_space<semaphore_mem>>)
      %dma_start3A_794 = arith.constant 0 : i32
      %dma_start3A_795 = arith.constant 5 : i32
      %dma_start3A_796 = arith.constant 0 : i32
      %dma_start3A_797 = arith.constant 0 : i32
      %dma_start3A_798 = tpu.memref_slice %arg7[%dma_start3A_794, %dma_start3A_795, %dma_start3A_796, %dma_start3A_797] : memref<2x8x128x64xf16, #tpu.memory_space<vmem>> -> memref<1x1x128x64xf16, #tpu.memory_space<vmem>>
      %dma_start3A_799 = tpu.memref_squeeze %dma_start3A_798 : memref<1x1x128x64xf16, #tpu.memory_space<vmem>> -> memref<128x64xf16, #tpu.memory_space<vmem>>
      %dma_start3A_800 = arith.constant 2688 : i32
      %dma_start3A_801 = tpu.memref_slice %arg6[%dma_start3A_800] : memref<4096xi32, #tpu.memory_space<vmem>> -> memref<128xi32, #tpu.memory_space<vmem>>
      %dma_start3A_802 = arith.constant 0 : i32
      %dma_start3A_803 = arith.constant 0 : i32
      %dma_start3A_804 = tpu.memref_slice %arg3[%dma_start3A_802, %dma_start3A_803] : memref<1000000x64xf16, #tpu.memory_space<hbm>> -> memref<1000000x64xf16, #tpu.memory_space<hbm>>
      tpu.enqueue_indirect_dma source(%dma_start3A_804 : memref<1000000x64xf16, #tpu.memory_space<hbm>>) target(%dma_start3A_799 : memref<128x64xf16, #tpu.memory_space<vmem>>) offsets(%dma_start3A_801 : memref<128xi32, #tpu.memory_space<vmem>>) semaphore(%arg8 : memref<!tpu.dma_semaphore, #tpu.memory_space<semaphore_mem>>)
      %dma_start3A_805 = arith.constant 0 : i32
      %dma_start3A_806 = arith.constant 6 : i32
      %dma_start3A_807 = arith.constant 0 : i32
      %dma_start3A_808 = arith.constant 0 : i32
      %dma_start3A_809 = tpu.memref_slice %arg7[%dma_start3A_805, %dma_start3A_806, %dma_start3A_807, %dma_start3A_808] : memref<2x8x128x64xf16, #tpu.memory_space<vmem>> -> memref<1x1x128x64xf16, #tpu.memory_space<vmem>>
      %dma_start3A_810 = tpu.memref_squeeze %dma_start3A_809 : memref<1x1x128x64xf16, #tpu.memory_space<vmem>> -> memref<128x64xf16, #tpu.memory_space<vmem>>
      %dma_start3A_811 = arith.constant 2816 : i32
      %dma_start3A_812 = tpu.memref_slice %arg6[%dma_start3A_811] : memref<4096xi32, #tpu.memory_space<vmem>> -> memref<128xi32, #tpu.memory_space<vmem>>
      %dma_start3A_813 = arith.constant 0 : i32
      %dma_start3A_814 = arith.constant 0 : i32
      %dma_start3A_815 = tpu.memref_slice %arg3[%dma_start3A_813, %dma_start3A_814] : memref<1000000x64xf16, #tpu.memory_space<hbm>> -> memref<1000000x64xf16, #tpu.memory_space<hbm>>
      tpu.enqueue_indirect_dma source(%dma_start3A_815 : memref<1000000x64xf16, #tpu.memory_space<hbm>>) target(%dma_start3A_810 : memref<128x64xf16, #tpu.memory_space<vmem>>) offsets(%dma_start3A_812 : memref<128xi32, #tpu.memory_space<vmem>>) semaphore(%arg8 : memref<!tpu.dma_semaphore, #tpu.memory_space<semaphore_mem>>)
      %dma_start3A_816 = arith.constant 0 : i32
      %dma_start3A_817 = arith.constant 7 : i32
      %dma_start3A_818 = arith.constant 0 : i32
      %dma_start3A_819 = arith.constant 0 : i32
      %dma_start3A_820 = tpu.memref_slice %arg7[%dma_start3A_816, %dma_start3A_817, %dma_start3A_818, %dma_start3A_819] : memref<2x8x128x64xf16, #tpu.memory_space<vmem>> -> memref<1x1x128x64xf16, #tpu.memory_space<vmem>>
      %dma_start3A_821 = tpu.memref_squeeze %dma_start3A_820 : memref<1x1x128x64xf16, #tpu.memory_space<vmem>> -> memref<128x64xf16, #tpu.memory_space<vmem>>
      %dma_start3A_822 = arith.constant 2944 : i32
      %dma_start3A_823 = tpu.memref_slice %arg6[%dma_start3A_822] : memref<4096xi32, #tpu.memory_space<vmem>> -> memref<128xi32, #tpu.memory_space<vmem>>
      %dma_start3A_824 = arith.constant 0 : i32
      %dma_start3A_825 = arith.constant 0 : i32
      %dma_start3A_826 = tpu.memref_slice %arg3[%dma_start3A_824, %dma_start3A_825] : memref<1000000x64xf16, #tpu.memory_space<hbm>> -> memref<1000000x64xf16, #tpu.memory_space<hbm>>
      tpu.enqueue_indirect_dma source(%dma_start3A_826 : memref<1000000x64xf16, #tpu.memory_space<hbm>>) target(%dma_start3A_821 : memref<128x64xf16, #tpu.memory_space<vmem>>) offsets(%dma_start3A_823 : memref<128xi32, #tpu.memory_space<vmem>>) semaphore(%arg8 : memref<!tpu.dma_semaphore, #tpu.memory_space<semaphore_mem>>)
      %dma_wait3A_827 = arith.constant 0 : i32
      %dma_wait3A_828 = arith.constant 0 : i32
      %dma_wait3A_829 = arith.constant 0 : i32
      %dma_wait3A_830 = arith.constant 0 : i32
      %dma_wait3A_831 = tpu.memref_slice %arg7[%dma_wait3A_827, %dma_wait3A_828, %dma_wait3A_829, %dma_wait3A_830] : memref<2x8x128x64xf16, #tpu.memory_space<vmem>> -> memref<1x1x128x64xf16, #tpu.memory_space<vmem>>
      %dma_wait3A_832 = tpu.memref_squeeze %dma_wait3A_831 : memref<1x1x128x64xf16, #tpu.memory_space<vmem>> -> memref<128x64xf16, #tpu.memory_space<vmem>>
      %dma_wait3A_833 = arith.constant 2048 : i32
      %dma_wait3A_834 = tpu.memref_slice %arg6[%dma_wait3A_833] : memref<4096xi32, #tpu.memory_space<vmem>> -> memref<128xi32, #tpu.memory_space<vmem>>
      %dma_wait3A_835 = arith.constant 0 : i32
      %dma_wait3A_836 = arith.constant 0 : i32
      %dma_wait3A_837 = tpu.memref_slice %arg3[%dma_wait3A_835, %dma_wait3A_836] : memref<1000000x64xf16, #tpu.memory_space<hbm>> -> memref<1000000x64xf16, #tpu.memory_space<hbm>>
      tpu.wait_indirect_dma semaphore(%arg8 : memref<!tpu.dma_semaphore, #tpu.memory_space<semaphore_mem>>) src(%dma_wait3A_837 : memref<1000000x64xf16, #tpu.memory_space<hbm>>) dst(%dma_wait3A_832 : memref<128x64xf16, #tpu.memory_space<vmem>>)
      %dma_wait3A_838 = arith.constant 0 : i32
      %dma_wait3A_839 = arith.constant 1 : i32
      %dma_wait3A_840 = arith.constant 0 : i32
      %dma_wait3A_841 = arith.constant 0 : i32
      %dma_wait3A_842 = tpu.memref_slice %arg7[%dma_wait3A_838, %dma_wait3A_839, %dma_wait3A_840, %dma_wait3A_841] : memref<2x8x128x64xf16, #tpu.memory_space<vmem>> -> memref<1x1x128x64xf16, #tpu.memory_space<vmem>>
      %dma_wait3A_843 = tpu.memref_squeeze %dma_wait3A_842 : memref<1x1x128x64xf16, #tpu.memory_space<vmem>> -> memref<128x64xf16, #tpu.memory_space<vmem>>
      %dma_wait3A_844 = arith.constant 2176 : i32
      %dma_wait3A_845 = tpu.memref_slice %arg6[%dma_wait3A_844] : memref<4096xi32, #tpu.memory_space<vmem>> -> memref<128xi32, #tpu.memory_space<vmem>>
      %dma_wait3A_846 = arith.constant 0 : i32
      %dma_wait3A_847 = arith.constant 0 : i32
      %dma_wait3A_848 = tpu.memref_slice %arg3[%dma_wait3A_846, %dma_wait3A_847] : memref<1000000x64xf16, #tpu.memory_space<hbm>> -> memref<1000000x64xf16, #tpu.memory_space<hbm>>
      tpu.wait_indirect_dma semaphore(%arg8 : memref<!tpu.dma_semaphore, #tpu.memory_space<semaphore_mem>>) src(%dma_wait3A_848 : memref<1000000x64xf16, #tpu.memory_space<hbm>>) dst(%dma_wait3A_843 : memref<128x64xf16, #tpu.memory_space<vmem>>)
      %dma_wait3A_849 = arith.constant 0 : i32
      %dma_wait3A_850 = arith.constant 2 : i32
      %dma_wait3A_851 = arith.constant 0 : i32
      %dma_wait3A_852 = arith.constant 0 : i32
      %dma_wait3A_853 = tpu.memref_slice %arg7[%dma_wait3A_849, %dma_wait3A_850, %dma_wait3A_851, %dma_wait3A_852] : memref<2x8x128x64xf16, #tpu.memory_space<vmem>> -> memref<1x1x128x64xf16, #tpu.memory_space<vmem>>
      %dma_wait3A_854 = tpu.memref_squeeze %dma_wait3A_853 : memref<1x1x128x64xf16, #tpu.memory_space<vmem>> -> memref<128x64xf16, #tpu.memory_space<vmem>>
      %dma_wait3A_855 = arith.constant 2304 : i32
      %dma_wait3A_856 = tpu.memref_slice %arg6[%dma_wait3A_855] : memref<4096xi32, #tpu.memory_space<vmem>> -> memref<128xi32, #tpu.memory_space<vmem>>
      %dma_wait3A_857 = arith.constant 0 : i32
      %dma_wait3A_858 = arith.constant 0 : i32
      %dma_wait3A_859 = tpu.memref_slice %arg3[%dma_wait3A_857, %dma_wait3A_858] : memref<1000000x64xf16, #tpu.memory_space<hbm>> -> memref<1000000x64xf16, #tpu.memory_space<hbm>>
      tpu.wait_indirect_dma semaphore(%arg8 : memref<!tpu.dma_semaphore, #tpu.memory_space<semaphore_mem>>) src(%dma_wait3A_859 : memref<1000000x64xf16, #tpu.memory_space<hbm>>) dst(%dma_wait3A_854 : memref<128x64xf16, #tpu.memory_space<vmem>>)
      %dma_wait3A_860 = arith.constant 0 : i32
      %dma_wait3A_861 = arith.constant 3 : i32
      %dma_wait3A_862 = arith.constant 0 : i32
      %dma_wait3A_863 = arith.constant 0 : i32
      %dma_wait3A_864 = tpu.memref_slice %arg7[%dma_wait3A_860, %dma_wait3A_861, %dma_wait3A_862, %dma_wait3A_863] : memref<2x8x128x64xf16, #tpu.memory_space<vmem>> -> memref<1x1x128x64xf16, #tpu.memory_space<vmem>>
      %dma_wait3A_865 = tpu.memref_squeeze %dma_wait3A_864 : memref<1x1x128x64xf16, #tpu.memory_space<vmem>> -> memref<128x64xf16, #tpu.memory_space<vmem>>
      %dma_wait3A_866 = arith.constant 2432 : i32
      %dma_wait3A_867 = tpu.memref_slice %arg6[%dma_wait3A_866] : memref<4096xi32, #tpu.memory_space<vmem>> -> memref<128xi32, #tpu.memory_space<vmem>>
      %dma_wait3A_868 = arith.constant 0 : i32
      %dma_wait3A_869 = arith.constant 0 : i32
      %dma_wait3A_870 = tpu.memref_slice %arg3[%dma_wait3A_868, %dma_wait3A_869] : memref<1000000x64xf16, #tpu.memory_space<hbm>> -> memref<1000000x64xf16, #tpu.memory_space<hbm>>
      tpu.wait_indirect_dma semaphore(%arg8 : memref<!tpu.dma_semaphore, #tpu.memory_space<semaphore_mem>>) src(%dma_wait3A_870 : memref<1000000x64xf16, #tpu.memory_space<hbm>>) dst(%dma_wait3A_865 : memref<128x64xf16, #tpu.memory_space<vmem>>)
      %dma_wait3A_871 = arith.constant 0 : i32
      %dma_wait3A_872 = arith.constant 4 : i32
      %dma_wait3A_873 = arith.constant 0 : i32
      %dma_wait3A_874 = arith.constant 0 : i32
      %dma_wait3A_875 = tpu.memref_slice %arg7[%dma_wait3A_871, %dma_wait3A_872, %dma_wait3A_873, %dma_wait3A_874] : memref<2x8x128x64xf16, #tpu.memory_space<vmem>> -> memref<1x1x128x64xf16, #tpu.memory_space<vmem>>
      %dma_wait3A_876 = tpu.memref_squeeze %dma_wait3A_875 : memref<1x1x128x64xf16, #tpu.memory_space<vmem>> -> memref<128x64xf16, #tpu.memory_space<vmem>>
      %dma_wait3A_877 = arith.constant 2560 : i32
      %dma_wait3A_878 = tpu.memref_slice %arg6[%dma_wait3A_877] : memref<4096xi32, #tpu.memory_space<vmem>> -> memref<128xi32, #tpu.memory_space<vmem>>
      %dma_wait3A_879 = arith.constant 0 : i32
      %dma_wait3A_880 = arith.constant 0 : i32
      %dma_wait3A_881 = tpu.memref_slice %arg3[%dma_wait3A_879, %dma_wait3A_880] : memref<1000000x64xf16, #tpu.memory_space<hbm>> -> memref<1000000x64xf16, #tpu.memory_space<hbm>>
      tpu.wait_indirect_dma semaphore(%arg8 : memref<!tpu.dma_semaphore, #tpu.memory_space<semaphore_mem>>) src(%dma_wait3A_881 : memref<1000000x64xf16, #tpu.memory_space<hbm>>) dst(%dma_wait3A_876 : memref<128x64xf16, #tpu.memory_space<vmem>>)
      %dma_wait3A_882 = arith.constant 0 : i32
      %dma_wait3A_883 = arith.constant 5 : i32
      %dma_wait3A_884 = arith.constant 0 : i32
      %dma_wait3A_885 = arith.constant 0 : i32
      %dma_wait3A_886 = tpu.memref_slice %arg7[%dma_wait3A_882, %dma_wait3A_883, %dma_wait3A_884, %dma_wait3A_885] : memref<2x8x128x64xf16, #tpu.memory_space<vmem>> -> memref<1x1x128x64xf16, #tpu.memory_space<vmem>>
      %dma_wait3A_887 = tpu.memref_squeeze %dma_wait3A_886 : memref<1x1x128x64xf16, #tpu.memory_space<vmem>> -> memref<128x64xf16, #tpu.memory_space<vmem>>
      %dma_wait3A_888 = arith.constant 2688 : i32
      %dma_wait3A_889 = tpu.memref_slice %arg6[%dma_wait3A_888] : memref<4096xi32, #tpu.memory_space<vmem>> -> memref<128xi32, #tpu.memory_space<vmem>>
      %dma_wait3A_890 = arith.constant 0 : i32
      %dma_wait3A_891 = arith.constant 0 : i32
      %dma_wait3A_892 = tpu.memref_slice %arg3[%dma_wait3A_890, %dma_wait3A_891] : memref<1000000x64xf16, #tpu.memory_space<hbm>> -> memref<1000000x64xf16, #tpu.memory_space<hbm>>
      tpu.wait_indirect_dma semaphore(%arg8 : memref<!tpu.dma_semaphore, #tpu.memory_space<semaphore_mem>>) src(%dma_wait3A_892 : memref<1000000x64xf16, #tpu.memory_space<hbm>>) dst(%dma_wait3A_887 : memref<128x64xf16, #tpu.memory_space<vmem>>)
      %dma_wait3A_893 = arith.constant 0 : i32
      %dma_wait3A_894 = arith.constant 6 : i32
      %dma_wait3A_895 = arith.constant 0 : i32
      %dma_wait3A_896 = arith.constant 0 : i32
      %dma_wait3A_897 = tpu.memref_slice %arg7[%dma_wait3A_893, %dma_wait3A_894, %dma_wait3A_895, %dma_wait3A_896] : memref<2x8x128x64xf16, #tpu.memory_space<vmem>> -> memref<1x1x128x64xf16, #tpu.memory_space<vmem>>
      %dma_wait3A_898 = tpu.memref_squeeze %dma_wait3A_897 : memref<1x1x128x64xf16, #tpu.memory_space<vmem>> -> memref<128x64xf16, #tpu.memory_space<vmem>>
      %dma_wait3A_899 = arith.constant 2816 : i32
      %dma_wait3A_900 = tpu.memref_slice %arg6[%dma_wait3A_899] : memref<4096xi32, #tpu.memory_space<vmem>> -> memref<128xi32, #tpu.memory_space<vmem>>
      %dma_wait3A_901 = arith.constant 0 : i32
      %dma_wait3A_902 = arith.constant 0 : i32
      %dma_wait3A_903 = tpu.memref_slice %arg3[%dma_wait3A_901, %dma_wait3A_902] : memref<1000000x64xf16, #tpu.memory_space<hbm>> -> memref<1000000x64xf16, #tpu.memory_space<hbm>>
      tpu.wait_indirect_dma semaphore(%arg8 : memref<!tpu.dma_semaphore, #tpu.memory_space<semaphore_mem>>) src(%dma_wait3A_903 : memref<1000000x64xf16, #tpu.memory_space<hbm>>) dst(%dma_wait3A_898 : memref<128x64xf16, #tpu.memory_space<vmem>>)
      %dma_wait3A_904 = arith.constant 0 : i32
      %dma_wait3A_905 = arith.constant 7 : i32
      %dma_wait3A_906 = arith.constant 0 : i32
      %dma_wait3A_907 = arith.constant 0 : i32
      %dma_wait3A_908 = tpu.memref_slice %arg7[%dma_wait3A_904, %dma_wait3A_905, %dma_wait3A_906, %dma_wait3A_907] : memref<2x8x128x64xf16, #tpu.memory_space<vmem>> -> memref<1x1x128x64xf16, #tpu.memory_space<vmem>>
      %dma_wait3A_909 = tpu.memref_squeeze %dma_wait3A_908 : memref<1x1x128x64xf16, #tpu.memory_space<vmem>> -> memref<128x64xf16, #tpu.memory_space<vmem>>
      %dma_wait3A_910 = arith.constant 2944 : i32
      %dma_wait3A_911 = tpu.memref_slice %arg6[%dma_wait3A_910] : memref<4096xi32, #tpu.memory_space<vmem>> -> memref<128xi32, #tpu.memory_space<vmem>>
      %dma_wait3A_912 = arith.constant 0 : i32
      %dma_wait3A_913 = arith.constant 0 : i32
      %dma_wait3A_914 = tpu.memref_slice %arg3[%dma_wait3A_912, %dma_wait3A_913] : memref<1000000x64xf16, #tpu.memory_space<hbm>> -> memref<1000000x64xf16, #tpu.memory_space<hbm>>
      tpu.wait_indirect_dma semaphore(%arg8 : memref<!tpu.dma_semaphore, #tpu.memory_space<semaphore_mem>>) src(%dma_wait3A_914 : memref<1000000x64xf16, #tpu.memory_space<hbm>>) dst(%dma_wait3A_909 : memref<128x64xf16, #tpu.memory_space<vmem>>)
      %mul3A_915 = arith.constant 64 : i32
      %mul3A_916 = arith.muli %add3A_15, %mul3A_915 : i32
      %dma_start3A_917 = arith.constant 0 : i32
      %dma_start3A_918 = arith.constant 0 : i32
      %dma_start3A_919 = arith.constant 0 : i32
      %dma_start3A_920 = arith.constant 0 : i32
      %dma_start3A_921 = tpu.memref_slice %arg7[%dma_start3A_917, %dma_start3A_918, %dma_start3A_919, %dma_start3A_920] : memref<2x8x128x64xf16, #tpu.memory_space<vmem>> -> memref<1x1x128x64xf16, #tpu.memory_space<vmem>>
      %dma_start3A_922 = tpu.memref_squeeze %dma_start3A_921 : memref<1x1x128x64xf16, #tpu.memory_space<vmem>> -> memref<128x64xf16, #tpu.memory_space<vmem>>
      %dma_start3A_923 = arith.constant 2048 : i32
      %dma_start3A_924 = tpu.memref_slice %arg4[%dma_start3A_923, %mul3A_916] : memref<4096x12800xf16, #tpu.memory_space<hbm>> -> memref<128x64xf16, #tpu.memory_space<hbm>>
      %dma_start3A_925 = arith.constant 2048 : i32
      %dma_start3A_926 = tpu.memref_slice %arg4[%dma_start3A_925, %mul3A_916] : memref<4096x12800xf16, #tpu.memory_space<hbm>> -> memref<128x64xf16, #tpu.memory_space<hbm>>
      %dma_start3A_927 = arith.constant 0 : i32
      %dma_start3A_928 = arith.constant 0 : i32
      %dma_start3A_929 = tpu.memref_slice %arg7[%dma_start3A_917, %dma_start3A_918, %dma_start3A_927, %dma_start3A_928] : memref<2x8x128x64xf16, #tpu.memory_space<vmem>> -> memref<1x1x128x64xf16, #tpu.memory_space<vmem>>
      %dma_start3A_930 = tpu.memref_squeeze %dma_start3A_929 : memref<1x1x128x64xf16, #tpu.memory_space<vmem>> -> memref<128x64xf16, #tpu.memory_space<vmem>>
      tpu.enqueue_dma source(%dma_start3A_930 : memref<128x64xf16, #tpu.memory_space<vmem>>) target(%dma_start3A_926 : memref<128x64xf16, #tpu.memory_space<hbm>>) target_semaphore(%arg9 : memref<!tpu.dma_semaphore, #tpu.memory_space<semaphore_mem>>)
      %mul3A_931 = arith.constant 64 : i32
      %mul3A_932 = arith.muli %add3A_15, %mul3A_931 : i32
      %dma_start3A_933 = arith.constant 0 : i32
      %dma_start3A_934 = arith.constant 1 : i32
      %dma_start3A_935 = arith.constant 0 : i32
      %dma_start3A_936 = arith.constant 0 : i32
      %dma_start3A_937 = tpu.memref_slice %arg7[%dma_start3A_933, %dma_start3A_934, %dma_start3A_935, %dma_start3A_936] : memref<2x8x128x64xf16, #tpu.memory_space<vmem>> -> memref<1x1x128x64xf16, #tpu.memory_space<vmem>>
      %dma_start3A_938 = tpu.memref_squeeze %dma_start3A_937 : memref<1x1x128x64xf16, #tpu.memory_space<vmem>> -> memref<128x64xf16, #tpu.memory_space<vmem>>
      %dma_start3A_939 = arith.constant 2176 : i32
      %dma_start3A_940 = tpu.memref_slice %arg4[%dma_start3A_939, %mul3A_932] : memref<4096x12800xf16, #tpu.memory_space<hbm>> -> memref<128x64xf16, #tpu.memory_space<hbm>>
      %dma_start3A_941 = arith.constant 2176 : i32
      %dma_start3A_942 = tpu.memref_slice %arg4[%dma_start3A_941, %mul3A_932] : memref<4096x12800xf16, #tpu.memory_space<hbm>> -> memref<128x64xf16, #tpu.memory_space<hbm>>
      %dma_start3A_943 = arith.constant 0 : i32
      %dma_start3A_944 = arith.constant 0 : i32
      %dma_start3A_945 = tpu.memref_slice %arg7[%dma_start3A_933, %dma_start3A_934, %dma_start3A_943, %dma_start3A_944] : memref<2x8x128x64xf16, #tpu.memory_space<vmem>> -> memref<1x1x128x64xf16, #tpu.memory_space<vmem>>
      %dma_start3A_946 = tpu.memref_squeeze %dma_start3A_945 : memref<1x1x128x64xf16, #tpu.memory_space<vmem>> -> memref<128x64xf16, #tpu.memory_space<vmem>>
      tpu.enqueue_dma source(%dma_start3A_946 : memref<128x64xf16, #tpu.memory_space<vmem>>) target(%dma_start3A_942 : memref<128x64xf16, #tpu.memory_space<hbm>>) target_semaphore(%arg9 : memref<!tpu.dma_semaphore, #tpu.memory_space<semaphore_mem>>)
      %mul3A_947 = arith.constant 64 : i32
      %mul3A_948 = arith.muli %add3A_15, %mul3A_947 : i32
      %dma_start3A_949 = arith.constant 0 : i32
      %dma_start3A_950 = arith.constant 2 : i32
      %dma_start3A_951 = arith.constant 0 : i32
      %dma_start3A_952 = arith.constant 0 : i32
      %dma_start3A_953 = tpu.memref_slice %arg7[%dma_start3A_949, %dma_start3A_950, %dma_start3A_951, %dma_start3A_952] : memref<2x8x128x64xf16, #tpu.memory_space<vmem>> -> memref<1x1x128x64xf16, #tpu.memory_space<vmem>>
      %dma_start3A_954 = tpu.memref_squeeze %dma_start3A_953 : memref<1x1x128x64xf16, #tpu.memory_space<vmem>> -> memref<128x64xf16, #tpu.memory_space<vmem>>
      %dma_start3A_955 = arith.constant 2304 : i32
      %dma_start3A_956 = tpu.memref_slice %arg4[%dma_start3A_955, %mul3A_948] : memref<4096x12800xf16, #tpu.memory_space<hbm>> -> memref<128x64xf16, #tpu.memory_space<hbm>>
      %dma_start3A_957 = arith.constant 2304 : i32
      %dma_start3A_958 = tpu.memref_slice %arg4[%dma_start3A_957, %mul3A_948] : memref<4096x12800xf16, #tpu.memory_space<hbm>> -> memref<128x64xf16, #tpu.memory_space<hbm>>
      %dma_start3A_959 = arith.constant 0 : i32
      %dma_start3A_960 = arith.constant 0 : i32
      %dma_start3A_961 = tpu.memref_slice %arg7[%dma_start3A_949, %dma_start3A_950, %dma_start3A_959, %dma_start3A_960] : memref<2x8x128x64xf16, #tpu.memory_space<vmem>> -> memref<1x1x128x64xf16, #tpu.memory_space<vmem>>
      %dma_start3A_962 = tpu.memref_squeeze %dma_start3A_961 : memref<1x1x128x64xf16, #tpu.memory_space<vmem>> -> memref<128x64xf16, #tpu.memory_space<vmem>>
      tpu.enqueue_dma source(%dma_start3A_962 : memref<128x64xf16, #tpu.memory_space<vmem>>) target(%dma_start3A_958 : memref<128x64xf16, #tpu.memory_space<hbm>>) target_semaphore(%arg9 : memref<!tpu.dma_semaphore, #tpu.memory_space<semaphore_mem>>)
      %mul3A_963 = arith.constant 64 : i32
      %mul3A_964 = arith.muli %add3A_15, %mul3A_963 : i32
      %dma_start3A_965 = arith.constant 0 : i32
      %dma_start3A_966 = arith.constant 3 : i32
      %dma_start3A_967 = arith.constant 0 : i32
      %dma_start3A_968 = arith.constant 0 : i32
      %dma_start3A_969 = tpu.memref_slice %arg7[%dma_start3A_965, %dma_start3A_966, %dma_start3A_967, %dma_start3A_968] : memref<2x8x128x64xf16, #tpu.memory_space<vmem>> -> memref<1x1x128x64xf16, #tpu.memory_space<vmem>>
      %dma_start3A_970 = tpu.memref_squeeze %dma_start3A_969 : memref<1x1x128x64xf16, #tpu.memory_space<vmem>> -> memref<128x64xf16, #tpu.memory_space<vmem>>
      %dma_start3A_971 = arith.constant 2432 : i32
      %dma_start3A_972 = tpu.memref_slice %arg4[%dma_start3A_971, %mul3A_964] : memref<4096x12800xf16, #tpu.memory_space<hbm>> -> memref<128x64xf16, #tpu.memory_space<hbm>>
      %dma_start3A_973 = arith.constant 2432 : i32
      %dma_start3A_974 = tpu.memref_slice %arg4[%dma_start3A_973, %mul3A_964] : memref<4096x12800xf16, #tpu.memory_space<hbm>> -> memref<128x64xf16, #tpu.memory_space<hbm>>
      %dma_start3A_975 = arith.constant 0 : i32
      %dma_start3A_976 = arith.constant 0 : i32
      %dma_start3A_977 = tpu.memref_slice %arg7[%dma_start3A_965, %dma_start3A_966, %dma_start3A_975, %dma_start3A_976] : memref<2x8x128x64xf16, #tpu.memory_space<vmem>> -> memref<1x1x128x64xf16, #tpu.memory_space<vmem>>
      %dma_start3A_978 = tpu.memref_squeeze %dma_start3A_977 : memref<1x1x128x64xf16, #tpu.memory_space<vmem>> -> memref<128x64xf16, #tpu.memory_space<vmem>>
      tpu.enqueue_dma source(%dma_start3A_978 : memref<128x64xf16, #tpu.memory_space<vmem>>) target(%dma_start3A_974 : memref<128x64xf16, #tpu.memory_space<hbm>>) target_semaphore(%arg9 : memref<!tpu.dma_semaphore, #tpu.memory_space<semaphore_mem>>)
      %mul3A_979 = arith.constant 64 : i32
      %mul3A_980 = arith.muli %add3A_15, %mul3A_979 : i32
      %dma_start3A_981 = arith.constant 0 : i32
      %dma_start3A_982 = arith.constant 4 : i32
      %dma_start3A_983 = arith.constant 0 : i32
      %dma_start3A_984 = arith.constant 0 : i32
      %dma_start3A_985 = tpu.memref_slice %arg7[%dma_start3A_981, %dma_start3A_982, %dma_start3A_983, %dma_start3A_984] : memref<2x8x128x64xf16, #tpu.memory_space<vmem>> -> memref<1x1x128x64xf16, #tpu.memory_space<vmem>>
      %dma_start3A_986 = tpu.memref_squeeze %dma_start3A_985 : memref<1x1x128x64xf16, #tpu.memory_space<vmem>> -> memref<128x64xf16, #tpu.memory_space<vmem>>
      %dma_start3A_987 = arith.constant 2560 : i32
      %dma_start3A_988 = tpu.memref_slice %arg4[%dma_start3A_987, %mul3A_980] : memref<4096x12800xf16, #tpu.memory_space<hbm>> -> memref<128x64xf16, #tpu.memory_space<hbm>>
      %dma_start3A_989 = arith.constant 2560 : i32
      %dma_start3A_990 = tpu.memref_slice %arg4[%dma_start3A_989, %mul3A_980] : memref<4096x12800xf16, #tpu.memory_space<hbm>> -> memref<128x64xf16, #tpu.memory_space<hbm>>
      %dma_start3A_991 = arith.constant 0 : i32
      %dma_start3A_992 = arith.constant 0 : i32
      %dma_start3A_993 = tpu.memref_slice %arg7[%dma_start3A_981, %dma_start3A_982, %dma_start3A_991, %dma_start3A_992] : memref<2x8x128x64xf16, #tpu.memory_space<vmem>> -> memref<1x1x128x64xf16, #tpu.memory_space<vmem>>
      %dma_start3A_994 = tpu.memref_squeeze %dma_start3A_993 : memref<1x1x128x64xf16, #tpu.memory_space<vmem>> -> memref<128x64xf16, #tpu.memory_space<vmem>>
      tpu.enqueue_dma source(%dma_start3A_994 : memref<128x64xf16, #tpu.memory_space<vmem>>) target(%dma_start3A_990 : memref<128x64xf16, #tpu.memory_space<hbm>>) target_semaphore(%arg9 : memref<!tpu.dma_semaphore, #tpu.memory_space<semaphore_mem>>)
      %mul3A_995 = arith.constant 64 : i32
      %mul3A_996 = arith.muli %add3A_15, %mul3A_995 : i32
      %dma_start3A_997 = arith.constant 0 : i32
      %dma_start3A_998 = arith.constant 5 : i32
      %dma_start3A_999 = arith.constant 0 : i32
      %dma_start3A_1000 = arith.constant 0 : i32
      %dma_start3A_1001 = tpu.memref_slice %arg7[%dma_start3A_997, %dma_start3A_998, %dma_start3A_999, %dma_start3A_1000] : memref<2x8x128x64xf16, #tpu.memory_space<vmem>> -> memref<1x1x128x64xf16, #tpu.memory_space<vmem>>
      %dma_start3A_1002 = tpu.memref_squeeze %dma_start3A_1001 : memref<1x1x128x64xf16, #tpu.memory_space<vmem>> -> memref<128x64xf16, #tpu.memory_space<vmem>>
      %dma_start3A_1003 = arith.constant 2688 : i32
      %dma_start3A_1004 = tpu.memref_slice %arg4[%dma_start3A_1003, %mul3A_996] : memref<4096x12800xf16, #tpu.memory_space<hbm>> -> memref<128x64xf16, #tpu.memory_space<hbm>>
      %dma_start3A_1005 = arith.constant 2688 : i32
      %dma_start3A_1006 = tpu.memref_slice %arg4[%dma_start3A_1005, %mul3A_996] : memref<4096x12800xf16, #tpu.memory_space<hbm>> -> memref<128x64xf16, #tpu.memory_space<hbm>>
      %dma_start3A_1007 = arith.constant 0 : i32
      %dma_start3A_1008 = arith.constant 0 : i32
      %dma_start3A_1009 = tpu.memref_slice %arg7[%dma_start3A_997, %dma_start3A_998, %dma_start3A_1007, %dma_start3A_1008] : memref<2x8x128x64xf16, #tpu.memory_space<vmem>> -> memref<1x1x128x64xf16, #tpu.memory_space<vmem>>
      %dma_start3A_1010 = tpu.memref_squeeze %dma_start3A_1009 : memref<1x1x128x64xf16, #tpu.memory_space<vmem>> -> memref<128x64xf16, #tpu.memory_space<vmem>>
      tpu.enqueue_dma source(%dma_start3A_1010 : memref<128x64xf16, #tpu.memory_space<vmem>>) target(%dma_start3A_1006 : memref<128x64xf16, #tpu.memory_space<hbm>>) target_semaphore(%arg9 : memref<!tpu.dma_semaphore, #tpu.memory_space<semaphore_mem>>)
      %mul3A_1011 = arith.constant 64 : i32
      %mul3A_1012 = arith.muli %add3A_15, %mul3A_1011 : i32
      %dma_start3A_1013 = arith.constant 0 : i32
      %dma_start3A_1014 = arith.constant 6 : i32
      %dma_start3A_1015 = arith.constant 0 : i32
      %dma_start3A_1016 = arith.constant 0 : i32
      %dma_start3A_1017 = tpu.memref_slice %arg7[%dma_start3A_1013, %dma_start3A_1014, %dma_start3A_1015, %dma_start3A_1016] : memref<2x8x128x64xf16, #tpu.memory_space<vmem>> -> memref<1x1x128x64xf16, #tpu.memory_space<vmem>>
      %dma_start3A_1018 = tpu.memref_squeeze %dma_start3A_1017 : memref<1x1x128x64xf16, #tpu.memory_space<vmem>> -> memref<128x64xf16, #tpu.memory_space<vmem>>
      %dma_start3A_1019 = arith.constant 2816 : i32
      %dma_start3A_1020 = tpu.memref_slice %arg4[%dma_start3A_1019, %mul3A_1012] : memref<4096x12800xf16, #tpu.memory_space<hbm>> -> memref<128x64xf16, #tpu.memory_space<hbm>>
      %dma_start3A_1021 = arith.constant 2816 : i32
      %dma_start3A_1022 = tpu.memref_slice %arg4[%dma_start3A_1021, %mul3A_1012] : memref<4096x12800xf16, #tpu.memory_space<hbm>> -> memref<128x64xf16, #tpu.memory_space<hbm>>
      %dma_start3A_1023 = arith.constant 0 : i32
      %dma_start3A_1024 = arith.constant 0 : i32
      %dma_start3A_1025 = tpu.memref_slice %arg7[%dma_start3A_1013, %dma_start3A_1014, %dma_start3A_1023, %dma_start3A_1024] : memref<2x8x128x64xf16, #tpu.memory_space<vmem>> -> memref<1x1x128x64xf16, #tpu.memory_space<vmem>>
      %dma_start3A_1026 = tpu.memref_squeeze %dma_start3A_1025 : memref<1x1x128x64xf16, #tpu.memory_space<vmem>> -> memref<128x64xf16, #tpu.memory_space<vmem>>
      tpu.enqueue_dma source(%dma_start3A_1026 : memref<128x64xf16, #tpu.memory_space<vmem>>) target(%dma_start3A_1022 : memref<128x64xf16, #tpu.memory_space<hbm>>) target_semaphore(%arg9 : memref<!tpu.dma_semaphore, #tpu.memory_space<semaphore_mem>>)
      %mul3A_1027 = arith.constant 64 : i32
      %mul3A_1028 = arith.muli %add3A_15, %mul3A_1027 : i32
      %dma_start3A_1029 = arith.constant 0 : i32
      %dma_start3A_1030 = arith.constant 7 : i32
      %dma_start3A_1031 = arith.constant 0 : i32
      %dma_start3A_1032 = arith.constant 0 : i32
      %dma_start3A_1033 = tpu.memref_slice %arg7[%dma_start3A_1029, %dma_start3A_1030, %dma_start3A_1031, %dma_start3A_1032] : memref<2x8x128x64xf16, #tpu.memory_space<vmem>> -> memref<1x1x128x64xf16, #tpu.memory_space<vmem>>
      %dma_start3A_1034 = tpu.memref_squeeze %dma_start3A_1033 : memref<1x1x128x64xf16, #tpu.memory_space<vmem>> -> memref<128x64xf16, #tpu.memory_space<vmem>>
      %dma_start3A_1035 = arith.constant 2944 : i32
      %dma_start3A_1036 = tpu.memref_slice %arg4[%dma_start3A_1035, %mul3A_1028] : memref<4096x12800xf16, #tpu.memory_space<hbm>> -> memref<128x64xf16, #tpu.memory_space<hbm>>
      %dma_start3A_1037 = arith.constant 2944 : i32
      %dma_start3A_1038 = tpu.memref_slice %arg4[%dma_start3A_1037, %mul3A_1028] : memref<4096x12800xf16, #tpu.memory_space<hbm>> -> memref<128x64xf16, #tpu.memory_space<hbm>>
      %dma_start3A_1039 = arith.constant 0 : i32
      %dma_start3A_1040 = arith.constant 0 : i32
      %dma_start3A_1041 = tpu.memref_slice %arg7[%dma_start3A_1029, %dma_start3A_1030, %dma_start3A_1039, %dma_start3A_1040] : memref<2x8x128x64xf16, #tpu.memory_space<vmem>> -> memref<1x1x128x64xf16, #tpu.memory_space<vmem>>
      %dma_start3A_1042 = tpu.memref_squeeze %dma_start3A_1041 : memref<1x1x128x64xf16, #tpu.memory_space<vmem>> -> memref<128x64xf16, #tpu.memory_space<vmem>>
      tpu.enqueue_dma source(%dma_start3A_1042 : memref<128x64xf16, #tpu.memory_space<vmem>>) target(%dma_start3A_1038 : memref<128x64xf16, #tpu.memory_space<hbm>>) target_semaphore(%arg9 : memref<!tpu.dma_semaphore, #tpu.memory_space<semaphore_mem>>)
      %dma_wait3A_1043 = arith.constant 1 : i32
      %dma_wait3A_1044 = arith.constant 0 : i32
      %dma_wait3A_1045 = arith.constant 0 : i32
      %dma_wait3A_1046 = arith.constant 0 : i32
      %dma_wait3A_1047 = tpu.memref_slice %arg7[%dma_wait3A_1043, %dma_wait3A_1044, %dma_wait3A_1045, %dma_wait3A_1046] : memref<2x8x128x64xf16, #tpu.memory_space<vmem>> -> memref<1x1x128x64xf16, #tpu.memory_space<vmem>>
      %dma_wait3A_1048 = tpu.memref_squeeze %dma_wait3A_1047 : memref<1x1x128x64xf16, #tpu.memory_space<vmem>> -> memref<128x64xf16, #tpu.memory_space<vmem>>
      %dma_wait3A_1049 = arith.constant 1024 : i32
      %dma_wait3A_1050 = tpu.memref_slice %arg4[%dma_wait3A_1049, %mul3A_500] : memref<4096x12800xf16, #tpu.memory_space<hbm>> -> memref<128x64xf16, #tpu.memory_space<hbm>>
      %dma_wait3A_1051 = arith.constant 1024 : i32
      %dma_wait3A_1052 = tpu.memref_slice %arg4[%dma_wait3A_1051, %mul3A_500] : memref<4096x12800xf16, #tpu.memory_space<hbm>> -> memref<128x64xf16, #tpu.memory_space<hbm>>
      %dma_wait3A_1053 = arith.constant 0 : i32
      %dma_wait3A_1054 = arith.constant 0 : i32
      %dma_wait3A_1055 = tpu.memref_slice %arg7[%dma_wait3A_1043, %dma_wait3A_1044, %dma_wait3A_1053, %dma_wait3A_1054] : memref<2x8x128x64xf16, #tpu.memory_space<vmem>> -> memref<1x1x128x64xf16, #tpu.memory_space<vmem>>
      %dma_wait3A_1056 = tpu.memref_squeeze %dma_wait3A_1055 : memref<1x1x128x64xf16, #tpu.memory_space<vmem>> -> memref<128x64xf16, #tpu.memory_space<vmem>>
      tpu.wait_dma2 semaphore(%arg9 : memref<!tpu.dma_semaphore, #tpu.memory_space<semaphore_mem>>) src(%dma_wait3A_1056 : memref<128x64xf16, #tpu.memory_space<vmem>>) dst(%dma_wait3A_1052 : memref<128x64xf16, #tpu.memory_space<hbm>>)
      %dma_wait3A_1057 = arith.constant 1 : i32
      %dma_wait3A_1058 = arith.constant 1 : i32
      %dma_wait3A_1059 = arith.constant 0 : i32
      %dma_wait3A_1060 = arith.constant 0 : i32
      %dma_wait3A_1061 = tpu.memref_slice %arg7[%dma_wait3A_1057, %dma_wait3A_1058, %dma_wait3A_1059, %dma_wait3A_1060] : memref<2x8x128x64xf16, #tpu.memory_space<vmem>> -> memref<1x1x128x64xf16, #tpu.memory_space<vmem>>
      %dma_wait3A_1062 = tpu.memref_squeeze %dma_wait3A_1061 : memref<1x1x128x64xf16, #tpu.memory_space<vmem>> -> memref<128x64xf16, #tpu.memory_space<vmem>>
      %dma_wait3A_1063 = arith.constant 1152 : i32
      %dma_wait3A_1064 = tpu.memref_slice %arg4[%dma_wait3A_1063, %mul3A_516] : memref<4096x12800xf16, #tpu.memory_space<hbm>> -> memref<128x64xf16, #tpu.memory_space<hbm>>
      %dma_wait3A_1065 = arith.constant 1152 : i32
      %dma_wait3A_1066 = tpu.memref_slice %arg4[%dma_wait3A_1065, %mul3A_516] : memref<4096x12800xf16, #tpu.memory_space<hbm>> -> memref<128x64xf16, #tpu.memory_space<hbm>>
      %dma_wait3A_1067 = arith.constant 0 : i32
      %dma_wait3A_1068 = arith.constant 0 : i32
      %dma_wait3A_1069 = tpu.memref_slice %arg7[%dma_wait3A_1057, %dma_wait3A_1058, %dma_wait3A_1067, %dma_wait3A_1068] : memref<2x8x128x64xf16, #tpu.memory_space<vmem>> -> memref<1x1x128x64xf16, #tpu.memory_space<vmem>>
      %dma_wait3A_1070 = tpu.memref_squeeze %dma_wait3A_1069 : memref<1x1x128x64xf16, #tpu.memory_space<vmem>> -> memref<128x64xf16, #tpu.memory_space<vmem>>
      tpu.wait_dma2 semaphore(%arg9 : memref<!tpu.dma_semaphore, #tpu.memory_space<semaphore_mem>>) src(%dma_wait3A_1070 : memref<128x64xf16, #tpu.memory_space<vmem>>) dst(%dma_wait3A_1066 : memref<128x64xf16, #tpu.memory_space<hbm>>)
      %dma_wait3A_1071 = arith.constant 1 : i32
      %dma_wait3A_1072 = arith.constant 2 : i32
      %dma_wait3A_1073 = arith.constant 0 : i32
      %dma_wait3A_1074 = arith.constant 0 : i32
      %dma_wait3A_1075 = tpu.memref_slice %arg7[%dma_wait3A_1071, %dma_wait3A_1072, %dma_wait3A_1073, %dma_wait3A_1074] : memref<2x8x128x64xf16, #tpu.memory_space<vmem>> -> memref<1x1x128x64xf16, #tpu.memory_space<vmem>>
      %dma_wait3A_1076 = tpu.memref_squeeze %dma_wait3A_1075 : memref<1x1x128x64xf16, #tpu.memory_space<vmem>> -> memref<128x64xf16, #tpu.memory_space<vmem>>
      %dma_wait3A_1077 = arith.constant 1280 : i32
      %dma_wait3A_1078 = tpu.memref_slice %arg4[%dma_wait3A_1077, %mul3A_532] : memref<4096x12800xf16, #tpu.memory_space<hbm>> -> memref<128x64xf16, #tpu.memory_space<hbm>>
      %dma_wait3A_1079 = arith.constant 1280 : i32
      %dma_wait3A_1080 = tpu.memref_slice %arg4[%dma_wait3A_1079, %mul3A_532] : memref<4096x12800xf16, #tpu.memory_space<hbm>> -> memref<128x64xf16, #tpu.memory_space<hbm>>
      %dma_wait3A_1081 = arith.constant 0 : i32
      %dma_wait3A_1082 = arith.constant 0 : i32
      %dma_wait3A_1083 = tpu.memref_slice %arg7[%dma_wait3A_1071, %dma_wait3A_1072, %dma_wait3A_1081, %dma_wait3A_1082] : memref<2x8x128x64xf16, #tpu.memory_space<vmem>> -> memref<1x1x128x64xf16, #tpu.memory_space<vmem>>
      %dma_wait3A_1084 = tpu.memref_squeeze %dma_wait3A_1083 : memref<1x1x128x64xf16, #tpu.memory_space<vmem>> -> memref<128x64xf16, #tpu.memory_space<vmem>>
      tpu.wait_dma2 semaphore(%arg9 : memref<!tpu.dma_semaphore, #tpu.memory_space<semaphore_mem>>) src(%dma_wait3A_1084 : memref<128x64xf16, #tpu.memory_space<vmem>>) dst(%dma_wait3A_1080 : memref<128x64xf16, #tpu.memory_space<hbm>>)
      %dma_wait3A_1085 = arith.constant 1 : i32
      %dma_wait3A_1086 = arith.constant 3 : i32
      %dma_wait3A_1087 = arith.constant 0 : i32
      %dma_wait3A_1088 = arith.constant 0 : i32
      %dma_wait3A_1089 = tpu.memref_slice %arg7[%dma_wait3A_1085, %dma_wait3A_1086, %dma_wait3A_1087, %dma_wait3A_1088] : memref<2x8x128x64xf16, #tpu.memory_space<vmem>> -> memref<1x1x128x64xf16, #tpu.memory_space<vmem>>
      %dma_wait3A_1090 = tpu.memref_squeeze %dma_wait3A_1089 : memref<1x1x128x64xf16, #tpu.memory_space<vmem>> -> memref<128x64xf16, #tpu.memory_space<vmem>>
      %dma_wait3A_1091 = arith.constant 1408 : i32
      %dma_wait3A_1092 = tpu.memref_slice %arg4[%dma_wait3A_1091, %mul3A_548] : memref<4096x12800xf16, #tpu.memory_space<hbm>> -> memref<128x64xf16, #tpu.memory_space<hbm>>
      %dma_wait3A_1093 = arith.constant 1408 : i32
      %dma_wait3A_1094 = tpu.memref_slice %arg4[%dma_wait3A_1093, %mul3A_548] : memref<4096x12800xf16, #tpu.memory_space<hbm>> -> memref<128x64xf16, #tpu.memory_space<hbm>>
      %dma_wait3A_1095 = arith.constant 0 : i32
      %dma_wait3A_1096 = arith.constant 0 : i32
      %dma_wait3A_1097 = tpu.memref_slice %arg7[%dma_wait3A_1085, %dma_wait3A_1086, %dma_wait3A_1095, %dma_wait3A_1096] : memref<2x8x128x64xf16, #tpu.memory_space<vmem>> -> memref<1x1x128x64xf16, #tpu.memory_space<vmem>>
      %dma_wait3A_1098 = tpu.memref_squeeze %dma_wait3A_1097 : memref<1x1x128x64xf16, #tpu.memory_space<vmem>> -> memref<128x64xf16, #tpu.memory_space<vmem>>
      tpu.wait_dma2 semaphore(%arg9 : memref<!tpu.dma_semaphore, #tpu.memory_space<semaphore_mem>>) src(%dma_wait3A_1098 : memref<128x64xf16, #tpu.memory_space<vmem>>) dst(%dma_wait3A_1094 : memref<128x64xf16, #tpu.memory_space<hbm>>)
      %dma_wait3A_1099 = arith.constant 1 : i32
      %dma_wait3A_1100 = arith.constant 4 : i32
      %dma_wait3A_1101 = arith.constant 0 : i32
      %dma_wait3A_1102 = arith.constant 0 : i32
      %dma_wait3A_1103 = tpu.memref_slice %arg7[%dma_wait3A_1099, %dma_wait3A_1100, %dma_wait3A_1101, %dma_wait3A_1102] : memref<2x8x128x64xf16, #tpu.memory_space<vmem>> -> memref<1x1x128x64xf16, #tpu.memory_space<vmem>>
      %dma_wait3A_1104 = tpu.memref_squeeze %dma_wait3A_1103 : memref<1x1x128x64xf16, #tpu.memory_space<vmem>> -> memref<128x64xf16, #tpu.memory_space<vmem>>
      %dma_wait3A_1105 = arith.constant 1536 : i32
      %dma_wait3A_1106 = tpu.memref_slice %arg4[%dma_wait3A_1105, %mul3A_564] : memref<4096x12800xf16, #tpu.memory_space<hbm>> -> memref<128x64xf16, #tpu.memory_space<hbm>>
      %dma_wait3A_1107 = arith.constant 1536 : i32
      %dma_wait3A_1108 = tpu.memref_slice %arg4[%dma_wait3A_1107, %mul3A_564] : memref<4096x12800xf16, #tpu.memory_space<hbm>> -> memref<128x64xf16, #tpu.memory_space<hbm>>
      %dma_wait3A_1109 = arith.constant 0 : i32
      %dma_wait3A_1110 = arith.constant 0 : i32
      %dma_wait3A_1111 = tpu.memref_slice %arg7[%dma_wait3A_1099, %dma_wait3A_1100, %dma_wait3A_1109, %dma_wait3A_1110] : memref<2x8x128x64xf16, #tpu.memory_space<vmem>> -> memref<1x1x128x64xf16, #tpu.memory_space<vmem>>
      %dma_wait3A_1112 = tpu.memref_squeeze %dma_wait3A_1111 : memref<1x1x128x64xf16, #tpu.memory_space<vmem>> -> memref<128x64xf16, #tpu.memory_space<vmem>>
      tpu.wait_dma2 semaphore(%arg9 : memref<!tpu.dma_semaphore, #tpu.memory_space<semaphore_mem>>) src(%dma_wait3A_1112 : memref<128x64xf16, #tpu.memory_space<vmem>>) dst(%dma_wait3A_1108 : memref<128x64xf16, #tpu.memory_space<hbm>>)
      %dma_wait3A_1113 = arith.constant 1 : i32
      %dma_wait3A_1114 = arith.constant 5 : i32
      %dma_wait3A_1115 = arith.constant 0 : i32
      %dma_wait3A_1116 = arith.constant 0 : i32
      %dma_wait3A_1117 = tpu.memref_slice %arg7[%dma_wait3A_1113, %dma_wait3A_1114, %dma_wait3A_1115, %dma_wait3A_1116] : memref<2x8x128x64xf16, #tpu.memory_space<vmem>> -> memref<1x1x128x64xf16, #tpu.memory_space<vmem>>
      %dma_wait3A_1118 = tpu.memref_squeeze %dma_wait3A_1117 : memref<1x1x128x64xf16, #tpu.memory_space<vmem>> -> memref<128x64xf16, #tpu.memory_space<vmem>>
      %dma_wait3A_1119 = arith.constant 1664 : i32
      %dma_wait3A_1120 = tpu.memref_slice %arg4[%dma_wait3A_1119, %mul3A_580] : memref<4096x12800xf16, #tpu.memory_space<hbm>> -> memref<128x64xf16, #tpu.memory_space<hbm>>
      %dma_wait3A_1121 = arith.constant 1664 : i32
      %dma_wait3A_1122 = tpu.memref_slice %arg4[%dma_wait3A_1121, %mul3A_580] : memref<4096x12800xf16, #tpu.memory_space<hbm>> -> memref<128x64xf16, #tpu.memory_space<hbm>>
      %dma_wait3A_1123 = arith.constant 0 : i32
      %dma_wait3A_1124 = arith.constant 0 : i32
      %dma_wait3A_1125 = tpu.memref_slice %arg7[%dma_wait3A_1113, %dma_wait3A_1114, %dma_wait3A_1123, %dma_wait3A_1124] : memref<2x8x128x64xf16, #tpu.memory_space<vmem>> -> memref<1x1x128x64xf16, #tpu.memory_space<vmem>>
      %dma_wait3A_1126 = tpu.memref_squeeze %dma_wait3A_1125 : memref<1x1x128x64xf16, #tpu.memory_space<vmem>> -> memref<128x64xf16, #tpu.memory_space<vmem>>
      tpu.wait_dma2 semaphore(%arg9 : memref<!tpu.dma_semaphore, #tpu.memory_space<semaphore_mem>>) src(%dma_wait3A_1126 : memref<128x64xf16, #tpu.memory_space<vmem>>) dst(%dma_wait3A_1122 : memref<128x64xf16, #tpu.memory_space<hbm>>)
      %dma_wait3A_1127 = arith.constant 1 : i32
      %dma_wait3A_1128 = arith.constant 6 : i32
      %dma_wait3A_1129 = arith.constant 0 : i32
      %dma_wait3A_1130 = arith.constant 0 : i32
      %dma_wait3A_1131 = tpu.memref_slice %arg7[%dma_wait3A_1127, %dma_wait3A_1128, %dma_wait3A_1129, %dma_wait3A_1130] : memref<2x8x128x64xf16, #tpu.memory_space<vmem>> -> memref<1x1x128x64xf16, #tpu.memory_space<vmem>>
      %dma_wait3A_1132 = tpu.memref_squeeze %dma_wait3A_1131 : memref<1x1x128x64xf16, #tpu.memory_space<vmem>> -> memref<128x64xf16, #tpu.memory_space<vmem>>
      %dma_wait3A_1133 = arith.constant 1792 : i32
      %dma_wait3A_1134 = tpu.memref_slice %arg4[%dma_wait3A_1133, %mul3A_596] : memref<4096x12800xf16, #tpu.memory_space<hbm>> -> memref<128x64xf16, #tpu.memory_space<hbm>>
      %dma_wait3A_1135 = arith.constant 1792 : i32
      %dma_wait3A_1136 = tpu.memref_slice %arg4[%dma_wait3A_1135, %mul3A_596] : memref<4096x12800xf16, #tpu.memory_space<hbm>> -> memref<128x64xf16, #tpu.memory_space<hbm>>
      %dma_wait3A_1137 = arith.constant 0 : i32
      %dma_wait3A_1138 = arith.constant 0 : i32
      %dma_wait3A_1139 = tpu.memref_slice %arg7[%dma_wait3A_1127, %dma_wait3A_1128, %dma_wait3A_1137, %dma_wait3A_1138] : memref<2x8x128x64xf16, #tpu.memory_space<vmem>> -> memref<1x1x128x64xf16, #tpu.memory_space<vmem>>
      %dma_wait3A_1140 = tpu.memref_squeeze %dma_wait3A_1139 : memref<1x1x128x64xf16, #tpu.memory_space<vmem>> -> memref<128x64xf16, #tpu.memory_space<vmem>>
      tpu.wait_dma2 semaphore(%arg9 : memref<!tpu.dma_semaphore, #tpu.memory_space<semaphore_mem>>) src(%dma_wait3A_1140 : memref<128x64xf16, #tpu.memory_space<vmem>>) dst(%dma_wait3A_1136 : memref<128x64xf16, #tpu.memory_space<hbm>>)
      %dma_wait3A_1141 = arith.constant 1 : i32
      %dma_wait3A_1142 = arith.constant 7 : i32
      %dma_wait3A_1143 = arith.constant 0 : i32
      %dma_wait3A_1144 = arith.constant 0 : i32
      %dma_wait3A_1145 = tpu.memref_slice %arg7[%dma_wait3A_1141, %dma_wait3A_1142, %dma_wait3A_1143, %dma_wait3A_1144] : memref<2x8x128x64xf16, #tpu.memory_space<vmem>> -> memref<1x1x128x64xf16, #tpu.memory_space<vmem>>
      %dma_wait3A_1146 = tpu.memref_squeeze %dma_wait3A_1145 : memref<1x1x128x64xf16, #tpu.memory_space<vmem>> -> memref<128x64xf16, #tpu.memory_space<vmem>>
      %dma_wait3A_1147 = arith.constant 1920 : i32
      %dma_wait3A_1148 = tpu.memref_slice %arg4[%dma_wait3A_1147, %mul3A_612] : memref<4096x12800xf16, #tpu.memory_space<hbm>> -> memref<128x64xf16, #tpu.memory_space<hbm>>
      %dma_wait3A_1149 = arith.constant 1920 : i32
      %dma_wait3A_1150 = tpu.memref_slice %arg4[%dma_wait3A_1149, %mul3A_612] : memref<4096x12800xf16, #tpu.memory_space<hbm>> -> memref<128x64xf16, #tpu.memory_space<hbm>>
      %dma_wait3A_1151 = arith.constant 0 : i32
      %dma_wait3A_1152 = arith.constant 0 : i32
      %dma_wait3A_1153 = tpu.memref_slice %arg7[%dma_wait3A_1141, %dma_wait3A_1142, %dma_wait3A_1151, %dma_wait3A_1152] : memref<2x8x128x64xf16, #tpu.memory_space<vmem>> -> memref<1x1x128x64xf16, #tpu.memory_space<vmem>>
      %dma_wait3A_1154 = tpu.memref_squeeze %dma_wait3A_1153 : memref<1x1x128x64xf16, #tpu.memory_space<vmem>> -> memref<128x64xf16, #tpu.memory_space<vmem>>
      tpu.wait_dma2 semaphore(%arg9 : memref<!tpu.dma_semaphore, #tpu.memory_space<semaphore_mem>>) src(%dma_wait3A_1154 : memref<128x64xf16, #tpu.memory_space<vmem>>) dst(%dma_wait3A_1150 : memref<128x64xf16, #tpu.memory_space<hbm>>)
      %dma_start3A_1155 = arith.constant 1 : i32
      %dma_start3A_1156 = arith.constant 0 : i32
      %dma_start3A_1157 = arith.constant 0 : i32
      %dma_start3A_1158 = arith.constant 0 : i32
      %dma_start3A_1159 = tpu.memref_slice %arg7[%dma_start3A_1155, %dma_start3A_1156, %dma_start3A_1157, %dma_start3A_1158] : memref<2x8x128x64xf16, #tpu.memory_space<vmem>> -> memref<1x1x128x64xf16, #tpu.memory_space<vmem>>
      %dma_start3A_1160 = tpu.memref_squeeze %dma_start3A_1159 : memref<1x1x128x64xf16, #tpu.memory_space<vmem>> -> memref<128x64xf16, #tpu.memory_space<vmem>>
      %dma_start3A_1161 = arith.constant 3072 : i32
      %dma_start3A_1162 = tpu.memref_slice %arg6[%dma_start3A_1161] : memref<4096xi32, #tpu.memory_space<vmem>> -> memref<128xi32, #tpu.memory_space<vmem>>
      %dma_start3A_1163 = arith.constant 0 : i32
      %dma_start3A_1164 = arith.constant 0 : i32
      %dma_start3A_1165 = tpu.memref_slice %arg3[%dma_start3A_1163, %dma_start3A_1164] : memref<1000000x64xf16, #tpu.memory_space<hbm>> -> memref<1000000x64xf16, #tpu.memory_space<hbm>>
      tpu.enqueue_indirect_dma source(%dma_start3A_1165 : memref<1000000x64xf16, #tpu.memory_space<hbm>>) target(%dma_start3A_1160 : memref<128x64xf16, #tpu.memory_space<vmem>>) offsets(%dma_start3A_1162 : memref<128xi32, #tpu.memory_space<vmem>>) semaphore(%arg8 : memref<!tpu.dma_semaphore, #tpu.memory_space<semaphore_mem>>)
      %dma_start3A_1166 = arith.constant 1 : i32
      %dma_start3A_1167 = arith.constant 1 : i32
      %dma_start3A_1168 = arith.constant 0 : i32
      %dma_start3A_1169 = arith.constant 0 : i32
      %dma_start3A_1170 = tpu.memref_slice %arg7[%dma_start3A_1166, %dma_start3A_1167, %dma_start3A_1168, %dma_start3A_1169] : memref<2x8x128x64xf16, #tpu.memory_space<vmem>> -> memref<1x1x128x64xf16, #tpu.memory_space<vmem>>
      %dma_start3A_1171 = tpu.memref_squeeze %dma_start3A_1170 : memref<1x1x128x64xf16, #tpu.memory_space<vmem>> -> memref<128x64xf16, #tpu.memory_space<vmem>>
      %dma_start3A_1172 = arith.constant 3200 : i32
      %dma_start3A_1173 = tpu.memref_slice %arg6[%dma_start3A_1172] : memref<4096xi32, #tpu.memory_space<vmem>> -> memref<128xi32, #tpu.memory_space<vmem>>
      %dma_start3A_1174 = arith.constant 0 : i32
      %dma_start3A_1175 = arith.constant 0 : i32
      %dma_start3A_1176 = tpu.memref_slice %arg3[%dma_start3A_1174, %dma_start3A_1175] : memref<1000000x64xf16, #tpu.memory_space<hbm>> -> memref<1000000x64xf16, #tpu.memory_space<hbm>>
      tpu.enqueue_indirect_dma source(%dma_start3A_1176 : memref<1000000x64xf16, #tpu.memory_space<hbm>>) target(%dma_start3A_1171 : memref<128x64xf16, #tpu.memory_space<vmem>>) offsets(%dma_start3A_1173 : memref<128xi32, #tpu.memory_space<vmem>>) semaphore(%arg8 : memref<!tpu.dma_semaphore, #tpu.memory_space<semaphore_mem>>)
      %dma_start3A_1177 = arith.constant 1 : i32
      %dma_start3A_1178 = arith.constant 2 : i32
      %dma_start3A_1179 = arith.constant 0 : i32
      %dma_start3A_1180 = arith.constant 0 : i32
      %dma_start3A_1181 = tpu.memref_slice %arg7[%dma_start3A_1177, %dma_start3A_1178, %dma_start3A_1179, %dma_start3A_1180] : memref<2x8x128x64xf16, #tpu.memory_space<vmem>> -> memref<1x1x128x64xf16, #tpu.memory_space<vmem>>
      %dma_start3A_1182 = tpu.memref_squeeze %dma_start3A_1181 : memref<1x1x128x64xf16, #tpu.memory_space<vmem>> -> memref<128x64xf16, #tpu.memory_space<vmem>>
      %dma_start3A_1183 = arith.constant 3328 : i32
      %dma_start3A_1184 = tpu.memref_slice %arg6[%dma_start3A_1183] : memref<4096xi32, #tpu.memory_space<vmem>> -> memref<128xi32, #tpu.memory_space<vmem>>
      %dma_start3A_1185 = arith.constant 0 : i32
      %dma_start3A_1186 = arith.constant 0 : i32
      %dma_start3A_1187 = tpu.memref_slice %arg3[%dma_start3A_1185, %dma_start3A_1186] : memref<1000000x64xf16, #tpu.memory_space<hbm>> -> memref<1000000x64xf16, #tpu.memory_space<hbm>>
      tpu.enqueue_indirect_dma source(%dma_start3A_1187 : memref<1000000x64xf16, #tpu.memory_space<hbm>>) target(%dma_start3A_1182 : memref<128x64xf16, #tpu.memory_space<vmem>>) offsets(%dma_start3A_1184 : memref<128xi32, #tpu.memory_space<vmem>>) semaphore(%arg8 : memref<!tpu.dma_semaphore, #tpu.memory_space<semaphore_mem>>)
      %dma_start3A_1188 = arith.constant 1 : i32
      %dma_start3A_1189 = arith.constant 3 : i32
      %dma_start3A_1190 = arith.constant 0 : i32
      %dma_start3A_1191 = arith.constant 0 : i32
      %dma_start3A_1192 = tpu.memref_slice %arg7[%dma_start3A_1188, %dma_start3A_1189, %dma_start3A_1190, %dma_start3A_1191] : memref<2x8x128x64xf16, #tpu.memory_space<vmem>> -> memref<1x1x128x64xf16, #tpu.memory_space<vmem>>
      %dma_start3A_1193 = tpu.memref_squeeze %dma_start3A_1192 : memref<1x1x128x64xf16, #tpu.memory_space<vmem>> -> memref<128x64xf16, #tpu.memory_space<vmem>>
      %dma_start3A_1194 = arith.constant 3456 : i32
      %dma_start3A_1195 = tpu.memref_slice %arg6[%dma_start3A_1194] : memref<4096xi32, #tpu.memory_space<vmem>> -> memref<128xi32, #tpu.memory_space<vmem>>
      %dma_start3A_1196 = arith.constant 0 : i32
      %dma_start3A_1197 = arith.constant 0 : i32
      %dma_start3A_1198 = tpu.memref_slice %arg3[%dma_start3A_1196, %dma_start3A_1197] : memref<1000000x64xf16, #tpu.memory_space<hbm>> -> memref<1000000x64xf16, #tpu.memory_space<hbm>>
      tpu.enqueue_indirect_dma source(%dma_start3A_1198 : memref<1000000x64xf16, #tpu.memory_space<hbm>>) target(%dma_start3A_1193 : memref<128x64xf16, #tpu.memory_space<vmem>>) offsets(%dma_start3A_1195 : memref<128xi32, #tpu.memory_space<vmem>>) semaphore(%arg8 : memref<!tpu.dma_semaphore, #tpu.memory_space<semaphore_mem>>)
      %dma_start3A_1199 = arith.constant 1 : i32
      %dma_start3A_1200 = arith.constant 4 : i32
      %dma_start3A_1201 = arith.constant 0 : i32
      %dma_start3A_1202 = arith.constant 0 : i32
      %dma_start3A_1203 = tpu.memref_slice %arg7[%dma_start3A_1199, %dma_start3A_1200, %dma_start3A_1201, %dma_start3A_1202] : memref<2x8x128x64xf16, #tpu.memory_space<vmem>> -> memref<1x1x128x64xf16, #tpu.memory_space<vmem>>
      %dma_start3A_1204 = tpu.memref_squeeze %dma_start3A_1203 : memref<1x1x128x64xf16, #tpu.memory_space<vmem>> -> memref<128x64xf16, #tpu.memory_space<vmem>>
      %dma_start3A_1205 = arith.constant 3584 : i32
      %dma_start3A_1206 = tpu.memref_slice %arg6[%dma_start3A_1205] : memref<4096xi32, #tpu.memory_space<vmem>> -> memref<128xi32, #tpu.memory_space<vmem>>
      %dma_start3A_1207 = arith.constant 0 : i32
      %dma_start3A_1208 = arith.constant 0 : i32
      %dma_start3A_1209 = tpu.memref_slice %arg3[%dma_start3A_1207, %dma_start3A_1208] : memref<1000000x64xf16, #tpu.memory_space<hbm>> -> memref<1000000x64xf16, #tpu.memory_space<hbm>>
      tpu.enqueue_indirect_dma source(%dma_start3A_1209 : memref<1000000x64xf16, #tpu.memory_space<hbm>>) target(%dma_start3A_1204 : memref<128x64xf16, #tpu.memory_space<vmem>>) offsets(%dma_start3A_1206 : memref<128xi32, #tpu.memory_space<vmem>>) semaphore(%arg8 : memref<!tpu.dma_semaphore, #tpu.memory_space<semaphore_mem>>)
      %dma_start3A_1210 = arith.constant 1 : i32
      %dma_start3A_1211 = arith.constant 5 : i32
      %dma_start3A_1212 = arith.constant 0 : i32
      %dma_start3A_1213 = arith.constant 0 : i32
      %dma_start3A_1214 = tpu.memref_slice %arg7[%dma_start3A_1210, %dma_start3A_1211, %dma_start3A_1212, %dma_start3A_1213] : memref<2x8x128x64xf16, #tpu.memory_space<vmem>> -> memref<1x1x128x64xf16, #tpu.memory_space<vmem>>
      %dma_start3A_1215 = tpu.memref_squeeze %dma_start3A_1214 : memref<1x1x128x64xf16, #tpu.memory_space<vmem>> -> memref<128x64xf16, #tpu.memory_space<vmem>>
      %dma_start3A_1216 = arith.constant 3712 : i32
      %dma_start3A_1217 = tpu.memref_slice %arg6[%dma_start3A_1216] : memref<4096xi32, #tpu.memory_space<vmem>> -> memref<128xi32, #tpu.memory_space<vmem>>
      %dma_start3A_1218 = arith.constant 0 : i32
      %dma_start3A_1219 = arith.constant 0 : i32
      %dma_start3A_1220 = tpu.memref_slice %arg3[%dma_start3A_1218, %dma_start3A_1219] : memref<1000000x64xf16, #tpu.memory_space<hbm>> -> memref<1000000x64xf16, #tpu.memory_space<hbm>>
      tpu.enqueue_indirect_dma source(%dma_start3A_1220 : memref<1000000x64xf16, #tpu.memory_space<hbm>>) target(%dma_start3A_1215 : memref<128x64xf16, #tpu.memory_space<vmem>>) offsets(%dma_start3A_1217 : memref<128xi32, #tpu.memory_space<vmem>>) semaphore(%arg8 : memref<!tpu.dma_semaphore, #tpu.memory_space<semaphore_mem>>)
      %dma_start3A_1221 = arith.constant 1 : i32
      %dma_start3A_1222 = arith.constant 6 : i32
      %dma_start3A_1223 = arith.constant 0 : i32
      %dma_start3A_1224 = arith.constant 0 : i32
      %dma_start3A_1225 = tpu.memref_slice %arg7[%dma_start3A_1221, %dma_start3A_1222, %dma_start3A_1223, %dma_start3A_1224] : memref<2x8x128x64xf16, #tpu.memory_space<vmem>> -> memref<1x1x128x64xf16, #tpu.memory_space<vmem>>
      %dma_start3A_1226 = tpu.memref_squeeze %dma_start3A_1225 : memref<1x1x128x64xf16, #tpu.memory_space<vmem>> -> memref<128x64xf16, #tpu.memory_space<vmem>>
      %dma_start3A_1227 = arith.constant 3840 : i32
      %dma_start3A_1228 = tpu.memref_slice %arg6[%dma_start3A_1227] : memref<4096xi32, #tpu.memory_space<vmem>> -> memref<128xi32, #tpu.memory_space<vmem>>
      %dma_start3A_1229 = arith.constant 0 : i32
      %dma_start3A_1230 = arith.constant 0 : i32
      %dma_start3A_1231 = tpu.memref_slice %arg3[%dma_start3A_1229, %dma_start3A_1230] : memref<1000000x64xf16, #tpu.memory_space<hbm>> -> memref<1000000x64xf16, #tpu.memory_space<hbm>>
      tpu.enqueue_indirect_dma source(%dma_start3A_1231 : memref<1000000x64xf16, #tpu.memory_space<hbm>>) target(%dma_start3A_1226 : memref<128x64xf16, #tpu.memory_space<vmem>>) offsets(%dma_start3A_1228 : memref<128xi32, #tpu.memory_space<vmem>>) semaphore(%arg8 : memref<!tpu.dma_semaphore, #tpu.memory_space<semaphore_mem>>)
      %dma_start3A_1232 = arith.constant 1 : i32
      %dma_start3A_1233 = arith.constant 7 : i32
      %dma_start3A_1234 = arith.constant 0 : i32
      %dma_start3A_1235 = arith.constant 0 : i32
      %dma_start3A_1236 = tpu.memref_slice %arg7[%dma_start3A_1232, %dma_start3A_1233, %dma_start3A_1234, %dma_start3A_1235] : memref<2x8x128x64xf16, #tpu.memory_space<vmem>> -> memref<1x1x128x64xf16, #tpu.memory_space<vmem>>
      %dma_start3A_1237 = tpu.memref_squeeze %dma_start3A_1236 : memref<1x1x128x64xf16, #tpu.memory_space<vmem>> -> memref<128x64xf16, #tpu.memory_space<vmem>>
      %dma_start3A_1238 = arith.constant 3968 : i32
      %dma_start3A_1239 = tpu.memref_slice %arg6[%dma_start3A_1238] : memref<4096xi32, #tpu.memory_space<vmem>> -> memref<128xi32, #tpu.memory_space<vmem>>
      %dma_start3A_1240 = arith.constant 0 : i32
      %dma_start3A_1241 = arith.constant 0 : i32
      %dma_start3A_1242 = tpu.memref_slice %arg3[%dma_start3A_1240, %dma_start3A_1241] : memref<1000000x64xf16, #tpu.memory_space<hbm>> -> memref<1000000x64xf16, #tpu.memory_space<hbm>>
      tpu.enqueue_indirect_dma source(%dma_start3A_1242 : memref<1000000x64xf16, #tpu.memory_space<hbm>>) target(%dma_start3A_1237 : memref<128x64xf16, #tpu.memory_space<vmem>>) offsets(%dma_start3A_1239 : memref<128xi32, #tpu.memory_space<vmem>>) semaphore(%arg8 : memref<!tpu.dma_semaphore, #tpu.memory_space<semaphore_mem>>)
      %dma_wait3A_1243 = arith.constant 1 : i32
      %dma_wait3A_1244 = arith.constant 0 : i32
      %dma_wait3A_1245 = arith.constant 0 : i32
      %dma_wait3A_1246 = arith.constant 0 : i32
      %dma_wait3A_1247 = tpu.memref_slice %arg7[%dma_wait3A_1243, %dma_wait3A_1244, %dma_wait3A_1245, %dma_wait3A_1246] : memref<2x8x128x64xf16, #tpu.memory_space<vmem>> -> memref<1x1x128x64xf16, #tpu.memory_space<vmem>>
      %dma_wait3A_1248 = tpu.memref_squeeze %dma_wait3A_1247 : memref<1x1x128x64xf16, #tpu.memory_space<vmem>> -> memref<128x64xf16, #tpu.memory_space<vmem>>
      %dma_wait3A_1249 = arith.constant 3072 : i32
      %dma_wait3A_1250 = tpu.memref_slice %arg6[%dma_wait3A_1249] : memref<4096xi32, #tpu.memory_space<vmem>> -> memref<128xi32, #tpu.memory_space<vmem>>
      %dma_wait3A_1251 = arith.constant 0 : i32
      %dma_wait3A_1252 = arith.constant 0 : i32
      %dma_wait3A_1253 = tpu.memref_slice %arg3[%dma_wait3A_1251, %dma_wait3A_1252] : memref<1000000x64xf16, #tpu.memory_space<hbm>> -> memref<1000000x64xf16, #tpu.memory_space<hbm>>
      tpu.wait_indirect_dma semaphore(%arg8 : memref<!tpu.dma_semaphore, #tpu.memory_space<semaphore_mem>>) src(%dma_wait3A_1253 : memref<1000000x64xf16, #tpu.memory_space<hbm>>) dst(%dma_wait3A_1248 : memref<128x64xf16, #tpu.memory_space<vmem>>)
      %dma_wait3A_1254 = arith.constant 1 : i32
      %dma_wait3A_1255 = arith.constant 1 : i32
      %dma_wait3A_1256 = arith.constant 0 : i32
      %dma_wait3A_1257 = arith.constant 0 : i32
      %dma_wait3A_1258 = tpu.memref_slice %arg7[%dma_wait3A_1254, %dma_wait3A_1255, %dma_wait3A_1256, %dma_wait3A_1257] : memref<2x8x128x64xf16, #tpu.memory_space<vmem>> -> memref<1x1x128x64xf16, #tpu.memory_space<vmem>>
      %dma_wait3A_1259 = tpu.memref_squeeze %dma_wait3A_1258 : memref<1x1x128x64xf16, #tpu.memory_space<vmem>> -> memref<128x64xf16, #tpu.memory_space<vmem>>
      %dma_wait3A_1260 = arith.constant 3200 : i32
      %dma_wait3A_1261 = tpu.memref_slice %arg6[%dma_wait3A_1260] : memref<4096xi32, #tpu.memory_space<vmem>> -> memref<128xi32, #tpu.memory_space<vmem>>
      %dma_wait3A_1262 = arith.constant 0 : i32
      %dma_wait3A_1263 = arith.constant 0 : i32
      %dma_wait3A_1264 = tpu.memref_slice %arg3[%dma_wait3A_1262, %dma_wait3A_1263] : memref<1000000x64xf16, #tpu.memory_space<hbm>> -> memref<1000000x64xf16, #tpu.memory_space<hbm>>
      tpu.wait_indirect_dma semaphore(%arg8 : memref<!tpu.dma_semaphore, #tpu.memory_space<semaphore_mem>>) src(%dma_wait3A_1264 : memref<1000000x64xf16, #tpu.memory_space<hbm>>) dst(%dma_wait3A_1259 : memref<128x64xf16, #tpu.memory_space<vmem>>)
      %dma_wait3A_1265 = arith.constant 1 : i32
      %dma_wait3A_1266 = arith.constant 2 : i32
      %dma_wait3A_1267 = arith.constant 0 : i32
      %dma_wait3A_1268 = arith.constant 0 : i32
      %dma_wait3A_1269 = tpu.memref_slice %arg7[%dma_wait3A_1265, %dma_wait3A_1266, %dma_wait3A_1267, %dma_wait3A_1268] : memref<2x8x128x64xf16, #tpu.memory_space<vmem>> -> memref<1x1x128x64xf16, #tpu.memory_space<vmem>>
      %dma_wait3A_1270 = tpu.memref_squeeze %dma_wait3A_1269 : memref<1x1x128x64xf16, #tpu.memory_space<vmem>> -> memref<128x64xf16, #tpu.memory_space<vmem>>
      %dma_wait3A_1271 = arith.constant 3328 : i32
      %dma_wait3A_1272 = tpu.memref_slice %arg6[%dma_wait3A_1271] : memref<4096xi32, #tpu.memory_space<vmem>> -> memref<128xi32, #tpu.memory_space<vmem>>
      %dma_wait3A_1273 = arith.constant 0 : i32
      %dma_wait3A_1274 = arith.constant 0 : i32
      %dma_wait3A_1275 = tpu.memref_slice %arg3[%dma_wait3A_1273, %dma_wait3A_1274] : memref<1000000x64xf16, #tpu.memory_space<hbm>> -> memref<1000000x64xf16, #tpu.memory_space<hbm>>
      tpu.wait_indirect_dma semaphore(%arg8 : memref<!tpu.dma_semaphore, #tpu.memory_space<semaphore_mem>>) src(%dma_wait3A_1275 : memref<1000000x64xf16, #tpu.memory_space<hbm>>) dst(%dma_wait3A_1270 : memref<128x64xf16, #tpu.memory_space<vmem>>)
      %dma_wait3A_1276 = arith.constant 1 : i32
      %dma_wait3A_1277 = arith.constant 3 : i32
      %dma_wait3A_1278 = arith.constant 0 : i32
      %dma_wait3A_1279 = arith.constant 0 : i32
      %dma_wait3A_1280 = tpu.memref_slice %arg7[%dma_wait3A_1276, %dma_wait3A_1277, %dma_wait3A_1278, %dma_wait3A_1279] : memref<2x8x128x64xf16, #tpu.memory_space<vmem>> -> memref<1x1x128x64xf16, #tpu.memory_space<vmem>>
      %dma_wait3A_1281 = tpu.memref_squeeze %dma_wait3A_1280 : memref<1x1x128x64xf16, #tpu.memory_space<vmem>> -> memref<128x64xf16, #tpu.memory_space<vmem>>
      %dma_wait3A_1282 = arith.constant 3456 : i32
      %dma_wait3A_1283 = tpu.memref_slice %arg6[%dma_wait3A_1282] : memref<4096xi32, #tpu.memory_space<vmem>> -> memref<128xi32, #tpu.memory_space<vmem>>
      %dma_wait3A_1284 = arith.constant 0 : i32
      %dma_wait3A_1285 = arith.constant 0 : i32
      %dma_wait3A_1286 = tpu.memref_slice %arg3[%dma_wait3A_1284, %dma_wait3A_1285] : memref<1000000x64xf16, #tpu.memory_space<hbm>> -> memref<1000000x64xf16, #tpu.memory_space<hbm>>
      tpu.wait_indirect_dma semaphore(%arg8 : memref<!tpu.dma_semaphore, #tpu.memory_space<semaphore_mem>>) src(%dma_wait3A_1286 : memref<1000000x64xf16, #tpu.memory_space<hbm>>) dst(%dma_wait3A_1281 : memref<128x64xf16, #tpu.memory_space<vmem>>)
      %dma_wait3A_1287 = arith.constant 1 : i32
      %dma_wait3A_1288 = arith.constant 4 : i32
      %dma_wait3A_1289 = arith.constant 0 : i32
      %dma_wait3A_1290 = arith.constant 0 : i32
      %dma_wait3A_1291 = tpu.memref_slice %arg7[%dma_wait3A_1287, %dma_wait3A_1288, %dma_wait3A_1289, %dma_wait3A_1290] : memref<2x8x128x64xf16, #tpu.memory_space<vmem>> -> memref<1x1x128x64xf16, #tpu.memory_space<vmem>>
      %dma_wait3A_1292 = tpu.memref_squeeze %dma_wait3A_1291 : memref<1x1x128x64xf16, #tpu.memory_space<vmem>> -> memref<128x64xf16, #tpu.memory_space<vmem>>
      %dma_wait3A_1293 = arith.constant 3584 : i32
      %dma_wait3A_1294 = tpu.memref_slice %arg6[%dma_wait3A_1293] : memref<4096xi32, #tpu.memory_space<vmem>> -> memref<128xi32, #tpu.memory_space<vmem>>
      %dma_wait3A_1295 = arith.constant 0 : i32
      %dma_wait3A_1296 = arith.constant 0 : i32
      %dma_wait3A_1297 = tpu.memref_slice %arg3[%dma_wait3A_1295, %dma_wait3A_1296] : memref<1000000x64xf16, #tpu.memory_space<hbm>> -> memref<1000000x64xf16, #tpu.memory_space<hbm>>
      tpu.wait_indirect_dma semaphore(%arg8 : memref<!tpu.dma_semaphore, #tpu.memory_space<semaphore_mem>>) src(%dma_wait3A_1297 : memref<1000000x64xf16, #tpu.memory_space<hbm>>) dst(%dma_wait3A_1292 : memref<128x64xf16, #tpu.memory_space<vmem>>)
      %dma_wait3A_1298 = arith.constant 1 : i32
      %dma_wait3A_1299 = arith.constant 5 : i32
      %dma_wait3A_1300 = arith.constant 0 : i32
      %dma_wait3A_1301 = arith.constant 0 : i32
      %dma_wait3A_1302 = tpu.memref_slice %arg7[%dma_wait3A_1298, %dma_wait3A_1299, %dma_wait3A_1300, %dma_wait3A_1301] : memref<2x8x128x64xf16, #tpu.memory_space<vmem>> -> memref<1x1x128x64xf16, #tpu.memory_space<vmem>>
      %dma_wait3A_1303 = tpu.memref_squeeze %dma_wait3A_1302 : memref<1x1x128x64xf16, #tpu.memory_space<vmem>> -> memref<128x64xf16, #tpu.memory_space<vmem>>
      %dma_wait3A_1304 = arith.constant 3712 : i32
      %dma_wait3A_1305 = tpu.memref_slice %arg6[%dma_wait3A_1304] : memref<4096xi32, #tpu.memory_space<vmem>> -> memref<128xi32, #tpu.memory_space<vmem>>
      %dma_wait3A_1306 = arith.constant 0 : i32
      %dma_wait3A_1307 = arith.constant 0 : i32
      %dma_wait3A_1308 = tpu.memref_slice %arg3[%dma_wait3A_1306, %dma_wait3A_1307] : memref<1000000x64xf16, #tpu.memory_space<hbm>> -> memref<1000000x64xf16, #tpu.memory_space<hbm>>
      tpu.wait_indirect_dma semaphore(%arg8 : memref<!tpu.dma_semaphore, #tpu.memory_space<semaphore_mem>>) src(%dma_wait3A_1308 : memref<1000000x64xf16, #tpu.memory_space<hbm>>) dst(%dma_wait3A_1303 : memref<128x64xf16, #tpu.memory_space<vmem>>)
      %dma_wait3A_1309 = arith.constant 1 : i32
      %dma_wait3A_1310 = arith.constant 6 : i32
      %dma_wait3A_1311 = arith.constant 0 : i32
      %dma_wait3A_1312 = arith.constant 0 : i32
      %dma_wait3A_1313 = tpu.memref_slice %arg7[%dma_wait3A_1309, %dma_wait3A_1310, %dma_wait3A_1311, %dma_wait3A_1312] : memref<2x8x128x64xf16, #tpu.memory_space<vmem>> -> memref<1x1x128x64xf16, #tpu.memory_space<vmem>>
      %dma_wait3A_1314 = tpu.memref_squeeze %dma_wait3A_1313 : memref<1x1x128x64xf16, #tpu.memory_space<vmem>> -> memref<128x64xf16, #tpu.memory_space<vmem>>
      %dma_wait3A_1315 = arith.constant 3840 : i32
      %dma_wait3A_1316 = tpu.memref_slice %arg6[%dma_wait3A_1315] : memref<4096xi32, #tpu.memory_space<vmem>> -> memref<128xi32, #tpu.memory_space<vmem>>
      %dma_wait3A_1317 = arith.constant 0 : i32
      %dma_wait3A_1318 = arith.constant 0 : i32
      %dma_wait3A_1319 = tpu.memref_slice %arg3[%dma_wait3A_1317, %dma_wait3A_1318] : memref<1000000x64xf16, #tpu.memory_space<hbm>> -> memref<1000000x64xf16, #tpu.memory_space<hbm>>
      tpu.wait_indirect_dma semaphore(%arg8 : memref<!tpu.dma_semaphore, #tpu.memory_space<semaphore_mem>>) src(%dma_wait3A_1319 : memref<1000000x64xf16, #tpu.memory_space<hbm>>) dst(%dma_wait3A_1314 : memref<128x64xf16, #tpu.memory_space<vmem>>)
      %dma_wait3A_1320 = arith.constant 1 : i32
      %dma_wait3A_1321 = arith.constant 7 : i32
      %dma_wait3A_1322 = arith.constant 0 : i32
      %dma_wait3A_1323 = arith.constant 0 : i32
      %dma_wait3A_1324 = tpu.memref_slice %arg7[%dma_wait3A_1320, %dma_wait3A_1321, %dma_wait3A_1322, %dma_wait3A_1323] : memref<2x8x128x64xf16, #tpu.memory_space<vmem>> -> memref<1x1x128x64xf16, #tpu.memory_space<vmem>>
      %dma_wait3A_1325 = tpu.memref_squeeze %dma_wait3A_1324 : memref<1x1x128x64xf16, #tpu.memory_space<vmem>> -> memref<128x64xf16, #tpu.memory_space<vmem>>
      %dma_wait3A_1326 = arith.constant 3968 : i32
      %dma_wait3A_1327 = tpu.memref_slice %arg6[%dma_wait3A_1326] : memref<4096xi32, #tpu.memory_space<vmem>> -> memref<128xi32, #tpu.memory_space<vmem>>
      %dma_wait3A_1328 = arith.constant 0 : i32
      %dma_wait3A_1329 = arith.constant 0 : i32
      %dma_wait3A_1330 = tpu.memref_slice %arg3[%dma_wait3A_1328, %dma_wait3A_1329] : memref<1000000x64xf16, #tpu.memory_space<hbm>> -> memref<1000000x64xf16, #tpu.memory_space<hbm>>
      tpu.wait_indirect_dma semaphore(%arg8 : memref<!tpu.dma_semaphore, #tpu.memory_space<semaphore_mem>>) src(%dma_wait3A_1330 : memref<1000000x64xf16, #tpu.memory_space<hbm>>) dst(%dma_wait3A_1325 : memref<128x64xf16, #tpu.memory_space<vmem>>)
      %mul3A_1331 = arith.constant 64 : i32
      %mul3A_1332 = arith.muli %add3A_15, %mul3A_1331 : i32
      %dma_start3A_1333 = arith.constant 1 : i32
      %dma_start3A_1334 = arith.constant 0 : i32
      %dma_start3A_1335 = arith.constant 0 : i32
      %dma_start3A_1336 = arith.constant 0 : i32
      %dma_start3A_1337 = tpu.memref_slice %arg7[%dma_start3A_1333, %dma_start3A_1334, %dma_start3A_1335, %dma_start3A_1336] : memref<2x8x128x64xf16, #tpu.memory_space<vmem>> -> memref<1x1x128x64xf16, #tpu.memory_space<vmem>>
      %dma_start3A_1338 = tpu.memref_squeeze %dma_start3A_1337 : memref<1x1x128x64xf16, #tpu.memory_space<vmem>> -> memref<128x64xf16, #tpu.memory_space<vmem>>
      %dma_start3A_1339 = arith.constant 3072 : i32
      %dma_start3A_1340 = tpu.memref_slice %arg4[%dma_start3A_1339, %mul3A_1332] : memref<4096x12800xf16, #tpu.memory_space<hbm>> -> memref<128x64xf16, #tpu.memory_space<hbm>>
      %dma_start3A_1341 = arith.constant 3072 : i32
      %dma_start3A_1342 = tpu.memref_slice %arg4[%dma_start3A_1341, %mul3A_1332] : memref<4096x12800xf16, #tpu.memory_space<hbm>> -> memref<128x64xf16, #tpu.memory_space<hbm>>
      %dma_start3A_1343 = arith.constant 0 : i32
      %dma_start3A_1344 = arith.constant 0 : i32
      %dma_start3A_1345 = tpu.memref_slice %arg7[%dma_start3A_1333, %dma_start3A_1334, %dma_start3A_1343, %dma_start3A_1344] : memref<2x8x128x64xf16, #tpu.memory_space<vmem>> -> memref<1x1x128x64xf16, #tpu.memory_space<vmem>>
      %dma_start3A_1346 = tpu.memref_squeeze %dma_start3A_1345 : memref<1x1x128x64xf16, #tpu.memory_space<vmem>> -> memref<128x64xf16, #tpu.memory_space<vmem>>
      tpu.enqueue_dma source(%dma_start3A_1346 : memref<128x64xf16, #tpu.memory_space<vmem>>) target(%dma_start3A_1342 : memref<128x64xf16, #tpu.memory_space<hbm>>) target_semaphore(%arg9 : memref<!tpu.dma_semaphore, #tpu.memory_space<semaphore_mem>>)
      %mul3A_1347 = arith.constant 64 : i32
      %mul3A_1348 = arith.muli %add3A_15, %mul3A_1347 : i32
      %dma_start3A_1349 = arith.constant 1 : i32
      %dma_start3A_1350 = arith.constant 1 : i32
      %dma_start3A_1351 = arith.constant 0 : i32
      %dma_start3A_1352 = arith.constant 0 : i32
      %dma_start3A_1353 = tpu.memref_slice %arg7[%dma_start3A_1349, %dma_start3A_1350, %dma_start3A_1351, %dma_start3A_1352] : memref<2x8x128x64xf16, #tpu.memory_space<vmem>> -> memref<1x1x128x64xf16, #tpu.memory_space<vmem>>
      %dma_start3A_1354 = tpu.memref_squeeze %dma_start3A_1353 : memref<1x1x128x64xf16, #tpu.memory_space<vmem>> -> memref<128x64xf16, #tpu.memory_space<vmem>>
      %dma_start3A_1355 = arith.constant 3200 : i32
      %dma_start3A_1356 = tpu.memref_slice %arg4[%dma_start3A_1355, %mul3A_1348] : memref<4096x12800xf16, #tpu.memory_space<hbm>> -> memref<128x64xf16, #tpu.memory_space<hbm>>
      %dma_start3A_1357 = arith.constant 3200 : i32
      %dma_start3A_1358 = tpu.memref_slice %arg4[%dma_start3A_1357, %mul3A_1348] : memref<4096x12800xf16, #tpu.memory_space<hbm>> -> memref<128x64xf16, #tpu.memory_space<hbm>>
      %dma_start3A_1359 = arith.constant 0 : i32
      %dma_start3A_1360 = arith.constant 0 : i32
      %dma_start3A_1361 = tpu.memref_slice %arg7[%dma_start3A_1349, %dma_start3A_1350, %dma_start3A_1359, %dma_start3A_1360] : memref<2x8x128x64xf16, #tpu.memory_space<vmem>> -> memref<1x1x128x64xf16, #tpu.memory_space<vmem>>
      %dma_start3A_1362 = tpu.memref_squeeze %dma_start3A_1361 : memref<1x1x128x64xf16, #tpu.memory_space<vmem>> -> memref<128x64xf16, #tpu.memory_space<vmem>>
      tpu.enqueue_dma source(%dma_start3A_1362 : memref<128x64xf16, #tpu.memory_space<vmem>>) target(%dma_start3A_1358 : memref<128x64xf16, #tpu.memory_space<hbm>>) target_semaphore(%arg9 : memref<!tpu.dma_semaphore, #tpu.memory_space<semaphore_mem>>)
      %mul3A_1363 = arith.constant 64 : i32
      %mul3A_1364 = arith.muli %add3A_15, %mul3A_1363 : i32
      %dma_start3A_1365 = arith.constant 1 : i32
      %dma_start3A_1366 = arith.constant 2 : i32
      %dma_start3A_1367 = arith.constant 0 : i32
      %dma_start3A_1368 = arith.constant 0 : i32
      %dma_start3A_1369 = tpu.memref_slice %arg7[%dma_start3A_1365, %dma_start3A_1366, %dma_start3A_1367, %dma_start3A_1368] : memref<2x8x128x64xf16, #tpu.memory_space<vmem>> -> memref<1x1x128x64xf16, #tpu.memory_space<vmem>>
      %dma_start3A_1370 = tpu.memref_squeeze %dma_start3A_1369 : memref<1x1x128x64xf16, #tpu.memory_space<vmem>> -> memref<128x64xf16, #tpu.memory_space<vmem>>
      %dma_start3A_1371 = arith.constant 3328 : i32
      %dma_start3A_1372 = tpu.memref_slice %arg4[%dma_start3A_1371, %mul3A_1364] : memref<4096x12800xf16, #tpu.memory_space<hbm>> -> memref<128x64xf16, #tpu.memory_space<hbm>>
      %dma_start3A_1373 = arith.constant 3328 : i32
      %dma_start3A_1374 = tpu.memref_slice %arg4[%dma_start3A_1373, %mul3A_1364] : memref<4096x12800xf16, #tpu.memory_space<hbm>> -> memref<128x64xf16, #tpu.memory_space<hbm>>
      %dma_start3A_1375 = arith.constant 0 : i32
      %dma_start3A_1376 = arith.constant 0 : i32
      %dma_start3A_1377 = tpu.memref_slice %arg7[%dma_start3A_1365, %dma_start3A_1366, %dma_start3A_1375, %dma_start3A_1376] : memref<2x8x128x64xf16, #tpu.memory_space<vmem>> -> memref<1x1x128x64xf16, #tpu.memory_space<vmem>>
      %dma_start3A_1378 = tpu.memref_squeeze %dma_start3A_1377 : memref<1x1x128x64xf16, #tpu.memory_space<vmem>> -> memref<128x64xf16, #tpu.memory_space<vmem>>
      tpu.enqueue_dma source(%dma_start3A_1378 : memref<128x64xf16, #tpu.memory_space<vmem>>) target(%dma_start3A_1374 : memref<128x64xf16, #tpu.memory_space<hbm>>) target_semaphore(%arg9 : memref<!tpu.dma_semaphore, #tpu.memory_space<semaphore_mem>>)
      %mul3A_1379 = arith.constant 64 : i32
      %mul3A_1380 = arith.muli %add3A_15, %mul3A_1379 : i32
      %dma_start3A_1381 = arith.constant 1 : i32
      %dma_start3A_1382 = arith.constant 3 : i32
      %dma_start3A_1383 = arith.constant 0 : i32
      %dma_start3A_1384 = arith.constant 0 : i32
      %dma_start3A_1385 = tpu.memref_slice %arg7[%dma_start3A_1381, %dma_start3A_1382, %dma_start3A_1383, %dma_start3A_1384] : memref<2x8x128x64xf16, #tpu.memory_space<vmem>> -> memref<1x1x128x64xf16, #tpu.memory_space<vmem>>
      %dma_start3A_1386 = tpu.memref_squeeze %dma_start3A_1385 : memref<1x1x128x64xf16, #tpu.memory_space<vmem>> -> memref<128x64xf16, #tpu.memory_space<vmem>>
      %dma_start3A_1387 = arith.constant 3456 : i32
      %dma_start3A_1388 = tpu.memref_slice %arg4[%dma_start3A_1387, %mul3A_1380] : memref<4096x12800xf16, #tpu.memory_space<hbm>> -> memref<128x64xf16, #tpu.memory_space<hbm>>
      %dma_start3A_1389 = arith.constant 3456 : i32
      %dma_start3A_1390 = tpu.memref_slice %arg4[%dma_start3A_1389, %mul3A_1380] : memref<4096x12800xf16, #tpu.memory_space<hbm>> -> memref<128x64xf16, #tpu.memory_space<hbm>>
      %dma_start3A_1391 = arith.constant 0 : i32
      %dma_start3A_1392 = arith.constant 0 : i32
      %dma_start3A_1393 = tpu.memref_slice %arg7[%dma_start3A_1381, %dma_start3A_1382, %dma_start3A_1391, %dma_start3A_1392] : memref<2x8x128x64xf16, #tpu.memory_space<vmem>> -> memref<1x1x128x64xf16, #tpu.memory_space<vmem>>
      %dma_start3A_1394 = tpu.memref_squeeze %dma_start3A_1393 : memref<1x1x128x64xf16, #tpu.memory_space<vmem>> -> memref<128x64xf16, #tpu.memory_space<vmem>>
      tpu.enqueue_dma source(%dma_start3A_1394 : memref<128x64xf16, #tpu.memory_space<vmem>>) target(%dma_start3A_1390 : memref<128x64xf16, #tpu.memory_space<hbm>>) target_semaphore(%arg9 : memref<!tpu.dma_semaphore, #tpu.memory_space<semaphore_mem>>)
      %mul3A_1395 = arith.constant 64 : i32
      %mul3A_1396 = arith.muli %add3A_15, %mul3A_1395 : i32
      %dma_start3A_1397 = arith.constant 1 : i32
      %dma_start3A_1398 = arith.constant 4 : i32
      %dma_start3A_1399 = arith.constant 0 : i32
      %dma_start3A_1400 = arith.constant 0 : i32
      %dma_start3A_1401 = tpu.memref_slice %arg7[%dma_start3A_1397, %dma_start3A_1398, %dma_start3A_1399, %dma_start3A_1400] : memref<2x8x128x64xf16, #tpu.memory_space<vmem>> -> memref<1x1x128x64xf16, #tpu.memory_space<vmem>>
      %dma_start3A_1402 = tpu.memref_squeeze %dma_start3A_1401 : memref<1x1x128x64xf16, #tpu.memory_space<vmem>> -> memref<128x64xf16, #tpu.memory_space<vmem>>
      %dma_start3A_1403 = arith.constant 3584 : i32
      %dma_start3A_1404 = tpu.memref_slice %arg4[%dma_start3A_1403, %mul3A_1396] : memref<4096x12800xf16, #tpu.memory_space<hbm>> -> memref<128x64xf16, #tpu.memory_space<hbm>>
      %dma_start3A_1405 = arith.constant 3584 : i32
      %dma_start3A_1406 = tpu.memref_slice %arg4[%dma_start3A_1405, %mul3A_1396] : memref<4096x12800xf16, #tpu.memory_space<hbm>> -> memref<128x64xf16, #tpu.memory_space<hbm>>
      %dma_start3A_1407 = arith.constant 0 : i32
      %dma_start3A_1408 = arith.constant 0 : i32
      %dma_start3A_1409 = tpu.memref_slice %arg7[%dma_start3A_1397, %dma_start3A_1398, %dma_start3A_1407, %dma_start3A_1408] : memref<2x8x128x64xf16, #tpu.memory_space<vmem>> -> memref<1x1x128x64xf16, #tpu.memory_space<vmem>>
      %dma_start3A_1410 = tpu.memref_squeeze %dma_start3A_1409 : memref<1x1x128x64xf16, #tpu.memory_space<vmem>> -> memref<128x64xf16, #tpu.memory_space<vmem>>
      tpu.enqueue_dma source(%dma_start3A_1410 : memref<128x64xf16, #tpu.memory_space<vmem>>) target(%dma_start3A_1406 : memref<128x64xf16, #tpu.memory_space<hbm>>) target_semaphore(%arg9 : memref<!tpu.dma_semaphore, #tpu.memory_space<semaphore_mem>>)
      %mul3A_1411 = arith.constant 64 : i32
      %mul3A_1412 = arith.muli %add3A_15, %mul3A_1411 : i32
      %dma_start3A_1413 = arith.constant 1 : i32
      %dma_start3A_1414 = arith.constant 5 : i32
      %dma_start3A_1415 = arith.constant 0 : i32
      %dma_start3A_1416 = arith.constant 0 : i32
      %dma_start3A_1417 = tpu.memref_slice %arg7[%dma_start3A_1413, %dma_start3A_1414, %dma_start3A_1415, %dma_start3A_1416] : memref<2x8x128x64xf16, #tpu.memory_space<vmem>> -> memref<1x1x128x64xf16, #tpu.memory_space<vmem>>
      %dma_start3A_1418 = tpu.memref_squeeze %dma_start3A_1417 : memref<1x1x128x64xf16, #tpu.memory_space<vmem>> -> memref<128x64xf16, #tpu.memory_space<vmem>>
      %dma_start3A_1419 = arith.constant 3712 : i32
      %dma_start3A_1420 = tpu.memref_slice %arg4[%dma_start3A_1419, %mul3A_1412] : memref<4096x12800xf16, #tpu.memory_space<hbm>> -> memref<128x64xf16, #tpu.memory_space<hbm>>
      %dma_start3A_1421 = arith.constant 3712 : i32
      %dma_start3A_1422 = tpu.memref_slice %arg4[%dma_start3A_1421, %mul3A_1412] : memref<4096x12800xf16, #tpu.memory_space<hbm>> -> memref<128x64xf16, #tpu.memory_space<hbm>>
      %dma_start3A_1423 = arith.constant 0 : i32
      %dma_start3A_1424 = arith.constant 0 : i32
      %dma_start3A_1425 = tpu.memref_slice %arg7[%dma_start3A_1413, %dma_start3A_1414, %dma_start3A_1423, %dma_start3A_1424] : memref<2x8x128x64xf16, #tpu.memory_space<vmem>> -> memref<1x1x128x64xf16, #tpu.memory_space<vmem>>
      %dma_start3A_1426 = tpu.memref_squeeze %dma_start3A_1425 : memref<1x1x128x64xf16, #tpu.memory_space<vmem>> -> memref<128x64xf16, #tpu.memory_space<vmem>>
      tpu.enqueue_dma source(%dma_start3A_1426 : memref<128x64xf16, #tpu.memory_space<vmem>>) target(%dma_start3A_1422 : memref<128x64xf16, #tpu.memory_space<hbm>>) target_semaphore(%arg9 : memref<!tpu.dma_semaphore, #tpu.memory_space<semaphore_mem>>)
      %mul3A_1427 = arith.constant 64 : i32
      %mul3A_1428 = arith.muli %add3A_15, %mul3A_1427 : i32
      %dma_start3A_1429 = arith.constant 1 : i32
      %dma_start3A_1430 = arith.constant 6 : i32
      %dma_start3A_1431 = arith.constant 0 : i32
      %dma_start3A_1432 = arith.constant 0 : i32
      %dma_start3A_1433 = tpu.memref_slice %arg7[%dma_start3A_1429, %dma_start3A_1430, %dma_start3A_1431, %dma_start3A_1432] : memref<2x8x128x64xf16, #tpu.memory_space<vmem>> -> memref<1x1x128x64xf16, #tpu.memory_space<vmem>>
      %dma_start3A_1434 = tpu.memref_squeeze %dma_start3A_1433 : memref<1x1x128x64xf16, #tpu.memory_space<vmem>> -> memref<128x64xf16, #tpu.memory_space<vmem>>
      %dma_start3A_1435 = arith.constant 3840 : i32
      %dma_start3A_1436 = tpu.memref_slice %arg4[%dma_start3A_1435, %mul3A_1428] : memref<4096x12800xf16, #tpu.memory_space<hbm>> -> memref<128x64xf16, #tpu.memory_space<hbm>>
      %dma_start3A_1437 = arith.constant 3840 : i32
      %dma_start3A_1438 = tpu.memref_slice %arg4[%dma_start3A_1437, %mul3A_1428] : memref<4096x12800xf16, #tpu.memory_space<hbm>> -> memref<128x64xf16, #tpu.memory_space<hbm>>
      %dma_start3A_1439 = arith.constant 0 : i32
      %dma_start3A_1440 = arith.constant 0 : i32
      %dma_start3A_1441 = tpu.memref_slice %arg7[%dma_start3A_1429, %dma_start3A_1430, %dma_start3A_1439, %dma_start3A_1440] : memref<2x8x128x64xf16, #tpu.memory_space<vmem>> -> memref<1x1x128x64xf16, #tpu.memory_space<vmem>>
      %dma_start3A_1442 = tpu.memref_squeeze %dma_start3A_1441 : memref<1x1x128x64xf16, #tpu.memory_space<vmem>> -> memref<128x64xf16, #tpu.memory_space<vmem>>
      tpu.enqueue_dma source(%dma_start3A_1442 : memref<128x64xf16, #tpu.memory_space<vmem>>) target(%dma_start3A_1438 : memref<128x64xf16, #tpu.memory_space<hbm>>) target_semaphore(%arg9 : memref<!tpu.dma_semaphore, #tpu.memory_space<semaphore_mem>>)
      %mul3A_1443 = arith.constant 64 : i32
      %mul3A_1444 = arith.muli %add3A_15, %mul3A_1443 : i32
      %dma_start3A_1445 = arith.constant 1 : i32
      %dma_start3A_1446 = arith.constant 7 : i32
      %dma_start3A_1447 = arith.constant 0 : i32
      %dma_start3A_1448 = arith.constant 0 : i32
      %dma_start3A_1449 = tpu.memref_slice %arg7[%dma_start3A_1445, %dma_start3A_1446, %dma_start3A_1447, %dma_start3A_1448] : memref<2x8x128x64xf16, #tpu.memory_space<vmem>> -> memref<1x1x128x64xf16, #tpu.memory_space<vmem>>
      %dma_start3A_1450 = tpu.memref_squeeze %dma_start3A_1449 : memref<1x1x128x64xf16, #tpu.memory_space<vmem>> -> memref<128x64xf16, #tpu.memory_space<vmem>>
      %dma_start3A_1451 = arith.constant 3968 : i32
      %dma_start3A_1452 = tpu.memref_slice %arg4[%dma_start3A_1451, %mul3A_1444] : memref<4096x12800xf16, #tpu.memory_space<hbm>> -> memref<128x64xf16, #tpu.memory_space<hbm>>
      %dma_start3A_1453 = arith.constant 3968 : i32
      %dma_start3A_1454 = tpu.memref_slice %arg4[%dma_start3A_1453, %mul3A_1444] : memref<4096x12800xf16, #tpu.memory_space<hbm>> -> memref<128x64xf16, #tpu.memory_space<hbm>>
      %dma_start3A_1455 = arith.constant 0 : i32
      %dma_start3A_1456 = arith.constant 0 : i32
      %dma_start3A_1457 = tpu.memref_slice %arg7[%dma_start3A_1445, %dma_start3A_1446, %dma_start3A_1455, %dma_start3A_1456] : memref<2x8x128x64xf16, #tpu.memory_space<vmem>> -> memref<1x1x128x64xf16, #tpu.memory_space<vmem>>
      %dma_start3A_1458 = tpu.memref_squeeze %dma_start3A_1457 : memref<1x1x128x64xf16, #tpu.memory_space<vmem>> -> memref<128x64xf16, #tpu.memory_space<vmem>>
      tpu.enqueue_dma source(%dma_start3A_1458 : memref<128x64xf16, #tpu.memory_space<vmem>>) target(%dma_start3A_1454 : memref<128x64xf16, #tpu.memory_space<hbm>>) target_semaphore(%arg9 : memref<!tpu.dma_semaphore, #tpu.memory_space<semaphore_mem>>)
      %dma_wait3A_1459 = arith.constant 0 : i32
      %dma_wait3A_1460 = arith.constant 0 : i32
      %dma_wait3A_1461 = arith.constant 0 : i32
      %dma_wait3A_1462 = arith.constant 0 : i32
      %dma_wait3A_1463 = tpu.memref_slice %arg7[%dma_wait3A_1459, %dma_wait3A_1460, %dma_wait3A_1461, %dma_wait3A_1462] : memref<2x8x128x64xf16, #tpu.memory_space<vmem>> -> memref<1x1x128x64xf16, #tpu.memory_space<vmem>>
      %dma_wait3A_1464 = tpu.memref_squeeze %dma_wait3A_1463 : memref<1x1x128x64xf16, #tpu.memory_space<vmem>> -> memref<128x64xf16, #tpu.memory_space<vmem>>
      %dma_wait3A_1465 = arith.constant 2048 : i32
      %dma_wait3A_1466 = tpu.memref_slice %arg4[%dma_wait3A_1465, %mul3A_916] : memref<4096x12800xf16, #tpu.memory_space<hbm>> -> memref<128x64xf16, #tpu.memory_space<hbm>>
      %dma_wait3A_1467 = arith.constant 2048 : i32
      %dma_wait3A_1468 = tpu.memref_slice %arg4[%dma_wait3A_1467, %mul3A_916] : memref<4096x12800xf16, #tpu.memory_space<hbm>> -> memref<128x64xf16, #tpu.memory_space<hbm>>
      %dma_wait3A_1469 = arith.constant 0 : i32
      %dma_wait3A_1470 = arith.constant 0 : i32
      %dma_wait3A_1471 = tpu.memref_slice %arg7[%dma_wait3A_1459, %dma_wait3A_1460, %dma_wait3A_1469, %dma_wait3A_1470] : memref<2x8x128x64xf16, #tpu.memory_space<vmem>> -> memref<1x1x128x64xf16, #tpu.memory_space<vmem>>
      %dma_wait3A_1472 = tpu.memref_squeeze %dma_wait3A_1471 : memref<1x1x128x64xf16, #tpu.memory_space<vmem>> -> memref<128x64xf16, #tpu.memory_space<vmem>>
      tpu.wait_dma2 semaphore(%arg9 : memref<!tpu.dma_semaphore, #tpu.memory_space<semaphore_mem>>) src(%dma_wait3A_1472 : memref<128x64xf16, #tpu.memory_space<vmem>>) dst(%dma_wait3A_1468 : memref<128x64xf16, #tpu.memory_space<hbm>>)
      %dma_wait3A_1473 = arith.constant 0 : i32
      %dma_wait3A_1474 = arith.constant 1 : i32
      %dma_wait3A_1475 = arith.constant 0 : i32
      %dma_wait3A_1476 = arith.constant 0 : i32
      %dma_wait3A_1477 = tpu.memref_slice %arg7[%dma_wait3A_1473, %dma_wait3A_1474, %dma_wait3A_1475, %dma_wait3A_1476] : memref<2x8x128x64xf16, #tpu.memory_space<vmem>> -> memref<1x1x128x64xf16, #tpu.memory_space<vmem>>
      %dma_wait3A_1478 = tpu.memref_squeeze %dma_wait3A_1477 : memref<1x1x128x64xf16, #tpu.memory_space<vmem>> -> memref<128x64xf16, #tpu.memory_space<vmem>>
      %dma_wait3A_1479 = arith.constant 2176 : i32
      %dma_wait3A_1480 = tpu.memref_slice %arg4[%dma_wait3A_1479, %mul3A_932] : memref<4096x12800xf16, #tpu.memory_space<hbm>> -> memref<128x64xf16, #tpu.memory_space<hbm>>
      %dma_wait3A_1481 = arith.constant 2176 : i32
      %dma_wait3A_1482 = tpu.memref_slice %arg4[%dma_wait3A_1481, %mul3A_932] : memref<4096x12800xf16, #tpu.memory_space<hbm>> -> memref<128x64xf16, #tpu.memory_space<hbm>>
      %dma_wait3A_1483 = arith.constant 0 : i32
      %dma_wait3A_1484 = arith.constant 0 : i32
      %dma_wait3A_1485 = tpu.memref_slice %arg7[%dma_wait3A_1473, %dma_wait3A_1474, %dma_wait3A_1483, %dma_wait3A_1484] : memref<2x8x128x64xf16, #tpu.memory_space<vmem>> -> memref<1x1x128x64xf16, #tpu.memory_space<vmem>>
      %dma_wait3A_1486 = tpu.memref_squeeze %dma_wait3A_1485 : memref<1x1x128x64xf16, #tpu.memory_space<vmem>> -> memref<128x64xf16, #tpu.memory_space<vmem>>
      tpu.wait_dma2 semaphore(%arg9 : memref<!tpu.dma_semaphore, #tpu.memory_space<semaphore_mem>>) src(%dma_wait3A_1486 : memref<128x64xf16, #tpu.memory_space<vmem>>) dst(%dma_wait3A_1482 : memref<128x64xf16, #tpu.memory_space<hbm>>)
      %dma_wait3A_1487 = arith.constant 0 : i32
      %dma_wait3A_1488 = arith.constant 2 : i32
      %dma_wait3A_1489 = arith.constant 0 : i32
      %dma_wait3A_1490 = arith.constant 0 : i32
      %dma_wait3A_1491 = tpu.memref_slice %arg7[%dma_wait3A_1487, %dma_wait3A_1488, %dma_wait3A_1489, %dma_wait3A_1490] : memref<2x8x128x64xf16, #tpu.memory_space<vmem>> -> memref<1x1x128x64xf16, #tpu.memory_space<vmem>>
      %dma_wait3A_1492 = tpu.memref_squeeze %dma_wait3A_1491 : memref<1x1x128x64xf16, #tpu.memory_space<vmem>> -> memref<128x64xf16, #tpu.memory_space<vmem>>
      %dma_wait3A_1493 = arith.constant 2304 : i32
      %dma_wait3A_1494 = tpu.memref_slice %arg4[%dma_wait3A_1493, %mul3A_948] : memref<4096x12800xf16, #tpu.memory_space<hbm>> -> memref<128x64xf16, #tpu.memory_space<hbm>>
      %dma_wait3A_1495 = arith.constant 2304 : i32
      %dma_wait3A_1496 = tpu.memref_slice %arg4[%dma_wait3A_1495, %mul3A_948] : memref<4096x12800xf16, #tpu.memory_space<hbm>> -> memref<128x64xf16, #tpu.memory_space<hbm>>
      %dma_wait3A_1497 = arith.constant 0 : i32
      %dma_wait3A_1498 = arith.constant 0 : i32
      %dma_wait3A_1499 = tpu.memref_slice %arg7[%dma_wait3A_1487, %dma_wait3A_1488, %dma_wait3A_1497, %dma_wait3A_1498] : memref<2x8x128x64xf16, #tpu.memory_space<vmem>> -> memref<1x1x128x64xf16, #tpu.memory_space<vmem>>
      %dma_wait3A_1500 = tpu.memref_squeeze %dma_wait3A_1499 : memref<1x1x128x64xf16, #tpu.memory_space<vmem>> -> memref<128x64xf16, #tpu.memory_space<vmem>>
      tpu.wait_dma2 semaphore(%arg9 : memref<!tpu.dma_semaphore, #tpu.memory_space<semaphore_mem>>) src(%dma_wait3A_1500 : memref<128x64xf16, #tpu.memory_space<vmem>>) dst(%dma_wait3A_1496 : memref<128x64xf16, #tpu.memory_space<hbm>>)
      %dma_wait3A_1501 = arith.constant 0 : i32
      %dma_wait3A_1502 = arith.constant 3 : i32
      %dma_wait3A_1503 = arith.constant 0 : i32
      %dma_wait3A_1504 = arith.constant 0 : i32
      %dma_wait3A_1505 = tpu.memref_slice %arg7[%dma_wait3A_1501, %dma_wait3A_1502, %dma_wait3A_1503, %dma_wait3A_1504] : memref<2x8x128x64xf16, #tpu.memory_space<vmem>> -> memref<1x1x128x64xf16, #tpu.memory_space<vmem>>
      %dma_wait3A_1506 = tpu.memref_squeeze %dma_wait3A_1505 : memref<1x1x128x64xf16, #tpu.memory_space<vmem>> -> memref<128x64xf16, #tpu.memory_space<vmem>>
      %dma_wait3A_1507 = arith.constant 2432 : i32
      %dma_wait3A_1508 = tpu.memref_slice %arg4[%dma_wait3A_1507, %mul3A_964] : memref<4096x12800xf16, #tpu.memory_space<hbm>> -> memref<128x64xf16, #tpu.memory_space<hbm>>
      %dma_wait3A_1509 = arith.constant 2432 : i32
      %dma_wait3A_1510 = tpu.memref_slice %arg4[%dma_wait3A_1509, %mul3A_964] : memref<4096x12800xf16, #tpu.memory_space<hbm>> -> memref<128x64xf16, #tpu.memory_space<hbm>>
      %dma_wait3A_1511 = arith.constant 0 : i32
      %dma_wait3A_1512 = arith.constant 0 : i32
      %dma_wait3A_1513 = tpu.memref_slice %arg7[%dma_wait3A_1501, %dma_wait3A_1502, %dma_wait3A_1511, %dma_wait3A_1512] : memref<2x8x128x64xf16, #tpu.memory_space<vmem>> -> memref<1x1x128x64xf16, #tpu.memory_space<vmem>>
      %dma_wait3A_1514 = tpu.memref_squeeze %dma_wait3A_1513 : memref<1x1x128x64xf16, #tpu.memory_space<vmem>> -> memref<128x64xf16, #tpu.memory_space<vmem>>
      tpu.wait_dma2 semaphore(%arg9 : memref<!tpu.dma_semaphore, #tpu.memory_space<semaphore_mem>>) src(%dma_wait3A_1514 : memref<128x64xf16, #tpu.memory_space<vmem>>) dst(%dma_wait3A_1510 : memref<128x64xf16, #tpu.memory_space<hbm>>)
      %dma_wait3A_1515 = arith.constant 0 : i32
      %dma_wait3A_1516 = arith.constant 4 : i32
      %dma_wait3A_1517 = arith.constant 0 : i32
      %dma_wait3A_1518 = arith.constant 0 : i32
      %dma_wait3A_1519 = tpu.memref_slice %arg7[%dma_wait3A_1515, %dma_wait3A_1516, %dma_wait3A_1517, %dma_wait3A_1518] : memref<2x8x128x64xf16, #tpu.memory_space<vmem>> -> memref<1x1x128x64xf16, #tpu.memory_space<vmem>>
      %dma_wait3A_1520 = tpu.memref_squeeze %dma_wait3A_1519 : memref<1x1x128x64xf16, #tpu.memory_space<vmem>> -> memref<128x64xf16, #tpu.memory_space<vmem>>
      %dma_wait3A_1521 = arith.constant 2560 : i32
      %dma_wait3A_1522 = tpu.memref_slice %arg4[%dma_wait3A_1521, %mul3A_980] : memref<4096x12800xf16, #tpu.memory_space<hbm>> -> memref<128x64xf16, #tpu.memory_space<hbm>>
      %dma_wait3A_1523 = arith.constant 2560 : i32
      %dma_wait3A_1524 = tpu.memref_slice %arg4[%dma_wait3A_1523, %mul3A_980] : memref<4096x12800xf16, #tpu.memory_space<hbm>> -> memref<128x64xf16, #tpu.memory_space<hbm>>
      %dma_wait3A_1525 = arith.constant 0 : i32
      %dma_wait3A_1526 = arith.constant 0 : i32
      %dma_wait3A_1527 = tpu.memref_slice %arg7[%dma_wait3A_1515, %dma_wait3A_1516, %dma_wait3A_1525, %dma_wait3A_1526] : memref<2x8x128x64xf16, #tpu.memory_space<vmem>> -> memref<1x1x128x64xf16, #tpu.memory_space<vmem>>
      %dma_wait3A_1528 = tpu.memref_squeeze %dma_wait3A_1527 : memref<1x1x128x64xf16, #tpu.memory_space<vmem>> -> memref<128x64xf16, #tpu.memory_space<vmem>>
      tpu.wait_dma2 semaphore(%arg9 : memref<!tpu.dma_semaphore, #tpu.memory_space<semaphore_mem>>) src(%dma_wait3A_1528 : memref<128x64xf16, #tpu.memory_space<vmem>>) dst(%dma_wait3A_1524 : memref<128x64xf16, #tpu.memory_space<hbm>>)
      %dma_wait3A_1529 = arith.constant 0 : i32
      %dma_wait3A_1530 = arith.constant 5 : i32
      %dma_wait3A_1531 = arith.constant 0 : i32
      %dma_wait3A_1532 = arith.constant 0 : i32
      %dma_wait3A_1533 = tpu.memref_slice %arg7[%dma_wait3A_1529, %dma_wait3A_1530, %dma_wait3A_1531, %dma_wait3A_1532] : memref<2x8x128x64xf16, #tpu.memory_space<vmem>> -> memref<1x1x128x64xf16, #tpu.memory_space<vmem>>
      %dma_wait3A_1534 = tpu.memref_squeeze %dma_wait3A_1533 : memref<1x1x128x64xf16, #tpu.memory_space<vmem>> -> memref<128x64xf16, #tpu.memory_space<vmem>>
      %dma_wait3A_1535 = arith.constant 2688 : i32
      %dma_wait3A_1536 = tpu.memref_slice %arg4[%dma_wait3A_1535, %mul3A_996] : memref<4096x12800xf16, #tpu.memory_space<hbm>> -> memref<128x64xf16, #tpu.memory_space<hbm>>
      %dma_wait3A_1537 = arith.constant 2688 : i32
      %dma_wait3A_1538 = tpu.memref_slice %arg4[%dma_wait3A_1537, %mul3A_996] : memref<4096x12800xf16, #tpu.memory_space<hbm>> -> memref<128x64xf16, #tpu.memory_space<hbm>>
      %dma_wait3A_1539 = arith.constant 0 : i32
      %dma_wait3A_1540 = arith.constant 0 : i32
      %dma_wait3A_1541 = tpu.memref_slice %arg7[%dma_wait3A_1529, %dma_wait3A_1530, %dma_wait3A_1539, %dma_wait3A_1540] : memref<2x8x128x64xf16, #tpu.memory_space<vmem>> -> memref<1x1x128x64xf16, #tpu.memory_space<vmem>>
      %dma_wait3A_1542 = tpu.memref_squeeze %dma_wait3A_1541 : memref<1x1x128x64xf16, #tpu.memory_space<vmem>> -> memref<128x64xf16, #tpu.memory_space<vmem>>
      tpu.wait_dma2 semaphore(%arg9 : memref<!tpu.dma_semaphore, #tpu.memory_space<semaphore_mem>>) src(%dma_wait3A_1542 : memref<128x64xf16, #tpu.memory_space<vmem>>) dst(%dma_wait3A_1538 : memref<128x64xf16, #tpu.memory_space<hbm>>)
      %dma_wait3A_1543 = arith.constant 0 : i32
      %dma_wait3A_1544 = arith.constant 6 : i32
      %dma_wait3A_1545 = arith.constant 0 : i32
      %dma_wait3A_1546 = arith.constant 0 : i32
      %dma_wait3A_1547 = tpu.memref_slice %arg7[%dma_wait3A_1543, %dma_wait3A_1544, %dma_wait3A_1545, %dma_wait3A_1546] : memref<2x8x128x64xf16, #tpu.memory_space<vmem>> -> memref<1x1x128x64xf16, #tpu.memory_space<vmem>>
      %dma_wait3A_1548 = tpu.memref_squeeze %dma_wait3A_1547 : memref<1x1x128x64xf16, #tpu.memory_space<vmem>> -> memref<128x64xf16, #tpu.memory_space<vmem>>
      %dma_wait3A_1549 = arith.constant 2816 : i32
      %dma_wait3A_1550 = tpu.memref_slice %arg4[%dma_wait3A_1549, %mul3A_1012] : memref<4096x12800xf16, #tpu.memory_space<hbm>> -> memref<128x64xf16, #tpu.memory_space<hbm>>
      %dma_wait3A_1551 = arith.constant 2816 : i32
      %dma_wait3A_1552 = tpu.memref_slice %arg4[%dma_wait3A_1551, %mul3A_1012] : memref<4096x12800xf16, #tpu.memory_space<hbm>> -> memref<128x64xf16, #tpu.memory_space<hbm>>
      %dma_wait3A_1553 = arith.constant 0 : i32
      %dma_wait3A_1554 = arith.constant 0 : i32
      %dma_wait3A_1555 = tpu.memref_slice %arg7[%dma_wait3A_1543, %dma_wait3A_1544, %dma_wait3A_1553, %dma_wait3A_1554] : memref<2x8x128x64xf16, #tpu.memory_space<vmem>> -> memref<1x1x128x64xf16, #tpu.memory_space<vmem>>
      %dma_wait3A_1556 = tpu.memref_squeeze %dma_wait3A_1555 : memref<1x1x128x64xf16, #tpu.memory_space<vmem>> -> memref<128x64xf16, #tpu.memory_space<vmem>>
      tpu.wait_dma2 semaphore(%arg9 : memref<!tpu.dma_semaphore, #tpu.memory_space<semaphore_mem>>) src(%dma_wait3A_1556 : memref<128x64xf16, #tpu.memory_space<vmem>>) dst(%dma_wait3A_1552 : memref<128x64xf16, #tpu.memory_space<hbm>>)
      %dma_wait3A_1557 = arith.constant 0 : i32
      %dma_wait3A_1558 = arith.constant 7 : i32
      %dma_wait3A_1559 = arith.constant 0 : i32
      %dma_wait3A_1560 = arith.constant 0 : i32
      %dma_wait3A_1561 = tpu.memref_slice %arg7[%dma_wait3A_1557, %dma_wait3A_1558, %dma_wait3A_1559, %dma_wait3A_1560] : memref<2x8x128x64xf16, #tpu.memory_space<vmem>> -> memref<1x1x128x64xf16, #tpu.memory_space<vmem>>
      %dma_wait3A_1562 = tpu.memref_squeeze %dma_wait3A_1561 : memref<1x1x128x64xf16, #tpu.memory_space<vmem>> -> memref<128x64xf16, #tpu.memory_space<vmem>>
      %dma_wait3A_1563 = arith.constant 2944 : i32
      %dma_wait3A_1564 = tpu.memref_slice %arg4[%dma_wait3A_1563, %mul3A_1028] : memref<4096x12800xf16, #tpu.memory_space<hbm>> -> memref<128x64xf16, #tpu.memory_space<hbm>>
      %dma_wait3A_1565 = arith.constant 2944 : i32
      %dma_wait3A_1566 = tpu.memref_slice %arg4[%dma_wait3A_1565, %mul3A_1028] : memref<4096x12800xf16, #tpu.memory_space<hbm>> -> memref<128x64xf16, #tpu.memory_space<hbm>>
      %dma_wait3A_1567 = arith.constant 0 : i32
      %dma_wait3A_1568 = arith.constant 0 : i32
      %dma_wait3A_1569 = tpu.memref_slice %arg7[%dma_wait3A_1557, %dma_wait3A_1558, %dma_wait3A_1567, %dma_wait3A_1568] : memref<2x8x128x64xf16, #tpu.memory_space<vmem>> -> memref<1x1x128x64xf16, #tpu.memory_space<vmem>>
      %dma_wait3A_1570 = tpu.memref_squeeze %dma_wait3A_1569 : memref<1x1x128x64xf16, #tpu.memory_space<vmem>> -> memref<128x64xf16, #tpu.memory_space<vmem>>
      tpu.wait_dma2 semaphore(%arg9 : memref<!tpu.dma_semaphore, #tpu.memory_space<semaphore_mem>>) src(%dma_wait3A_1570 : memref<128x64xf16, #tpu.memory_space<vmem>>) dst(%dma_wait3A_1566 : memref<128x64xf16, #tpu.memory_space<hbm>>)
      %dma_wait3A_1571 = arith.constant 1 : i32
      %dma_wait3A_1572 = arith.constant 0 : i32
      %dma_wait3A_1573 = arith.constant 0 : i32
      %dma_wait3A_1574 = arith.constant 0 : i32
      %dma_wait3A_1575 = tpu.memref_slice %arg7[%dma_wait3A_1571, %dma_wait3A_1572, %dma_wait3A_1573, %dma_wait3A_1574] : memref<2x8x128x64xf16, #tpu.memory_space<vmem>> -> memref<1x1x128x64xf16, #tpu.memory_space<vmem>>
      %dma_wait3A_1576 = tpu.memref_squeeze %dma_wait3A_1575 : memref<1x1x128x64xf16, #tpu.memory_space<vmem>> -> memref<128x64xf16, #tpu.memory_space<vmem>>
      %dma_wait3A_1577 = arith.constant 3072 : i32
      %dma_wait3A_1578 = tpu.memref_slice %arg4[%dma_wait3A_1577, %mul3A_1332] : memref<4096x12800xf16, #tpu.memory_space<hbm>> -> memref<128x64xf16, #tpu.memory_space<hbm>>
      %dma_wait3A_1579 = arith.constant 3072 : i32
      %dma_wait3A_1580 = tpu.memref_slice %arg4[%dma_wait3A_1579, %mul3A_1332] : memref<4096x12800xf16, #tpu.memory_space<hbm>> -> memref<128x64xf16, #tpu.memory_space<hbm>>
      %dma_wait3A_1581 = arith.constant 0 : i32
      %dma_wait3A_1582 = arith.constant 0 : i32
      %dma_wait3A_1583 = tpu.memref_slice %arg7[%dma_wait3A_1571, %dma_wait3A_1572, %dma_wait3A_1581, %dma_wait3A_1582] : memref<2x8x128x64xf16, #tpu.memory_space<vmem>> -> memref<1x1x128x64xf16, #tpu.memory_space<vmem>>
      %dma_wait3A_1584 = tpu.memref_squeeze %dma_wait3A_1583 : memref<1x1x128x64xf16, #tpu.memory_space<vmem>> -> memref<128x64xf16, #tpu.memory_space<vmem>>
      tpu.wait_dma2 semaphore(%arg9 : memref<!tpu.dma_semaphore, #tpu.memory_space<semaphore_mem>>) src(%dma_wait3A_1584 : memref<128x64xf16, #tpu.memory_space<vmem>>) dst(%dma_wait3A_1580 : memref<128x64xf16, #tpu.memory_space<hbm>>)
      %dma_wait3A_1585 = arith.constant 1 : i32
      %dma_wait3A_1586 = arith.constant 1 : i32
      %dma_wait3A_1587 = arith.constant 0 : i32
      %dma_wait3A_1588 = arith.constant 0 : i32
      %dma_wait3A_1589 = tpu.memref_slice %arg7[%dma_wait3A_1585, %dma_wait3A_1586, %dma_wait3A_1587, %dma_wait3A_1588] : memref<2x8x128x64xf16, #tpu.memory_space<vmem>> -> memref<1x1x128x64xf16, #tpu.memory_space<vmem>>
      %dma_wait3A_1590 = tpu.memref_squeeze %dma_wait3A_1589 : memref<1x1x128x64xf16, #tpu.memory_space<vmem>> -> memref<128x64xf16, #tpu.memory_space<vmem>>
      %dma_wait3A_1591 = arith.constant 3200 : i32
      %dma_wait3A_1592 = tpu.memref_slice %arg4[%dma_wait3A_1591, %mul3A_1348] : memref<4096x12800xf16, #tpu.memory_space<hbm>> -> memref<128x64xf16, #tpu.memory_space<hbm>>
      %dma_wait3A_1593 = arith.constant 3200 : i32
      %dma_wait3A_1594 = tpu.memref_slice %arg4[%dma_wait3A_1593, %mul3A_1348] : memref<4096x12800xf16, #tpu.memory_space<hbm>> -> memref<128x64xf16, #tpu.memory_space<hbm>>
      %dma_wait3A_1595 = arith.constant 0 : i32
      %dma_wait3A_1596 = arith.constant 0 : i32
      %dma_wait3A_1597 = tpu.memref_slice %arg7[%dma_wait3A_1585, %dma_wait3A_1586, %dma_wait3A_1595, %dma_wait3A_1596] : memref<2x8x128x64xf16, #tpu.memory_space<vmem>> -> memref<1x1x128x64xf16, #tpu.memory_space<vmem>>
      %dma_wait3A_1598 = tpu.memref_squeeze %dma_wait3A_1597 : memref<1x1x128x64xf16, #tpu.memory_space<vmem>> -> memref<128x64xf16, #tpu.memory_space<vmem>>
      tpu.wait_dma2 semaphore(%arg9 : memref<!tpu.dma_semaphore, #tpu.memory_space<semaphore_mem>>) src(%dma_wait3A_1598 : memref<128x64xf16, #tpu.memory_space<vmem>>) dst(%dma_wait3A_1594 : memref<128x64xf16, #tpu.memory_space<hbm>>)
      %dma_wait3A_1599 = arith.constant 1 : i32
      %dma_wait3A_1600 = arith.constant 2 : i32
      %dma_wait3A_1601 = arith.constant 0 : i32
      %dma_wait3A_1602 = arith.constant 0 : i32
      %dma_wait3A_1603 = tpu.memref_slice %arg7[%dma_wait3A_1599, %dma_wait3A_1600, %dma_wait3A_1601, %dma_wait3A_1602] : memref<2x8x128x64xf16, #tpu.memory_space<vmem>> -> memref<1x1x128x64xf16, #tpu.memory_space<vmem>>
      %dma_wait3A_1604 = tpu.memref_squeeze %dma_wait3A_1603 : memref<1x1x128x64xf16, #tpu.memory_space<vmem>> -> memref<128x64xf16, #tpu.memory_space<vmem>>
      %dma_wait3A_1605 = arith.constant 3328 : i32
      %dma_wait3A_1606 = tpu.memref_slice %arg4[%dma_wait3A_1605, %mul3A_1364] : memref<4096x12800xf16, #tpu.memory_space<hbm>> -> memref<128x64xf16, #tpu.memory_space<hbm>>
      %dma_wait3A_1607 = arith.constant 3328 : i32
      %dma_wait3A_1608 = tpu.memref_slice %arg4[%dma_wait3A_1607, %mul3A_1364] : memref<4096x12800xf16, #tpu.memory_space<hbm>> -> memref<128x64xf16, #tpu.memory_space<hbm>>
      %dma_wait3A_1609 = arith.constant 0 : i32
      %dma_wait3A_1610 = arith.constant 0 : i32
      %dma_wait3A_1611 = tpu.memref_slice %arg7[%dma_wait3A_1599, %dma_wait3A_1600, %dma_wait3A_1609, %dma_wait3A_1610] : memref<2x8x128x64xf16, #tpu.memory_space<vmem>> -> memref<1x1x128x64xf16, #tpu.memory_space<vmem>>
      %dma_wait3A_1612 = tpu.memref_squeeze %dma_wait3A_1611 : memref<1x1x128x64xf16, #tpu.memory_space<vmem>> -> memref<128x64xf16, #tpu.memory_space<vmem>>
      tpu.wait_dma2 semaphore(%arg9 : memref<!tpu.dma_semaphore, #tpu.memory_space<semaphore_mem>>) src(%dma_wait3A_1612 : memref<128x64xf16, #tpu.memory_space<vmem>>) dst(%dma_wait3A_1608 : memref<128x64xf16, #tpu.memory_space<hbm>>)
      %dma_wait3A_1613 = arith.constant 1 : i32
      %dma_wait3A_1614 = arith.constant 3 : i32
      %dma_wait3A_1615 = arith.constant 0 : i32
      %dma_wait3A_1616 = arith.constant 0 : i32
      %dma_wait3A_1617 = tpu.memref_slice %arg7[%dma_wait3A_1613, %dma_wait3A_1614, %dma_wait3A_1615, %dma_wait3A_1616] : memref<2x8x128x64xf16, #tpu.memory_space<vmem>> -> memref<1x1x128x64xf16, #tpu.memory_space<vmem>>
      %dma_wait3A_1618 = tpu.memref_squeeze %dma_wait3A_1617 : memref<1x1x128x64xf16, #tpu.memory_space<vmem>> -> memref<128x64xf16, #tpu.memory_space<vmem>>
      %dma_wait3A_1619 = arith.constant 3456 : i32
      %dma_wait3A_1620 = tpu.memref_slice %arg4[%dma_wait3A_1619, %mul3A_1380] : memref<4096x12800xf16, #tpu.memory_space<hbm>> -> memref<128x64xf16, #tpu.memory_space<hbm>>
      %dma_wait3A_1621 = arith.constant 3456 : i32
      %dma_wait3A_1622 = tpu.memref_slice %arg4[%dma_wait3A_1621, %mul3A_1380] : memref<4096x12800xf16, #tpu.memory_space<hbm>> -> memref<128x64xf16, #tpu.memory_space<hbm>>
      %dma_wait3A_1623 = arith.constant 0 : i32
      %dma_wait3A_1624 = arith.constant 0 : i32
      %dma_wait3A_1625 = tpu.memref_slice %arg7[%dma_wait3A_1613, %dma_wait3A_1614, %dma_wait3A_1623, %dma_wait3A_1624] : memref<2x8x128x64xf16, #tpu.memory_space<vmem>> -> memref<1x1x128x64xf16, #tpu.memory_space<vmem>>
      %dma_wait3A_1626 = tpu.memref_squeeze %dma_wait3A_1625 : memref<1x1x128x64xf16, #tpu.memory_space<vmem>> -> memref<128x64xf16, #tpu.memory_space<vmem>>
      tpu.wait_dma2 semaphore(%arg9 : memref<!tpu.dma_semaphore, #tpu.memory_space<semaphore_mem>>) src(%dma_wait3A_1626 : memref<128x64xf16, #tpu.memory_space<vmem>>) dst(%dma_wait3A_1622 : memref<128x64xf16, #tpu.memory_space<hbm>>)
      %dma_wait3A_1627 = arith.constant 1 : i32
      %dma_wait3A_1628 = arith.constant 4 : i32
      %dma_wait3A_1629 = arith.constant 0 : i32
      %dma_wait3A_1630 = arith.constant 0 : i32
      %dma_wait3A_1631 = tpu.memref_slice %arg7[%dma_wait3A_1627, %dma_wait3A_1628, %dma_wait3A_1629, %dma_wait3A_1630] : memref<2x8x128x64xf16, #tpu.memory_space<vmem>> -> memref<1x1x128x64xf16, #tpu.memory_space<vmem>>
      %dma_wait3A_1632 = tpu.memref_squeeze %dma_wait3A_1631 : memref<1x1x128x64xf16, #tpu.memory_space<vmem>> -> memref<128x64xf16, #tpu.memory_space<vmem>>
      %dma_wait3A_1633 = arith.constant 3584 : i32
      %dma_wait3A_1634 = tpu.memref_slice %arg4[%dma_wait3A_1633, %mul3A_1396] : memref<4096x12800xf16, #tpu.memory_space<hbm>> -> memref<128x64xf16, #tpu.memory_space<hbm>>
      %dma_wait3A_1635 = arith.constant 3584 : i32
      %dma_wait3A_1636 = tpu.memref_slice %arg4[%dma_wait3A_1635, %mul3A_1396] : memref<4096x12800xf16, #tpu.memory_space<hbm>> -> memref<128x64xf16, #tpu.memory_space<hbm>>
      %dma_wait3A_1637 = arith.constant 0 : i32
      %dma_wait3A_1638 = arith.constant 0 : i32
      %dma_wait3A_1639 = tpu.memref_slice %arg7[%dma_wait3A_1627, %dma_wait3A_1628, %dma_wait3A_1637, %dma_wait3A_1638] : memref<2x8x128x64xf16, #tpu.memory_space<vmem>> -> memref<1x1x128x64xf16, #tpu.memory_space<vmem>>
      %dma_wait3A_1640 = tpu.memref_squeeze %dma_wait3A_1639 : memref<1x1x128x64xf16, #tpu.memory_space<vmem>> -> memref<128x64xf16, #tpu.memory_space<vmem>>
      tpu.wait_dma2 semaphore(%arg9 : memref<!tpu.dma_semaphore, #tpu.memory_space<semaphore_mem>>) src(%dma_wait3A_1640 : memref<128x64xf16, #tpu.memory_space<vmem>>) dst(%dma_wait3A_1636 : memref<128x64xf16, #tpu.memory_space<hbm>>)
      %dma_wait3A_1641 = arith.constant 1 : i32
      %dma_wait3A_1642 = arith.constant 5 : i32
      %dma_wait3A_1643 = arith.constant 0 : i32
      %dma_wait3A_1644 = arith.constant 0 : i32
      %dma_wait3A_1645 = tpu.memref_slice %arg7[%dma_wait3A_1641, %dma_wait3A_1642, %dma_wait3A_1643, %dma_wait3A_1644] : memref<2x8x128x64xf16, #tpu.memory_space<vmem>> -> memref<1x1x128x64xf16, #tpu.memory_space<vmem>>
      %dma_wait3A_1646 = tpu.memref_squeeze %dma_wait3A_1645 : memref<1x1x128x64xf16, #tpu.memory_space<vmem>> -> memref<128x64xf16, #tpu.memory_space<vmem>>
      %dma_wait3A_1647 = arith.constant 3712 : i32
      %dma_wait3A_1648 = tpu.memref_slice %arg4[%dma_wait3A_1647, %mul3A_1412] : memref<4096x12800xf16, #tpu.memory_space<hbm>> -> memref<128x64xf16, #tpu.memory_space<hbm>>
      %dma_wait3A_1649 = arith.constant 3712 : i32
      %dma_wait3A_1650 = tpu.memref_slice %arg4[%dma_wait3A_1649, %mul3A_1412] : memref<4096x12800xf16, #tpu.memory_space<hbm>> -> memref<128x64xf16, #tpu.memory_space<hbm>>
      %dma_wait3A_1651 = arith.constant 0 : i32
      %dma_wait3A_1652 = arith.constant 0 : i32
      %dma_wait3A_1653 = tpu.memref_slice %arg7[%dma_wait3A_1641, %dma_wait3A_1642, %dma_wait3A_1651, %dma_wait3A_1652] : memref<2x8x128x64xf16, #tpu.memory_space<vmem>> -> memref<1x1x128x64xf16, #tpu.memory_space<vmem>>
      %dma_wait3A_1654 = tpu.memref_squeeze %dma_wait3A_1653 : memref<1x1x128x64xf16, #tpu.memory_space<vmem>> -> memref<128x64xf16, #tpu.memory_space<vmem>>
      tpu.wait_dma2 semaphore(%arg9 : memref<!tpu.dma_semaphore, #tpu.memory_space<semaphore_mem>>) src(%dma_wait3A_1654 : memref<128x64xf16, #tpu.memory_space<vmem>>) dst(%dma_wait3A_1650 : memref<128x64xf16, #tpu.memory_space<hbm>>)
      %dma_wait3A_1655 = arith.constant 1 : i32
      %dma_wait3A_1656 = arith.constant 6 : i32
      %dma_wait3A_1657 = arith.constant 0 : i32
      %dma_wait3A_1658 = arith.constant 0 : i32
      %dma_wait3A_1659 = tpu.memref_slice %arg7[%dma_wait3A_1655, %dma_wait3A_1656, %dma_wait3A_1657, %dma_wait3A_1658] : memref<2x8x128x64xf16, #tpu.memory_space<vmem>> -> memref<1x1x128x64xf16, #tpu.memory_space<vmem>>
      %dma_wait3A_1660 = tpu.memref_squeeze %dma_wait3A_1659 : memref<1x1x128x64xf16, #tpu.memory_space<vmem>> -> memref<128x64xf16, #tpu.memory_space<vmem>>
      %dma_wait3A_1661 = arith.constant 3840 : i32
      %dma_wait3A_1662 = tpu.memref_slice %arg4[%dma_wait3A_1661, %mul3A_1428] : memref<4096x12800xf16, #tpu.memory_space<hbm>> -> memref<128x64xf16, #tpu.memory_space<hbm>>
      %dma_wait3A_1663 = arith.constant 3840 : i32
      %dma_wait3A_1664 = tpu.memref_slice %arg4[%dma_wait3A_1663, %mul3A_1428] : memref<4096x12800xf16, #tpu.memory_space<hbm>> -> memref<128x64xf16, #tpu.memory_space<hbm>>
      %dma_wait3A_1665 = arith.constant 0 : i32
      %dma_wait3A_1666 = arith.constant 0 : i32
      %dma_wait3A_1667 = tpu.memref_slice %arg7[%dma_wait3A_1655, %dma_wait3A_1656, %dma_wait3A_1665, %dma_wait3A_1666] : memref<2x8x128x64xf16, #tpu.memory_space<vmem>> -> memref<1x1x128x64xf16, #tpu.memory_space<vmem>>
      %dma_wait3A_1668 = tpu.memref_squeeze %dma_wait3A_1667 : memref<1x1x128x64xf16, #tpu.memory_space<vmem>> -> memref<128x64xf16, #tpu.memory_space<vmem>>
      tpu.wait_dma2 semaphore(%arg9 : memref<!tpu.dma_semaphore, #tpu.memory_space<semaphore_mem>>) src(%dma_wait3A_1668 : memref<128x64xf16, #tpu.memory_space<vmem>>) dst(%dma_wait3A_1664 : memref<128x64xf16, #tpu.memory_space<hbm>>)
      %dma_wait3A_1669 = arith.constant 1 : i32
      %dma_wait3A_1670 = arith.constant 7 : i32
      %dma_wait3A_1671 = arith.constant 0 : i32
      %dma_wait3A_1672 = arith.constant 0 : i32
      %dma_wait3A_1673 = tpu.memref_slice %arg7[%dma_wait3A_1669, %dma_wait3A_1670, %dma_wait3A_1671, %dma_wait3A_1672] : memref<2x8x128x64xf16, #tpu.memory_space<vmem>> -> memref<1x1x128x64xf16, #tpu.memory_space<vmem>>
      %dma_wait3A_1674 = tpu.memref_squeeze %dma_wait3A_1673 : memref<1x1x128x64xf16, #tpu.memory_space<vmem>> -> memref<128x64xf16, #tpu.memory_space<vmem>>
      %dma_wait3A_1675 = arith.constant 3968 : i32
      %dma_wait3A_1676 = tpu.memref_slice %arg4[%dma_wait3A_1675, %mul3A_1444] : memref<4096x12800xf16, #tpu.memory_space<hbm>> -> memref<128x64xf16, #tpu.memory_space<hbm>>
      %dma_wait3A_1677 = arith.constant 3968 : i32
      %dma_wait3A_1678 = tpu.memref_slice %arg4[%dma_wait3A_1677, %mul3A_1444] : memref<4096x12800xf16, #tpu.memory_space<hbm>> -> memref<128x64xf16, #tpu.memory_space<hbm>>
      %dma_wait3A_1679 = arith.constant 0 : i32
      %dma_wait3A_1680 = arith.constant 0 : i32
      %dma_wait3A_1681 = tpu.memref_slice %arg7[%dma_wait3A_1669, %dma_wait3A_1670, %dma_wait3A_1679, %dma_wait3A_1680] : memref<2x8x128x64xf16, #tpu.memory_space<vmem>> -> memref<1x1x128x64xf16, #tpu.memory_space<vmem>>
      %dma_wait3A_1682 = tpu.memref_squeeze %dma_wait3A_1681 : memref<1x1x128x64xf16, #tpu.memory_space<vmem>> -> memref<128x64xf16, #tpu.memory_space<vmem>>
      tpu.wait_dma2 semaphore(%arg9 : memref<!tpu.dma_semaphore, #tpu.memory_space<semaphore_mem>>) src(%dma_wait3A_1682 : memref<128x64xf16, #tpu.memory_space<vmem>>) dst(%dma_wait3A_1678 : memref<128x64xf16, #tpu.memory_space<hbm>>)
    }
    return
  }
}

</mosaic_0001>

<sc_bundles>
// kernel: kernel.3.cloned.1.call-start
scs
__scs_entry_jumppad:
0x0: {  	(pc) =	sbr.rel $0x88, $3  }
0x1: {  	(tag) =	ssettag $0x0;
	lr =	simm.s32 $0x1  }
0x2: {  	[smem:$0x3F9F] =	sst lr;
	_ =	strace $0xD0000000  }
0x3: {  	_ = 	snop  }
0x4: {  	_ = 	snop  }
0x5: {  	_ = 	snop  }
0x6: {  	_ = 	snop  }
0x7: {  	_ = 	snop  }
__scs_overlays_trampoline_lowered:
0x8: {  	[smem:$0x3FAE] =	sst s0  }
0x9: {  	[smem:$0x3FAF] =	sst s1  }
0xa: {  	[smem:$0x3FB0] =	sst s2  }
0xb: {  	[smem:$0x3FB1] =	sst s3  }
0xc: {  	[smem:$0x3FB2] =	sst s4  }
0xd: {  	[smem:$0x3FB3] =	sst s5  }
0xe: {  	[smem:$0x3FB4] =	sst s6  }
0xf: {  	[smem:$0x3FB5] =	sst s7  }
0x10: {  	[smem:$0x3FB6] =	sst s8  }
0x11: {  	[smem:$0x3FB7] =	sst s9;
	s0 =	simm.s32 @!p0 $0x0  }
0x12: {  	s1 =	sld [smem:$0x3F9D];
	s0 =	simm.s32 @p0 $0x1  }
0x13: {  	[smem:$0x3FB8] =	sst s0;
	s0 =	simm.s32 @!p1 $0x0  }
0x14: {  	s2 =	sld [smem:$0x3F9C];
	s0 =	simm.s32 @p1 $0x1  }
0x15: {  	[smem:$0x3FB9] =	sst s0;
	s0 =	simm.s32 @!p2 $0x0  }
0x16: {  	s3 =	sld [smem:$0x3FDB];
	s0 =	simm.s32 @p2 $0x1  }
0x17: {  	s4 =	simm.s32 $0x1BF5;
	[smem:$0x3FBB] =	sst s0  }
0x18: {  	s0 =	sld [smem:$0x3F9E];
	_ =	swait.ge [sflag:s4], $0x0  }
0x19: {  	s7 =	sld [smem:$0x3F9F]  }
0x1a: {  	s8 =	sadd.s32 $0xFFFFE003, lr  }
0x1b: {  	s9 =	sadd.s32 $0xFFFFFEF7, lr;
	s5 =	simm.s32 $0xFFFFFFFF;
	p2 =	slt.u32 s8, $0xFFFFF086  }
0x1c: {  	p1 =	slt.u32 s9, $0xF7A;
	s5 =	simm.s32 @!p2 $0x0  }
0x1d: {  	s5 =	simm.s32 @p1 $0x1;
	p0 =	seq.s32 s7, s2  }
0x1e: {  	s7 =	smul.u32 @!p0 $0xF7A, s2;
	p2 =	seq.s32 @!p0 s5, $0x0  }
0x1f: {  	s9 =	smul.u32 $0xF7A, s1;
	s8 =	simm.s32 @!p0 $0x1BF5;
	p2 =	por !p2, p0  }
0x20: {  	[sflag:s8] =	ssyncset.s32 @!p0 $0xFFFFF086;
	s6 =	sadd.s32 @!p0 s3, s7;
	s7 =	simm.s32 @!p0 $0x108  }
0x21: {  	s3 =	sadd.s32 s3, s9;
	s6 =	sadd.s32 @!p0 $0x88, s6;
	s7 =	simm.s32 @p2 $0x1082  }
0x22: {  	[simem:s7], [sflag:s8] =	dma.local @!p0 [hbm:s6], $0xF7A  }
0x23: {  	s9 =	sor.u32 $0xD0000000, s2;
	s6 =	simm.s32 $0x108;
	_ =	swait.ge @!p0 [sflag:s8], $0x0  }
0x24: {  	s3 =	sadd.s32 $0x88, s3;
	s6 =	simm.s32 @!p1 $0x1082;
	[sflag:s4] =	ssyncset.s32 $0xFFFFF086  }
0x25: {  	[simem:s6], [sflag:s4] =	dma.local [hbm:s3], $0xF7A  }
0x26: {  	[smem:$0x3F9F] =	sst s1;
	(tag) =	ssettag s2;
	_ =	strace s9  }
0x27: {  	s1 =	sld [smem:$0x3FAF]  }
0x28: {  	s2 =	sld [smem:$0x3FB0]  }
0x29: {  	s4 =	sld [smem:$0x3FB2]  }
0x2a: {  	p0 =	seq.s32 s5, $0x0;
	s5 =	sld [smem:$0x3FB3]  }
0x2b: {  	s6 =	sld [smem:$0x3FB4]  }
0x2c: {  	s7 =	sld [smem:$0x3FB5]  }
0x2d: {  	s3 =	simm.s32 $0x108;
	s8 =	sld [smem:$0x3FB6]  }
0x2e: {  	s3 =	simm.s32 @!p0 $0x1082;
	s9 =	sld [smem:$0x3FB7]  }
0x2f: {  	lr =	sadd.s32 s0, s3;
	s0 =	sld [smem:$0x3FAE]  }
0x30: {  	s3 =	sld [smem:$0x3FB1]  }
0x31: {  	[smem:$0x3FBA] =	sst s10  }
0x32: {  	s10 =	sld [smem:$0x3FB8];
	_ =	sdelay $0x3  }
0x33: {  	p0 =	seq.s32 s10, $0x1;
	s10 =	sld [smem:$0x3FBA];
	_ =	sdelay $0x3  }
0x34: {  	[smem:$0x3FBA] =	sst s10  }
0x35: {  	s10 =	sld [smem:$0x3FB9];
	_ =	sdelay $0x3  }
0x36: {  	p1 =	seq.s32 s10, $0x1;
	s10 =	sld [smem:$0x3FBA];
	_ =	sdelay $0x3  }
0x37: {  	[smem:$0x3FBA] =	sst s10  }
0x38: {  	s10 =	sld [smem:$0x3FBB]  }
0x39: {  	_ = 	snop;
	(pc) =	sbr.ind lr, $3  }
0x3a: {  	_ = 	snop  }
0x3b: {  	_ = 	snop  }
0x3c: {  	p2 =	seq.s32 s10, $0x1;
	s10 =	sld [smem:$0x3FBA]  }
0x3d: {  	_ =	shalt  }
0x3e: {  	_ =	shalt  }
0x3f: {  	_ =	shalt  }
0x40: {  	_ =	shalt  }
0x41: {  	_ =	shalt  }
0x42: {  	_ =	shalt  }
0x43: {  	_ =	shalt  }
0x44: {  	_ =	shalt  }
0x45: {  	_ =	shalt  }
0x46: {  	_ =	shalt  }
0x47: {  	_ =	shalt  }
0x48: {  	_ =	shalt  }
0x49: {  	_ =	shalt  }
0x4a: {  	_ =	shalt  }
0x4b: {  	_ =	shalt  }
0x4c: {  	_ =	shalt  }
0x4d: {  	_ =	shalt  }
0x4e: {  	_ =	shalt  }
0x4f: {  	_ =	shalt  }
0x50: {  	_ =	shalt  }
0x51: {  	_ =	shalt  }
0x52: {  	_ =	shalt  }
0x53: {  	_ =	shalt  }
0x54: {  	_ =	shalt  }
0x55: {  	_ =	shalt  }
0x56: {  	_ =	shalt  }
0x57: {  	_ =	shalt  }
0x58: {  	_ =	shalt  }
0x59: {  	_ =	shalt  }
0x5a: {  	_ =	shalt  }
0x5b: {  	_ =	shalt  }
0x5c: {  	_ =	shalt  }
0x5d: {  	_ =	shalt  }
0x5e: {  	_ =	shalt  }
0x5f: {  	_ =	shalt  }
0x60: {  	_ =	shalt  }
0x61: {  	_ =	shalt  }
0x62: {  	_ =	shalt  }
0x63: {  	_ =	shalt  }
0x64: {  	_ =	shalt  }
0x65: {  	_ =	shalt  }
0x66: {  	_ =	shalt  }
0x67: {  	_ =	shalt  }
0x68: {  	_ =	shalt  }
0x69: {  	_ =	shalt  }
0x6a: {  	_ =	shalt  }
0x6b: {  	_ =	shalt  }
0x6c: {  	_ =	shalt  }
0x6d: {  	_ =	shalt  }
0x6e: {  	_ =	shalt  }
0x6f: {  	_ =	shalt  }
0x70: {  	_ =	shalt  }
0x71: {  	_ =	shalt  }
0x72: {  	_ =	shalt  }
0x73: {  	_ =	shalt  }
0x74: {  	_ =	shalt  }
0x75: {  	_ =	shalt  }
0x76: {  	_ =	shalt  }
0x77: {  	_ =	shalt  }
0x78: {  	_ =	shalt  }
0x79: {  	_ =	shalt  }
0x7a: {  	_ =	shalt  }
0x7b: {  	_ =	shalt  }
0x7c: {  	_ =	shalt  }
0x7d: {  	_ =	shalt  }
0x7e: {  	_ =	shalt  }
0x7f: {  	_ =	shalt  }
0x80: {  	_ =	shalt  }
0x81: {  	_ =	shalt  }
0x82: {  	_ =	shalt  }
0x83: {  	_ =	shalt  }
0x84: {  	_ =	shalt  }
0x85: {  	_ =	shalt  }
0x86: {  	_ =	shalt  }
0x87: {  	_ =	shalt  }
.Lfunc_end0:
.L_simem_size_0:
called_computation.2_lowered:
.L_overlay_start_0:
0x88: {  	s2 =	sld [smem:$0x3FD9]  }
0x89: {  	s3 =	sld [smem:$0x3FFE];
	_ =	sdelay $0x1  }
0x8a: {  	s1 =	srdreg.scid  }
0x8b: {  	s0 =	sand.u32 $0x1, s1  }
0x8c: {  	s17 =	sshll.u32 s0, $0xA;
	s2 =	sadd.s32 s3, s2  }
0x8d: {  	s2 =	sadd.s32 s2, s17  }
0x8e: {  	[smem:$0x3FC6] =	sst s2  }
0x8f: {  	_ = 	snop  }
0x90: {  	s2 =	sld [smem:$0x3FC9];
	(tm) =	ssettm $0x1  }
0x91: {  	s18 =	sld [smem:$0x3FFB];
	_ =	sdelay $0x3  }
0x92: {  	_ =	strace s18  }
0x93: {  	s3 =	sld [smem:$0x3FFC];
	_ =	sdelay $0x3  }
0x94: {  	_ =	strace s3  }
0x95: {  	s3 =	sld [smem:$0x3FFD];
	_ =	sdelay $0x3  }
0x96: {  	_ =	strace s3  }
0x97: {  	_ =	strace $0x8FFFFFFF  }
0x98: {  	s19 =	sld [smem:$0x3FDB];
	_ =	sdelay $0x1  }
0x99: {  	s4 =	simm.s32 $_scs_section_size  }
0x9a: {  	s5 =	simm.s32 $_size__tile_overlayer_lowered;
	s6 =	simm.s32 $_tile_overlayer_lowered  }
0x9b: {  	s22 =	simm.s32 $0x1BFF;
	s21 =	sshll.u32 s6, $0x1;
	s3 =	sadd.s32 s4, s19  }
0x9c: {  	s7 =	simm.s32 $0x0;
	s20 =	sshll.u32 s5, $0x1;
	s5 =	sadd.s32 s21, s3  }
0x9d: {  	[timem:s7], [sflag:s22] =	dma.local [hbm:s5], s20  }
0x9e: {  	_ =	swait.ge [sflag:s22], s20  }
0x9f: {  	s4 =	ssub.s32 $0x0, s20;
	[sflag:s22] =	ssyncset.done $0x0  }
0xa0: {  	[sflag:s22] =	ssyncadd.s32 s4;
	_ =	sdelay $0x1  }
0xa1: {  	s23 =	simm.s32 $0x1B8B  }
0xa2: {  	_ =	swait.ge [sflag:s23], $0x1  }
0xa3: {  	[sflag:s23] =	ssyncset.done $0x0  }
0xa4: {  	s25 =	simm.s32 $0x1B8E;
	s24 =	sld [smem:$0x3FFE];
	[sflag:s23] =	ssyncadd.s32 $0xFFFFFFFF  }
0xa5: {  	s26 =	simm.s32 $execute0_lowered;
	[smem:$0x3FD2] =	sst s25  }
0xa6: {  	s5 =	sshll.u32 s26, $0x1;
	_ =	strace $0x80000049;
	[dreg:$0x1] =	wrdreg $0xFFFFFFFF  }
0xa7: {  	s28 =	simm.s32 $_size_execute0_lowered;
	s3 =	sadd.s32 s3, s5;
	[dreg:$0x0] =	wrdreg $0x0  }
0xa8: {  	s5 =	sshll.u32 s28, $0x1;
	[dreg:$0x2] =	wrdreg s3  }
0xa9: {  	[dreg:$0x3] =	wrdreg s5  }
0xaa: {  	[dreg:$0x4] =	wrdreg $0xC0  }
0xab: {  	_ =	task [dreg:s7], $0x5FFFF  }
0xac: {  	[dreg:$0x1] =	wrdreg $0xFFFFFFFF  }
0xad: {  	[dreg:$0x0] =	wrdreg $0x60  }
0xae: {  	[dreg:$0x2] =	wrdreg s2  }
0xaf: {  	[dreg:$0x3] =	wrdreg s24  }
0xb0: {  	[dreg:$0x4] =	wrdreg $0x9  }
0xb1: {  	_ =	task.clear_ibuf [dreg:s7], $0x5FFFF;
	_ =	strace $0x90000049  }
0xb2: {  	s29 =	simm.s32 $0x9;
	_ =	strace $0x8000004B  }
0xb3: {  	_ =	swait.ge [sflag:s29], $0x1  }
0xb4: {  	[sflag:s29] =	ssyncadd.s32 $0xFFFFFFFF  }
0xb5: {  	_ =	strace $0x9000004B  }
0xb6: {  	_ =	sfence  }
0xb7: {  	s30 =	sld [smem:$0x0];
	_ =	sdelay $0x2  }
0xb8: {  	s31 =	sshll.u32 s1, $0xD;
	s1 =	sshrl.u32 s1, $0x2  }
0xb9: {  	s3 =	sand.u32 $0x4000, s31;
	s1 =	sadd.s32 s1, s30  }
0xba: {  	s0 =	sor.u32 s3, s0;
	s1 =	sshll.u32 s1, $0x11  }
0xbb: {  	s0 =	sor.u32 s1, s0  }
0xbc: {  	s0 =	sadd.s32 $0x8F2B, s0  }
0xbd: {  	[sflag:s0] =	ssyncadd.remote.s32 $0x1  }
0xbe: {  	_ =	sfence.sel $0xFFFF  }
0xbf: {  	[dreg:$0x0] =	wrdreg $0xFFFFFFFF;
	(pc) =	sbr.abs _section_cstart, $3  }
0xc0: {  	[dreg:$0x1] =	wrdreg $0xFFFFFFFF  }
0xc1: {  	_ =	task.clear_ibuf [dreg:s7], $0x2FFFF;
	_ =	strace $0x9FFFFFFF  }
0xc2: {  	(tm) =	ssettm $0x7FFFFFFF  }
0xc3: {  	_ =	shalt  }
tec
execute0_lowered:
.L_overlay_start_1:
0x0: {  	(tag) =	ssettag $0x1  }
0x1: {  	s0 =	rddreg [dreg:$0x1];
	s3 =	simm.s32 $0x0  }
0x2: {  	s1 =	srdreg.scid;
	s2 =	stileid.u32;
	s10 =	simm.s32 $0x3  }
0x3: {  	s11 =	simm.s32 $0x80;
	s13 =	simm.s32 $0x3000;
	s15 =	simm.s32 $0x4000  }
0x4: {  	s17 =	simm.s32 $0x5000;
	s19 =	simm.s32 $0x6000;
	s21 =	simm.s32 $0x7000  }
0x5: {  	s23 =	simm.s32 $0x8000;
	s25 =	simm.s32 $0x9000;
	s28 =	simm.s32 $0xA000  }
0x6: {  	s29 =	simm.s32 $0x1;
	s30 =	simm.s32 $0x20;
	s31 =	simm.s32 $0x1900  }
0x7: {  	s4 =	simm.s32 $0xB000;
	s12 =	simm.s32 $0xD000;
	s16 =	simm.s32 $0xE000  }
0x8: {  	s20 =	simm.s32 $0xF000;
	s24 =	simm.s32 $0x10000;
	[smem:$0x7FF] =	sst s3  }
0x9: {  	s1 =	sand.u32 $0x1, s1;
	s5 =	sadd.s32 $0x3D1600, s0;
	s0 =	sadd.s32 $0xC00, s0  }
0xa: {  	_ =	strace $0x8000004A;
	[dreg:$0x4] =	wrdreg s1;
	s1 =	ssub.s32 $0x2, s1  }
0xb: {  	p0 =	sgt.u32 s2, $0x3;
	s2 =	sshll.u32 s2, $0x1;
	s26 =	sshrl.u32 s1, $0x1  }
0xc: {  	[dreg:$0x5] =	wrdreg s0;
	s0 =	ssub.s32 s1, s26;
	s1 =	simm.s32 $0x6  }
0xd: {  	s14 =	simm.s32 $0x2;
	[dreg:$0x7] =	wrdreg s2;
	s1 =	simm.s32 @!p0 $0x7  }
0xe: {  	s2 =	simm.s32 $0xC000;
	s0 =	smax.u32 s0, $0x1;
	[dreg:$0x6] =	wrdreg s1  }
0xf: {  	[dreg:$0x8] =	wrdreg s0;
	s0 =	simm.s32 $0x11000;
	s1 =	simm.s32 $0x12000  }
.LBB2_1:
0x10: {  	[dreg:$0x3] =	wrdreg s3;
	s18 =	simm.s32 $0x0  }
.LBB2_2:
0x11: {  	s3 =	sshll.u32 s18, $0x5;
	s6 =	rddreg [dreg:$0x7]  }
0x12: {  	s22 =	rddreg [dreg:$0x4];
	s3 =	sor.u32 s3, s6  }
0x13: {  	s22 =	sor.u32 s22, s3  }
0x14: {  	s26 =	rddreg [dreg:$0x0];
	s3 =	sshll.u32 s22, $0xA  }
0x15: {  	s3 =	sadd.s32 s26, s3;
	s26 =	simm.s32 $0x0  }
0x16: {  	[tilespmem:s26], [sflag:$0x3] =	stream.linear.gather [hbm4b:s3+s26], $0x2000, $0x38;
	[tilespmem:$0x13000] =	vst v63  }
0x17: {  	s6 =	simm.s32 $0x0;
	_ =	swait.ge [sflag:s10], $0x2000  }
0x18: {  	s3 =	sand.u32 $0x60, s6;
	s7 =	sand.u32 $0x1F00, s26;
	[sflag:s10] =	ssyncset.done $0x0  }
0x19: {  	s3 =	sor.u32 s3, s7;
	[sflag:s10] =	ssyncadd.s32 $0xFFFFE000  }
0x1a: {  	v0 =	vld [tilespmem:s3+$0x0];
	_ =	sdelay $0x1  }
0x1b: {  	v1 =	vld [tilespmem:s3+$0x80];
	_ =	sdelay $0x2  }
0x1c: {  	v0 =	vmul.f32 $3.906250000e-03, v0;
	_ =	sdelay $0x1  }
0x1d: {  	v1 =	vmul.f32 $3.906250000e-03, v1;
	v0 =	vtrunc.f32 v0  }
0x1e: {  	v0 =	vcvt.f32.s32 v0  }
0x1f: {  	v1 =	vtrunc.f32 v1  }
0x20: {  	v1 =	vcvt.f32.s32 v1;
	v0 =	vmul.u32 $0x3E8, v0;
	_ =	sdelay $0x1  }
0x21: {  	v0 =	vadd.s32 v1, v0  }
0x22: {  	vm0 =	vgt.s32 v0, $0x0  }
0x23: {  	s8 =	simm.s32 $0x10;
	v0 =	vnsel vm0, $0x0, v0  }
0x24: {  	s9 =	simm.s32 $0x2010;
	s3 =	sand.u32 $0x70, s8;
	v0 =	vmin.u32 v0, $0xF423F  }
0x25: {  	s3 =	sor.u32 s3, s7;
	[tilespmem:s9+$0xFFFFFFF0] =	vst v0  }
0x26: {  	v0 =	vld [tilespmem:s3+$0x0];
	_ =	sdelay $0x1  }
0x27: {  	v1 =	vld [tilespmem:s3+$0x80];
	_ =	sdelay $0x2  }
0x28: {  	v0 =	vmul.f32 $3.906250000e-03, v0;
	_ =	sdelay $0x1  }
0x29: {  	v1 =	vmul.f32 $3.906250000e-03, v1;
	v0 =	vtrunc.f32 v0  }
0x2a: {  	v0 =	vcvt.f32.s32 v0  }
0x2b: {  	v1 =	vtrunc.f32 v1  }
0x2c: {  	v1 =	vcvt.f32.s32 v1;
	v0 =	vmul.u32 $0x3E8, v0;
	_ =	sdelay $0x1  }
0x2d: {  	v0 =	vadd.s32 v1, v0  }
0x2e: {  	s6 =	simm.s32 $0x30;
	s3 =	simm.s32 $0x0;
	vm0 =	vgt.s32 v0, $0x0  }
.LBB2_3:
0x2f: {  	s7 =	sadd.s32 $0xFFFFFFF0, s6;
	s3 =	sadd.s32 $0x2, s3;
	v0 =	vnsel vm0, $0x0, v0;
	s26 =	sadd.s32 $0x40, s26  }
0x30: {  	s7 =	sand.u32 $0x60, s7;
	s8 =	sand.u32 $0x1F00, s26;
	p0 =	slt.u32 s3, $0xFE;
	v0 =	vmin.u32 v0, $0xF423F  }
0x31: {  	s7 =	sor.u32 s7, s8;
	[tilespmem:s9+$0x0] =	vst v0  }
0x32: {  	v0 =	vld [tilespmem:s7+$0x0]  }
0x33: {  	v1 =	vld [tilespmem:s7+$0x80];
	_ =	sdelay $0x3  }
0x34: {  	v0 =	vmul.f32 $3.906250000e-03, v0;
	_ =	sdelay $0x1  }
0x35: {  	v1 =	vmul.f32 $3.906250000e-03, v1;
	v0 =	vtrunc.f32 v0  }
0x36: {  	v0 =	vcvt.f32.s32 v0  }
0x37: {  	v1 =	vtrunc.f32 v1  }
0x38: {  	v1 =	vcvt.f32.s32 v1;
	v0 =	vmul.u32 $0x3E8, v0;
	_ =	sdelay $0x1  }
0x39: {  	v0 =	vadd.s32 v1, v0  }
0x3a: {  	vm0 =	vgt.s32 v0, $0x0  }
0x3b: {  	v0 =	vnsel vm0, $0x0, v0  }
0x3c: {  	s9 =	sadd.s32 $0x20, s9;
	s7 =	sand.u32 $0x70, s6;
	v0 =	vmin.u32 v0, $0xF423F  }
0x3d: {  	s7 =	sor.u32 s7, s8;
	[tilespmem:s9+$0xFFFFFFF0] =	vst v0  }
0x3e: {  	v0 =	vld [tilespmem:s7+$0x0]  }
0x3f: {  	v1 =	vld [tilespmem:s7+$0x80];
	_ =	sdelay $0x3  }
0x40: {  	v0 =	vmul.f32 $3.906250000e-03, v0;
	_ =	sdelay $0x1  }
0x41: {  	v1 =	vmul.f32 $3.906250000e-03, v1;
	v0 =	vtrunc.f32 v0  }
0x42: {  	v0 =	vcvt.f32.s32 v0  }
.Ltmp0:
0x43: {  	v1 =	vtrunc.f32 v1;
	(pc) =	sbr.rel @p0 .LBB2_3-.Ltmp0, $3  }
0x44: {  	v1 =	vcvt.f32.s32 v1;
	v0 =	vmul.u32 $0x3E8, v0;
	_ =	sdelay $0x1  }
0x45: {  	v0 =	vadd.s32 v1, v0  }
0x46: {  	s6 =	sadd.s32 $0x20, s6;
	vm0 =	vgt.s32 v0, $0x0  }
0x47: {  	v0 =	vnsel vm0, $0x0, v0  }
0x48: {  	v0 =	vmin.u32 v0, $0xF423F  }
0x49: {  	s3 =	simm.s32 $0x2000;
	[tilespmem:s9+$0x0] =	vst v0  }
0x4a: {  	[tilespmem:s13], [sflag:$0x1] =	stream.indirect.gather [hbm4b:s5+s11], $0x20, s3, s11, $0xb8;
	[tilespmem:$0x13000] =	vst v63  }
0x4b: {  	s9 =	simm.s32 $0x2080  }
0x4c: {  	[tilespmem:s15], [sflag:$0x1] =	stream.indirect.gather [hbm4b:s5+s11], $0x20, s9, s11, $0xb8;
	[tilespmem:$0x13000] =	vst v63  }
0x4d: {  	s26 =	simm.s32 $0x2100  }
0x4e: {  	[tilespmem:s17], [sflag:$0x1] =	stream.indirect.gather [hbm4b:s5+s11], $0x20, s26, s11, $0xb8;
	[tilespmem:$0x13000] =	vst v63  }
0x4f: {  	s6 =	simm.s32 $0x2180  }
0x50: {  	[tilespmem:s19], [sflag:$0x1] =	stream.indirect.gather [hbm4b:s5+s11], $0x20, s6, s11, $0xb8;
	[tilespmem:$0x13000] =	vst v63  }
0x51: {  	s7 =	simm.s32 $0x2200  }
0x52: {  	[tilespmem:s21], [sflag:$0x1] =	stream.indirect.gather [hbm4b:s5+s11], $0x20, s7, s11, $0xb8;
	[tilespmem:$0x13000] =	vst v63  }
0x53: {  	s8 =	simm.s32 $0x2280  }
0x54: {  	[tilespmem:s23], [sflag:$0x1] =	stream.indirect.gather [hbm4b:s5+s11], $0x20, s8, s11, $0xb8;
	[tilespmem:$0x13000] =	vst v63  }
0x55: {  	s9 =	simm.s32 $0x2300  }
0x56: {  	[tilespmem:s25], [sflag:$0x1] =	stream.indirect.gather [hbm4b:s5+s11], $0x20, s9, s11, $0xb8;
	[tilespmem:$0x13000] =	vst v63  }
0x57: {  	s26 =	simm.s32 $0x2380  }
0x58: {  	[tilespmem:s28], [sflag:$0x1] =	stream.indirect.gather [hbm4b:s5+s11], $0x20, s26, s11, $0xb8;
	[tilespmem:$0x13000] =	vst v63  }
0x59: {  	_ =	swait.ge [sflag:s29], $0x1000  }
0x5a: {  	[sflag:s29] =	ssyncset.done $0x0  }
0x5b: {  	[sflag:s29] =	ssyncadd.s32 $0xFFFFF000  }
0x5c: {  	_ =	swait.ge [sflag:s29], $0x1000  }
0x5d: {  	[sflag:s29] =	ssyncset.done $0x0  }
0x5e: {  	[sflag:s29] =	ssyncadd.s32 $0xFFFFF000  }
0x5f: {  	_ =	swait.ge [sflag:s29], $0x1000  }
0x60: {  	[sflag:s29] =	ssyncset.done $0x0  }
0x61: {  	[sflag:s29] =	ssyncadd.s32 $0xFFFFF000  }
0x62: {  	_ =	swait.ge [sflag:s29], $0x1000  }
0x63: {  	[sflag:s29] =	ssyncset.done $0x0  }
0x64: {  	[sflag:s29] =	ssyncadd.s32 $0xFFFFF000  }
0x65: {  	_ =	swait.ge [sflag:s29], $0x1000  }
0x66: {  	[sflag:s29] =	ssyncset.done $0x0  }
0x67: {  	[sflag:s29] =	ssyncadd.s32 $0xFFFFF000  }
0x68: {  	_ =	swait.ge [sflag:s29], $0x1000  }
0x69: {  	[sflag:s29] =	ssyncset.done $0x0  }
0x6a: {  	[sflag:s29] =	ssyncadd.s32 $0xFFFFF000  }
0x6b: {  	_ =	swait.ge [sflag:s29], $0x1000  }
0x6c: {  	[sflag:s29] =	ssyncset.done $0x0  }
0x6d: {  	[sflag:s29] =	ssyncadd.s32 $0xFFFFF000  }
0x6e: {  	s6 =	sshll.u32 s22, $0x2;
	_ =	swait.ge [sflag:s29], $0x1000  }
0x6f: {  	s3 =	sand.u32 $0xFFFFFFC, s6;
	[sflag:s29] =	ssyncset.done $0x0;
	s6 =	rddreg [dreg:$0x5]  }
0x70: {  	[sflag:s29] =	ssyncadd.s32 $0xFFFFF000;
	s22 =	sadd.s32 s6, s3  }
0x71: {  	[hbm4b:s22+s30] =	stream.strided.scatter [tilespmem:s13], [sflag:$0x2], $0x1000, s31, s30, $0x38;
	[tilespmem:$0x13000] =	vst v63  }
0x72: {  	s3 =	sadd.s32 $0x19000, s22  }
0x73: {  	[hbm4b:s3+s30] =	stream.strided.scatter [tilespmem:s15], [sflag:$0x2], $0x1000, s31, s30, $0x38;
	[tilespmem:$0x13000] =	vst v63  }
0x74: {  	s7 =	sadd.s32 $0x32000, s22  }
0x75: {  	[hbm4b:s7+s30] =	stream.strided.scatter [tilespmem:s17], [sflag:$0x2], $0x1000, s31, s30, $0x38;
	[tilespmem:$0x13000] =	vst v63  }
0x76: {  	s8 =	sadd.s32 $0x4B000, s22  }
0x77: {  	[hbm4b:s8+s30] =	stream.strided.scatter [tilespmem:s19], [sflag:$0x2], $0x1000, s31, s30, $0x38;
	[tilespmem:$0x13000] =	vst v63  }
0x78: {  	s9 =	sadd.s32 $0x64000, s22  }
0x79: {  	[hbm4b:s9+s30] =	stream.strided.scatter [tilespmem:s21], [sflag:$0x2], $0x1000, s31, s30, $0x38;
	[tilespmem:$0x13000] =	vst v63  }
0x7a: {  	s26 =	sadd.s32 $0x7D000, s22  }
0x7b: {  	[hbm4b:s26+s30] =	stream.strided.scatter [tilespmem:s23], [sflag:$0x2], $0x1000, s31, s30, $0x38;
	[tilespmem:$0x13000] =	vst v63  }
0x7c: {  	s6 =	sadd.s32 $0x96000, s22  }
0x7d: {  	[hbm4b:s6+s30] =	stream.strided.scatter [tilespmem:s25], [sflag:$0x2], $0x1000, s31, s30, $0x38;
	[tilespmem:$0x13000] =	vst v63  }
0x7e: {  	s7 =	sadd.s32 $0xAF000, s22  }
0x7f: {  	[hbm4b:s7+s30] =	stream.strided.scatter [tilespmem:s28], [sflag:$0x2], $0x1000, s31, s30, $0x38;
	[tilespmem:$0x13000] =	vst v63  }
0x80: {  	s8 =	simm.s32 $0x2400  }
0x81: {  	[tilespmem:s4], [sflag:$0x1] =	stream.indirect.gather [hbm4b:s5+s11], $0x20, s8, s11, $0xb8;
	[tilespmem:$0x13000] =	vst v63  }
0x82: {  	s9 =	simm.s32 $0x2480  }
0x83: {  	[tilespmem:s2], [sflag:$0x1] =	stream.indirect.gather [hbm4b:s5+s11], $0x20, s9, s11, $0xb8;
	[tilespmem:$0x13000] =	vst v63  }
0x84: {  	s26 =	simm.s32 $0x2500  }
0x85: {  	[tilespmem:s12], [sflag:$0x1] =	stream.indirect.gather [hbm4b:s5+s11], $0x20, s26, s11, $0xb8;
	[tilespmem:$0x13000] =	vst v63  }
0x86: {  	s6 =	simm.s32 $0x2580  }
0x87: {  	[tilespmem:s16], [sflag:$0x1] =	stream.indirect.gather [hbm4b:s5+s11], $0x20, s6, s11, $0xb8;
	[tilespmem:$0x13000] =	vst v63  }
0x88: {  	s7 =	simm.s32 $0x2600  }
0x89: {  	[tilespmem:s20], [sflag:$0x1] =	stream.indirect.gather [hbm4b:s5+s11], $0x20, s7, s11, $0xb8;
	[tilespmem:$0x13000] =	vst v63  }
0x8a: {  	s8 =	simm.s32 $0x2680  }
0x8b: {  	[tilespmem:s24], [sflag:$0x1] =	stream.indirect.gather [hbm4b:s5+s11], $0x20, s8, s11, $0xb8;
	[tilespmem:$0x13000] =	vst v63  }
0x8c: {  	s9 =	simm.s32 $0x2700  }
0x8d: {  	[tilespmem:s0], [sflag:$0x1] =	stream.indirect.gather [hbm4b:s5+s11], $0x20, s9, s11, $0xb8;
	[tilespmem:$0x13000] =	vst v63  }
0x8e: {  	s26 =	simm.s32 $0x2780  }
0x8f: {  	[tilespmem:s1], [sflag:$0x1] =	stream.indirect.gather [hbm4b:s5+s11], $0x20, s26, s11, $0xb8;
	[tilespmem:$0x13000] =	vst v63  }
0x90: {  	_ =	swait.ge [sflag:s29], $0x1000  }
0x91: {  	[sflag:s29] =	ssyncset.done $0x0  }
0x92: {  	[sflag:s29] =	ssyncadd.s32 $0xFFFFF000  }
0x93: {  	_ =	swait.ge [sflag:s29], $0x1000  }
0x94: {  	[sflag:s29] =	ssyncset.done $0x0  }
0x95: {  	[sflag:s29] =	ssyncadd.s32 $0xFFFFF000  }
0x96: {  	_ =	swait.ge [sflag:s29], $0x1000  }
0x97: {  	[sflag:s29] =	ssyncset.done $0x0  }
0x98: {  	[sflag:s29] =	ssyncadd.s32 $0xFFFFF000  }
0x99: {  	_ =	swait.ge [sflag:s29], $0x1000  }
0x9a: {  	[sflag:s29] =	ssyncset.done $0x0  }
0x9b: {  	[sflag:s29] =	ssyncadd.s32 $0xFFFFF000  }
0x9c: {  	_ =	swait.ge [sflag:s29], $0x1000  }
0x9d: {  	[sflag:s29] =	ssyncset.done $0x0  }
0x9e: {  	[sflag:s29] =	ssyncadd.s32 $0xFFFFF000  }
0x9f: {  	_ =	swait.ge [sflag:s29], $0x1000  }
0xa0: {  	[sflag:s29] =	ssyncset.done $0x0  }
0xa1: {  	[sflag:s29] =	ssyncadd.s32 $0xFFFFF000  }
0xa2: {  	_ =	swait.ge [sflag:s29], $0x1000  }
0xa3: {  	[sflag:s29] =	ssyncset.done $0x0  }
0xa4: {  	[sflag:s29] =	ssyncadd.s32 $0xFFFFF000  }
0xa5: {  	_ =	swait.ge [sflag:s29], $0x1000  }
0xa6: {  	[sflag:s29] =	ssyncset.done $0x0  }
0xa7: {  	s6 =	sadd.s32 $0xC8000, s22;
	[sflag:s29] =	ssyncadd.s32 $0xFFFFF000  }
0xa8: {  	[hbm4b:s6+s30] =	stream.strided.scatter [tilespmem:s4], [sflag:$0x2], $0x1000, s31, s30, $0x38;
	[tilespmem:$0x13000] =	vst v63  }
0xa9: {  	s7 =	sadd.s32 $0xE1000, s22  }
0xaa: {  	[hbm4b:s7+s30] =	stream.strided.scatter [tilespmem:s2], [sflag:$0x2], $0x1000, s31, s30, $0x38;
	[tilespmem:$0x13000] =	vst v63  }
0xab: {  	s8 =	sadd.s32 $0xFA000, s22  }
0xac: {  	[hbm4b:s8+s30] =	stream.strided.scatter [tilespmem:s12], [sflag:$0x2], $0x1000, s31, s30, $0x38;
	[tilespmem:$0x13000] =	vst v63  }
0xad: {  	s9 =	sadd.s32 $0x113000, s22  }
0xae: {  	[hbm4b:s9+s30] =	stream.strided.scatter [tilespmem:s16], [sflag:$0x2], $0x1000, s31, s30, $0x38;
	[tilespmem:$0x13000] =	vst v63  }
0xaf: {  	s26 =	sadd.s32 $0x12C000, s22  }
0xb0: {  	[hbm4b:s26+s30] =	stream.strided.scatter [tilespmem:s20], [sflag:$0x2], $0x1000, s31, s30, $0x38;
	[tilespmem:$0x13000] =	vst v63  }
0xb1: {  	s6 =	sadd.s32 $0x145000, s22  }
0xb2: {  	[hbm4b:s6+s30] =	stream.strided.scatter [tilespmem:s24], [sflag:$0x2], $0x1000, s31, s30, $0x38;
	[tilespmem:$0x13000] =	vst v63  }
0xb3: {  	s7 =	sadd.s32 $0x15E000, s22  }
0xb4: {  	[hbm4b:s7+s30] =	stream.strided.scatter [tilespmem:s0], [sflag:$0x2], $0x1000, s31, s30, $0x38;
	[tilespmem:$0x13000] =	vst v63  }
0xb5: {  	s8 =	sadd.s32 $0x177000, s22  }
0xb6: {  	[hbm4b:s8+s30] =	stream.strided.scatter [tilespmem:s1], [sflag:$0x2], $0x1000, s31, s30, $0x38;
	[tilespmem:$0x13000] =	vst v63  }
0xb7: {  	_ =	swait.ge [sflag:s14], $0x1000  }
0xb8: {  	[sflag:s14] =	ssyncset.done $0x0  }
0xb9: {  	[sflag:s14] =	ssyncadd.s32 $0xFFFFF000  }
0xba: {  	_ =	swait.ge [sflag:s14], $0x1000  }
0xbb: {  	[sflag:s14] =	ssyncset.done $0x0  }
0xbc: {  	[sflag:s14] =	ssyncadd.s32 $0xFFFFF000  }
0xbd: {  	_ =	swait.ge [sflag:s14], $0x1000  }
0xbe: {  	[sflag:s14] =	ssyncset.done $0x0  }
0xbf: {  	[sflag:s14] =	ssyncadd.s32 $0xFFFFF000  }
0xc0: {  	_ =	swait.ge [sflag:s14], $0x1000  }
0xc1: {  	[sflag:s14] =	ssyncset.done $0x0  }
0xc2: {  	[sflag:s14] =	ssyncadd.s32 $0xFFFFF000  }
0xc3: {  	_ =	swait.ge [sflag:s14], $0x1000  }
0xc4: {  	[sflag:s14] =	ssyncset.done $0x0  }
0xc5: {  	[sflag:s14] =	ssyncadd.s32 $0xFFFFF000  }
0xc6: {  	_ =	swait.ge [sflag:s14], $0x1000  }
0xc7: {  	[sflag:s14] =	ssyncset.done $0x0  }
0xc8: {  	[sflag:s14] =	ssyncadd.s32 $0xFFFFF000  }
0xc9: {  	_ =	swait.ge [sflag:s14], $0x1000  }
0xca: {  	[sflag:s14] =	ssyncset.done $0x0  }
0xcb: {  	[sflag:s14] =	ssyncadd.s32 $0xFFFFF000  }
0xcc: {  	_ =	swait.ge [sflag:s14], $0x1000  }
0xcd: {  	[sflag:s14] =	ssyncset.done $0x0  }
0xce: {  	s9 =	simm.s32 $0x2800;
	[sflag:s14] =	ssyncadd.s32 $0xFFFFF000  }
0xcf: {  	[tilespmem:s13], [sflag:$0x1] =	stream.indirect.gather [hbm4b:s5+s11], $0x20, s9, s11, $0xb8;
	[tilespmem:$0x13000] =	vst v63  }
0xd0: {  	s26 =	simm.s32 $0x2880  }
0xd1: {  	[tilespmem:s15], [sflag:$0x1] =	stream.indirect.gather [hbm4b:s5+s11], $0x20, s26, s11, $0xb8;
	[tilespmem:$0x13000] =	vst v63  }
0xd2: {  	s6 =	simm.s32 $0x2900  }
0xd3: {  	[tilespmem:s17], [sflag:$0x1] =	stream.indirect.gather [hbm4b:s5+s11], $0x20, s6, s11, $0xb8;
	[tilespmem:$0x13000] =	vst v63  }
0xd4: {  	s7 =	simm.s32 $0x2980  }
0xd5: {  	[tilespmem:s19], [sflag:$0x1] =	stream.indirect.gather [hbm4b:s5+s11], $0x20, s7, s11, $0xb8;
	[tilespmem:$0x13000] =	vst v63  }
0xd6: {  	s8 =	simm.s32 $0x2A00  }
0xd7: {  	[tilespmem:s21], [sflag:$0x1] =	stream.indirect.gather [hbm4b:s5+s11], $0x20, s8, s11, $0xb8;
	[tilespmem:$0x13000] =	vst v63  }
0xd8: {  	s9 =	simm.s32 $0x2A80  }
0xd9: {  	[tilespmem:s23], [sflag:$0x1] =	stream.indirect.gather [hbm4b:s5+s11], $0x20, s9, s11, $0xb8;
	[tilespmem:$0x13000] =	vst v63  }
0xda: {  	s26 =	simm.s32 $0x2B00  }
0xdb: {  	[tilespmem:s25], [sflag:$0x1] =	stream.indirect.gather [hbm4b:s5+s11], $0x20, s26, s11, $0xb8;
	[tilespmem:$0x13000] =	vst v63  }
0xdc: {  	s6 =	simm.s32 $0x2B80  }
0xdd: {  	[tilespmem:s28], [sflag:$0x1] =	stream.indirect.gather [hbm4b:s5+s11], $0x20, s6, s11, $0xb8;
	[tilespmem:$0x13000] =	vst v63  }
0xde: {  	_ =	swait.ge [sflag:s29], $0x1000  }
0xdf: {  	[sflag:s29] =	ssyncset.done $0x0  }
0xe0: {  	[sflag:s29] =	ssyncadd.s32 $0xFFFFF000  }
0xe1: {  	_ =	swait.ge [sflag:s29], $0x1000  }
0xe2: {  	[sflag:s29] =	ssyncset.done $0x0  }
0xe3: {  	[sflag:s29] =	ssyncadd.s32 $0xFFFFF000  }
0xe4: {  	_ =	swait.ge [sflag:s29], $0x1000  }
0xe5: {  	[sflag:s29] =	ssyncset.done $0x0  }
0xe6: {  	[sflag:s29] =	ssyncadd.s32 $0xFFFFF000  }
0xe7: {  	_ =	swait.ge [sflag:s29], $0x1000  }
0xe8: {  	[sflag:s29] =	ssyncset.done $0x0  }
0xe9: {  	[sflag:s29] =	ssyncadd.s32 $0xFFFFF000  }
0xea: {  	_ =	swait.ge [sflag:s29], $0x1000  }
0xeb: {  	[sflag:s29] =	ssyncset.done $0x0  }
0xec: {  	[sflag:s29] =	ssyncadd.s32 $0xFFFFF000  }
0xed: {  	_ =	swait.ge [sflag:s29], $0x1000  }
0xee: {  	[sflag:s29] =	ssyncset.done $0x0  }
0xef: {  	[sflag:s29] =	ssyncadd.s32 $0xFFFFF000  }
0xf0: {  	_ =	swait.ge [sflag:s29], $0x1000  }
0xf1: {  	[sflag:s29] =	ssyncset.done $0x0  }
0xf2: {  	[sflag:s29] =	ssyncadd.s32 $0xFFFFF000  }
0xf3: {  	_ =	swait.ge [sflag:s29], $0x1000  }
0xf4: {  	[sflag:s29] =	ssyncset.done $0x0  }
0xf5: {  	s7 =	sadd.s32 $0x190000, s22;
	[sflag:s29] =	ssyncadd.s32 $0xFFFFF000  }
0xf6: {  	[hbm4b:s7+s30] =	stream.strided.scatter [tilespmem:s13], [sflag:$0x2], $0x1000, s31, s30, $0x38;
	[tilespmem:$0x13000] =	vst v63  }
0xf7: {  	s8 =	sadd.s32 $0x1A9000, s22  }
0xf8: {  	[hbm4b:s8+s30] =	stream.strided.scatter [tilespmem:s15], [sflag:$0x2], $0x1000, s31, s30, $0x38;
	[tilespmem:$0x13000] =	vst v63  }
0xf9: {  	s9 =	sadd.s32 $0x1C2000, s22  }
0xfa: {  	[hbm4b:s9+s30] =	stream.strided.scatter [tilespmem:s17], [sflag:$0x2], $0x1000, s31, s30, $0x38;
	[tilespmem:$0x13000] =	vst v63  }
0xfb: {  	s26 =	sadd.s32 $0x1DB000, s22  }
0xfc: {  	[hbm4b:s26+s30] =	stream.strided.scatter [tilespmem:s19], [sflag:$0x2], $0x1000, s31, s30, $0x38;
	[tilespmem:$0x13000] =	vst v63  }
0xfd: {  	s6 =	sadd.s32 $0x1F4000, s22  }
0xfe: {  	[hbm4b:s6+s30] =	stream.strided.scatter [tilespmem:s21], [sflag:$0x2], $0x1000, s31, s30, $0x38;
	[tilespmem:$0x13000] =	vst v63  }
0xff: {  	s7 =	sadd.s32 $0x20D000, s22  }
0x100: {  	[hbm4b:s7+s30] =	stream.strided.scatter [tilespmem:s23], [sflag:$0x2], $0x1000, s31, s30, $0x38;
	[tilespmem:$0x13000] =	vst v63  }
0x101: {  	s8 =	sadd.s32 $0x226000, s22  }
0x102: {  	[hbm4b:s8+s30] =	stream.strided.scatter [tilespmem:s25], [sflag:$0x2], $0x1000, s31, s30, $0x38;
	[tilespmem:$0x13000] =	vst v63  }
0x103: {  	s9 =	sadd.s32 $0x23F000, s22  }
0x104: {  	[hbm4b:s9+s30] =	stream.strided.scatter [tilespmem:s28], [sflag:$0x2], $0x1000, s31, s30, $0x38;
	[tilespmem:$0x13000] =	vst v63  }
0x105: {  	_ =	swait.ge [sflag:s14], $0x1000  }
0x106: {  	[sflag:s14] =	ssyncset.done $0x0  }
0x107: {  	[sflag:s14] =	ssyncadd.s32 $0xFFFFF000  }
0x108: {  	_ =	swait.ge [sflag:s14], $0x1000  }
0x109: {  	[sflag:s14] =	ssyncset.done $0x0  }
0x10a: {  	[sflag:s14] =	ssyncadd.s32 $0xFFFFF000  }
0x10b: {  	_ =	swait.ge [sflag:s14], $0x1000  }
0x10c: {  	[sflag:s14] =	ssyncset.done $0x0  }
0x10d: {  	[sflag:s14] =	ssyncadd.s32 $0xFFFFF000  }
0x10e: {  	_ =	swait.ge [sflag:s14], $0x1000  }
0x10f: {  	[sflag:s14] =	ssyncset.done $0x0  }
0x110: {  	[sflag:s14] =	ssyncadd.s32 $0xFFFFF000  }
0x111: {  	_ =	swait.ge [sflag:s14], $0x1000  }
0x112: {  	[sflag:s14] =	ssyncset.done $0x0  }
0x113: {  	[sflag:s14] =	ssyncadd.s32 $0xFFFFF000  }
0x114: {  	_ =	swait.ge [sflag:s14], $0x1000  }
0x115: {  	[sflag:s14] =	ssyncset.done $0x0  }
0x116: {  	[sflag:s14] =	ssyncadd.s32 $0xFFFFF000  }
0x117: {  	_ =	swait.ge [sflag:s14], $0x1000  }
0x118: {  	[sflag:s14] =	ssyncset.done $0x0  }
0x119: {  	[sflag:s14] =	ssyncadd.s32 $0xFFFFF000  }
0x11a: {  	_ =	swait.ge [sflag:s14], $0x1000  }
0x11b: {  	[sflag:s14] =	ssyncset.done $0x0  }
0x11c: {  	s26 =	simm.s32 $0x2C00;
	[sflag:s14] =	ssyncadd.s32 $0xFFFFF000  }
0x11d: {  	[tilespmem:s4], [sflag:$0x1] =	stream.indirect.gather [hbm4b:s5+s11], $0x20, s26, s11, $0xb8;
	[tilespmem:$0x13000] =	vst v63  }
0x11e: {  	s6 =	simm.s32 $0x2C80  }
0x11f: {  	[tilespmem:s2], [sflag:$0x1] =	stream.indirect.gather [hbm4b:s5+s11], $0x20, s6, s11, $0xb8;
	[tilespmem:$0x13000] =	vst v63  }
0x120: {  	s7 =	simm.s32 $0x2D00  }
0x121: {  	[tilespmem:s12], [sflag:$0x1] =	stream.indirect.gather [hbm4b:s5+s11], $0x20, s7, s11, $0xb8;
	[tilespmem:$0x13000] =	vst v63  }
0x122: {  	s8 =	simm.s32 $0x2D80  }
0x123: {  	[tilespmem:s16], [sflag:$0x1] =	stream.indirect.gather [hbm4b:s5+s11], $0x20, s8, s11, $0xb8;
	[tilespmem:$0x13000] =	vst v63  }
0x124: {  	s9 =	simm.s32 $0x2E00  }
0x125: {  	[tilespmem:s20], [sflag:$0x1] =	stream.indirect.gather [hbm4b:s5+s11], $0x20, s9, s11, $0xb8;
	[tilespmem:$0x13000] =	vst v63  }
0x126: {  	s26 =	simm.s32 $0x2E80  }
0x127: {  	[tilespmem:s24], [sflag:$0x1] =	stream.indirect.gather [hbm4b:s5+s11], $0x20, s26, s11, $0xb8;
	[tilespmem:$0x13000] =	vst v63  }
0x128: {  	s6 =	simm.s32 $0x2F00  }
0x129: {  	[tilespmem:s0], [sflag:$0x1] =	stream.indirect.gather [hbm4b:s5+s11], $0x20, s6, s11, $0xb8;
	[tilespmem:$0x13000] =	vst v63  }
0x12a: {  	s7 =	simm.s32 $0x2F80  }
0x12b: {  	[tilespmem:s1], [sflag:$0x1] =	stream.indirect.gather [hbm4b:s5+s11], $0x20, s7, s11, $0xb8;
	[tilespmem:$0x13000] =	vst v63  }
0x12c: {  	_ =	swait.ge [sflag:s29], $0x1000  }
0x12d: {  	[sflag:s29] =	ssyncset.done $0x0  }
0x12e: {  	[sflag:s29] =	ssyncadd.s32 $0xFFFFF000  }
0x12f: {  	_ =	swait.ge [sflag:s29], $0x1000  }
0x130: {  	[sflag:s29] =	ssyncset.done $0x0  }
0x131: {  	[sflag:s29] =	ssyncadd.s32 $0xFFFFF000  }
0x132: {  	_ =	swait.ge [sflag:s29], $0x1000  }
0x133: {  	[sflag:s29] =	ssyncset.done $0x0  }
0x134: {  	[sflag:s29] =	ssyncadd.s32 $0xFFFFF000  }
0x135: {  	_ =	swait.ge [sflag:s29], $0x1000  }
0x136: {  	[sflag:s29] =	ssyncset.done $0x0  }
0x137: {  	[sflag:s29] =	ssyncadd.s32 $0xFFFFF000  }
0x138: {  	_ =	swait.ge [sflag:s29], $0x1000  }
0x139: {  	[sflag:s29] =	ssyncset.done $0x0  }
0x13a: {  	[sflag:s29] =	ssyncadd.s32 $0xFFFFF000  }
0x13b: {  	_ =	swait.ge [sflag:s29], $0x1000  }
0x13c: {  	[sflag:s29] =	ssyncset.done $0x0  }
0x13d: {  	[sflag:s29] =	ssyncadd.s32 $0xFFFFF000  }
0x13e: {  	_ =	swait.ge [sflag:s29], $0x1000  }
0x13f: {  	[sflag:s29] =	ssyncset.done $0x0  }
0x140: {  	[sflag:s29] =	ssyncadd.s32 $0xFFFFF000  }
0x141: {  	_ =	swait.ge [sflag:s29], $0x1000  }
0x142: {  	[sflag:s29] =	ssyncset.done $0x0  }
0x143: {  	s8 =	sadd.s32 $0x258000, s22;
	[sflag:s29] =	ssyncadd.s32 $0xFFFFF000  }
0x144: {  	[hbm4b:s8+s30] =	stream.strided.scatter [tilespmem:s4], [sflag:$0x2], $0x1000, s31, s30, $0x38;
	[tilespmem:$0x13000] =	vst v63  }
0x145: {  	s9 =	sadd.s32 $0x271000, s22  }
0x146: {  	[hbm4b:s9+s30] =	stream.strided.scatter [tilespmem:s2], [sflag:$0x2], $0x1000, s31, s30, $0x38;
	[tilespmem:$0x13000] =	vst v63  }
0x147: {  	s26 =	sadd.s32 $0x28A000, s22  }
0x148: {  	[hbm4b:s26+s30] =	stream.strided.scatter [tilespmem:s12], [sflag:$0x2], $0x1000, s31, s30, $0x38;
	[tilespmem:$0x13000] =	vst v63  }
0x149: {  	s6 =	sadd.s32 $0x2A3000, s22  }
0x14a: {  	[hbm4b:s6+s30] =	stream.strided.scatter [tilespmem:s16], [sflag:$0x2], $0x1000, s31, s30, $0x38;
	[tilespmem:$0x13000] =	vst v63  }
0x14b: {  	s7 =	sadd.s32 $0x2BC000, s22  }
0x14c: {  	[hbm4b:s7+s30] =	stream.strided.scatter [tilespmem:s20], [sflag:$0x2], $0x1000, s31, s30, $0x38;
	[tilespmem:$0x13000] =	vst v63  }
0x14d: {  	s8 =	sadd.s32 $0x2D5000, s22  }
0x14e: {  	[hbm4b:s8+s30] =	stream.strided.scatter [tilespmem:s24], [sflag:$0x2], $0x1000, s31, s30, $0x38;
	[tilespmem:$0x13000] =	vst v63  }
0x14f: {  	s9 =	sadd.s32 $0x2EE000, s22  }
0x150: {  	[hbm4b:s9+s30] =	stream.strided.scatter [tilespmem:s0], [sflag:$0x2], $0x1000, s31, s30, $0x38;
	[tilespmem:$0x13000] =	vst v63  }
0x151: {  	s22 =	sadd.s32 $0x307000, s22  }
0x152: {  	[hbm4b:s22+s30] =	stream.strided.scatter [tilespmem:s1], [sflag:$0x2], $0x1000, s31, s30, $0x38;
	[tilespmem:$0x13000] =	vst v63  }
0x153: {  	_ =	swait.ge [sflag:s14], $0x1000  }
0x154: {  	[sflag:s14] =	ssyncset.done $0x0  }
0x155: {  	[sflag:s14] =	ssyncadd.s32 $0xFFFFF000  }
0x156: {  	_ =	swait.ge [sflag:s14], $0x1000  }
0x157: {  	[sflag:s14] =	ssyncset.done $0x0  }
0x158: {  	[sflag:s14] =	ssyncadd.s32 $0xFFFFF000  }
0x159: {  	_ =	swait.ge [sflag:s14], $0x1000  }
0x15a: {  	[sflag:s14] =	ssyncset.done $0x0  }
0x15b: {  	[sflag:s14] =	ssyncadd.s32 $0xFFFFF000  }
0x15c: {  	_ =	swait.ge [sflag:s14], $0x1000  }
0x15d: {  	[sflag:s14] =	ssyncset.done $0x0  }
0x15e: {  	[sflag:s14] =	ssyncadd.s32 $0xFFFFF000  }
0x15f: {  	_ =	swait.ge [sflag:s14], $0x1000  }
0x160: {  	[sflag:s14] =	ssyncset.done $0x0  }
0x161: {  	[sflag:s14] =	ssyncadd.s32 $0xFFFFF000  }
0x162: {  	_ =	swait.ge [sflag:s14], $0x1000  }
0x163: {  	[sflag:s14] =	ssyncset.done $0x0  }
0x164: {  	[sflag:s14] =	ssyncadd.s32 $0xFFFFF000  }
0x165: {  	_ =	swait.ge [sflag:s14], $0x1000  }
0x166: {  	[sflag:s14] =	ssyncset.done $0x0  }
0x167: {  	[sflag:s14] =	ssyncadd.s32 $0xFFFFF000  }
0x168: {  	_ =	swait.ge [sflag:s14], $0x1000  }
0x169: {  	[sflag:s14] =	ssyncset.done $0x0  }
0x16a: {  	[sflag:s14] =	ssyncadd.s32 $0xFFFFF000  }
0x16b: {  	_ =	swait.ge [sflag:s14], $0x1000  }
0x16c: {  	[sflag:s14] =	ssyncset.done $0x0  }
0x16d: {  	[sflag:s14] =	ssyncadd.s32 $0xFFFFF000  }
0x16e: {  	_ =	swait.ge [sflag:s14], $0x1000  }
0x16f: {  	[sflag:s14] =	ssyncset.done $0x0  }
0x170: {  	[sflag:s14] =	ssyncadd.s32 $0xFFFFF000  }
0x171: {  	_ =	swait.ge [sflag:s14], $0x1000  }
0x172: {  	[sflag:s14] =	ssyncset.done $0x0  }
0x173: {  	[sflag:s14] =	ssyncadd.s32 $0xFFFFF000  }
0x174: {  	_ =	swait.ge [sflag:s14], $0x1000  }
0x175: {  	[sflag:s14] =	ssyncset.done $0x0  }
0x176: {  	[sflag:s14] =	ssyncadd.s32 $0xFFFFF000  }
0x177: {  	_ =	swait.ge [sflag:s14], $0x1000  }
0x178: {  	[sflag:s14] =	ssyncset.done $0x0  }
0x179: {  	[sflag:s14] =	ssyncadd.s32 $0xFFFFF000  }
0x17a: {  	_ =	swait.ge [sflag:s14], $0x1000  }
0x17b: {  	[sflag:s14] =	ssyncset.done $0x0  }
0x17c: {  	[sflag:s14] =	ssyncadd.s32 $0xFFFFF000  }
0x17d: {  	_ =	swait.ge [sflag:s14], $0x1000  }
0x17e: {  	[sflag:s14] =	ssyncset.done $0x0  }
0x17f: {  	[sflag:s14] =	ssyncadd.s32 $0xFFFFF000  }
0x180: {  	_ =	swait.ge [sflag:s14], $0x1000  }
0x181: {  	s18 =	sadd.s32 $0x1, s18;
	s26 =	rddreg [dreg:$0x6]  }
0x182: {  	p0 =	sne.s32 s18, s26  }
.Ltmp1:
0x183: {  	_ = 	snop;
	(pc) =	sbr.rel @p0 .LBB2_2-.Ltmp1, $3  }
0x184: {  	_ =	sdelay $0x1  }
0x185: {  	[sflag:s14] =	ssyncset.done $0x0  }
0x186: {  	[sflag:s14] =	ssyncadd.s32 $0xFFFFF000  }
0x187: {  	s3 =	rddreg [dreg:$0x3]  }
0x188: {  	s6 =	rddreg [dreg:$0x8];
	s3 =	sadd.s32 $0x1, s3  }
0x189: {  	p0 =	sne.s32 s3, s6  }
.Ltmp2:
0x18a: {  	_ = 	snop;
	(pc) =	sbr.rel @p0 .LBB2_1-.Ltmp2, $1  }
0x18b: {  	_ =	sdelay $0x3  }
0x18c: {  	_ =	sfence.sel $0x180000  }
0x18d: {  	[bflag:$0x0] =	sbarrier.arrive $0xFFFF  }
0x18e: {  	_ =	strace $0x9000004A  }
0x18f: {  	s0 =	stileid.u32;
	[bflag:$0x2] =	sbarrier.arrive $0xFFFF  }
0x190: {  	p0 =	sne.s32 s0, $0x0;
	s0 =	rddreg [dreg:$0x2]  }
0x191: {  	s0 =	sadd.s32 @!p0 $0x100000, s0  }
0x192: {  	[sflag:s0] =	ssyncadd.tile.s32 @!p0 $0x1;
	_ =	shalt  }
.Lfunc_end2:
_tile_overlayer_lowered:
.L_overlay_start_2:
0x193: {  	(tag) =	ssettag $0x2  }
0x194: {  	s0 =	rddreg [dreg:$0x0];
	s2 =	stileid.u32  }
0x195: {  	s1 =	rddreg [dreg:$0x1];
	p0 =	sne.s32 s2, $0x0  }
0x196: {  	s3 =	rddreg [dreg:$0x2];
	[bflag:$0x3] =	sbarrier.arrive $0xFFFF;
	s2 =	simm.s32 @!p0 $0x1C03  }
0x197: {  	[timem:s3], [sflag:s2] =	dma.local @!p0 [hbm:s0], s1  }
0x198: {  	s0 =	simm.s32 @!p0 $0x3  }
0x199: {  	_ =	swait.ge @!p0 [sflag:s0], s1  }
0x19a: {  	s1 =	ssub.s32 @!p0 $0x0, s1;
	[sflag:s0] =	ssyncset.done @!p0 $0x0  }
0x19b: {  	[sflag:s0] =	ssyncadd.s32 @!p0 s1  }
0x19c: {  	[bflag:$0x3] =	sbarrier.arrive $0xFFFF  }
0x19d: {  	_ =	shalt  }

// kernel: sparse-core-data-format-call.1.cloned.1.call-start
scs
called_computation.1_lowered:
.L_overlay_start_0:
0x0: {  	s1 =	sld [smem:$0x3FD9]  }
0x1: {  	s2 =	sld [smem:$0x3FFE];
	_ =	sdelay $0x1  }
0x2: {  	s3 =	srdreg.scid  }
0x3: {  	s0 =	sand.u32 $0x1, s3  }
0x4: {  	s17 =	sshll.u32 s0, $0xA;
	s1 =	sadd.s32 s2, s1  }
0x5: {  	s1 =	sadd.s32 s1, s17  }
0x6: {  	[smem:$0x3FC6] =	sst s1  }
0x7: {  	_ = 	snop  }
0x8: {  	(tm) =	ssettm $0x1  }
0x9: {  	s18 =	sld [smem:$0x3FFB];
	_ =	sdelay $0x3  }
0xa: {  	_ =	strace s18  }
0xb: {  	s1 =	sld [smem:$0x3FFC];
	_ =	sdelay $0x3  }
0xc: {  	_ =	strace s1  }
0xd: {  	s1 =	sld [smem:$0x3FFD];
	_ =	sdelay $0x3  }
0xe: {  	_ =	strace s1  }
0xf: {  	_ =	strace $0x8FFFFFFF  }
0x10: {  	s19 =	sld [smem:$0x3FDB];
	_ =	sdelay $0x1  }
0x11: {  	s20 =	simm.s32 $_scs_section_size  }
0x12: {  	s4 =	simm.s32 $_size__tile_overlayer_lowered;
	s5 =	simm.s32 $_tile_overlayer_lowered  }
0x13: {  	s23 =	simm.s32 $0x1BFF;
	s22 =	sshll.u32 s5, $0x1;
	s1 =	sadd.s32 s20, s19  }
0x14: {  	s6 =	simm.s32 $0x0;
	s21 =	sshll.u32 s4, $0x1;
	s4 =	sadd.s32 s22, s1  }
0x15: {  	[timem:s6], [sflag:s23] =	dma.local [hbm:s4], s21  }
0x16: {  	_ =	swait.ge [sflag:s23], s21  }
0x17: {  	s2 =	ssub.s32 $0x0, s21;
	[sflag:s23] =	ssyncset.done $0x0  }
0x18: {  	[sflag:s23] =	ssyncadd.s32 s2;
	_ =	sdelay $0x1  }
0x19: {  	s24 =	simm.s32 $0x1B8B  }
0x1a: {  	_ =	swait.ge [sflag:s24], $0x1  }
0x1b: {  	[sflag:s24] =	ssyncset.done $0x0  }
0x1c: {  	s26 =	simm.s32 $0x1B8E;
	s25 =	sld [smem:$0x3FFE];
	[sflag:s24] =	ssyncadd.s32 $0xFFFFFFFF  }
0x1d: {  	s27 =	simm.s32 $execute0_lowered;
	[smem:$0x3FD2] =	sst s26  }
0x1e: {  	s4 =	sshll.u32 s27, $0x1;
	_ =	strace $0x80000046;
	[dreg:$0x1] =	wrdreg $0xFFFFFFFF  }
0x1f: {  	s28 =	simm.s32 $_size_execute0_lowered;
	s1 =	sadd.s32 s1, s4;
	[dreg:$0x0] =	wrdreg $0x0  }
0x20: {  	s4 =	sshll.u32 s28, $0x1;
	[dreg:$0x2] =	wrdreg s1  }
0x21: {  	[dreg:$0x3] =	wrdreg s4  }
0x22: {  	[dreg:$0x4] =	wrdreg $0xC0  }
0x23: {  	_ =	task [dreg:s6], $0x5FFFF  }
0x24: {  	[dreg:$0x1] =	wrdreg $0xFFFFFFFF  }
0x25: {  	[dreg:$0x0] =	wrdreg $0x60  }
0x26: {  	[dreg:$0x2] =	wrdreg s25  }
0x27: {  	[dreg:$0x3] =	wrdreg $0x9  }
0x28: {  	_ =	task.clear_ibuf [dreg:s6], $0x4FFFF;
	_ =	strace $0x90000046  }
0x29: {  	s29 =	simm.s32 $0x9;
	_ =	strace $0x80000048  }
0x2a: {  	_ =	swait.ge [sflag:s29], $0x1  }
0x2b: {  	[sflag:s29] =	ssyncadd.s32 $0xFFFFFFFF  }
0x2c: {  	_ =	strace $0x90000048  }
0x2d: {  	_ =	sfence  }
0x2e: {  	s30 =	sld [smem:$0x0];
	_ =	sdelay $0x2  }
0x2f: {  	s31 =	sshll.u32 s3, $0xD;
	s3 =	sshrl.u32 s3, $0x2  }
0x30: {  	s2 =	sand.u32 $0x4000, s31;
	s1 =	sadd.s32 s3, s30  }
0x31: {  	s0 =	sor.u32 s2, s0;
	s1 =	sshll.u32 s1, $0x11  }
0x32: {  	s0 =	sor.u32 s1, s0  }
0x33: {  	s0 =	sadd.s32 $0x8F2B, s0  }
0x34: {  	[sflag:s0] =	ssyncadd.remote.s32 $0x1  }
0x35: {  	_ =	sfence.sel $0xFFFF  }
0x36: {  	[dreg:$0x0] =	wrdreg $0xFFFFFFFF;
	(pc) =	sbr.abs _section_cstart, $3  }
0x37: {  	[dreg:$0x1] =	wrdreg $0xFFFFFFFF  }
0x38: {  	_ =	task.clear_ibuf [dreg:s6], $0x2FFFF;
	_ =	strace $0x9FFFFFFF  }
0x39: {  	(tm) =	ssettm $0x7FFFFFFF  }
tec
execute0_lowered:
.L_overlay_start_1:
0x0: {  	(tag) =	ssettag $0x1  }
0x1: {  	s0 =	srdreg.scid  }
0x2: {  	s5 =	rddreg [dreg:$0x0];
	s1 =	stileid.u32;
	s4 =	simm.s32 $0x1  }
0x3: {  	s6 =	simm.s32 $0x2;
	s8 =	simm.s32 $0x0;
	s2 =	sshll.u32 s0, $0x4  }
0x4: {  	s9 =	simm.s32 $0x0;
	s13 =	simm.s32 $0x0;
	s2 =	sand.u32 $0x10, s2  }
.Ltmp0:
0x5: {  	s10 =	simm.s32 $0x0;
	s3 =	sor.u32 s1, s2;
	(pc) =	sbr.rel .LBB1_1-.Ltmp0, $4  }
0x6: {  	s0 =	rddreg [dreg:$0x1];
	_ =	strace $0x80000047;
	s3 =	sshll.u32 s3, $0x4  }
0x7: {  	s12 =	simm.s32 $0x0;
	[sflag:s4] =	ssyncpa.u1 $0x0;
	s7 =	ssub.s32 $0x7A10, s3  }
0x8: {  	s2 =	sadd.s32 $0xC00, s5;
	[sflag:s6] =	ssyncpa.u1 $0x0;
	s6 =	sshrl.u32 s7, $0x9  }
0x9: {  	s5 =	sadd.s32 $0x3D1600, s5;
	s11 =	smov.u32 s3;
	s7 =	sor.u32 $0x2, s6  }
.LBB1_7:
0xa: {  	s15 =	sshll.u32 s12, $0xF  }
0xb: {  	s15 =	sand.u32 $0x8000, s15  }
0xc: {  	s16 =	sshll.u32 s10, $0x7;
	s15 =	sshrl.u32 s15, $0x1  }
0xd: {  	s16 =	sadd.s32 s5, s16;
	s15 =	sor.u32 $0x8000, s15  }
0xe: {  	[hbm4b:s16+s8] =	stream.linear.scatter [tilespmem:s15], [sflag:$0x2], s14, $0x38;
	[tilespmem:$0x10000] =	vst v63  }
.LBB1_8:
0xf: {  	p0 =	slt.u32 s12, $0x2  }
0x10: {  	p1 =	sgt.s32 @!p0 s13, $0x7A02  }
0x11: {  	s14 =	smov.u32 s13;
	s15 =	sshra.s32 @!p0 s13, $0x1F;
	p1 =	por !p1, p0  }
0x12: {  	s13 =	sand.u32 @!p0 s15, s13;
	s14 =	simm.s32 @p1 $0x7A02  }
0x13: {  	s13 =	ssub.s32 @!p0 s14, s13  }
0x14: {  	s13 =	sadd.s32 @!p0 $0xFFFF85FE, s13  }
0x15: {  	s14 =	sshll.u32 @!p0 s13, $0xC  }
0x16: {  	p1 =	sgt.s32 @!p0 s13, $0xF;
	s13 =	ssub.s32 @!p0 $0x10000, s14  }
0x17: {  	s15 =	sadd.s32 $0x200, s11;
	p1 =	por !p1, p0;
	s13 =	sshrl.u32 @!p0 s13, $0x2  }
0x18: {  	s13 =	simm.s32 @!p1 $0x0;
	p1 =	sgt.s32 s15, $0x7A11  }
0x19: {  	s15 =	smov.u32 @p1 s3;
	p1 =	sne.s32 s12, s7  }
.Ltmp1:
0x1a: {  	_ = 	snop;
	(pc) =	sbr.rel @!p1 .LBB1_9-.Ltmp1, $4  }
0x1b: {  	s14 =	simm.s32 @!p0 $0x2  }
0x1c: {  	s9 =	sadd.s32 $0x8000, s9;
	_ =	swait.ge @!p0 [sflag:s14], s13;
	s16 =	ssub.s32 @!p0 $0x0, s13  }
0x1d: {  	s13 =	smov.u32 s10;
	s12 =	sadd.s32 $0x1, s12;
	[sflag:s14] =	ssyncset.done @!p0 $0x0  }
0x1e: {  	s10 =	smov.u32 s11;
	s11 =	smov.u32 s15;
	[sflag:s14] =	ssyncadd.s32 @!p0 s16  }
.LBB1_1:
0x1f: {  	p0 =	sgt.u32 s12, s6  }
0x20: {  	p1 =	sgt.s32 @!p0 s11, $0x7A02  }
0x21: {  	s14 =	smov.u32 s11;
	s15 =	sshra.s32 @!p0 s11, $0x1F;
	p1 =	por !p1, p0  }
0x22: {  	s15 =	sand.u32 @!p0 s15, s11;
	s14 =	simm.s32 @p1 $0x7A02  }
0x23: {  	s14 =	ssub.s32 @!p0 s14, s15  }
0x24: {  	s14 =	sadd.s32 @!p0 $0xFFFF85FE, s14  }
0x25: {  	s16 =	sshll.u32 @!p0 s11, $0x7;
	s17 =	simm.s32 @!p0 $0x0;
	s15 =	sshll.u32 @!p0 s14, $0xC  }
0x26: {  	p1 =	sgt.s32 @!p0 s14, $0xF;
	s14 =	ssub.s32 @!p0 $0x10000, s15;
	s15 =	sxor.u32 @!p0 $0xFFFFFFFF, s12  }
0x27: {  	p1 =	por !p1, p0;
	s14 =	sshrl.u32 @!p0 s14, $0x2;
	s15 =	sshll.u32 @!p0 s15, $0xE  }
0x28: {  	s16 =	sadd.s32 @!p0 s2, s16;
	s14 =	simm.s32 @!p1 $0x0;
	s15 =	sand.u32 @!p0 $0x4000, s15  }
0x29: {  	[tilespmem:s15], [sflag:$0x1] =	stream.linear.gather @!p0 [hbm4b:s16+s17], s14, $0x38;
	[tilespmem:$0x10000] =	vst v63  }
0x2a: {  	p0 =	seq.s32 s12, $0x0  }
0x2b: {  	p1 =	sge.u32 @!p0 s12, s7  }
0x2c: {  	p0 =	por p0, p1  }
.Ltmp2:
0x2d: {  	_ = 	snop;
	(pc) =	sbr.rel @p0 .LBB1_8-.Ltmp2, $1  }
0x2e: {  	_ =	sdelay $0x3  }
0x2f: {  	p0 =	sgt.s32 s10, $0x7A02;
	s14 =	smov.u32 s10;
	s15 =	sshra.s32 s10, $0x1F  }
0x30: {  	s14 =	simm.s32 @!p0 $0x7A02;
	s15 =	sand.u32 s15, s10  }
0x31: {  	s14 =	ssub.s32 s14, s15  }
0x32: {  	s16 =	sadd.s32 $0x10, s10;
	s14 =	sadd.s32 $0xFFFF85FE, s14  }
0x33: {  	p1 =	slt.s32 s16, $0x7A12;
	s30 =	sshll.u32 s14, $0xC  }
0x34: {  	s16 =	simm.s32 @!p1 $0x7A12;
	s15 =	ssub.s32 $0x10000, s30  }
0x35: {  	p0 =	sgt.s32 s14, $0xF;
	s14 =	sshrl.u32 s15, $0x2;
	s15 =	ssub.s32 s16, s10  }
0x36: {  	s14 =	simm.s32 @p0 $0x0;
	p0 =	slt.s32 s15, $0x1  }
.Ltmp3:
0x37: {  	_ = 	snop;
	(pc) =	sbr.rel @p0 .LBB1_7-.Ltmp3, $4  }
0x38: {  	_ = 	snop  }
0x39: {  	_ =	swait.ge [sflag:s4], s14  }
0x3a: {  	s31 =	ssub.s32 $0x0, s14;
	[sflag:s4] =	ssyncset.done $0x0  }
0x3b: {  	[sflag:s4] =	ssyncadd.s32 s31  }
0x3c: {  	s16 =	sshrl.u32 s9, $0x1  }
0x3d: {  	s17 =	sand.u32 $0x4000, s16  }
0x3e: {  	s18 =	simm.s32 $0x0;
	s16 =	sor.u32 $0x200, s17;
	s17 =	sor.u32 $0x8080, s17  }
.LBB1_4:
0x3f: {  	v0 =	vld [tilespmem:s16+$0xFFFFFE70]  }
0x40: {  	v1 =	vld [tilespmem:s16+$0x70]  }
0x41: {  	v2 =	vld [tilespmem:s16+$0x0]  }
0x42: {  	v3 =	vld [tilespmem:s16+$0xFFFFFE10]  }
0x43: {  	v4 =	vld [tilespmem:s16+$0x10]  }
0x44: {  	v5 =	vld [tilespmem:s16+$0xFFFFFE20]  }
0x45: {  	v7 =	vld [tilespmem:s16+$0x20]  }
0x46: {  	v11 =	vld [tilespmem:s16+$0x30];
	v6 =	vunpack.i.l.s16.s32 v0;
	v8 =	vunpack.i.u.s16.s32 v0;
	v9 =	vunpack.i.u.s16.s32 v1  }
0x47: {  	v10 =	vunpack.i.l.s16.s32 v1;
	v0 =	vunpack.i.u.s16.s32 v2;
	v1 =	vunpack.i.l.s16.s32 v2;
	v2 =	vld [tilespmem:s16+$0xFFFFFE30]  }
0x48: {  	v8 =	vpack.i.b32.b16 v9, v8;
	v9 =	vunpack.i.u.s16.s32 v3;
	v3 =	vunpack.i.l.s16.s32 v3  }
0x49: {  	v12 =	vld [tilespmem:s16+$0xFFFFFE40];
	v6 =	vpack.i.b32.b16 v10, v6;
	[tilespmem:s17+$0x70] =	vst v8;
	v8 =	vunpack.i.u.s16.s32 v4;
	v4 =	vunpack.i.l.s16.s32 v4  }
0x4a: {  	v13 =	vld [tilespmem:s16+$0x40];
	v10 =	vunpack.i.u.s16.s32 v5;
	v5 =	vunpack.i.l.s16.s32 v5;
	[tilespmem:s17+$0xFFFFFFF0] =	vst v6;
	v3 =	vpack.i.b32.b16 v4, v3  }
0x4b: {  	v6 =	vunpack.i.l.s16.s32 v7;
	v4 =	vld [tilespmem:s16+$0xFFFFFE50];
	[tilespmem:s17+$0xFFFFFF90] =	vst v3;
	v3 =	vpack.i.b32.b16 v8, v9;
	v8 =	vunpack.i.u.s16.s32 v7  }
0x4c: {  	v7 =	vunpack.i.l.s16.s32 v11;
	[tilespmem:s17+$0x10] =	vst v3;
	v3 =	vpack.i.b32.b16 v6, v5;
	v9 =	vunpack.i.u.s16.s32 v2;
	v6 =	vld [tilespmem:s16+$0x50]  }
0x4d: {  	v5 =	vunpack.i.l.s16.s32 v2;
	v2 =	vld [tilespmem:s16+$0xFFFFFE60];
	[tilespmem:s17+$0xFFFFFFA0] =	vst v3;
	v3 =	vpack.i.b32.b16 v8, v10;
	v10 =	vunpack.i.u.s16.s32 v11  }
0x4e: {  	s21 =	simm.s32 $0x0;
	v11 =	vpack.i.b32.b16 v7, v5;
	v7 =	vunpack.i.u.s16.s32 v12;
	v8 =	vunpack.i.l.s16.s32 v12;
	[tilespmem:s17+$0x20] =	vst v3;
	v3 =	vld [tilespmem:s16+$0x60]  }
0x4f: {  	s22 =	sadd.s32 $0x80, s16;
	s20 =	smov.u32 s17;
	s19 =	smov.u32 s17;
	v5 =	vld [tilespmem:s16+$0xFFFFFE00];
	[tilespmem:s17+$0xFFFFFFB0] =	vst v11;
	v10 =	vpack.i.b32.b16 v10, v9;
	v9 =	vunpack.i.u.s16.s32 v13;
	v11 =	vunpack.i.l.s16.s32 v13  }
.LBB1_5:
0x50: {  	v12 =	vld [tilespmem:s22+$0xFFFFFE70];
	[tilespmem:s20+$0x30] =	vst v10;
	v8 =	vpack.i.b32.b16 v11, v8;
	v10 =	vunpack.i.u.s16.s32 v4;
	v4 =	vunpack.i.l.s16.s32 v4  }
0x51: {  	s21 =	sadd.s32 $0x2, s21;
	v7 =	vpack.i.b32.b16 v9, v7;
	v11 =	vld [tilespmem:s22+$0x70];
	[tilespmem:s20+$0xFFFFFFC0] =	vst v8;
	v8 =	vunpack.i.u.s16.s32 v6;
	v6 =	vunpack.i.l.s16.s32 v6  }
0x52: {  	p0 =	slt.u32 s21, $0x6;
	v9 =	vld [tilespmem:s22+$0x0];
	[tilespmem:s20+$0x40] =	vst v7;
	v4 =	vpack.i.b32.b16 v6, v4;
	v6 =	vunpack.i.u.s16.s32 v2;
	v2 =	vunpack.i.l.s16.s32 v2  }
0x53: {  	v7 =	vld [tilespmem:s22+$0xFFFFFE10];
	[tilespmem:s20+$0xFFFFFFD0] =	vst v4;
	v4 =	vpack.i.b32.b16 v8, v10;
	v8 =	vunpack.i.u.s16.s32 v3;
	v3 =	vunpack.i.l.s16.s32 v3  }
0x54: {  	v10 =	vld [tilespmem:s22+$0x10];
	v13 =	vunpack.i.u.s16.s32 v5;
	v5 =	vunpack.i.l.s16.s32 v5;
	[tilespmem:s20+$0x50] =	vst v4;
	v2 =	vpack.i.b32.b16 v3, v2  }
0x55: {  	v3 =	vld [tilespmem:s22+$0xFFFFFE20];
	v4 =	vunpack.i.l.s16.s32 v12;
	v1 =	vpack.i.b32.b16 v1, v5;
	v5 =	vpack.i.b32.b16 v0, v13;
	[tilespmem:s20+$0xFFFFFFE0] =	vst v2  }
0x56: {  	v12 =	vunpack.i.u.s16.s32 v12;
	v2 =	vld [tilespmem:s22+$0x20];
	v13 =	vunpack.i.u.s16.s32 v11;
	v11 =	vunpack.i.l.s16.s32 v11;
	[tilespmem:s20+$0xFFFFFF80] =	vst v1  }
0x57: {  	s20 =	sadd.s32 $0x100, s20;
	v0 =	vunpack.i.u.s16.s32 v9;
	v1 =	vunpack.i.l.s16.s32 v9;
	v9 =	vld [tilespmem:s22+$0xFFFFFE30];
	v12 =	vpack.i.b32.b16 v13, v12;
	[tilespmem:s19+$0x0] =	vst v5  }
0x58: {  	v6 =	vpack.i.b32.b16 v8, v6;
	v5 =	vunpack.i.u.s16.s32 v7;
	v7 =	vunpack.i.l.s16.s32 v7;
	v13 =	vld [tilespmem:s22+$0x30];
	[tilespmem:s20+$0x70] =	vst v12  }
0x59: {  	v4 =	vpack.i.b32.b16 v11, v4;
	v8 =	vunpack.i.u.s16.s32 v10;
	v10 =	vunpack.i.l.s16.s32 v10;
	v12 =	vld [tilespmem:s22+$0xFFFFFE40];
	[tilespmem:s19+$0x60] =	vst v6;
	s19 =	smov.u32 s20  }
0x5a: {  	v6 =	vpack.i.b32.b16 v10, v7;
	v7 =	vunpack.i.u.s16.s32 v3;
	v3 =	vunpack.i.l.s16.s32 v3;
	v11 =	vld [tilespmem:s22+$0x40];
	[tilespmem:s20+$0xFFFFFFF0] =	vst v4  }
.Ltmp4:
0x5b: {  	v5 =	vpack.i.b32.b16 v8, v5;
	[tilespmem:s20+$0xFFFFFF90] =	vst v6;
	v8 =	vunpack.i.u.s16.s32 v2;
	v2 =	vunpack.i.l.s16.s32 v2;
	v4 =	vld [tilespmem:s22+$0xFFFFFE50];
	(pc) =	sbr.rel @p0 .LBB1_5-.Ltmp4, $4  }
0x5c: {  	[tilespmem:s20+$0x10] =	vst v5;
	v2 =	vpack.i.b32.b16 v2, v3;
	v10 =	vunpack.i.u.s16.s32 v9;
	v3 =	vunpack.i.l.s16.s32 v9;
	v6 =	vld [tilespmem:s22+$0x50]  }
0x5d: {  	v5 =	vpack.i.b32.b16 v8, v7;
	[tilespmem:s20+$0xFFFFFFA0] =	vst v2;
	v9 =	vunpack.i.u.s16.s32 v13;
	v7 =	vunpack.i.l.s16.s32 v13;
	v2 =	vld [tilespmem:s22+$0xFFFFFE60]  }
0x5e: {  	[tilespmem:s20+$0x20] =	vst v5;
	v13 =	vpack.i.b32.b16 v7, v3;
	v7 =	vunpack.i.u.s16.s32 v12;
	v8 =	vunpack.i.l.s16.s32 v12;
	v3 =	vld [tilespmem:s22+$0x60]  }
0x5f: {  	v10 =	vpack.i.b32.b16 v9, v10;
	v5 =	vld [tilespmem:s22+$0xFFFFFE00];
	[tilespmem:s20+$0xFFFFFFB0] =	vst v13;
	v9 =	vunpack.i.u.s16.s32 v11;
	v11 =	vunpack.i.l.s16.s32 v11;
	s22 =	sadd.s32 $0x80, s22  }
0x60: {  	[tilespmem:s20+$0x30] =	vst v10;
	v8 =	vpack.i.b32.b16 v11, v8  }
0x61: {  	v51 =	vunpack.i.l.s16.s32 v4;
	v7 =	vpack.i.b32.b16 v9, v7;
	[tilespmem:s20+$0xFFFFFFC0] =	vst v8;
	v52 =	vunpack.i.l.s16.s32 v6  }
0x62: {  	v53 =	vunpack.i.u.s16.s32 v4;
	s18 =	sadd.s32 $0x1, s18;
	v54 =	vunpack.i.u.s16.s32 v6;
	[tilespmem:s20+$0x40] =	vst v7;
	v55 =	vpack.i.b32.b16 v52, v51  }
0x63: {  	p0 =	sne.s32 s18, s15;
	v56 =	vunpack.i.l.s16.s32 v2;
	v4 =	vpack.i.b32.b16 v54, v53;
	[tilespmem:s20+$0xFFFFFFD0] =	vst v55;
	v57 =	vunpack.i.l.s16.s32 v3  }
.Ltmp5:
0x64: {  	[tilespmem:s20+$0x50] =	vst v4;
	v58 =	vunpack.i.l.s16.s32 v5;
	v59 =	vpack.i.b32.b16 v57, v56;
	(pc) =	sbr.rel @p0 .LBB1_4-.Ltmp5, $4  }
.Ltmp6:
0x65: {  	v61 =	vunpack.i.u.s16.s32 v2;
	v62 =	vunpack.i.u.s16.s32 v3;
	v1 =	vpack.i.b32.b16 v1, v58;
	[tilespmem:s20+$0xFFFFFFE0] =	vst v59;
	(pc) =	sbr.rel @!p0 .LBB1_7-.Ltmp6, $4  }
0x66: {  	v60 =	vunpack.i.u.s16.s32 v5;
	v63 =	vpack.i.b32.b16 v62, v61;
	[tilespmem:s20+$0xFFFFFF80] =	vst v1  }
0x67: {  	v0 =	vpack.i.b32.b16 v0, v60;
	[tilespmem:s19+$0x60] =	vst v63  }
0x68: {  	s16 =	sadd.s32 $0x400, s16;
	s17 =	sadd.s32 $0x400, s17;
	[tilespmem:s19+$0x0] =	vst v0  }
0x69: {  	_ = 	snop  }
.LBB1_9:
0x6a: {  	_ =	sfence.sel $0x180000  }
0x6b: {  	s2 =	simm.s32 $0x1;
	[bflag:$0x0] =	sbarrier.arrive $0xFFFF  }
0x6c: {  	s31 =	simm.s32 $0x2;
	[sflag:s2] =	ssyncpa.u1 $0x1  }
0x6d: {  	[sflag:s31] =	ssyncpa.u1 $0x1  }
0x6e: {  	p0 =	sne.s32 s1, $0x0;
	_ =	strace $0x90000047  }
0x6f: {  	s0 =	sadd.s32 @!p0 $0x100000, s0;
	[bflag:$0x2] =	sbarrier.arrive $0xFFFF  }
0x70: {  	[sflag:s0] =	ssyncadd.tile.s32 @!p0 $0x1;
	_ =	shalt  }
.Lfunc_end1:
_tile_overlayer_lowered:
.L_overlay_start_2:
0x71: {  	(tag) =	ssettag $0x2  }
0x72: {  	s0 =	rddreg [dreg:$0x0];
	s2 =	stileid.u32  }
0x73: {  	s1 =	rddreg [dreg:$0x1];
	p0 =	sne.s32 s2, $0x0  }
0x74: {  	s3 =	rddreg [dreg:$0x2];
	[bflag:$0x3] =	sbarrier.arrive $0xFFFF;
	s2 =	simm.s32 @!p0 $0x1C01  }
0x75: {  	[timem:s3], [sflag:s2] =	dma.local @!p0 [hbm:s0], s1  }
0x76: {  	s0 =	simm.s32 @!p0 $0x1  }
0x77: {  	_ =	swait.ge @!p0 [sflag:s0], s1  }
0x78: {  	s1 =	ssub.s32 @!p0 $0x0, s1;
	[sflag:s0] =	ssyncset.done @!p0 $0x0  }
0x79: {  	[sflag:s0] =	ssyncadd.s32 @!p0 s1  }
0x7a: {  	[bflag:$0x3] =	sbarrier.arrive $0xFFFF  }
0x7b: {  	_ =	shalt  }

// kernel: sparse-core-data-format-call.cloned.1.call-start
scs
called_computation_lowered:
.L_overlay_start_0:
0x0: {  	s2 =	sld [smem:$0x3FD9]  }
0x1: {  	s3 =	sld [smem:$0x3FFE];
	_ =	sdelay $0x1  }
0x2: {  	s1 =	srdreg.scid  }
0x3: {  	s0 =	sand.u32 $0x1, s1  }
0x4: {  	s18 =	sshll.u32 s0, $0xA;
	s2 =	sadd.s32 s3, s2  }
0x5: {  	s2 =	sadd.s32 s2, s18  }
0x6: {  	[smem:$0x3FC6] =	sst s2  }
0x7: {  	_ = 	snop  }
0x8: {  	s2 =	sld [smem:$0x3FD0];
	(tm) =	ssettm $0x1  }
0x9: {  	s19 =	sld [smem:$0x3FFB];
	_ =	sdelay $0x3  }
0xa: {  	_ =	strace s19  }
0xb: {  	s3 =	sld [smem:$0x3FFC];
	_ =	sdelay $0x3  }
0xc: {  	_ =	strace s3  }
0xd: {  	s3 =	sld [smem:$0x3FFD];
	_ =	sdelay $0x3  }
0xe: {  	_ =	strace s3  }
0xf: {  	_ =	strace $0x8FFFFFFF  }
0x10: {  	s20 =	sld [smem:$0x3FDB];
	_ =	sdelay $0x1  }
0x11: {  	s4 =	simm.s32 $_scs_section_size  }
0x12: {  	s5 =	simm.s32 $_size__tile_overlayer_lowered;
	s6 =	simm.s32 $_tile_overlayer_lowered  }
0x13: {  	s23 =	simm.s32 $0x1BFF;
	s22 =	sshll.u32 s6, $0x1;
	s3 =	sadd.s32 s4, s20  }
0x14: {  	s7 =	simm.s32 $0x0;
	s21 =	sshll.u32 s5, $0x1;
	s5 =	sadd.s32 s22, s3  }
0x15: {  	[timem:s7], [sflag:s23] =	dma.local [hbm:s5], s21  }
0x16: {  	_ =	swait.ge [sflag:s23], s21  }
0x17: {  	s4 =	ssub.s32 $0x0, s21;
	[sflag:s23] =	ssyncset.done $0x0  }
0x18: {  	[sflag:s23] =	ssyncadd.s32 s4;
	_ =	sdelay $0x1  }
0x19: {  	s24 =	simm.s32 $0x1B8B  }
0x1a: {  	_ =	swait.ge [sflag:s24], $0x1  }
0x1b: {  	[sflag:s24] =	ssyncset.done $0x0  }
0x1c: {  	s26 =	simm.s32 $0x1B8E;
	s25 =	sld [smem:$0x3FFE];
	[sflag:s24] =	ssyncadd.s32 $0xFFFFFFFF  }
0x1d: {  	s27 =	simm.s32 $execute0_lowered;
	[smem:$0x3FD2] =	sst s26  }
0x1e: {  	s5 =	sshll.u32 s27, $0x1;
	_ =	strace $0x8000004C;
	[dreg:$0x1] =	wrdreg $0xFFFFFFFF  }
0x1f: {  	s28 =	simm.s32 $_size_execute0_lowered;
	s3 =	sadd.s32 s3, s5;
	[dreg:$0x0] =	wrdreg $0x0  }
0x20: {  	s5 =	sshll.u32 s28, $0x1;
	[dreg:$0x2] =	wrdreg s3  }
0x21: {  	[dreg:$0x3] =	wrdreg s5  }
0x22: {  	[dreg:$0x4] =	wrdreg $0xC0  }
0x23: {  	_ =	task [dreg:s7], $0x5FFFF  }
0x24: {  	[dreg:$0x1] =	wrdreg $0xFFFFFFFF  }
0x25: {  	[dreg:$0x0] =	wrdreg $0x60  }
0x26: {  	[dreg:$0x2] =	wrdreg s25  }
0x27: {  	[dreg:$0x3] =	wrdreg s2  }
0x28: {  	[dreg:$0x4] =	wrdreg $0x9  }
0x29: {  	_ =	task.clear_ibuf [dreg:s7], $0x5FFFF;
	_ =	strace $0x9000004C  }
0x2a: {  	s29 =	simm.s32 $0x9;
	_ =	strace $0x8000004E  }
0x2b: {  	_ =	swait.ge [sflag:s29], $0x1  }
0x2c: {  	[sflag:s29] =	ssyncadd.s32 $0xFFFFFFFF  }
0x2d: {  	_ =	strace $0x9000004E  }
0x2e: {  	_ =	sfence  }
0x2f: {  	s30 =	sld [smem:$0x0];
	_ =	sdelay $0x2  }
0x30: {  	s31 =	sshll.u32 s1, $0xD;
	s1 =	sshrl.u32 s1, $0x2  }
0x31: {  	s3 =	sand.u32 $0x4000, s31;
	s1 =	sadd.s32 s1, s30  }
0x32: {  	s0 =	sor.u32 s3, s0;
	s1 =	sshll.u32 s1, $0x11  }
0x33: {  	s0 =	sor.u32 s1, s0  }
0x34: {  	s0 =	sadd.s32 $0x8F2B, s0  }
0x35: {  	[sflag:s0] =	ssyncadd.remote.s32 $0x1  }
0x36: {  	_ =	sfence.sel $0xFFFF  }
0x37: {  	[dreg:$0x0] =	wrdreg $0xFFFFFFFF;
	(pc) =	sbr.abs _section_cstart, $3  }
0x38: {  	[dreg:$0x1] =	wrdreg $0xFFFFFFFF  }
0x39: {  	_ =	task.clear_ibuf [dreg:s7], $0x2FFFF;
	_ =	strace $0x9FFFFFFF  }
0x3a: {  	(tm) =	ssettm $0x7FFFFFFF  }
0x3b: {  	_ =	shalt  }
tec
execute0_lowered:
.L_overlay_start_1:
0x0: {  	(tag) =	ssettag $0x1  }
0x1: {  	s0 =	srdreg.scid  }
0x2: {  	s1 =	sshll.u32 s0, $0x4  }
0x3: {  	s0 =	stileid.u32;
	s1 =	sand.u32 $0x10, s1  }
0x4: {  	s1 =	sor.u32 s0, s1  }
0x5: {  	s6 =	rddreg [dreg:$0x0];
	s4 =	simm.s32 $0x1;
	s2 =	sshll.u32 s1, $0x7  }
0x6: {  	s7 =	simm.s32 $0x2;
	s13 =	simm.s32 $0x0;
	s1 =	ssub.s32 $0x1000, s2  }
0x7: {  	s8 =	simm.s32 $0x4000;
	s12 =	simm.s32 $0x0;
	s3 =	sand.u32 $0xF80, s1  }
0x8: {  	s9 =	simm.s32 $0x0;
	s5 =	sshrl.u32 s1, $0xC;
	p0 =	sne.s32 s3, $0x0  }
.Ltmp0:
0x9: {  	s1 =	rddreg [dreg:$0x2];
	s4 =	simm.s32 @!p0 $0x0;
	(pc) =	sbr.rel .LBB1_1-.Ltmp0, $4  }
0xa: {  	s11 =	simm.s32 $0x0;
	s3 =	rddreg [dreg:$0x1];
	s5 =	sadd.s32 s4, s5  }
0xb: {  	_ =	strace $0x8000004D;
	s4 =	simm.s32 $0x1;
	s5 =	smul.u32 $0x32, s5  }
0xc: {  	s6 =	sadd.s32 $0x320C00, s6;
	s10 =	smov.u32 s2;
	[sflag:s4] =	ssyncpa.u1 $0x0  }
0xd: {  	p0 =	por $0x0, $0x0;
	[sflag:s7] =	ssyncpa.u1 $0x0;
	s7 =	sor.u32 $0x1, s5  }
.LBB1_4:
0xe: {  	[tilespmem:s16+$0x1 ss:$0x81] =	vst.msk $0xffff, v11;
	v7 =	vcombine.high v7, v9;
	v6 =	vperm.xlane.i2c.b16 v6;
	v51 =	vld [tilespmem:s17+$0x230]  }
0xf: {  	[tilespmem:s16+$0x810 ss:$0x81] =	vst.msk $0xffff, v12;
	v52 =	vcombine.low v8, v10;
	v3 =	vperm.xlane.i2c.b16 v3;
	v53 =	vld [tilespmem:s17+$0x240]  }
0x10: {  	v54 =	vcombine.high v8, v10;
	s15 =	sshll.u32 s13, $0xC;
	s18 =	sshll.u32 s12, $0x3;
	v55 =	vld [tilespmem:s17+$0x250];
	v0 =	vcombine.high v0, v1;
	[tilespmem:s16+$0x811 ss:$0x81] =	vst.msk $0xffff, v7  }
0x11: {  	v4 =	vperm.xlane.i2c.b16 v4;
	v2 =	vperm.xlane.i2c.b16 v2;
	s15 =	sand.u32 $0xFFFF8000, s15;
	s26 =	sand.u32 $0xFFFFFC00, s18;
	[tilespmem:s16+$0x1020 ss:$0x81] =	vst.msk $0xffff, v52  }
0x12: {  	v5 =	vperm.xlane.i2c.b16 v5;
	v56 =	vcombine.low v6, v3;
	s15 =	sadd.s32 s26, s15;
	[tilespmem:s14+$0x3061 ss:$0x81] =	vst.msk $0xffff, v0  }
0x13: {  	v3 =	vcombine.high v6, v3;
	v57 =	vcombine.low v4, v2;
	[tilespmem:s16+$0x1021 ss:$0x81] =	vst.msk $0xffff, v54;
	s15 =	sshrl.u32 s15, $0xC  }
0x14: {  	v2 =	vcombine.high v4, v2;
	[tilespmem:s16+$0x1830 ss:$0x81] =	vst.msk $0xffff, v56;
	s27 =	smulhi.u32 $0xA3D71, s15;
	v58 =	vperm.xlane.i2c.b16 v51  }
0x15: {  	s28 =	sshll.u32 s13, $0x7;
	s29 =	sshll.u32 s12, $0x1;
	[tilespmem:s16+$0x2040 ss:$0x81] =	vst.msk $0xffff, v57;
	v59 =	vperm.xlane.i2c.b16 v53;
	v61 =	vperm.xlane.i2c.b16 v55  }
0x16: {  	s18 =	sand.u32 $0xC00, s18;
	s14 =	sand.u32 $0xF0, s29;
	[tilespmem:s16+$0x1831 ss:$0x81] =	vst.msk $0xffff, v3;
	s17 =	sshrl.u32 s27, $0x1;
	v60 =	vcombine.low v5, v58  }
0x17: {  	s13 =	sand.u32 $0x300, s28;
	s14 =	sor.u32 s18, s14;
	[tilespmem:s16+$0x2041 ss:$0x81] =	vst.msk $0xffff, v2;
	s17 =	smul.u32 $0x3200, s17;
	v63 =	vcombine.low v59, v61  }
0x18: {  	s13 =	sor.u32 s13, s14;
	v62 =	vcombine.high v5, v58;
	[tilespmem:s16+$0x2850 ss:$0x81] =	vst.msk $0xffff, v60  }
0x19: {  	s31 =	sand.u32 $0x7, s12;
	s13 =	sshrl.u32 s13, $0x4;
	v1 =	vcombine.high v59, v61;
	s30 =	ssub.s32 s15, s17;
	[tilespmem:s16+$0x3060 ss:$0x81] =	vst.msk $0xffff, v63  }
0x1a: {  	s12 =	sshll.u32 s31, $0x12;
	s13 =	sadd.s32 s3, s13;
	[tilespmem:s16+$0x2851 ss:$0x81] =	vst.msk $0xffff, v62;
	s14 =	sshll.u32 s30, $0x8  }
0x1b: {  	s12 =	sor.u32 $0x200, s12;
	[tilespmem:s16+$0x3061 ss:$0x81] =	vst.msk $0xffff, v1;
	s13 =	sadd.s32 s14, s13  }
0x1c: {  	[hbm4b:s13+s12] =	stream.strided.scatter [tilespmem:s19], [sflag:$0x2], $0x4000, s8, s12, $0x20;
	[tilespmem:$0x10100] =	vst v63  }
.LBB1_5:
0x1d: {  	s14 =	sadd.s32 $0x100, s9  }
0x1e: {  	s12 =	sadd.s32 $0x1000, s10;
	s16 =	smov.u32 s10;
	p2 =	sgt.s32 s14, $0x31FF  }
0x1f: {  	s16 =	smov.u32 @p2 s12  }
0x20: {  	s14 =	simm.s32 @p2 $0x0;
	p2 =	sgt.s32 s16, $0xFFF  }
0x21: {  	s16 =	smov.u32 @p2 s2;
	p2 =	sne.s32 s11, s7  }
.Ltmp1:
0x22: {  	p1 =	slt.u32 s11, $0x2;
	(pc) =	sbr.rel @!p2 .LBB1_6-.Ltmp1, $4  }
0x23: {  	s15 =	simm.s32 @!p1 $0x2  }
0x24: {  	s13 =	smov.u32 s9;
	p0 =	por !p0, !p0;
	_ =	swait.ge @!p1 [sflag:s15], $0x4000  }
0x25: {  	s12 =	smov.u32 s10;
	[sflag:s15] =	ssyncset.done @!p1 $0x0;
	s9 =	smov.u32 s14  }
0x26: {  	s11 =	sadd.s32 $0x1, s11;
	[sflag:s15] =	ssyncadd.s32 @!p1 $0xFFFFC000;
	s10 =	smov.u32 s16  }
.LBB1_1:
0x27: {  	p1 =	sge.u32 s11, s5  }
0x28: {  	s14 =	sshrl.u32 @!p1 s10, $0x3  }
0x29: {  	s15 =	sshll.u32 @!p1 s9, $0x3;
	s14 =	smul.u32 @!p1 $0x19000, s14  }
0x2a: {  	s15 =	sand.u32 @!p1 $0xFFFFFC00, s15  }
0x2b: {  	s16 =	sshll.u32 @!p1 s9, $0x1;
	s14 =	sadd.s32 @!p1 s14, s15;
	s15 =	sshll.u32 @!p1 s10, $0x7  }
0x2c: {  	s17 =	sand.u32 @!p1 $0x1, s10;
	s16 =	sand.u32 @!p1 $0xFE, s16;
	s15 =	sand.u32 @!p1 $0x300, s15  }
0x2d: {  	s14 =	sor.u32 @!p1 s15, s14;
	s15 =	sor.u32 @!p1 s17, s16  }
0x2e: {  	s15 =	sor.u32 @!p1 s14, s15  }
0x2f: {  	s16 =	smulhi.u32 @!p1 $0x51EB851F, s15;
	_ =	sdelay $0x1  }
0x30: {  	s14 =	smulhi.u32 @!p1 $0x51EB851F, s14;
	s16 =	sshrl.u32 @!p1 s16, $0xC  }
0x31: {  	s16 =	smul.u32 @!p1 $0x3200, s16  }
0x32: {  	s14 =	sshrl.u32 @!p1 s14, $0xC  }
0x33: {  	s14 =	sand.u32 @!p1 $0xFFF, s14;
	s15 =	ssub.s32 @!p1 s15, s16  }
0x34: {  	s31 =	sadd.s32 $0xFFFFFFFF, s11;
	s14 =	smul.u32 @!p1 $0x320, s14;
	s16 =	sshrl.u32 @!p1 s15, $0x4  }
0x35: {  	s17 =	sxor.u32 @!p1 $0xFFFFFFFF, s11;
	s15 =	sshll.u32 @!p1 s15, $0x11;
	s16 =	sadd.s32 @!p1 s6, s16  }
0x36: {  	s15 =	sand.u32 @!p1 $0x1C0000, s15;
	s14 =	sadd.s32 @!p1 s14, s16;
	s16 =	sshll.u32 @!p1 s17, $0xE  }
0x37: {  	s15 =	sor.u32 @!p1 $0x400, s15;
	s17 =	simm.s32 @!p1 $0xC800;
	s16 =	sand.u32 @!p1 $0x4000, s16  }
0x38: {  	[tilespmem:s16], [sflag:$0x1] =	stream.strided.gather @!p1 [hbm4b:s14+s15], $0x4000, s17, s15, $0x38;
	[tilespmem:$0x10100] =	vst v63  }
0x39: {  	p1 =	sge.u32 s31, s5  }
.Ltmp2:
0x3a: {  	_ = 	snop;
	(pc) =	sbr.rel @p1 .LBB1_5-.Ltmp2, $1  }
0x3b: {  	_ =	sdelay $0x3  }
0x3c: {  	s16 =	sand.u32 $0x1, s11;
	s14 =	simm.s32 $0x0  }
0x3d: {  	_ =	swait.ge [sflag:s4], $0x4000;
	s15 =	sshll.u32 s16, $0xE;
	s17 =	sand.u32 $0x3C00, s14  }
0x3e: {  	[sflag:s4] =	ssyncset.done $0x0;
	s14 =	sand.u32 $0x180, s14;
	s17 =	sadd.s32 s17, s15  }
0x3f: {  	[sflag:s4] =	ssyncadd.s32 $0xFFFFC000;
	s19 =	sadd.s32 s14, s17  }
0x40: {  	v0 =	vld [tilespmem:s19+$0x260]  }
0x41: {  	v1 =	vld [tilespmem:s19+$0x270]  }
0x42: {  	v2 =	vld [tilespmem:s19+$0x0]  }
0x43: {  	v3 =	vld [tilespmem:s19+$0x10]  }
0x44: {  	v4 =	vld [tilespmem:s19+$0x20]  }
0x45: {  	s14 =	simm.s32 $0x1;
	v5 =	vld [tilespmem:s19+$0x30]  }
0x46: {  	s14 =	simm.s32 @!p0 $0x0;
	v6 =	vld [tilespmem:s19+$0x40]  }
0x47: {  	v7 =	vld [tilespmem:s19+$0x50];
	s14 =	smul.u32 $0x10200, s14;
	v1 =	vperm.xlane.i2c.b16 v1;
	v0 =	vperm.xlane.i2c.b16 v0  }
0x48: {  	v8 =	vld [tilespmem:s19+$0x60];
	v2 =	vperm.xlane.i2c.b16 v2;
	v3 =	vperm.xlane.i2c.b16 v3  }
0x49: {  	v10 =	vld [tilespmem:s19+$0x70];
	s14 =	sshrl.u32 s14, $0x2;
	v9 =	vcombine.low v0, v1;
	v0 =	vcombine.high v0, v1  }
0x4a: {  	s14 =	sor.u32 $0x8000, s14;
	v1 =	vperm.xlane.i2c.b16 v5;
	v5 =	vld [tilespmem:s19+$0x200];
	v11 =	vcombine.low v2, v3  }
0x4b: {  	v4 =	vperm.xlane.i2c.b16 v4;
	v2 =	vcombine.high v2, v3;
	v3 =	vld [tilespmem:s19+$0x210];
	[tilespmem:s14+$0x3870 ss:$0x81] =	vst.msk $0xffff, v9  }
0x4c: {  	s30 =	simm.s32 $0x100;
	v6 =	vperm.xlane.i2c.b16 v6;
	v7 =	vperm.xlane.i2c.b16 v7;
	v9 =	vld [tilespmem:s19+$0x220];
	[tilespmem:s14+$0x0 ss:$0x81] =	vst.msk $0xffff, v11  }
0x4d: {  	s18 =	simm.s32 $0x80;
	s17 =	sand.u32 $0x3C00, s30;
	[tilespmem:s14+$0x3871 ss:$0x81] =	vst.msk $0xffff, v0;
	v0 =	vcombine.low v4, v1;
	v1 =	vcombine.high v4, v1;
	v4 =	vld [tilespmem:s19+$0x230]  }
0x4e: {  	s20 =	sand.u32 $0x180, s18;
	s17 =	sadd.s32 s17, s15;
	[tilespmem:s14+$0x1 ss:$0x81] =	vst.msk $0xffff, v2;
	v2 =	vperm.xlane.i2c.b16 v8;
	v8 =	vperm.xlane.i2c.b16 v10;
	v10 =	vld [tilespmem:s19+$0x240]  }
0x4f: {  	s17 =	sadd.s32 s20, s17;
	[tilespmem:s14+$0x810 ss:$0x81] =	vst.msk $0xffff, v0;
	v0 =	vcombine.low v6, v7;
	v6 =	vcombine.high v6, v7;
	v7 =	vld [tilespmem:s19+$0x250]  }
0x50: {  	v11 =	vcombine.low v2, v8;
	v2 =	vcombine.high v2, v8;
	v8 =	vld [tilespmem:s17+$0x0];
	[tilespmem:s14+$0x811 ss:$0x81] =	vst.msk $0xffff, v1  }
0x51: {  	v1 =	vperm.xlane.i2c.b16 v5;
	v5 =	vld [tilespmem:s17+$0x260];
	[tilespmem:s14+$0x1020 ss:$0x81] =	vst.msk $0xffff, v0;
	v0 =	vperm.xlane.i2c.b16 v3  }
0x52: {  	v3 =	vld [tilespmem:s17+$0x270];
	[tilespmem:s14+$0x1021 ss:$0x81] =	vst.msk $0xffff, v6;
	v6 =	vperm.xlane.i2c.b16 v9  }
0x53: {  	[tilespmem:s14+$0x1830 ss:$0x81] =	vst.msk $0xffff, v11;
	v11 =	vld [tilespmem:s17+$0x10];
	v4 =	vperm.xlane.i2c.b16 v4;
	v9 =	vcombine.low v1, v0  }
0x54: {  	v12 =	vcombine.high v1, v0;
	v0 =	vperm.xlane.i2c.b16 v10  }
0x55: {  	[tilespmem:s14+$0x1831 ss:$0x81] =	vst.msk $0xffff, v2;
	v2 =	vld [tilespmem:s17+$0x20];
	v10 =	vcombine.low v6, v4;
	v1 =	vperm.xlane.i2c.b16 v7  }
0x56: {  	v4 =	vcombine.high v6, v4;
	v8 =	vperm.xlane.i2c.b16 v8;
	[tilespmem:s14+$0x2040 ss:$0x81] =	vst.msk $0xffff, v9;
	v9 =	vld [tilespmem:s17+$0x30]  }
0x57: {  	v5 =	vperm.xlane.i2c.b16 v5;
	[tilespmem:s14+$0x2041 ss:$0x81] =	vst.msk $0xffff, v12;
	v12 =	vld [tilespmem:s17+$0x40];
	v13 =	vperm.xlane.i2c.b16 v3  }
0x58: {  	[tilespmem:s14+$0x2850 ss:$0x81] =	vst.msk $0xffff, v10;
	v10 =	vld [tilespmem:s17+$0x50];
	v14 =	vcombine.low v0, v1;
	v11 =	vperm.xlane.i2c.b16 v11  }
0x59: {  	v6 =	vld [tilespmem:s17+$0x60];
	[tilespmem:s14+$0x2851 ss:$0x81] =	vst.msk $0xffff, v4;
	v15 =	vcombine.low v5, v13  }
0x5a: {  	s31 =	smul.u32 $0x10200, s16;
	s16 =	sadd.s32 $0x2, s14;
	v3 =	vld [tilespmem:s17+$0x70];
	v5 =	vcombine.high v5, v13;
	[tilespmem:s14+$0x3060 ss:$0x81] =	vst.msk $0xffff, v14;
	v13 =	vcombine.low v8, v11  }
0x5b: {  	v7 =	vperm.xlane.i2c.b16 v2;
	v4 =	vld [tilespmem:s17+$0x200];
	v9 =	vperm.xlane.i2c.b16 v9;
	[tilespmem:s16+$0x3870 ss:$0x81] =	vst.msk $0xffff, v15  }
0x5c: {  	s19 =	sshrl.u32 s31, $0x2;
	v2 =	vld [tilespmem:s17+$0x210];
	v11 =	vcombine.high v8, v11;
	[tilespmem:s16+$0x0 ss:$0x81] =	vst.msk $0xffff, v13;
	v8 =	vperm.xlane.i2c.b16 v12  }
0x5d: {  	s21 =	simm.s32 $0x200;
	s20 =	simm.s32 $0x2;
	s19 =	sor.u32 $0x8000, s19;
	[tilespmem:s16+$0x3871 ss:$0x81] =	vst.msk $0xffff, v5;
	v10 =	vperm.xlane.i2c.b16 v10;
	v5 =	vld [tilespmem:s17+$0x220];
	v12 =	vcombine.low v7, v9  }
.LBB1_3:
0x5e: {  	s22 =	sand.u32 $0x3C00, s21;
	[tilespmem:s16+$0x1 ss:$0x81] =	vst.msk $0xffff, v11;
	v7 =	vcombine.high v7, v9;
	v6 =	vperm.xlane.i2c.b16 v6;
	v9 =	vld [tilespmem:s17+$0x230];
	s18 =	sadd.s32 $0x80, s18  }
0x5f: {  	v11 =	vcombine.low v8, v10;
	v3 =	vperm.xlane.i2c.b16 v3;
	s23 =	sand.u32 $0x180, s18;
	s22 =	sadd.s32 s22, s15;
	[tilespmem:s16+$0x810 ss:$0x81] =	vst.msk $0xffff, v12;
	v12 =	vld [tilespmem:s17+$0x240]  }
0x60: {  	s20 =	sadd.s32 $0x2, s20;
	v4 =	vperm.xlane.i2c.b16 v4;
	[tilespmem:s16+$0x811 ss:$0x81] =	vst.msk $0xffff, v7;
	v7 =	vcombine.high v8, v10;
	v8 =	vld [tilespmem:s17+$0x250];
	s17 =	sadd.s32 s23, s22  }
0x61: {  	v2 =	vperm.xlane.i2c.b16 v2;
	p1 =	slt.u32 s20, $0x7E;
	v10 =	vld [tilespmem:s17+$0x260];
	[tilespmem:s16+$0x1020 ss:$0x81] =	vst.msk $0xffff, v11;
	v11 =	vcombine.low v6, v3  }
0x62: {  	v5 =	vperm.xlane.i2c.b16 v5;
	v3 =	vcombine.high v6, v3;
	v13 =	vld [tilespmem:s17+$0x270];
	[tilespmem:s16+$0x1021 ss:$0x81] =	vst.msk $0xffff, v7  }
0x63: {  	v7 =	vcombine.low v4, v2;
	v6 =	vld [tilespmem:s17+$0x0];
	[tilespmem:s16+$0x1830 ss:$0x81] =	vst.msk $0xffff, v11;
	v9 =	vperm.xlane.i2c.b16 v9  }
0x64: {  	v2 =	vcombine.high v4, v2;
	v11 =	vld [tilespmem:s17+$0x10];
	[tilespmem:s16+$0x1831 ss:$0x81] =	vst.msk $0xffff, v3;
	v3 =	vperm.xlane.i2c.b16 v12  }
0x65: {  	v4 =	vld [tilespmem:s17+$0x20];
	[tilespmem:s16+$0x2040 ss:$0x81] =	vst.msk $0xffff, v7;
	v7 =	vcombine.low v5, v9;
	v8 =	vperm.xlane.i2c.b16 v8  }
0x66: {  	v12 =	vld [tilespmem:s17+$0x30];
	[tilespmem:s16+$0x2041 ss:$0x81] =	vst.msk $0xffff, v2;
	v2 =	vcombine.high v5, v9;
	v5 =	vcombine.high v0, v1;
	v0 =	vmov v3  }
0x67: {  	v10 =	vperm.xlane.i2c.b16 v10;
	v14 =	vld [tilespmem:s17+$0x40];
	v9 =	vperm.xlane.i2c.b16 v13;
	[tilespmem:s16+$0x2850 ss:$0x81] =	vst.msk $0xffff, v7;
	v1 =	vmov v8  }
0x68: {  	v8 =	vperm.xlane.i2c.b16 v6;
	v13 =	vld [tilespmem:s17+$0x50];
	[tilespmem:s16+$0x2851 ss:$0x81] =	vst.msk $0xffff, v2;
	v2 =	vcombine.low v0, v1  }
.Ltmp3:
0x69: {  	v11 =	vperm.xlane.i2c.b16 v11;
	v6 =	vld [tilespmem:s17+$0x60];
	v15 =	vcombine.low v10, v9;
	[tilespmem:s14+$0x3061 ss:$0x81] =	vst.msk $0xffff, v5;
	s14 =	smov.u32 s16;
	(pc) =	sbr.rel @p1 .LBB1_3-.Ltmp3, $4  }
0x6a: {  	v5 =	vcombine.high v10, v9;
	s16 =	sadd.s32 $0x2, s16;
	v7 =	vperm.xlane.i2c.b16 v4;
	v3 =	vld [tilespmem:s17+$0x70];
	[tilespmem:s14+$0x3060 ss:$0x81] =	vst.msk $0xffff, v2  }
0x6b: {  	v10 =	vcombine.low v8, v11;
	v9 =	vperm.xlane.i2c.b16 v12;
	v4 =	vld [tilespmem:s17+$0x200];
	[tilespmem:s16+$0x3870 ss:$0x81] =	vst.msk $0xffff, v15  }
0x6c: {  	v11 =	vcombine.high v8, v11;
	v8 =	vperm.xlane.i2c.b16 v14;
	v2 =	vld [tilespmem:s17+$0x210];
	[tilespmem:s16+$0x3871 ss:$0x81] =	vst.msk $0xffff, v5  }
0x6d: {  	s21 =	sadd.s32 $0x100, s21;
	[tilespmem:s16+$0x0 ss:$0x81] =	vst.msk $0xffff, v10;
	v12 =	vcombine.low v7, v9;
	v10 =	vperm.xlane.i2c.b16 v13;
	v5 =	vld [tilespmem:s17+$0x220]  }
.Ltmp4:
0x6e: {  	_ = 	snop;
	(pc) =	sbr.rel .LBB1_4-.Ltmp4, $1  }
0x6f: {  	_ =	sdelay $0x3  }
.LBB1_6:
0x70: {  	_ =	sfence.sel $0x180000  }
0x71: {  	s2 =	simm.s32 $0x1;
	[bflag:$0x0] =	sbarrier.arrive $0xFFFF  }
0x72: {  	s31 =	simm.s32 $0x2;
	[sflag:s2] =	ssyncpa.u1 $0x1  }
0x73: {  	[sflag:s31] =	ssyncpa.u1 $0x1  }
0x74: {  	p0 =	sne.s32 s0, $0x0;
	_ =	strace $0x9000004D  }
0x75: {  	s0 =	sadd.s32 @!p0 $0x100000, s1;
	[bflag:$0x2] =	sbarrier.arrive $0xFFFF  }
0x76: {  	[sflag:s0] =	ssyncadd.tile.s32 @!p0 $0x1;
	_ =	shalt  }
.Lfunc_end1:
_tile_overlayer_lowered:
.L_overlay_start_2:
0x77: {  	(tag) =	ssettag $0x2  }
0x78: {  	s0 =	rddreg [dreg:$0x0];
	s2 =	stileid.u32  }
0x79: {  	s1 =	rddreg [dreg:$0x1];
	p0 =	sne.s32 s2, $0x0  }
0x7a: {  	s3 =	rddreg [dreg:$0x2];
	[bflag:$0x3] =	sbarrier.arrive $0xFFFF;
	s2 =	simm.s32 @!p0 $0x1C01  }
0x7b: {  	[timem:s3], [sflag:s2] =	dma.local @!p0 [hbm:s0], s1  }
0x7c: {  	s0 =	simm.s32 @!p0 $0x1  }
0x7d: {  	_ =	swait.ge @!p0 [sflag:s0], s1  }
0x7e: {  	s1 =	ssub.s32 @!p0 $0x0, s1;
	[sflag:s0] =	ssyncset.done @!p0 $0x0  }
0x7f: {  	[sflag:s0] =	ssyncadd.s32 @!p0 s1  }
0x80: {  	[bflag:$0x3] =	sbarrier.arrive $0xFFFF  }
0x81: {  	_ =	shalt  }

</sc_bundles>
